<compile_context>
chip_gen: v7x
topology: tpu7x:2x2x1
jax: 0.10.2.dev20260603
libtpu: 0.0.44.dev20260713+nightly
codegen_flags: <defaults>
</compile_context>

<pallas_src>
import functools

import jax
import jax.numpy as jnp
import numpy as np
from jax import lax
from jax.experimental import pallas as pl
from jax.experimental.pallas import tpu as pltpu
from jax.experimental.pallas import tpu_sc as plsc

_T = 1024
_W = 512
_C = 512
_NH = 16
_HD = 8
_NG = 20
_RMAX = 10.0
_F32 = jnp.float32


def _sc_gather(table, idx):
    V, D = table.shape
    B = idx.shape[0]
    info = plsc.get_sparse_core_info()
    NW = info.num_cores * info.num_subcores
    b_per_w = B // NW
    n_chunks = b_per_w // _C
    mesh = plsc.VectorSubcoreMesh(core_axis_name="c", subcore_axis_name="s")

    @functools.partial(
        pl.kernel, mesh=mesh,
        out_type=jax.ShapeDtypeStruct((B, D), _F32),
        scratch_types=[
            pltpu.VMEM((_C,), jnp.int32),
            pltpu.VMEM((_C, D), _F32),
            pltpu.SemaphoreType.DMA,
        ],
    )
    def gather_k(table_hbm, idx_hbm, out_hbm, idx_v, rows_v, sem):
        wid = lax.axis_index("s") * info.num_cores + lax.axis_index("c")
        base = wid * b_per_w
        for j in range(n_chunks):
            off = base + j * _C
            pltpu.sync_copy(idx_hbm.at[pl.ds(off, _C)], idx_v)
            pltpu.async_copy(table_hbm.at[idx_v], rows_v, sem).wait()
            pltpu.sync_copy(rows_v, out_hbm.at[pl.ds(off, _C)])

    return gather_k(table, idx)


def _ln_relu(y, g, be):
    mu = jnp.mean(y, axis=-1, keepdims=True)
    d = y - mu
    var = jnp.mean(d * d, axis=-1, keepdims=True)
    y = d * lax.rsqrt(var + 1e-5) * g + be
    return jnp.maximum(y, 0.0)


def _head_sum_mat():
    r = lax.broadcasted_iota(jnp.int32, (128, _NH), 0) // _HD
    c = lax.broadcasted_iota(jnp.int32, (128, _NH), 1)
    return (r == c).astype(_F32)


def _head_rep_mat():
    r = lax.broadcasted_iota(jnp.int32, (_NH, 128), 0)
    c = lax.broadcasted_iota(jnp.int32, (_NH, 128), 1) // _HD
    return (r == c).astype(_F32)


def _r_feat(xms, xmd):
    col = lax.broadcasted_iota(jnp.int32, (1, 16), 1)
    relm = (xmd - xms) * (col < 3).astype(_F32)
    dist2 = jnp.sum(relm * relm, axis=-1, keepdims=True)
    dist = jnp.sqrt(dist2 + 1e-12)
    offs = lax.broadcasted_iota(jnp.int32, (1, _NG), 1).astype(_F32) * (
        _RMAX / (_NG - 1))
    coeff = -0.5 / float(_RMAX / (_NG - 1)) ** 2
    df = jnp.exp(coeff * (dist - offs) ** 2)
    mls = xms[:, 3:4]
    mld = xmd[:, 3:4]
    cls = (1.0 - mls) * 2.0 + (1.0 - mld)
    r80 = jnp.concatenate(
        [df * (cls == float(c)).astype(_F32) for c in range(4)], axis=1)
    return r80, relm


def _dotT(a, b):
    return lax.dot_general(a, b, (((0,), (0,)), ((), ())),
                           preferred_element_type=_F32)


def _mm(a, b):
    return jnp.dot(a, b, preferred_element_type=_F32)


def _qmlp_body(h_ref, W1, b1, g, be, W2, b2, q_ref):
    y = _ln_relu(_mm(h_ref[...], W1[...]) + b1[...], g[...], be[...])
    q_ref[...] = _mm(y, W2[...]) + b2[...]


def _h_update_body(num_ref, den_ref, h_ref,
                   oW1o, oW1h, ob1, og, obe, oW2, ob2,
                   qW1, qb1, qg, qbe, qW2, qb2,
                   hout_ref, q2_ref):
    St = _head_rep_mat()
    h = h_ref[...]
    att = num_ref[...] / (_mm(den_ref[...], St) + 1e-16)
    y = _mm(att, oW1o[...]) + _mm(h, oW1h[...]) + ob1[...]
    y = _ln_relu(y, og[...], obe[...])
    hout = _mm(y, oW2[...]) + ob2[...] + h
    hout_ref[...] = hout
    y2 = _ln_relu(_mm(hout, qW1[...]) + qb1[...], qg[...], qbe[...])
    q2_ref[...] = _mm(y2, qW2[...]) + qb2[...]


def _x_update_body(xm_ref, num2_ref, den2_ref, xout_ref):
    xm = xm_ref[...]
    den = den2_ref[...] + 1e-16
    num2 = num2_ref[...]
    cols = []
    for c in range(3):
        ratio = num2[:, c * _NH:(c + 1) * _NH] / den
        d = jnp.sum(ratio, axis=-1, keepdims=True) * (1.0 / _NH)
        cols.append(xm[:, c:c + 1] + d * xm[:, 3:4])
    cols.append(jnp.zeros((xm.shape[0], 13), _F32))
    xout_ref[...] = jnp.concatenate(cols, axis=1)


def _edge1_body(b0_ref, nw_ref, dst_ref, hs_ref, xms_ref,
                h_full, q_full, xm_full,
                kW1r, kW1d, kW1s, kb1, kg, kbe, kW2, kb2,
                vW1r, vW1d, vW1s, vb1, vg, vbe, vW2, vb2,
                ewW, ewb, num_ref, den_ref, hd_s, qd_s, xmd_s, *, E_static):
    i = pl.program_id(0)

    @pl.when(i == 0)
    def _init():
        num_ref[...] = jnp.zeros_like(num_ref)
        den_ref[...] = jnp.zeros_like(den_ref)

    dst = dst_ref[0, 0, :]
    hs = hs_ref[...]
    b0 = b0_ref[i]
    hd_s[...] = jnp.zeros_like(hd_s)
    qd_s[...] = jnp.zeros_like(qd_s)
    xmd_s[...] = jnp.zeros_like(xmd_s)

    def gbody(w, carry):
        base = b0 + w * _W
        oh = (dst[:, None] ==
              base + lax.broadcasted_iota(jnp.int32, (_T, _W), 1)).astype(_F32)
        hd_s[...] += _mm(oh, h_full[pl.ds(base, _W), :])
        qd_s[...] += _mm(oh, q_full[pl.ds(base, _W), :])
        xmd_s[...] += _mm(oh, xm_full[pl.ds(base, _W), :][:, :16])
        return carry

    lax.fori_loop(0, nw_ref[i], gbody, 0)
    hd = hd_s[...]
    qd = qd_s[...]
    r80, _ = _r_feat(xms_ref[...][:, :16], xmd_s[...])

    yk = _mm(r80, kW1r[...]) + _mm(hd, kW1d[...]) + _mm(hs, kW1s[...]) + kb1[...]
    k = _mm(_ln_relu(yk, kg[...], kbe[...]), kW2[...]) + kb2[...]
    yv = _mm(r80, vW1r[...]) + _mm(hd, vW1d[...]) + _mm(hs, vW1s[...]) + vb1[...]
    v = _mm(_ln_relu(yv, vg[...], vbe[...]), vW2[...]) + vb2[...]
    v = v * jax.nn.sigmoid(_mm(r80, ewW[...]) + ewb[...])

    S = _head_sum_mat()
    l = _mm(qd * k, S) * (1.0 / np.sqrt(_HD))
    gidx = i * _T + lax.broadcasted_iota(jnp.int32, (_T, 1), 0)
    valid = (gidx < E_static).astype(_F32)
    e = jnp.exp(jnp.clip(l, -50.0, 50.0)) * valid
    ev = _mm(e, _head_rep_mat()) * v

    def wbody(w, carry):
        base = b0 + w * _W
        oh = (dst[:, None] ==
              base + lax.broadcasted_iota(jnp.int32, (_T, _W), 1)).astype(_F32)
        num_ref[pl.ds(base, _W), :] += _dotT(oh, ev)
        den_ref[pl.ds(base, _W), :] += _dotT(oh, e)
        return carry

    lax.fori_loop(0, nw_ref[i], wbody, 0)


def _edge2_body(b0_ref, nw_ref, dst_ref, hs_ref, xms_ref,
                h_full, q_full, xm_full,
                kW1r, kW1d, kW1s, kb1, kg, kbe, kW2, kb2,
                vW1r, vW1d, vW1s, vb1, vg, vbe, vW2, vb2,
                ewW, ewb, num_ref, den_ref, hd_s, qd_s, xmd_s, *, E_static):
    i = pl.program_id(0)

    @pl.when(i == 0)
    def _init():
        num_ref[...] = jnp.zeros_like(num_ref)
        den_ref[...] = jnp.zeros_like(den_ref)

    dst = dst_ref[0, 0, :]
    hs = hs_ref[...]
    b0 = b0_ref[i]
    hd_s[...] = jnp.zeros_like(hd_s)
    qd_s[...] = jnp.zeros_like(qd_s)
    xmd_s[...] = jnp.zeros_like(xmd_s)

    def gbody(w, carry):
        base = b0 + w * _W
        oh = (dst[:, None] ==
              base + lax.broadcasted_iota(jnp.int32, (_T, _W), 1)).astype(_F32)
        hd_s[...] += _mm(oh, h_full[pl.ds(base, _W), :])
        qd_s[...] += _mm(oh, q_full[pl.ds(base, _W), :])
        xmd_s[...] += _mm(oh, xm_full[pl.ds(base, _W), :][:, :16])
        return carry

    lax.fori_loop(0, nw_ref[i], gbody, 0)
    hd = hd_s[...]
    qd = qd_s[...]
    r80, relm = _r_feat(xms_ref[...][:, :16], xmd_s[...])

    yk = _mm(r80, kW1r[...]) + _mm(hd, kW1d[...]) + _mm(hs, kW1s[...]) + kb1[...]
    k = _mm(_ln_relu(yk, kg[...], kbe[...]), kW2[...]) + kb2[...]
    yv = _mm(r80, vW1r[...]) + _mm(hd, vW1d[...]) + _mm(hs, vW1s[...]) + vb1[...]
    xv = _mm(_ln_relu(yv, vg[...], vbe[...]), vW2[...]) + vb2[...]
    xv = xv * jax.nn.sigmoid(_mm(r80, ewW[...]) + ewb[...])

    S = _head_sum_mat()
    l = _mm(qd * k, S) * (1.0 / np.sqrt(_HD))
    gidx = i * _T + lax.broadcasted_iota(jnp.int32, (_T, 1), 0)
    valid = (gidx < E_static).astype(_F32)
    e = jnp.exp(jnp.clip(l, -50.0, 50.0)) * valid
    w16 = e * xv
    w48 = jnp.concatenate([w16 * relm[:, c:c + 1] for c in range(3)], axis=1)

    def wbody(w, carry):
        base = b0 + w * _W
        oh = (dst[:, None] ==
              base + lax.broadcasted_iota(jnp.int32, (_T, _W), 1)).astype(_F32)
        num_ref[pl.ds(base, _W), :] += _dotT(oh, w48)
        den_ref[pl.ds(base, _W), :] += _dotT(oh, e)
        return carry

    lax.fori_loop(0, nw_ref[i], wbody, 0)


def _full(shape):
    return pl.BlockSpec(shape, lambda i, b0, nw: tuple(0 for _ in shape))


def _edge_call(body, b0, nw, dst3, hs, xms, hp, qp, xmp, wts, E, Npd, dout):
    nT = dst3.shape[0]
    espec = [
        pl.BlockSpec((1, 1, _T), lambda i, b0, nw: (i, 0, 0)),
        pl.BlockSpec((_T, 128), lambda i, b0, nw: (i, 0)),
        pl.BlockSpec((_T, 128), lambda i, b0, nw: (i, 0)),
        _full((Npd, 128)),
        _full((Npd, 128)),
        _full((Npd, 128)),
    ]
    wspec = [_full(w.shape) for w in wts]
    grid_spec = pltpu.PrefetchScalarGridSpec(
        num_scalar_prefetch=2,
        grid=(nT,),
        in_specs=espec + wspec,
        out_specs=[
            pl.BlockSpec((Npd, dout), lambda i, b0, nw: (0, 0)),
            pl.BlockSpec((Npd, 16), lambda i, b0, nw: (0, 0)),
        ],
        scratch_shapes=[
            pltpu.VMEM((_T, 128), _F32),
            pltpu.VMEM((_T, 128), _F32),
            pltpu.VMEM((_T, 16), _F32),
        ],
    )
    return pl.pallas_call(
        functools.partial(body, E_static=E),
        grid_spec=grid_spec,
        out_shape=[
            jax.ShapeDtypeStruct((Npd, dout), _F32),
            jax.ShapeDtypeStruct((Npd, 16), _F32),
        ],
    )(b0, nw, dst3, hs, xms, hp, qp, xmp, *wts)


def _node_call(body, ins, outs_dims, N, Tn):
    specs = [pl.BlockSpec((Tn, a.shape[1]), lambda i: (i, 0)) if a.shape[0] == N
             else pl.BlockSpec(a.shape, lambda i: (0, 0)) for a in ins]
    return pl.pallas_call(
        body,
        grid=(N // Tn,),
        in_specs=specs,
        out_specs=[pl.BlockSpec((Tn, d), lambda i: (i, 0)) for d in outs_dims],
        out_shape=[jax.ShapeDtypeStruct((N, d), _F32) for d in outs_dims],
    )(*ins)


def _mlp_wts(p, split=None):
    W1 = p['W1']
    row = lambda a: a.reshape(1, -1)
    if split is None:
        parts = [W1]
    else:
        cuts = [0] + list(split) + [W1.shape[0]]
        parts = [W1[cuts[j]:cuts[j + 1]] for j in range(len(cuts) - 1)]
    return parts + [row(p['b1']), row(p['g']), row(p['be']), p['W2'],
                    row(p['b2'])]


def kernel(h, x, params, mask_ligand, edge_index):
    N, D = h.shape
    E = edge_index.shape[1]
    Tn = 2000 if N % 2000 == 0 else N
    Npd = N + _W

    order = jnp.argsort(edge_index[1])
    dsts = edge_index[1][order]
    srcs = edge_index[0][order]
    quantum = int(np.lcm(32 * _C, _T))
    E_pad = int(-(-E // quantum) * quantum)
    dsts_p = jnp.pad(dsts, (0, E_pad - E), constant_values=N - 1)
    srcs_p = jnp.pad(srcs, (0, E_pad - E))
    nT = E_pad // _T
    dmat = dsts_p.reshape(nT, _T)
    b0 = dmat[:, 0].astype(jnp.int32)
    nw = ((dmat[:, -1] - dmat[:, 0]) // _W + 1).astype(jnp.int32)
    dst3 = dsts_p.reshape(nT, 1, _T)

    mlf = mask_ligand.astype(_F32)[:, None]
    xm = jnp.concatenate([x, mlf, jnp.zeros((N, 124), _F32)], axis=1)

    q = _node_call(_qmlp_body, [h] + _mlp_wts(params['x2h_q']), [D], N, Tn)[0]
    hs = _sc_gather(h, srcs_p)
    xms = _sc_gather(xm, srcs_p)
    pad_n = lambda a: jnp.pad(a, ((0, Npd - N), (0, 0)))
    hp, qp, xmp = pad_n(h), pad_n(q), pad_n(xm)

    ew1 = jnp.broadcast_to(params['x2h_ew_W'], (4 * _NG, 128))
    eb1 = jnp.broadcast_to(params['x2h_ew_b'].reshape(1, 1), (1, 128))
    wts1 = (_mlp_wts(params['x2h_k'], (4 * _NG, 4 * _NG + D))
            + _mlp_wts(params['x2h_v'], (4 * _NG, 4 * _NG + D))
            + [ew1, eb1])
    num, den = _edge_call(_edge1_body, b0, nw, dst3, hs, xms, hp, qp, xmp,
                          wts1, E, Npd, 128)

    h_out, q2 = _node_call(
        _h_update_body,
        [num[:N], den[:N], h]
        + _mlp_wts(params['x2h_out'], (D,))
        + _mlp_wts(params['h2x_q']),
        [D, D], N, Tn)

    hs2 = _sc_gather(h_out, srcs_p)
    hp2, q2p = pad_n(h_out), pad_n(q2)

    ew2 = jnp.broadcast_to(params['h2x_ew_W'], (4 * _NG, 16))
    eb2 = jnp.broadcast_to(params['h2x_ew_b'].reshape(1, 1), (1, 16))
    wts2 = (_mlp_wts(params['h2x_k'], (4 * _NG, 4 * _NG + D))
            + _mlp_wts(params['h2x_v'], (4 * _NG, 4 * _NG + D))
            + [ew2, eb2])
    num2, den2 = _edge_call(_edge2_body, b0, nw, dst3, hs2, xms, hp2, q2p, xmp,
                            wts2, E, Npd, 48)

    xout = _node_call(_x_update_body, [xm, num2[:N], den2[:N]], [16], N, Tn)[0]
    return h_out, xout[:, :3]

# --- scband reference (transcript-rebuilt; emitter-appended) ---
"""Pipeline reference for scband-uni-transformer-89713276879185 (READ-ONLY COPY).

The authoritative reference and input builder live on the scoring server;
editing this copy changes nothing except your own understanding.
"""

import jax, jax.numpy as jnp
import numpy as np

N_HEADS = 16
HIDDEN = 128
NUM_GAUSS = 20
R_MAX = 10.0

def _mlp_params(key, d_in, d_hid, d_out):
    k1, k2 = jax.random.split(key)
    s1 = 1.0 / np.sqrt(d_in); s2 = 1.0 / np.sqrt(d_hid)
    return {
        'W1': jax.random.uniform(k1, (d_in, d_hid), minval=-s1, maxval=s1, dtype=jnp.float32),
        'b1': jnp.zeros((d_hid,), jnp.float32),
        'g': jnp.ones((d_hid,), jnp.float32),
        'be': jnp.zeros((d_hid,), jnp.float32),
        'W2': jax.random.uniform(k2, (d_hid, d_out), minval=-s2, maxval=s2, dtype=jnp.float32),
        'b2': jnp.zeros((d_out,), jnp.float32),
    }

def _mlp(p, x):
    # Linear -> LayerNorm -> ReLU -> Linear  (MLP with num_layer=2, norm=True)
    y = x @ p['W1'] + p['b1']
    mu = jnp.mean(y, -1, keepdims=True)
    var = jnp.var(y, -1, keepdims=True)
    y = (y - mu) / jnp.sqrt(var + 1e-5) * p['g'] + p['be']
    y = jax.nn.relu(y)
    return y @ p['W2'] + p['b2']

def _scatter_softmax(logits, seg, n):
    mx = jax.ops.segment_max(logits, seg, num_segments=n)
    ex = jnp.exp(logits - mx[seg])
    den = jax.ops.segment_sum(ex, seg, num_segments=n)
    return ex / (den[seg] + 1e-16)

def setup_inputs(seed: int = 0):
    key = jax.random.key(seed)
    ks = jax.random.split(key, 14)
    N, E, D = 10000, 160000, HIDDEN
    r_feat_dim = 4 * NUM_GAUSS
    kv_in = 2 * D + r_feat_dim
    h = jax.random.normal(ks[0], (N, D), dtype=jnp.float32)
    x = jax.random.normal(ks[1], (N, 3), dtype=jnp.float32)
    edge_index = jax.random.randint(ks[2], (2, E), 0, N, dtype=jnp.int32)
    mask_ligand = jax.random.randint(ks[3], (N,), 0, 2, dtype=jnp.int32)
    s = 1.0 / np.sqrt(r_feat_dim)
    params = {
        'x2h_k': _mlp_params(ks[4], kv_in, D, D),
        'x2h_v': _mlp_params(ks[5], kv_in, D, D),
        'x2h_q': _mlp_params(ks[6], D, D, D),
        'x2h_out': _mlp_params(ks[7], 2 * D, D, D),
        'x2h_ew_W': jax.random.uniform(ks[8], (r_feat_dim, 1), minval=-s, maxval=s, dtype=jnp.float32),
        'x2h_ew_b': jnp.zeros((1,), jnp.float32),
        'h2x_k': _mlp_params(ks[9], kv_in, D, D),
        'h2x_v': _mlp_params(ks[10], kv_in, D, N_HEADS),
        'h2x_q': _mlp_params(ks[11], D, D, D),
        'h2x_ew_W': jax.random.uniform(ks[12], (r_feat_dim, 1), minval=-s, maxval=s, dtype=jnp.float32),
        'h2x_ew_b': jnp.zeros((1,), jnp.float32),
    }
    return {'h': h, 'x': x, 'params': params, 'mask_ligand': mask_ligand, 'edge_index': edge_index}

def _forward(h, x, params, mask_ligand, edge_index):
    N, D = h.shape
    head_dim = D // N_HEADS
    src, dst = edge_index[0], edge_index[1]
    ml = mask_ligand.astype(jnp.int32)
    # _build_edge_type: 4 classes from (mask_ligand[src], mask_ligand[dst])
    cls = (1 - ml[src]) * 2 + (1 - ml[dst])
    edge_type = jax.nn.one_hot(cls, 4, dtype=h.dtype)
    rel_x = x[dst] - x[src]
    dist = jnp.sqrt(jnp.sum(rel_x * rel_x, -1) + 1e-12)
    # GaussianSmearing(0, r_max, 20, fixed_offset=False)
    offset = jnp.linspace(0.0, R_MAX, NUM_GAUSS)
    coeff = -0.5 / float(R_MAX / (NUM_GAUSS - 1)) ** 2
    dist_feat = jnp.exp(coeff * (dist[:, None] - offset[None, :]) ** 2)
    # outer_product(edge_type, dist_feat) -> [E, 80]
    r_feat = (edge_type[:, :, None] * dist_feat[:, None, :]).reshape(dist.shape[0], -1)
    # --- BaseX2HAttLayer (ew_net_type='r', out_fc=True) ---
    kv = jnp.concatenate([r_feat, h[dst], h[src]], -1)
    k = _mlp(params['x2h_k'], kv).reshape(-1, N_HEADS, head_dim)
    v = _mlp(params['x2h_v'], kv)
    e_w = jax.nn.sigmoid(r_feat @ params['x2h_ew_W'] + params['x2h_ew_b'])
    v = (v * e_w).reshape(-1, N_HEADS, head_dim)
    q = _mlp(params['x2h_q'], h).reshape(-1, N_HEADS, head_dim)
    alpha = _scatter_softmax(jnp.sum(q[dst] * k, -1) / np.sqrt(head_dim), dst, N)
    out = jax.ops.segment_sum(alpha[:, :, None] * v, dst, num_segments=N).reshape(N, D)
    out = _mlp(params['x2h_out'], jnp.concatenate([out, h], -1))
    h_out = out + h
    # --- BaseH2XAttLayer (sync_twoup=False -> uses updated h) ---
    new_h = h_out
    kv2 = jnp.concatenate([r_feat, new_h[dst], new_h[src]], -1)
    xk = _mlp(params['h2x_k'], kv2).reshape(-1, N_HEADS, head_dim)
    xv = _mlp(params['h2x_v'], kv2)
    e_w2 = jax.nn.sigmoid(r_feat @ params['h2x_ew_W'] + params['h2x_ew_b'])
    xv = (xv * e_w2)[:, :, None] * rel_x[:, None, :]
    xq = _mlp(params['h2x_q'], new_h).reshape(-1, N_HEADS, head_dim)
    alpha2 = _scatter_softmax(jnp.sum(xq[dst] * xk, -1) / np.sqrt(head_dim), dst, N)
    delta_x = jnp.mean(jax.ops.segment_sum(alpha2[:, :, None] * xv, dst, num_segments=N), axis=1)
    x_out = x + delta_x * ml.astype(h.dtype)[:, None]
    return h_out, x_out

def reference(h, x, params, mask_ligand, edge_index):
    return _forward(h, x, params, mask_ligand, edge_index)

if __name__ == "__main__":
    import jax
    _d = setup_inputs()
    print(jax.jit(kernel)(*tuple(_d.values())))

</pallas_src>

<mosaic_0001>
#map = affine_map<(d0, d1) -> (0, 0)>
#map1 = affine_map<(d0, d1) -> (0)>
module attributes {stable_mosaic.version = 14 : i64} {
  func.func @gather_k(%arg0: i32, %arg1: i32, %arg2: memref<10000x128xf32, #tpu.memory_space<hbm>>, %arg3: memref<163840xi32, #tpu.memory_space<hbm>>, %arg4: memref<163840x128xf32, #tpu.memory_space<hbm>>, %arg5: memref<512xi32, #tpu.memory_space<vmem>>, %arg6: memref<512x128xf32, #tpu.memory_space<vmem>>, %arg7: memref<!tpu.dma_semaphore, #tpu.memory_space<semaphore_mem>>) attributes {dimension_semantics = [#tpu.dimension_semantics<core_parallel>, #tpu.dimension_semantics<subcore_parallel>], iteration_bounds = array<i64: 2, 16>, scalar_prefetch = 0 : i64, scratch_operands = 3 : i64, tpu.core_type = #tpu.core_type<sc_vector_subcore>, window_params = [{transform_indices = #map}, {transform_indices = #map1}, {transform_indices = #map}]} {
    %mul3A = arith.constant 2 : i32
    %mul3A_0 = arith.muli %arg1, %mul3A : i32
    %add3A = arith.addi %mul3A_0, %arg0 : i32
    %mul3A_1 = arith.constant 5120 : i32
    %mul3A_2 = arith.muli %add3A, %mul3A_1 : i32
    %add3A_3 = arith.constant 0 : i32
    %add3A_4 = arith.addi %mul3A_2, %add3A_3 : i32
    "tpu.region"() ({
      %run_scoped3A = tpu.sem_alloc : memref<!tpu.dma_semaphore, #tpu.memory_space<semaphore_mem>>
      %dma_start3A_81 = tpu.memref_slice %arg3[%add3A_4] : memref<163840xi32, #tpu.memory_space<hbm>> -> memref<512xi32, #tpu.memory_space<hbm>>
      %dma_start3A_82 = tpu.memref_slice %arg3[%add3A_4] : memref<163840xi32, #tpu.memory_space<hbm>> -> memref<512xi32, #tpu.memory_space<hbm>>
      tpu.enqueue_dma source(%dma_start3A_82 : memref<512xi32, #tpu.memory_space<hbm>>) target(%arg5 : memref<512xi32, #tpu.memory_space<vmem>>) target_semaphore(%run_scoped3A : memref<!tpu.dma_semaphore, #tpu.memory_space<semaphore_mem>>)
      %dma_wait3A_83 = tpu.memref_slice %arg3[%add3A_4] : memref<163840xi32, #tpu.memory_space<hbm>> -> memref<512xi32, #tpu.memory_space<hbm>>
      %dma_wait3A_84 = tpu.memref_slice %arg3[%add3A_4] : memref<163840xi32, #tpu.memory_space<hbm>> -> memref<512xi32, #tpu.memory_space<hbm>>
      tpu.wait_dma2 semaphore(%run_scoped3A : memref<!tpu.dma_semaphore, #tpu.memory_space<semaphore_mem>>) src(%dma_wait3A_84 : memref<512xi32, #tpu.memory_space<hbm>>) dst(%arg5 : memref<512xi32, #tpu.memory_space<vmem>>)
      tpu.yield
    }) : () -> ()
    %dma_start3A = arith.constant 0 : i32
    %dma_start3A_5 = arith.constant 0 : i32
    %dma_start3A_6 = tpu.memref_slice %arg2[%dma_start3A, %dma_start3A_5] : memref<10000x128xf32, #tpu.memory_space<hbm>> -> memref<10000x128xf32, #tpu.memory_space<hbm>>
    tpu.enqueue_indirect_dma source(%dma_start3A_6 : memref<10000x128xf32, #tpu.memory_space<hbm>>) target(%arg6 : memref<512x128xf32, #tpu.memory_space<vmem>>) offsets(%arg5 : memref<512xi32, #tpu.memory_space<vmem>>) semaphore(%arg7 : memref<!tpu.dma_semaphore, #tpu.memory_space<semaphore_mem>>)
    %dma_wait3A = arith.constant 0 : i32
    %dma_wait3A_7 = arith.constant 0 : i32
    %dma_wait3A_8 = tpu.memref_slice %arg2[%dma_wait3A, %dma_wait3A_7] : memref<10000x128xf32, #tpu.memory_space<hbm>> -> memref<10000x128xf32, #tpu.memory_space<hbm>>
    tpu.wait_indirect_dma semaphore(%arg7 : memref<!tpu.dma_semaphore, #tpu.memory_space<semaphore_mem>>) src(%dma_wait3A_8 : memref<10000x128xf32, #tpu.memory_space<hbm>>) dst(%arg6 : memref<512x128xf32, #tpu.memory_space<vmem>>)
    "tpu.region"() ({
      %run_scoped3A = tpu.sem_alloc : memref<!tpu.dma_semaphore, #tpu.memory_space<semaphore_mem>>
      %dma_start3A_81 = arith.constant 0 : i32
      %dma_start3A_82 = tpu.memref_slice %arg4[%add3A_4, %dma_start3A_81] : memref<163840x128xf32, #tpu.memory_space<hbm>> -> memref<512x128xf32, #tpu.memory_space<hbm>>
      %dma_start3A_83 = arith.constant 0 : i32
      %dma_start3A_84 = tpu.memref_slice %arg4[%add3A_4, %dma_start3A_83] : memref<163840x128xf32, #tpu.memory_space<hbm>> -> memref<512x128xf32, #tpu.memory_space<hbm>>
      tpu.enqueue_dma source(%arg6 : memref<512x128xf32, #tpu.memory_space<vmem>>) target(%dma_start3A_84 : memref<512x128xf32, #tpu.memory_space<hbm>>) target_semaphore(%run_scoped3A : memref<!tpu.dma_semaphore, #tpu.memory_space<semaphore_mem>>)
      %dma_wait3A_85 = arith.constant 0 : i32
      %dma_wait3A_86 = tpu.memref_slice %arg4[%add3A_4, %dma_wait3A_85] : memref<163840x128xf32, #tpu.memory_space<hbm>> -> memref<512x128xf32, #tpu.memory_space<hbm>>
      %dma_wait3A_87 = arith.constant 0 : i32
      %dma_wait3A_88 = tpu.memref_slice %arg4[%add3A_4, %dma_wait3A_87] : memref<163840x128xf32, #tpu.memory_space<hbm>> -> memref<512x128xf32, #tpu.memory_space<hbm>>
      tpu.wait_dma2 semaphore(%run_scoped3A : memref<!tpu.dma_semaphore, #tpu.memory_space<semaphore_mem>>) src(%arg6 : memref<512x128xf32, #tpu.memory_space<vmem>>) dst(%dma_wait3A_88 : memref<512x128xf32, #tpu.memory_space<hbm>>)
      tpu.yield
    }) : () -> ()
    %add3A_9 = arith.constant 512 : i32
    %add3A_10 = arith.addi %mul3A_2, %add3A_9 : i32
    "tpu.region"() ({
      %run_scoped3A = tpu.sem_alloc : memref<!tpu.dma_semaphore, #tpu.memory_space<semaphore_mem>>
      %dma_start3A_81 = tpu.memref_slice %arg3[%add3A_10] : memref<163840xi32, #tpu.memory_space<hbm>> -> memref<512xi32, #tpu.memory_space<hbm>>
      %dma_start3A_82 = tpu.memref_slice %arg3[%add3A_10] : memref<163840xi32, #tpu.memory_space<hbm>> -> memref<512xi32, #tpu.memory_space<hbm>>
      tpu.enqueue_dma source(%dma_start3A_82 : memref<512xi32, #tpu.memory_space<hbm>>) target(%arg5 : memref<512xi32, #tpu.memory_space<vmem>>) target_semaphore(%run_scoped3A : memref<!tpu.dma_semaphore, #tpu.memory_space<semaphore_mem>>)
      %dma_wait3A_83 = tpu.memref_slice %arg3[%add3A_10] : memref<163840xi32, #tpu.memory_space<hbm>> -> memref<512xi32, #tpu.memory_space<hbm>>
      %dma_wait3A_84 = tpu.memref_slice %arg3[%add3A_10] : memref<163840xi32, #tpu.memory_space<hbm>> -> memref<512xi32, #tpu.memory_space<hbm>>
      tpu.wait_dma2 semaphore(%run_scoped3A : memref<!tpu.dma_semaphore, #tpu.memory_space<semaphore_mem>>) src(%dma_wait3A_84 : memref<512xi32, #tpu.memory_space<hbm>>) dst(%arg5 : memref<512xi32, #tpu.memory_space<vmem>>)
      tpu.yield
    }) : () -> ()
    %dma_start3A_11 = arith.constant 0 : i32
    %dma_start3A_12 = arith.constant 0 : i32
    %dma_start3A_13 = tpu.memref_slice %arg2[%dma_start3A_11, %dma_start3A_12] : memref<10000x128xf32, #tpu.memory_space<hbm>> -> memref<10000x128xf32, #tpu.memory_space<hbm>>
    tpu.enqueue_indirect_dma source(%dma_start3A_13 : memref<10000x128xf32, #tpu.memory_space<hbm>>) target(%arg6 : memref<512x128xf32, #tpu.memory_space<vmem>>) offsets(%arg5 : memref<512xi32, #tpu.memory_space<vmem>>) semaphore(%arg7 : memref<!tpu.dma_semaphore, #tpu.memory_space<semaphore_mem>>)
    %dma_wait3A_14 = arith.constant 0 : i32
    %dma_wait3A_15 = arith.constant 0 : i32
    %dma_wait3A_16 = tpu.memref_slice %arg2[%dma_wait3A_14, %dma_wait3A_15] : memref<10000x128xf32, #tpu.memory_space<hbm>> -> memref<10000x128xf32, #tpu.memory_space<hbm>>
    tpu.wait_indirect_dma semaphore(%arg7 : memref<!tpu.dma_semaphore, #tpu.memory_space<semaphore_mem>>) src(%dma_wait3A_16 : memref<10000x128xf32, #tpu.memory_space<hbm>>) dst(%arg6 : memref<512x128xf32, #tpu.memory_space<vmem>>)
    "tpu.region"() ({
      %run_scoped3A = tpu.sem_alloc : memref<!tpu.dma_semaphore, #tpu.memory_space<semaphore_mem>>
      %dma_start3A_81 = arith.constant 0 : i32
      %dma_start3A_82 = tpu.memref_slice %arg4[%add3A_10, %dma_start3A_81] : memref<163840x128xf32, #tpu.memory_space<hbm>> -> memref<512x128xf32, #tpu.memory_space<hbm>>
      %dma_start3A_83 = arith.constant 0 : i32
      %dma_start3A_84 = tpu.memref_slice %arg4[%add3A_10, %dma_start3A_83] : memref<163840x128xf32, #tpu.memory_space<hbm>> -> memref<512x128xf32, #tpu.memory_space<hbm>>
      tpu.enqueue_dma source(%arg6 : memref<512x128xf32, #tpu.memory_space<vmem>>) target(%dma_start3A_84 : memref<512x128xf32, #tpu.memory_space<hbm>>) target_semaphore(%run_scoped3A : memref<!tpu.dma_semaphore, #tpu.memory_space<semaphore_mem>>)
      %dma_wait3A_85 = arith.constant 0 : i32
      %dma_wait3A_86 = tpu.memref_slice %arg4[%add3A_10, %dma_wait3A_85] : memref<163840x128xf32, #tpu.memory_space<hbm>> -> memref<512x128xf32, #tpu.memory_space<hbm>>
      %dma_wait3A_87 = arith.constant 0 : i32
      %dma_wait3A_88 = tpu.memref_slice %arg4[%add3A_10, %dma_wait3A_87] : memref<163840x128xf32, #tpu.memory_space<hbm>> -> memref<512x128xf32, #tpu.memory_space<hbm>>
      tpu.wait_dma2 semaphore(%run_scoped3A : memref<!tpu.dma_semaphore, #tpu.memory_space<semaphore_mem>>) src(%arg6 : memref<512x128xf32, #tpu.memory_space<vmem>>) dst(%dma_wait3A_88 : memref<512x128xf32, #tpu.memory_space<hbm>>)
      tpu.yield
    }) : () -> ()
    %add3A_17 = arith.constant 1024 : i32
    %add3A_18 = arith.addi %mul3A_2, %add3A_17 : i32
    "tpu.region"() ({
      %run_scoped3A = tpu.sem_alloc : memref<!tpu.dma_semaphore, #tpu.memory_space<semaphore_mem>>
      %dma_start3A_81 = tpu.memref_slice %arg3[%add3A_18] : memref<163840xi32, #tpu.memory_space<hbm>> -> memref<512xi32, #tpu.memory_space<hbm>>
      %dma_start3A_82 = tpu.memref_slice %arg3[%add3A_18] : memref<163840xi32, #tpu.memory_space<hbm>> -> memref<512xi32, #tpu.memory_space<hbm>>
      tpu.enqueue_dma source(%dma_start3A_82 : memref<512xi32, #tpu.memory_space<hbm>>) target(%arg5 : memref<512xi32, #tpu.memory_space<vmem>>) target_semaphore(%run_scoped3A : memref<!tpu.dma_semaphore, #tpu.memory_space<semaphore_mem>>)
      %dma_wait3A_83 = tpu.memref_slice %arg3[%add3A_18] : memref<163840xi32, #tpu.memory_space<hbm>> -> memref<512xi32, #tpu.memory_space<hbm>>
      %dma_wait3A_84 = tpu.memref_slice %arg3[%add3A_18] : memref<163840xi32, #tpu.memory_space<hbm>> -> memref<512xi32, #tpu.memory_space<hbm>>
      tpu.wait_dma2 semaphore(%run_scoped3A : memref<!tpu.dma_semaphore, #tpu.memory_space<semaphore_mem>>) src(%dma_wait3A_84 : memref<512xi32, #tpu.memory_space<hbm>>) dst(%arg5 : memref<512xi32, #tpu.memory_space<vmem>>)
      tpu.yield
    }) : () -> ()
    %dma_start3A_19 = arith.constant 0 : i32
    %dma_start3A_20 = arith.constant 0 : i32
    %dma_start3A_21 = tpu.memref_slice %arg2[%dma_start3A_19, %dma_start3A_20] : memref<10000x128xf32, #tpu.memory_space<hbm>> -> memref<10000x128xf32, #tpu.memory_space<hbm>>
    tpu.enqueue_indirect_dma source(%dma_start3A_21 : memref<10000x128xf32, #tpu.memory_space<hbm>>) target(%arg6 : memref<512x128xf32, #tpu.memory_space<vmem>>) offsets(%arg5 : memref<512xi32, #tpu.memory_space<vmem>>) semaphore(%arg7 : memref<!tpu.dma_semaphore, #tpu.memory_space<semaphore_mem>>)
    %dma_wait3A_22 = arith.constant 0 : i32
    %dma_wait3A_23 = arith.constant 0 : i32
    %dma_wait3A_24 = tpu.memref_slice %arg2[%dma_wait3A_22, %dma_wait3A_23] : memref<10000x128xf32, #tpu.memory_space<hbm>> -> memref<10000x128xf32, #tpu.memory_space<hbm>>
    tpu.wait_indirect_dma semaphore(%arg7 : memref<!tpu.dma_semaphore, #tpu.memory_space<semaphore_mem>>) src(%dma_wait3A_24 : memref<10000x128xf32, #tpu.memory_space<hbm>>) dst(%arg6 : memref<512x128xf32, #tpu.memory_space<vmem>>)
    "tpu.region"() ({
      %run_scoped3A = tpu.sem_alloc : memref<!tpu.dma_semaphore, #tpu.memory_space<semaphore_mem>>
      %dma_start3A_81 = arith.constant 0 : i32
      %dma_start3A_82 = tpu.memref_slice %arg4[%add3A_18, %dma_start3A_81] : memref<163840x128xf32, #tpu.memory_space<hbm>> -> memref<512x128xf32, #tpu.memory_space<hbm>>
      %dma_start3A_83 = arith.constant 0 : i32
      %dma_start3A_84 = tpu.memref_slice %arg4[%add3A_18, %dma_start3A_83] : memref<163840x128xf32, #tpu.memory_space<hbm>> -> memref<512x128xf32, #tpu.memory_space<hbm>>
      tpu.enqueue_dma source(%arg6 : memref<512x128xf32, #tpu.memory_space<vmem>>) target(%dma_start3A_84 : memref<512x128xf32, #tpu.memory_space<hbm>>) target_semaphore(%run_scoped3A : memref<!tpu.dma_semaphore, #tpu.memory_space<semaphore_mem>>)
      %dma_wait3A_85 = arith.constant 0 : i32
      %dma_wait3A_86 = tpu.memref_slice %arg4[%add3A_18, %dma_wait3A_85] : memref<163840x128xf32, #tpu.memory_space<hbm>> -> memref<512x128xf32, #tpu.memory_space<hbm>>
      %dma_wait3A_87 = arith.constant 0 : i32
      %dma_wait3A_88 = tpu.memref_slice %arg4[%add3A_18, %dma_wait3A_87] : memref<163840x128xf32, #tpu.memory_space<hbm>> -> memref<512x128xf32, #tpu.memory_space<hbm>>
      tpu.wait_dma2 semaphore(%run_scoped3A : memref<!tpu.dma_semaphore, #tpu.memory_space<semaphore_mem>>) src(%arg6 : memref<512x128xf32, #tpu.memory_space<vmem>>) dst(%dma_wait3A_88 : memref<512x128xf32, #tpu.memory_space<hbm>>)
      tpu.yield
    }) : () -> ()
    %add3A_25 = arith.constant 1536 : i32
    %add3A_26 = arith.addi %mul3A_2, %add3A_25 : i32
    "tpu.region"() ({
      %run_scoped3A = tpu.sem_alloc : memref<!tpu.dma_semaphore, #tpu.memory_space<semaphore_mem>>
      %dma_start3A_81 = tpu.memref_slice %arg3[%add3A_26] : memref<163840xi32, #tpu.memory_space<hbm>> -> memref<512xi32, #tpu.memory_space<hbm>>
      %dma_start3A_82 = tpu.memref_slice %arg3[%add3A_26] : memref<163840xi32, #tpu.memory_space<hbm>> -> memref<512xi32, #tpu.memory_space<hbm>>
      tpu.enqueue_dma source(%dma_start3A_82 : memref<512xi32, #tpu.memory_space<hbm>>) target(%arg5 : memref<512xi32, #tpu.memory_space<vmem>>) target_semaphore(%run_scoped3A : memref<!tpu.dma_semaphore, #tpu.memory_space<semaphore_mem>>)
      %dma_wait3A_83 = tpu.memref_slice %arg3[%add3A_26] : memref<163840xi32, #tpu.memory_space<hbm>> -> memref<512xi32, #tpu.memory_space<hbm>>
      %dma_wait3A_84 = tpu.memref_slice %arg3[%add3A_26] : memref<163840xi32, #tpu.memory_space<hbm>> -> memref<512xi32, #tpu.memory_space<hbm>>
      tpu.wait_dma2 semaphore(%run_scoped3A : memref<!tpu.dma_semaphore, #tpu.memory_space<semaphore_mem>>) src(%dma_wait3A_84 : memref<512xi32, #tpu.memory_space<hbm>>) dst(%arg5 : memref<512xi32, #tpu.memory_space<vmem>>)
      tpu.yield
    }) : () -> ()
    %dma_start3A_27 = arith.constant 0 : i32
    %dma_start3A_28 = arith.constant 0 : i32
    %dma_start3A_29 = tpu.memref_slice %arg2[%dma_start3A_27, %dma_start3A_28] : memref<10000x128xf32, #tpu.memory_space<hbm>> -> memref<10000x128xf32, #tpu.memory_space<hbm>>
    tpu.enqueue_indirect_dma source(%dma_start3A_29 : memref<10000x128xf32, #tpu.memory_space<hbm>>) target(%arg6 : memref<512x128xf32, #tpu.memory_space<vmem>>) offsets(%arg5 : memref<512xi32, #tpu.memory_space<vmem>>) semaphore(%arg7 : memref<!tpu.dma_semaphore, #tpu.memory_space<semaphore_mem>>)
    %dma_wait3A_30 = arith.constant 0 : i32
    %dma_wait3A_31 = arith.constant 0 : i32
    %dma_wait3A_32 = tpu.memref_slice %arg2[%dma_wait3A_30, %dma_wait3A_31] : memref<10000x128xf32, #tpu.memory_space<hbm>> -> memref<10000x128xf32, #tpu.memory_space<hbm>>
    tpu.wait_indirect_dma semaphore(%arg7 : memref<!tpu.dma_semaphore, #tpu.memory_space<semaphore_mem>>) src(%dma_wait3A_32 : memref<10000x128xf32, #tpu.memory_space<hbm>>) dst(%arg6 : memref<512x128xf32, #tpu.memory_space<vmem>>)
    "tpu.region"() ({
      %run_scoped3A = tpu.sem_alloc : memref<!tpu.dma_semaphore, #tpu.memory_space<semaphore_mem>>
      %dma_start3A_81 = arith.constant 0 : i32
      %dma_start3A_82 = tpu.memref_slice %arg4[%add3A_26, %dma_start3A_81] : memref<163840x128xf32, #tpu.memory_space<hbm>> -> memref<512x128xf32, #tpu.memory_space<hbm>>
      %dma_start3A_83 = arith.constant 0 : i32
      %dma_start3A_84 = tpu.memref_slice %arg4[%add3A_26, %dma_start3A_83] : memref<163840x128xf32, #tpu.memory_space<hbm>> -> memref<512x128xf32, #tpu.memory_space<hbm>>
      tpu.enqueue_dma source(%arg6 : memref<512x128xf32, #tpu.memory_space<vmem>>) target(%dma_start3A_84 : memref<512x128xf32, #tpu.memory_space<hbm>>) target_semaphore(%run_scoped3A : memref<!tpu.dma_semaphore, #tpu.memory_space<semaphore_mem>>)
      %dma_wait3A_85 = arith.constant 0 : i32
      %dma_wait3A_86 = tpu.memref_slice %arg4[%add3A_26, %dma_wait3A_85] : memref<163840x128xf32, #tpu.memory_space<hbm>> -> memref<512x128xf32, #tpu.memory_space<hbm>>
      %dma_wait3A_87 = arith.constant 0 : i32
      %dma_wait3A_88 = tpu.memref_slice %arg4[%add3A_26, %dma_wait3A_87] : memref<163840x128xf32, #tpu.memory_space<hbm>> -> memref<512x128xf32, #tpu.memory_space<hbm>>
      tpu.wait_dma2 semaphore(%run_scoped3A : memref<!tpu.dma_semaphore, #tpu.memory_space<semaphore_mem>>) src(%arg6 : memref<512x128xf32, #tpu.memory_space<vmem>>) dst(%dma_wait3A_88 : memref<512x128xf32, #tpu.memory_space<hbm>>)
      tpu.yield
    }) : () -> ()
    %add3A_33 = arith.constant 2048 : i32
    %add3A_34 = arith.addi %mul3A_2, %add3A_33 : i32
    "tpu.region"() ({
      %run_scoped3A = tpu.sem_alloc : memref<!tpu.dma_semaphore, #tpu.memory_space<semaphore_mem>>
      %dma_start3A_81 = tpu.memref_slice %arg3[%add3A_34] : memref<163840xi32, #tpu.memory_space<hbm>> -> memref<512xi32, #tpu.memory_space<hbm>>
      %dma_start3A_82 = tpu.memref_slice %arg3[%add3A_34] : memref<163840xi32, #tpu.memory_space<hbm>> -> memref<512xi32, #tpu.memory_space<hbm>>
      tpu.enqueue_dma source(%dma_start3A_82 : memref<512xi32, #tpu.memory_space<hbm>>) target(%arg5 : memref<512xi32, #tpu.memory_space<vmem>>) target_semaphore(%run_scoped3A : memref<!tpu.dma_semaphore, #tpu.memory_space<semaphore_mem>>)
      %dma_wait3A_83 = tpu.memref_slice %arg3[%add3A_34] : memref<163840xi32, #tpu.memory_space<hbm>> -> memref<512xi32, #tpu.memory_space<hbm>>
      %dma_wait3A_84 = tpu.memref_slice %arg3[%add3A_34] : memref<163840xi32, #tpu.memory_space<hbm>> -> memref<512xi32, #tpu.memory_space<hbm>>
      tpu.wait_dma2 semaphore(%run_scoped3A : memref<!tpu.dma_semaphore, #tpu.memory_space<semaphore_mem>>) src(%dma_wait3A_84 : memref<512xi32, #tpu.memory_space<hbm>>) dst(%arg5 : memref<512xi32, #tpu.memory_space<vmem>>)
      tpu.yield
    }) : () -> ()
    %dma_start3A_35 = arith.constant 0 : i32
    %dma_start3A_36 = arith.constant 0 : i32
    %dma_start3A_37 = tpu.memref_slice %arg2[%dma_start3A_35, %dma_start3A_36] : memref<10000x128xf32, #tpu.memory_space<hbm>> -> memref<10000x128xf32, #tpu.memory_space<hbm>>
    tpu.enqueue_indirect_dma source(%dma_start3A_37 : memref<10000x128xf32, #tpu.memory_space<hbm>>) target(%arg6 : memref<512x128xf32, #tpu.memory_space<vmem>>) offsets(%arg5 : memref<512xi32, #tpu.memory_space<vmem>>) semaphore(%arg7 : memref<!tpu.dma_semaphore, #tpu.memory_space<semaphore_mem>>)
    %dma_wait3A_38 = arith.constant 0 : i32
    %dma_wait3A_39 = arith.constant 0 : i32
    %dma_wait3A_40 = tpu.memref_slice %arg2[%dma_wait3A_38, %dma_wait3A_39] : memref<10000x128xf32, #tpu.memory_space<hbm>> -> memref<10000x128xf32, #tpu.memory_space<hbm>>
    tpu.wait_indirect_dma semaphore(%arg7 : memref<!tpu.dma_semaphore, #tpu.memory_space<semaphore_mem>>) src(%dma_wait3A_40 : memref<10000x128xf32, #tpu.memory_space<hbm>>) dst(%arg6 : memref<512x128xf32, #tpu.memory_space<vmem>>)
    "tpu.region"() ({
      %run_scoped3A = tpu.sem_alloc : memref<!tpu.dma_semaphore, #tpu.memory_space<semaphore_mem>>
      %dma_start3A_81 = arith.constant 0 : i32
      %dma_start3A_82 = tpu.memref_slice %arg4[%add3A_34, %dma_start3A_81] : memref<163840x128xf32, #tpu.memory_space<hbm>> -> memref<512x128xf32, #tpu.memory_space<hbm>>
      %dma_start3A_83 = arith.constant 0 : i32
      %dma_start3A_84 = tpu.memref_slice %arg4[%add3A_34, %dma_start3A_83] : memref<163840x128xf32, #tpu.memory_space<hbm>> -> memref<512x128xf32, #tpu.memory_space<hbm>>
      tpu.enqueue_dma source(%arg6 : memref<512x128xf32, #tpu.memory_space<vmem>>) target(%dma_start3A_84 : memref<512x128xf32, #tpu.memory_space<hbm>>) target_semaphore(%run_scoped3A : memref<!tpu.dma_semaphore, #tpu.memory_space<semaphore_mem>>)
      %dma_wait3A_85 = arith.constant 0 : i32
      %dma_wait3A_86 = tpu.memref_slice %arg4[%add3A_34, %dma_wait3A_85] : memref<163840x128xf32, #tpu.memory_space<hbm>> -> memref<512x128xf32, #tpu.memory_space<hbm>>
      %dma_wait3A_87 = arith.constant 0 : i32
      %dma_wait3A_88 = tpu.memref_slice %arg4[%add3A_34, %dma_wait3A_87] : memref<163840x128xf32, #tpu.memory_space<hbm>> -> memref<512x128xf32, #tpu.memory_space<hbm>>
      tpu.wait_dma2 semaphore(%run_scoped3A : memref<!tpu.dma_semaphore, #tpu.memory_space<semaphore_mem>>) src(%arg6 : memref<512x128xf32, #tpu.memory_space<vmem>>) dst(%dma_wait3A_88 : memref<512x128xf32, #tpu.memory_space<hbm>>)
      tpu.yield
    }) : () -> ()
    %add3A_41 = arith.constant 2560 : i32
    %add3A_42 = arith.addi %mul3A_2, %add3A_41 : i32
    "tpu.region"() ({
      %run_scoped3A = tpu.sem_alloc : memref<!tpu.dma_semaphore, #tpu.memory_space<semaphore_mem>>
      %dma_start3A_81 = tpu.memref_slice %arg3[%add3A_42] : memref<163840xi32, #tpu.memory_space<hbm>> -> memref<512xi32, #tpu.memory_space<hbm>>
      %dma_start3A_82 = tpu.memref_slice %arg3[%add3A_42] : memref<163840xi32, #tpu.memory_space<hbm>> -> memref<512xi32, #tpu.memory_space<hbm>>
      tpu.enqueue_dma source(%dma_start3A_82 : memref<512xi32, #tpu.memory_space<hbm>>) target(%arg5 : memref<512xi32, #tpu.memory_space<vmem>>) target_semaphore(%run_scoped3A : memref<!tpu.dma_semaphore, #tpu.memory_space<semaphore_mem>>)
      %dma_wait3A_83 = tpu.memref_slice %arg3[%add3A_42] : memref<163840xi32, #tpu.memory_space<hbm>> -> memref<512xi32, #tpu.memory_space<hbm>>
      %dma_wait3A_84 = tpu.memref_slice %arg3[%add3A_42] : memref<163840xi32, #tpu.memory_space<hbm>> -> memref<512xi32, #tpu.memory_space<hbm>>
      tpu.wait_dma2 semaphore(%run_scoped3A : memref<!tpu.dma_semaphore, #tpu.memory_space<semaphore_mem>>) src(%dma_wait3A_84 : memref<512xi32, #tpu.memory_space<hbm>>) dst(%arg5 : memref<512xi32, #tpu.memory_space<vmem>>)
      tpu.yield
    }) : () -> ()
    %dma_start3A_43 = arith.constant 0 : i32
    %dma_start3A_44 = arith.constant 0 : i32
    %dma_start3A_45 = tpu.memref_slice %arg2[%dma_start3A_43, %dma_start3A_44] : memref<10000x128xf32, #tpu.memory_space<hbm>> -> memref<10000x128xf32, #tpu.memory_space<hbm>>
    tpu.enqueue_indirect_dma source(%dma_start3A_45 : memref<10000x128xf32, #tpu.memory_space<hbm>>) target(%arg6 : memref<512x128xf32, #tpu.memory_space<vmem>>) offsets(%arg5 : memref<512xi32, #tpu.memory_space<vmem>>) semaphore(%arg7 : memref<!tpu.dma_semaphore, #tpu.memory_space<semaphore_mem>>)
    %dma_wait3A_46 = arith.constant 0 : i32
    %dma_wait3A_47 = arith.constant 0 : i32
    %dma_wait3A_48 = tpu.memref_slice %arg2[%dma_wait3A_46, %dma_wait3A_47] : memref<10000x128xf32, #tpu.memory_space<hbm>> -> memref<10000x128xf32, #tpu.memory_space<hbm>>
    tpu.wait_indirect_dma semaphore(%arg7 : memref<!tpu.dma_semaphore, #tpu.memory_space<semaphore_mem>>) src(%dma_wait3A_48 : memref<10000x128xf32, #tpu.memory_space<hbm>>) dst(%arg6 : memref<512x128xf32, #tpu.memory_space<vmem>>)
    "tpu.region"() ({
      %run_scoped3A = tpu.sem_alloc : memref<!tpu.dma_semaphore, #tpu.memory_space<semaphore_mem>>
      %dma_start3A_81 = arith.constant 0 : i32
      %dma_start3A_82 = tpu.memref_slice %arg4[%add3A_42, %dma_start3A_81] : memref<163840x128xf32, #tpu.memory_space<hbm>> -> memref<512x128xf32, #tpu.memory_space<hbm>>
      %dma_start3A_83 = arith.constant 0 : i32
      %dma_start3A_84 = tpu.memref_slice %arg4[%add3A_42, %dma_start3A_83] : memref<163840x128xf32, #tpu.memory_space<hbm>> -> memref<512x128xf32, #tpu.memory_space<hbm>>
      tpu.enqueue_dma source(%arg6 : memref<512x128xf32, #tpu.memory_space<vmem>>) target(%dma_start3A_84 : memref<512x128xf32, #tpu.memory_space<hbm>>) target_semaphore(%run_scoped3A : memref<!tpu.dma_semaphore, #tpu.memory_space<semaphore_mem>>)
      %dma_wait3A_85 = arith.constant 0 : i32
      %dma_wait3A_86 = tpu.memref_slice %arg4[%add3A_42, %dma_wait3A_85] : memref<163840x128xf32, #tpu.memory_space<hbm>> -> memref<512x128xf32, #tpu.memory_space<hbm>>
      %dma_wait3A_87 = arith.constant 0 : i32
      %dma_wait3A_88 = tpu.memref_slice %arg4[%add3A_42, %dma_wait3A_87] : memref<163840x128xf32, #tpu.memory_space<hbm>> -> memref<512x128xf32, #tpu.memory_space<hbm>>
      tpu.wait_dma2 semaphore(%run_scoped3A : memref<!tpu.dma_semaphore, #tpu.memory_space<semaphore_mem>>) src(%arg6 : memref<512x128xf32, #tpu.memory_space<vmem>>) dst(%dma_wait3A_88 : memref<512x128xf32, #tpu.memory_space<hbm>>)
      tpu.yield
    }) : () -> ()
    %add3A_49 = arith.constant 3072 : i32
    %add3A_50 = arith.addi %mul3A_2, %add3A_49 : i32
    "tpu.region"() ({
      %run_scoped3A = tpu.sem_alloc : memref<!tpu.dma_semaphore, #tpu.memory_space<semaphore_mem>>
      %dma_start3A_81 = tpu.memref_slice %arg3[%add3A_50] : memref<163840xi32, #tpu.memory_space<hbm>> -> memref<512xi32, #tpu.memory_space<hbm>>
      %dma_start3A_82 = tpu.memref_slice %arg3[%add3A_50] : memref<163840xi32, #tpu.memory_space<hbm>> -> memref<512xi32, #tpu.memory_space<hbm>>
      tpu.enqueue_dma source(%dma_start3A_82 : memref<512xi32, #tpu.memory_space<hbm>>) target(%arg5 : memref<512xi32, #tpu.memory_space<vmem>>) target_semaphore(%run_scoped3A : memref<!tpu.dma_semaphore, #tpu.memory_space<semaphore_mem>>)
      %dma_wait3A_83 = tpu.memref_slice %arg3[%add3A_50] : memref<163840xi32, #tpu.memory_space<hbm>> -> memref<512xi32, #tpu.memory_space<hbm>>
      %dma_wait3A_84 = tpu.memref_slice %arg3[%add3A_50] : memref<163840xi32, #tpu.memory_space<hbm>> -> memref<512xi32, #tpu.memory_space<hbm>>
      tpu.wait_dma2 semaphore(%run_scoped3A : memref<!tpu.dma_semaphore, #tpu.memory_space<semaphore_mem>>) src(%dma_wait3A_84 : memref<512xi32, #tpu.memory_space<hbm>>) dst(%arg5 : memref<512xi32, #tpu.memory_space<vmem>>)
      tpu.yield
    }) : () -> ()
    %dma_start3A_51 = arith.constant 0 : i32
    %dma_start3A_52 = arith.constant 0 : i32
    %dma_start3A_53 = tpu.memref_slice %arg2[%dma_start3A_51, %dma_start3A_52] : memref<10000x128xf32, #tpu.memory_space<hbm>> -> memref<10000x128xf32, #tpu.memory_space<hbm>>
    tpu.enqueue_indirect_dma source(%dma_start3A_53 : memref<10000x128xf32, #tpu.memory_space<hbm>>) target(%arg6 : memref<512x128xf32, #tpu.memory_space<vmem>>) offsets(%arg5 : memref<512xi32, #tpu.memory_space<vmem>>) semaphore(%arg7 : memref<!tpu.dma_semaphore, #tpu.memory_space<semaphore_mem>>)
    %dma_wait3A_54 = arith.constant 0 : i32
    %dma_wait3A_55 = arith.constant 0 : i32
    %dma_wait3A_56 = tpu.memref_slice %arg2[%dma_wait3A_54, %dma_wait3A_55] : memref<10000x128xf32, #tpu.memory_space<hbm>> -> memref<10000x128xf32, #tpu.memory_space<hbm>>
    tpu.wait_indirect_dma semaphore(%arg7 : memref<!tpu.dma_semaphore, #tpu.memory_space<semaphore_mem>>) src(%dma_wait3A_56 : memref<10000x128xf32, #tpu.memory_space<hbm>>) dst(%arg6 : memref<512x128xf32, #tpu.memory_space<vmem>>)
    "tpu.region"() ({
      %run_scoped3A = tpu.sem_alloc : memref<!tpu.dma_semaphore, #tpu.memory_space<semaphore_mem>>
      %dma_start3A_81 = arith.constant 0 : i32
      %dma_start3A_82 = tpu.memref_slice %arg4[%add3A_50, %dma_start3A_81] : memref<163840x128xf32, #tpu.memory_space<hbm>> -> memref<512x128xf32, #tpu.memory_space<hbm>>
      %dma_start3A_83 = arith.constant 0 : i32
      %dma_start3A_84 = tpu.memref_slice %arg4[%add3A_50, %dma_start3A_83] : memref<163840x128xf32, #tpu.memory_space<hbm>> -> memref<512x128xf32, #tpu.memory_space<hbm>>
      tpu.enqueue_dma source(%arg6 : memref<512x128xf32, #tpu.memory_space<vmem>>) target(%dma_start3A_84 : memref<512x128xf32, #tpu.memory_space<hbm>>) target_semaphore(%run_scoped3A : memref<!tpu.dma_semaphore, #tpu.memory_space<semaphore_mem>>)
      %dma_wait3A_85 = arith.constant 0 : i32
      %dma_wait3A_86 = tpu.memref_slice %arg4[%add3A_50, %dma_wait3A_85] : memref<163840x128xf32, #tpu.memory_space<hbm>> -> memref<512x128xf32, #tpu.memory_space<hbm>>
      %dma_wait3A_87 = arith.constant 0 : i32
      %dma_wait3A_88 = tpu.memref_slice %arg4[%add3A_50, %dma_wait3A_87] : memref<163840x128xf32, #tpu.memory_space<hbm>> -> memref<512x128xf32, #tpu.memory_space<hbm>>
      tpu.wait_dma2 semaphore(%run_scoped3A : memref<!tpu.dma_semaphore, #tpu.memory_space<semaphore_mem>>) src(%arg6 : memref<512x128xf32, #tpu.memory_space<vmem>>) dst(%dma_wait3A_88 : memref<512x128xf32, #tpu.memory_space<hbm>>)
      tpu.yield
    }) : () -> ()
    %add3A_57 = arith.constant 3584 : i32
    %add3A_58 = arith.addi %mul3A_2, %add3A_57 : i32
    "tpu.region"() ({
      %run_scoped3A = tpu.sem_alloc : memref<!tpu.dma_semaphore, #tpu.memory_space<semaphore_mem>>
      %dma_start3A_81 = tpu.memref_slice %arg3[%add3A_58] : memref<163840xi32, #tpu.memory_space<hbm>> -> memref<512xi32, #tpu.memory_space<hbm>>
      %dma_start3A_82 = tpu.memref_slice %arg3[%add3A_58] : memref<163840xi32, #tpu.memory_space<hbm>> -> memref<512xi32, #tpu.memory_space<hbm>>
      tpu.enqueue_dma source(%dma_start3A_82 : memref<512xi32, #tpu.memory_space<hbm>>) target(%arg5 : memref<512xi32, #tpu.memory_space<vmem>>) target_semaphore(%run_scoped3A : memref<!tpu.dma_semaphore, #tpu.memory_space<semaphore_mem>>)
      %dma_wait3A_83 = tpu.memref_slice %arg3[%add3A_58] : memref<163840xi32, #tpu.memory_space<hbm>> -> memref<512xi32, #tpu.memory_space<hbm>>
      %dma_wait3A_84 = tpu.memref_slice %arg3[%add3A_58] : memref<163840xi32, #tpu.memory_space<hbm>> -> memref<512xi32, #tpu.memory_space<hbm>>
      tpu.wait_dma2 semaphore(%run_scoped3A : memref<!tpu.dma_semaphore, #tpu.memory_space<semaphore_mem>>) src(%dma_wait3A_84 : memref<512xi32, #tpu.memory_space<hbm>>) dst(%arg5 : memref<512xi32, #tpu.memory_space<vmem>>)
      tpu.yield
    }) : () -> ()
    %dma_start3A_59 = arith.constant 0 : i32
    %dma_start3A_60 = arith.constant 0 : i32
    %dma_start3A_61 = tpu.memref_slice %arg2[%dma_start3A_59, %dma_start3A_60] : memref<10000x128xf32, #tpu.memory_space<hbm>> -> memref<10000x128xf32, #tpu.memory_space<hbm>>
    tpu.enqueue_indirect_dma source(%dma_start3A_61 : memref<10000x128xf32, #tpu.memory_space<hbm>>) target(%arg6 : memref<512x128xf32, #tpu.memory_space<vmem>>) offsets(%arg5 : memref<512xi32, #tpu.memory_space<vmem>>) semaphore(%arg7 : memref<!tpu.dma_semaphore, #tpu.memory_space<semaphore_mem>>)
    %dma_wait3A_62 = arith.constant 0 : i32
    %dma_wait3A_63 = arith.constant 0 : i32
    %dma_wait3A_64 = tpu.memref_slice %arg2[%dma_wait3A_62, %dma_wait3A_63] : memref<10000x128xf32, #tpu.memory_space<hbm>> -> memref<10000x128xf32, #tpu.memory_space<hbm>>
    tpu.wait_indirect_dma semaphore(%arg7 : memref<!tpu.dma_semaphore, #tpu.memory_space<semaphore_mem>>) src(%dma_wait3A_64 : memref<10000x128xf32, #tpu.memory_space<hbm>>) dst(%arg6 : memref<512x128xf32, #tpu.memory_space<vmem>>)
    "tpu.region"() ({
      %run_scoped3A = tpu.sem_alloc : memref<!tpu.dma_semaphore, #tpu.memory_space<semaphore_mem>>
      %dma_start3A_81 = arith.constant 0 : i32
      %dma_start3A_82 = tpu.memref_slice %arg4[%add3A_58, %dma_start3A_81] : memref<163840x128xf32, #tpu.memory_space<hbm>> -> memref<512x128xf32, #tpu.memory_space<hbm>>
      %dma_start3A_83 = arith.constant 0 : i32
      %dma_start3A_84 = tpu.memref_slice %arg4[%add3A_58, %dma_start3A_83] : memref<163840x128xf32, #tpu.memory_space<hbm>> -> memref<512x128xf32, #tpu.memory_space<hbm>>
      tpu.enqueue_dma source(%arg6 : memref<512x128xf32, #tpu.memory_space<vmem>>) target(%dma_start3A_84 : memref<512x128xf32, #tpu.memory_space<hbm>>) target_semaphore(%run_scoped3A : memref<!tpu.dma_semaphore, #tpu.memory_space<semaphore_mem>>)
      %dma_wait3A_85 = arith.constant 0 : i32
      %dma_wait3A_86 = tpu.memref_slice %arg4[%add3A_58, %dma_wait3A_85] : memref<163840x128xf32, #tpu.memory_space<hbm>> -> memref<512x128xf32, #tpu.memory_space<hbm>>
      %dma_wait3A_87 = arith.constant 0 : i32
      %dma_wait3A_88 = tpu.memref_slice %arg4[%add3A_58, %dma_wait3A_87] : memref<163840x128xf32, #tpu.memory_space<hbm>> -> memref<512x128xf32, #tpu.memory_space<hbm>>
      tpu.wait_dma2 semaphore(%run_scoped3A : memref<!tpu.dma_semaphore, #tpu.memory_space<semaphore_mem>>) src(%arg6 : memref<512x128xf32, #tpu.memory_space<vmem>>) dst(%dma_wait3A_88 : memref<512x128xf32, #tpu.memory_space<hbm>>)
      tpu.yield
    }) : () -> ()
    %add3A_65 = arith.constant 4096 : i32
    %add3A_66 = arith.addi %mul3A_2, %add3A_65 : i32
    "tpu.region"() ({
      %run_scoped3A = tpu.sem_alloc : memref<!tpu.dma_semaphore, #tpu.memory_space<semaphore_mem>>
      %dma_start3A_81 = tpu.memref_slice %arg3[%add3A_66] : memref<163840xi32, #tpu.memory_space<hbm>> -> memref<512xi32, #tpu.memory_space<hbm>>
      %dma_start3A_82 = tpu.memref_slice %arg3[%add3A_66] : memref<163840xi32, #tpu.memory_space<hbm>> -> memref<512xi32, #tpu.memory_space<hbm>>
      tpu.enqueue_dma source(%dma_start3A_82 : memref<512xi32, #tpu.memory_space<hbm>>) target(%arg5 : memref<512xi32, #tpu.memory_space<vmem>>) target_semaphore(%run_scoped3A : memref<!tpu.dma_semaphore, #tpu.memory_space<semaphore_mem>>)
      %dma_wait3A_83 = tpu.memref_slice %arg3[%add3A_66] : memref<163840xi32, #tpu.memory_space<hbm>> -> memref<512xi32, #tpu.memory_space<hbm>>
      %dma_wait3A_84 = tpu.memref_slice %arg3[%add3A_66] : memref<163840xi32, #tpu.memory_space<hbm>> -> memref<512xi32, #tpu.memory_space<hbm>>
      tpu.wait_dma2 semaphore(%run_scoped3A : memref<!tpu.dma_semaphore, #tpu.memory_space<semaphore_mem>>) src(%dma_wait3A_84 : memref<512xi32, #tpu.memory_space<hbm>>) dst(%arg5 : memref<512xi32, #tpu.memory_space<vmem>>)
      tpu.yield
    }) : () -> ()
    %dma_start3A_67 = arith.constant 0 : i32
    %dma_start3A_68 = arith.constant 0 : i32
    %dma_start3A_69 = tpu.memref_slice %arg2[%dma_start3A_67, %dma_start3A_68] : memref<10000x128xf32, #tpu.memory_space<hbm>> -> memref<10000x128xf32, #tpu.memory_space<hbm>>
    tpu.enqueue_indirect_dma source(%dma_start3A_69 : memref<10000x128xf32, #tpu.memory_space<hbm>>) target(%arg6 : memref<512x128xf32, #tpu.memory_space<vmem>>) offsets(%arg5 : memref<512xi32, #tpu.memory_space<vmem>>) semaphore(%arg7 : memref<!tpu.dma_semaphore, #tpu.memory_space<semaphore_mem>>)
    %dma_wait3A_70 = arith.constant 0 : i32
    %dma_wait3A_71 = arith.constant 0 : i32
    %dma_wait3A_72 = tpu.memref_slice %arg2[%dma_wait3A_70, %dma_wait3A_71] : memref<10000x128xf32, #tpu.memory_space<hbm>> -> memref<10000x128xf32, #tpu.memory_space<hbm>>
    tpu.wait_indirect_dma semaphore(%arg7 : memref<!tpu.dma_semaphore, #tpu.memory_space<semaphore_mem>>) src(%dma_wait3A_72 : memref<10000x128xf32, #tpu.memory_space<hbm>>) dst(%arg6 : memref<512x128xf32, #tpu.memory_space<vmem>>)
    "tpu.region"() ({
      %run_scoped3A = tpu.sem_alloc : memref<!tpu.dma_semaphore, #tpu.memory_space<semaphore_mem>>
      %dma_start3A_81 = arith.constant 0 : i32
      %dma_start3A_82 = tpu.memref_slice %arg4[%add3A_66, %dma_start3A_81] : memref<163840x128xf32, #tpu.memory_space<hbm>> -> memref<512x128xf32, #tpu.memory_space<hbm>>
      %dma_start3A_83 = arith.constant 0 : i32
      %dma_start3A_84 = tpu.memref_slice %arg4[%add3A_66, %dma_start3A_83] : memref<163840x128xf32, #tpu.memory_space<hbm>> -> memref<512x128xf32, #tpu.memory_space<hbm>>
      tpu.enqueue_dma source(%arg6 : memref<512x128xf32, #tpu.memory_space<vmem>>) target(%dma_start3A_84 : memref<512x128xf32, #tpu.memory_space<hbm>>) target_semaphore(%run_scoped3A : memref<!tpu.dma_semaphore, #tpu.memory_space<semaphore_mem>>)
      %dma_wait3A_85 = arith.constant 0 : i32
      %dma_wait3A_86 = tpu.memref_slice %arg4[%add3A_66, %dma_wait3A_85] : memref<163840x128xf32, #tpu.memory_space<hbm>> -> memref<512x128xf32, #tpu.memory_space<hbm>>
      %dma_wait3A_87 = arith.constant 0 : i32
      %dma_wait3A_88 = tpu.memref_slice %arg4[%add3A_66, %dma_wait3A_87] : memref<163840x128xf32, #tpu.memory_space<hbm>> -> memref<512x128xf32, #tpu.memory_space<hbm>>
      tpu.wait_dma2 semaphore(%run_scoped3A : memref<!tpu.dma_semaphore, #tpu.memory_space<semaphore_mem>>) src(%arg6 : memref<512x128xf32, #tpu.memory_space<vmem>>) dst(%dma_wait3A_88 : memref<512x128xf32, #tpu.memory_space<hbm>>)
      tpu.yield
    }) : () -> ()
    %add3A_73 = arith.constant 4608 : i32
    %add3A_74 = arith.addi %mul3A_2, %add3A_73 : i32
    "tpu.region"() ({
      %run_scoped3A = tpu.sem_alloc : memref<!tpu.dma_semaphore, #tpu.memory_space<semaphore_mem>>
      %dma_start3A_81 = tpu.memref_slice %arg3[%add3A_74] : memref<163840xi32, #tpu.memory_space<hbm>> -> memref<512xi32, #tpu.memory_space<hbm>>
      %dma_start3A_82 = tpu.memref_slice %arg3[%add3A_74] : memref<163840xi32, #tpu.memory_space<hbm>> -> memref<512xi32, #tpu.memory_space<hbm>>
      tpu.enqueue_dma source(%dma_start3A_82 : memref<512xi32, #tpu.memory_space<hbm>>) target(%arg5 : memref<512xi32, #tpu.memory_space<vmem>>) target_semaphore(%run_scoped3A : memref<!tpu.dma_semaphore, #tpu.memory_space<semaphore_mem>>)
      %dma_wait3A_83 = tpu.memref_slice %arg3[%add3A_74] : memref<163840xi32, #tpu.memory_space<hbm>> -> memref<512xi32, #tpu.memory_space<hbm>>
      %dma_wait3A_84 = tpu.memref_slice %arg3[%add3A_74] : memref<163840xi32, #tpu.memory_space<hbm>> -> memref<512xi32, #tpu.memory_space<hbm>>
      tpu.wait_dma2 semaphore(%run_scoped3A : memref<!tpu.dma_semaphore, #tpu.memory_space<semaphore_mem>>) src(%dma_wait3A_84 : memref<512xi32, #tpu.memory_space<hbm>>) dst(%arg5 : memref<512xi32, #tpu.memory_space<vmem>>)
      tpu.yield
    }) : () -> ()
    %dma_start3A_75 = arith.constant 0 : i32
    %dma_start3A_76 = arith.constant 0 : i32
    %dma_start3A_77 = tpu.memref_slice %arg2[%dma_start3A_75, %dma_start3A_76] : memref<10000x128xf32, #tpu.memory_space<hbm>> -> memref<10000x128xf32, #tpu.memory_space<hbm>>
    tpu.enqueue_indirect_dma source(%dma_start3A_77 : memref<10000x128xf32, #tpu.memory_space<hbm>>) target(%arg6 : memref<512x128xf32, #tpu.memory_space<vmem>>) offsets(%arg5 : memref<512xi32, #tpu.memory_space<vmem>>) semaphore(%arg7 : memref<!tpu.dma_semaphore, #tpu.memory_space<semaphore_mem>>)
    %dma_wait3A_78 = arith.constant 0 : i32
    %dma_wait3A_79 = arith.constant 0 : i32
    %dma_wait3A_80 = tpu.memref_slice %arg2[%dma_wait3A_78, %dma_wait3A_79] : memref<10000x128xf32, #tpu.memory_space<hbm>> -> memref<10000x128xf32, #tpu.memory_space<hbm>>
    tpu.wait_indirect_dma semaphore(%arg7 : memref<!tpu.dma_semaphore, #tpu.memory_space<semaphore_mem>>) src(%dma_wait3A_80 : memref<10000x128xf32, #tpu.memory_space<hbm>>) dst(%arg6 : memref<512x128xf32, #tpu.memory_space<vmem>>)
    "tpu.region"() ({
      %run_scoped3A = tpu.sem_alloc : memref<!tpu.dma_semaphore, #tpu.memory_space<semaphore_mem>>
      %dma_start3A_81 = arith.constant 0 : i32
      %dma_start3A_82 = tpu.memref_slice %arg4[%add3A_74, %dma_start3A_81] : memref<163840x128xf32, #tpu.memory_space<hbm>> -> memref<512x128xf32, #tpu.memory_space<hbm>>
      %dma_start3A_83 = arith.constant 0 : i32
      %dma_start3A_84 = tpu.memref_slice %arg4[%add3A_74, %dma_start3A_83] : memref<163840x128xf32, #tpu.memory_space<hbm>> -> memref<512x128xf32, #tpu.memory_space<hbm>>
      tpu.enqueue_dma source(%arg6 : memref<512x128xf32, #tpu.memory_space<vmem>>) target(%dma_start3A_84 : memref<512x128xf32, #tpu.memory_space<hbm>>) target_semaphore(%run_scoped3A : memref<!tpu.dma_semaphore, #tpu.memory_space<semaphore_mem>>)
      %dma_wait3A_85 = arith.constant 0 : i32
      %dma_wait3A_86 = tpu.memref_slice %arg4[%add3A_74, %dma_wait3A_85] : memref<163840x128xf32, #tpu.memory_space<hbm>> -> memref<512x128xf32, #tpu.memory_space<hbm>>
      %dma_wait3A_87 = arith.constant 0 : i32
      %dma_wait3A_88 = tpu.memref_slice %arg4[%add3A_74, %dma_wait3A_87] : memref<163840x128xf32, #tpu.memory_space<hbm>> -> memref<512x128xf32, #tpu.memory_space<hbm>>
      tpu.wait_dma2 semaphore(%run_scoped3A : memref<!tpu.dma_semaphore, #tpu.memory_space<semaphore_mem>>) src(%arg6 : memref<512x128xf32, #tpu.memory_space<vmem>>) dst(%dma_wait3A_88 : memref<512x128xf32, #tpu.memory_space<hbm>>)
      tpu.yield
    }) : () -> ()
    return
  }
}

#map = affine_map<(d0, d1) -> (0, 0)>
#map1 = affine_map<(d0, d1) -> (0)>
module attributes {stable_mosaic.version = 14 : i64} {
  func.func @gather_k(%arg0: i32, %arg1: i32, %arg2: memref<10000x128xf32, #tpu.memory_space<hbm>>, %arg3: memref<163840xi32, #tpu.memory_space<hbm>>, %arg4: memref<163840x128xf32, #tpu.memory_space<hbm>>, %arg5: memref<512xi32, #tpu.memory_space<vmem>>, %arg6: memref<512x128xf32, #tpu.memory_space<vmem>>, %arg7: memref<!tpu.dma_semaphore, #tpu.memory_space<semaphore_mem>>) attributes {dimension_semantics = [#tpu.dimension_semantics<core_parallel>, #tpu.dimension_semantics<subcore_parallel>], iteration_bounds = array<i64: 2, 16>, scalar_prefetch = 0 : i64, scratch_operands = 3 : i64, tpu.core_type = #tpu.core_type<sc_vector_subcore>, window_params = [{transform_indices = #map}, {transform_indices = #map1}, {transform_indices = #map}]} {
    %mul3A = arith.constant 2 : i32
    %mul3A_0 = arith.muli %arg1, %mul3A : i32
    %add3A = arith.addi %mul3A_0, %arg0 : i32
    %mul3A_1 = arith.constant 5120 : i32
    %mul3A_2 = arith.muli %add3A, %mul3A_1 : i32
    %add3A_3 = arith.constant 0 : i32
    %add3A_4 = arith.addi %mul3A_2, %add3A_3 : i32
    "tpu.region"() ({
      %run_scoped3A = tpu.sem_alloc : memref<!tpu.dma_semaphore, #tpu.memory_space<semaphore_mem>>
      %dma_start3A_81 = tpu.memref_slice %arg3[%add3A_4] : memref<163840xi32, #tpu.memory_space<hbm>> -> memref<512xi32, #tpu.memory_space<hbm>>
      %dma_start3A_82 = tpu.memref_slice %arg3[%add3A_4] : memref<163840xi32, #tpu.memory_space<hbm>> -> memref<512xi32, #tpu.memory_space<hbm>>
      tpu.enqueue_dma source(%dma_start3A_82 : memref<512xi32, #tpu.memory_space<hbm>>) target(%arg5 : memref<512xi32, #tpu.memory_space<vmem>>) target_semaphore(%run_scoped3A : memref<!tpu.dma_semaphore, #tpu.memory_space<semaphore_mem>>)
      %dma_wait3A_83 = tpu.memref_slice %arg3[%add3A_4] : memref<163840xi32, #tpu.memory_space<hbm>> -> memref<512xi32, #tpu.memory_space<hbm>>
      %dma_wait3A_84 = tpu.memref_slice %arg3[%add3A_4] : memref<163840xi32, #tpu.memory_space<hbm>> -> memref<512xi32, #tpu.memory_space<hbm>>
      tpu.wait_dma2 semaphore(%run_scoped3A : memref<!tpu.dma_semaphore, #tpu.memory_space<semaphore_mem>>) src(%dma_wait3A_84 : memref<512xi32, #tpu.memory_space<hbm>>) dst(%arg5 : memref<512xi32, #tpu.memory_space<vmem>>)
      tpu.yield
    }) : () -> ()
    %dma_start3A = arith.constant 0 : i32
    %dma_start3A_5 = arith.constant 0 : i32
    %dma_start3A_6 = tpu.memref_slice %arg2[%dma_start3A, %dma_start3A_5] : memref<10000x128xf32, #tpu.memory_space<hbm>> -> memref<10000x128xf32, #tpu.memory_space<hbm>>
    tpu.enqueue_indirect_dma source(%dma_start3A_6 : memref<10000x128xf32, #tpu.memory_space<hbm>>) target(%arg6 : memref<512x128xf32, #tpu.memory_space<vmem>>) offsets(%arg5 : memref<512xi32, #tpu.memory_space<vmem>>) semaphore(%arg7 : memref<!tpu.dma_semaphore, #tpu.memory_space<semaphore_mem>>)
    %dma_wait3A = arith.constant 0 : i32
    %dma_wait3A_7 = arith.constant 0 : i32
    %dma_wait3A_8 = tpu.memref_slice %arg2[%dma_wait3A, %dma_wait3A_7] : memref<10000x128xf32, #tpu.memory_space<hbm>> -> memref<10000x128xf32, #tpu.memory_space<hbm>>
    tpu.wait_indirect_dma semaphore(%arg7 : memref<!tpu.dma_semaphore, #tpu.memory_space<semaphore_mem>>) src(%dma_wait3A_8 : memref<10000x128xf32, #tpu.memory_space<hbm>>) dst(%arg6 : memref<512x128xf32, #tpu.memory_space<vmem>>)
    "tpu.region"() ({
      %run_scoped3A = tpu.sem_alloc : memref<!tpu.dma_semaphore, #tpu.memory_space<semaphore_mem>>
      %dma_start3A_81 = arith.constant 0 : i32
      %dma_start3A_82 = tpu.memref_slice %arg4[%add3A_4, %dma_start3A_81] : memref<163840x128xf32, #tpu.memory_space<hbm>> -> memref<512x128xf32, #tpu.memory_space<hbm>>
      %dma_start3A_83 = arith.constant 0 : i32
      %dma_start3A_84 = tpu.memref_slice %arg4[%add3A_4, %dma_start3A_83] : memref<163840x128xf32, #tpu.memory_space<hbm>> -> memref<512x128xf32, #tpu.memory_space<hbm>>
      tpu.enqueue_dma source(%arg6 : memref<512x128xf32, #tpu.memory_space<vmem>>) target(%dma_start3A_84 : memref<512x128xf32, #tpu.memory_space<hbm>>) target_semaphore(%run_scoped3A : memref<!tpu.dma_semaphore, #tpu.memory_space<semaphore_mem>>)
      %dma_wait3A_85 = arith.constant 0 : i32
      %dma_wait3A_86 = tpu.memref_slice %arg4[%add3A_4, %dma_wait3A_85] : memref<163840x128xf32, #tpu.memory_space<hbm>> -> memref<512x128xf32, #tpu.memory_space<hbm>>
      %dma_wait3A_87 = arith.constant 0 : i32
      %dma_wait3A_88 = tpu.memref_slice %arg4[%add3A_4, %dma_wait3A_87] : memref<163840x128xf32, #tpu.memory_space<hbm>> -> memref<512x128xf32, #tpu.memory_space<hbm>>
      tpu.wait_dma2 semaphore(%run_scoped3A : memref<!tpu.dma_semaphore, #tpu.memory_space<semaphore_mem>>) src(%arg6 : memref<512x128xf32, #tpu.memory_space<vmem>>) dst(%dma_wait3A_88 : memref<512x128xf32, #tpu.memory_space<hbm>>)
      tpu.yield
    }) : () -> ()
    %add3A_9 = arith.constant 512 : i32
    %add3A_10 = arith.addi %mul3A_2, %add3A_9 : i32
    "tpu.region"() ({
      %run_scoped3A = tpu.sem_alloc : memref<!tpu.dma_semaphore, #tpu.memory_space<semaphore_mem>>
      %dma_start3A_81 = tpu.memref_slice %arg3[%add3A_10] : memref<163840xi32, #tpu.memory_space<hbm>> -> memref<512xi32, #tpu.memory_space<hbm>>
      %dma_start3A_82 = tpu.memref_slice %arg3[%add3A_10] : memref<163840xi32, #tpu.memory_space<hbm>> -> memref<512xi32, #tpu.memory_space<hbm>>
      tpu.enqueue_dma source(%dma_start3A_82 : memref<512xi32, #tpu.memory_space<hbm>>) target(%arg5 : memref<512xi32, #tpu.memory_space<vmem>>) target_semaphore(%run_scoped3A : memref<!tpu.dma_semaphore, #tpu.memory_space<semaphore_mem>>)
      %dma_wait3A_83 = tpu.memref_slice %arg3[%add3A_10] : memref<163840xi32, #tpu.memory_space<hbm>> -> memref<512xi32, #tpu.memory_space<hbm>>
      %dma_wait3A_84 = tpu.memref_slice %arg3[%add3A_10] : memref<163840xi32, #tpu.memory_space<hbm>> -> memref<512xi32, #tpu.memory_space<hbm>>
      tpu.wait_dma2 semaphore(%run_scoped3A : memref<!tpu.dma_semaphore, #tpu.memory_space<semaphore_mem>>) src(%dma_wait3A_84 : memref<512xi32, #tpu.memory_space<hbm>>) dst(%arg5 : memref<512xi32, #tpu.memory_space<vmem>>)
      tpu.yield
    }) : () -> ()
    %dma_start3A_11 = arith.constant 0 : i32
    %dma_start3A_12 = arith.constant 0 : i32
    %dma_start3A_13 = tpu.memref_slice %arg2[%dma_start3A_11, %dma_start3A_12] : memref<10000x128xf32, #tpu.memory_space<hbm>> -> memref<10000x128xf32, #tpu.memory_space<hbm>>
    tpu.enqueue_indirect_dma source(%dma_start3A_13 : memref<10000x128xf32, #tpu.memory_space<hbm>>) target(%arg6 : memref<512x128xf32, #tpu.memory_space<vmem>>) offsets(%arg5 : memref<512xi32, #tpu.memory_space<vmem>>) semaphore(%arg7 : memref<!tpu.dma_semaphore, #tpu.memory_space<semaphore_mem>>)
    %dma_wait3A_14 = arith.constant 0 : i32
    %dma_wait3A_15 = arith.constant 0 : i32
    %dma_wait3A_16 = tpu.memref_slice %arg2[%dma_wait3A_14, %dma_wait3A_15] : memref<10000x128xf32, #tpu.memory_space<hbm>> -> memref<10000x128xf32, #tpu.memory_space<hbm>>
    tpu.wait_indirect_dma semaphore(%arg7 : memref<!tpu.dma_semaphore, #tpu.memory_space<semaphore_mem>>) src(%dma_wait3A_16 : memref<10000x128xf32, #tpu.memory_space<hbm>>) dst(%arg6 : memref<512x128xf32, #tpu.memory_space<vmem>>)
    "tpu.region"() ({
      %run_scoped3A = tpu.sem_alloc : memref<!tpu.dma_semaphore, #tpu.memory_space<semaphore_mem>>
      %dma_start3A_81 = arith.constant 0 : i32
      %dma_start3A_82 = tpu.memref_slice %arg4[%add3A_10, %dma_start3A_81] : memref<163840x128xf32, #tpu.memory_space<hbm>> -> memref<512x128xf32, #tpu.memory_space<hbm>>
      %dma_start3A_83 = arith.constant 0 : i32
      %dma_start3A_84 = tpu.memref_slice %arg4[%add3A_10, %dma_start3A_83] : memref<163840x128xf32, #tpu.memory_space<hbm>> -> memref<512x128xf32, #tpu.memory_space<hbm>>
      tpu.enqueue_dma source(%arg6 : memref<512x128xf32, #tpu.memory_space<vmem>>) target(%dma_start3A_84 : memref<512x128xf32, #tpu.memory_space<hbm>>) target_semaphore(%run_scoped3A : memref<!tpu.dma_semaphore, #tpu.memory_space<semaphore_mem>>)
      %dma_wait3A_85 = arith.constant 0 : i32
      %dma_wait3A_86 = tpu.memref_slice %arg4[%add3A_10, %dma_wait3A_85] : memref<163840x128xf32, #tpu.memory_space<hbm>> -> memref<512x128xf32, #tpu.memory_space<hbm>>
      %dma_wait3A_87 = arith.constant 0 : i32
      %dma_wait3A_88 = tpu.memref_slice %arg4[%add3A_10, %dma_wait3A_87] : memref<163840x128xf32, #tpu.memory_space<hbm>> -> memref<512x128xf32, #tpu.memory_space<hbm>>
      tpu.wait_dma2 semaphore(%run_scoped3A : memref<!tpu.dma_semaphore, #tpu.memory_space<semaphore_mem>>) src(%arg6 : memref<512x128xf32, #tpu.memory_space<vmem>>) dst(%dma_wait3A_88 : memref<512x128xf32, #tpu.memory_space<hbm>>)
      tpu.yield
    }) : () -> ()
    %add3A_17 = arith.constant 1024 : i32
    %add3A_18 = arith.addi %mul3A_2, %add3A_17 : i32
    "tpu.region"() ({
      %run_scoped3A = tpu.sem_alloc : memref<!tpu.dma_semaphore, #tpu.memory_space<semaphore_mem>>
      %dma_start3A_81 = tpu.memref_slice %arg3[%add3A_18] : memref<163840xi32, #tpu.memory_space<hbm>> -> memref<512xi32, #tpu.memory_space<hbm>>
      %dma_start3A_82 = tpu.memref_slice %arg3[%add3A_18] : memref<163840xi32, #tpu.memory_space<hbm>> -> memref<512xi32, #tpu.memory_space<hbm>>
      tpu.enqueue_dma source(%dma_start3A_82 : memref<512xi32, #tpu.memory_space<hbm>>) target(%arg5 : memref<512xi32, #tpu.memory_space<vmem>>) target_semaphore(%run_scoped3A : memref<!tpu.dma_semaphore, #tpu.memory_space<semaphore_mem>>)
      %dma_wait3A_83 = tpu.memref_slice %arg3[%add3A_18] : memref<163840xi32, #tpu.memory_space<hbm>> -> memref<512xi32, #tpu.memory_space<hbm>>
      %dma_wait3A_84 = tpu.memref_slice %arg3[%add3A_18] : memref<163840xi32, #tpu.memory_space<hbm>> -> memref<512xi32, #tpu.memory_space<hbm>>
      tpu.wait_dma2 semaphore(%run_scoped3A : memref<!tpu.dma_semaphore, #tpu.memory_space<semaphore_mem>>) src(%dma_wait3A_84 : memref<512xi32, #tpu.memory_space<hbm>>) dst(%arg5 : memref<512xi32, #tpu.memory_space<vmem>>)
      tpu.yield
    }) : () -> ()
    %dma_start3A_19 = arith.constant 0 : i32
    %dma_start3A_20 = arith.constant 0 : i32
    %dma_start3A_21 = tpu.memref_slice %arg2[%dma_start3A_19, %dma_start3A_20] : memref<10000x128xf32, #tpu.memory_space<hbm>> -> memref<10000x128xf32, #tpu.memory_space<hbm>>
    tpu.enqueue_indirect_dma source(%dma_start3A_21 : memref<10000x128xf32, #tpu.memory_space<hbm>>) target(%arg6 : memref<512x128xf32, #tpu.memory_space<vmem>>) offsets(%arg5 : memref<512xi32, #tpu.memory_space<vmem>>) semaphore(%arg7 : memref<!tpu.dma_semaphore, #tpu.memory_space<semaphore_mem>>)
    %dma_wait3A_22 = arith.constant 0 : i32
    %dma_wait3A_23 = arith.constant 0 : i32
    %dma_wait3A_24 = tpu.memref_slice %arg2[%dma_wait3A_22, %dma_wait3A_23] : memref<10000x128xf32, #tpu.memory_space<hbm>> -> memref<10000x128xf32, #tpu.memory_space<hbm>>
    tpu.wait_indirect_dma semaphore(%arg7 : memref<!tpu.dma_semaphore, #tpu.memory_space<semaphore_mem>>) src(%dma_wait3A_24 : memref<10000x128xf32, #tpu.memory_space<hbm>>) dst(%arg6 : memref<512x128xf32, #tpu.memory_space<vmem>>)
    "tpu.region"() ({
      %run_scoped3A = tpu.sem_alloc : memref<!tpu.dma_semaphore, #tpu.memory_space<semaphore_mem>>
      %dma_start3A_81 = arith.constant 0 : i32
      %dma_start3A_82 = tpu.memref_slice %arg4[%add3A_18, %dma_start3A_81] : memref<163840x128xf32, #tpu.memory_space<hbm>> -> memref<512x128xf32, #tpu.memory_space<hbm>>
      %dma_start3A_83 = arith.constant 0 : i32
      %dma_start3A_84 = tpu.memref_slice %arg4[%add3A_18, %dma_start3A_83] : memref<163840x128xf32, #tpu.memory_space<hbm>> -> memref<512x128xf32, #tpu.memory_space<hbm>>
      tpu.enqueue_dma source(%arg6 : memref<512x128xf32, #tpu.memory_space<vmem>>) target(%dma_start3A_84 : memref<512x128xf32, #tpu.memory_space<hbm>>) target_semaphore(%run_scoped3A : memref<!tpu.dma_semaphore, #tpu.memory_space<semaphore_mem>>)
      %dma_wait3A_85 = arith.constant 0 : i32
      %dma_wait3A_86 = tpu.memref_slice %arg4[%add3A_18, %dma_wait3A_85] : memref<163840x128xf32, #tpu.memory_space<hbm>> -> memref<512x128xf32, #tpu.memory_space<hbm>>
      %dma_wait3A_87 = arith.constant 0 : i32
      %dma_wait3A_88 = tpu.memref_slice %arg4[%add3A_18, %dma_wait3A_87] : memref<163840x128xf32, #tpu.memory_space<hbm>> -> memref<512x128xf32, #tpu.memory_space<hbm>>
      tpu.wait_dma2 semaphore(%run_scoped3A : memref<!tpu.dma_semaphore, #tpu.memory_space<semaphore_mem>>) src(%arg6 : memref<512x128xf32, #tpu.memory_space<vmem>>) dst(%dma_wait3A_88 : memref<512x128xf32, #tpu.memory_space<hbm>>)
      tpu.yield
    }) : () -> ()
    %add3A_25 = arith.constant 1536 : i32
    %add3A_26 = arith.addi %mul3A_2, %add3A_25 : i32
    "tpu.region"() ({
      %run_scoped3A = tpu.sem_alloc : memref<!tpu.dma_semaphore, #tpu.memory_space<semaphore_mem>>
      %dma_start3A_81 = tpu.memref_slice %arg3[%add3A_26] : memref<163840xi32, #tpu.memory_space<hbm>> -> memref<512xi32, #tpu.memory_space<hbm>>
      %dma_start3A_82 = tpu.memref_slice %arg3[%add3A_26] : memref<163840xi32, #tpu.memory_space<hbm>> -> memref<512xi32, #tpu.memory_space<hbm>>
      tpu.enqueue_dma source(%dma_start3A_82 : memref<512xi32, #tpu.memory_space<hbm>>) target(%arg5 : memref<512xi32, #tpu.memory_space<vmem>>) target_semaphore(%run_scoped3A : memref<!tpu.dma_semaphore, #tpu.memory_space<semaphore_mem>>)
      %dma_wait3A_83 = tpu.memref_slice %arg3[%add3A_26] : memref<163840xi32, #tpu.memory_space<hbm>> -> memref<512xi32, #tpu.memory_space<hbm>>
      %dma_wait3A_84 = tpu.memref_slice %arg3[%add3A_26] : memref<163840xi32, #tpu.memory_space<hbm>> -> memref<512xi32, #tpu.memory_space<hbm>>
      tpu.wait_dma2 semaphore(%run_scoped3A : memref<!tpu.dma_semaphore, #tpu.memory_space<semaphore_mem>>) src(%dma_wait3A_84 : memref<512xi32, #tpu.memory_space<hbm>>) dst(%arg5 : memref<512xi32, #tpu.memory_space<vmem>>)
      tpu.yield
    }) : () -> ()
    %dma_start3A_27 = arith.constant 0 : i32
    %dma_start3A_28 = arith.constant 0 : i32
    %dma_start3A_29 = tpu.memref_slice %arg2[%dma_start3A_27, %dma_start3A_28] : memref<10000x128xf32, #tpu.memory_space<hbm>> -> memref<10000x128xf32, #tpu.memory_space<hbm>>
    tpu.enqueue_indirect_dma source(%dma_start3A_29 : memref<10000x128xf32, #tpu.memory_space<hbm>>) target(%arg6 : memref<512x128xf32, #tpu.memory_space<vmem>>) offsets(%arg5 : memref<512xi32, #tpu.memory_space<vmem>>) semaphore(%arg7 : memref<!tpu.dma_semaphore, #tpu.memory_space<semaphore_mem>>)
    %dma_wait3A_30 = arith.constant 0 : i32
    %dma_wait3A_31 = arith.constant 0 : i32
    %dma_wait3A_32 = tpu.memref_slice %arg2[%dma_wait3A_30, %dma_wait3A_31] : memref<10000x128xf32, #tpu.memory_space<hbm>> -> memref<10000x128xf32, #tpu.memory_space<hbm>>
    tpu.wait_indirect_dma semaphore(%arg7 : memref<!tpu.dma_semaphore, #tpu.memory_space<semaphore_mem>>) src(%dma_wait3A_32 : memref<10000x128xf32, #tpu.memory_space<hbm>>) dst(%arg6 : memref<512x128xf32, #tpu.memory_space<vmem>>)
    "tpu.region"() ({
      %run_scoped3A = tpu.sem_alloc : memref<!tpu.dma_semaphore, #tpu.memory_space<semaphore_mem>>
      %dma_start3A_81 = arith.constant 0 : i32
      %dma_start3A_82 = tpu.memref_slice %arg4[%add3A_26, %dma_start3A_81] : memref<163840x128xf32, #tpu.memory_space<hbm>> -> memref<512x128xf32, #tpu.memory_space<hbm>>
      %dma_start3A_83 = arith.constant 0 : i32
      %dma_start3A_84 = tpu.memref_slice %arg4[%add3A_26, %dma_start3A_83] : memref<163840x128xf32, #tpu.memory_space<hbm>> -> memref<512x128xf32, #tpu.memory_space<hbm>>
      tpu.enqueue_dma source(%arg6 : memref<512x128xf32, #tpu.memory_space<vmem>>) target(%dma_start3A_84 : memref<512x128xf32, #tpu.memory_space<hbm>>) target_semaphore(%run_scoped3A : memref<!tpu.dma_semaphore, #tpu.memory_space<semaphore_mem>>)
      %dma_wait3A_85 = arith.constant 0 : i32
      %dma_wait3A_86 = tpu.memref_slice %arg4[%add3A_26, %dma_wait3A_85] : memref<163840x128xf32, #tpu.memory_space<hbm>> -> memref<512x128xf32, #tpu.memory_space<hbm>>
      %dma_wait3A_87 = arith.constant 0 : i32
      %dma_wait3A_88 = tpu.memref_slice %arg4[%add3A_26, %dma_wait3A_87] : memref<163840x128xf32, #tpu.memory_space<hbm>> -> memref<512x128xf32, #tpu.memory_space<hbm>>
      tpu.wait_dma2 semaphore(%run_scoped3A : memref<!tpu.dma_semaphore, #tpu.memory_space<semaphore_mem>>) src(%arg6 : memref<512x128xf32, #tpu.memory_space<vmem>>) dst(%dma_wait3A_88 : memref<512x128xf32, #tpu.memory_space<hbm>>)
      tpu.yield
    }) : () -> ()
    %add3A_33 = arith.constant 2048 : i32
    %add3A_34 = arith.addi %mul3A_2, %add3A_33 : i32
    "tpu.region"() ({
      %run_scoped3A = tpu.sem_alloc : memref<!tpu.dma_semaphore, #tpu.memory_space<semaphore_mem>>
      %dma_start3A_81 = tpu.memref_slice %arg3[%add3A_34] : memref<163840xi32, #tpu.memory_space<hbm>> -> memref<512xi32, #tpu.memory_space<hbm>>
      %dma_start3A_82 = tpu.memref_slice %arg3[%add3A_34] : memref<163840xi32, #tpu.memory_space<hbm>> -> memref<512xi32, #tpu.memory_space<hbm>>
      tpu.enqueue_dma source(%dma_start3A_82 : memref<512xi32, #tpu.memory_space<hbm>>) target(%arg5 : memref<512xi32, #tpu.memory_space<vmem>>) target_semaphore(%run_scoped3A : memref<!tpu.dma_semaphore, #tpu.memory_space<semaphore_mem>>)
      %dma_wait3A_83 = tpu.memref_slice %arg3[%add3A_34] : memref<163840xi32, #tpu.memory_space<hbm>> -> memref<512xi32, #tpu.memory_space<hbm>>
      %dma_wait3A_84 = tpu.memref_slice %arg3[%add3A_34] : memref<163840xi32, #tpu.memory_space<hbm>> -> memref<512xi32, #tpu.memory_space<hbm>>
      tpu.wait_dma2 semaphore(%run_scoped3A : memref<!tpu.dma_semaphore, #tpu.memory_space<semaphore_mem>>) src(%dma_wait3A_84 : memref<512xi32, #tpu.memory_space<hbm>>) dst(%arg5 : memref<512xi32, #tpu.memory_space<vmem>>)
      tpu.yield
    }) : () -> ()
    %dma_start3A_35 = arith.constant 0 : i32
    %dma_start3A_36 = arith.constant 0 : i32
    %dma_start3A_37 = tpu.memref_slice %arg2[%dma_start3A_35, %dma_start3A_36] : memref<10000x128xf32, #tpu.memory_space<hbm>> -> memref<10000x128xf32, #tpu.memory_space<hbm>>
    tpu.enqueue_indirect_dma source(%dma_start3A_37 : memref<10000x128xf32, #tpu.memory_space<hbm>>) target(%arg6 : memref<512x128xf32, #tpu.memory_space<vmem>>) offsets(%arg5 : memref<512xi32, #tpu.memory_space<vmem>>) semaphore(%arg7 : memref<!tpu.dma_semaphore, #tpu.memory_space<semaphore_mem>>)
    %dma_wait3A_38 = arith.constant 0 : i32
    %dma_wait3A_39 = arith.constant 0 : i32
    %dma_wait3A_40 = tpu.memref_slice %arg2[%dma_wait3A_38, %dma_wait3A_39] : memref<10000x128xf32, #tpu.memory_space<hbm>> -> memref<10000x128xf32, #tpu.memory_space<hbm>>
    tpu.wait_indirect_dma semaphore(%arg7 : memref<!tpu.dma_semaphore, #tpu.memory_space<semaphore_mem>>) src(%dma_wait3A_40 : memref<10000x128xf32, #tpu.memory_space<hbm>>) dst(%arg6 : memref<512x128xf32, #tpu.memory_space<vmem>>)
    "tpu.region"() ({
      %run_scoped3A = tpu.sem_alloc : memref<!tpu.dma_semaphore, #tpu.memory_space<semaphore_mem>>
      %dma_start3A_81 = arith.constant 0 : i32
      %dma_start3A_82 = tpu.memref_slice %arg4[%add3A_34, %dma_start3A_81] : memref<163840x128xf32, #tpu.memory_space<hbm>> -> memref<512x128xf32, #tpu.memory_space<hbm>>
      %dma_start3A_83 = arith.constant 0 : i32
      %dma_start3A_84 = tpu.memref_slice %arg4[%add3A_34, %dma_start3A_83] : memref<163840x128xf32, #tpu.memory_space<hbm>> -> memref<512x128xf32, #tpu.memory_space<hbm>>
      tpu.enqueue_dma source(%arg6 : memref<512x128xf32, #tpu.memory_space<vmem>>) target(%dma_start3A_84 : memref<512x128xf32, #tpu.memory_space<hbm>>) target_semaphore(%run_scoped3A : memref<!tpu.dma_semaphore, #tpu.memory_space<semaphore_mem>>)
      %dma_wait3A_85 = arith.constant 0 : i32
      %dma_wait3A_86 = tpu.memref_slice %arg4[%add3A_34, %dma_wait3A_85] : memref<163840x128xf32, #tpu.memory_space<hbm>> -> memref<512x128xf32, #tpu.memory_space<hbm>>
      %dma_wait3A_87 = arith.constant 0 : i32
      %dma_wait3A_88 = tpu.memref_slice %arg4[%add3A_34, %dma_wait3A_87] : memref<163840x128xf32, #tpu.memory_space<hbm>> -> memref<512x128xf32, #tpu.memory_space<hbm>>
      tpu.wait_dma2 semaphore(%run_scoped3A : memref<!tpu.dma_semaphore, #tpu.memory_space<semaphore_mem>>) src(%arg6 : memref<512x128xf32, #tpu.memory_space<vmem>>) dst(%dma_wait3A_88 : memref<512x128xf32, #tpu.memory_space<hbm>>)
      tpu.yield
    }) : () -> ()
    %add3A_41 = arith.constant 2560 : i32
    %add3A_42 = arith.addi %mul3A_2, %add3A_41 : i32
    "tpu.region"() ({
      %run_scoped3A = tpu.sem_alloc : memref<!tpu.dma_semaphore, #tpu.memory_space<semaphore_mem>>
      %dma_start3A_81 = tpu.memref_slice %arg3[%add3A_42] : memref<163840xi32, #tpu.memory_space<hbm>> -> memref<512xi32, #tpu.memory_space<hbm>>
      %dma_start3A_82 = tpu.memref_slice %arg3[%add3A_42] : memref<163840xi32, #tpu.memory_space<hbm>> -> memref<512xi32, #tpu.memory_space<hbm>>
      tpu.enqueue_dma source(%dma_start3A_82 : memref<512xi32, #tpu.memory_space<hbm>>) target(%arg5 : memref<512xi32, #tpu.memory_space<vmem>>) target_semaphore(%run_scoped3A : memref<!tpu.dma_semaphore, #tpu.memory_space<semaphore_mem>>)
      %dma_wait3A_83 = tpu.memref_slice %arg3[%add3A_42] : memref<163840xi32, #tpu.memory_space<hbm>> -> memref<512xi32, #tpu.memory_space<hbm>>
      %dma_wait3A_84 = tpu.memref_slice %arg3[%add3A_42] : memref<163840xi32, #tpu.memory_space<hbm>> -> memref<512xi32, #tpu.memory_space<hbm>>
      tpu.wait_dma2 semaphore(%run_scoped3A : memref<!tpu.dma_semaphore, #tpu.memory_space<semaphore_mem>>) src(%dma_wait3A_84 : memref<512xi32, #tpu.memory_space<hbm>>) dst(%arg5 : memref<512xi32, #tpu.memory_space<vmem>>)
      tpu.yield
    }) : () -> ()
    %dma_start3A_43 = arith.constant 0 : i32
    %dma_start3A_44 = arith.constant 0 : i32
    %dma_start3A_45 = tpu.memref_slice %arg2[%dma_start3A_43, %dma_start3A_44] : memref<10000x128xf32, #tpu.memory_space<hbm>> -> memref<10000x128xf32, #tpu.memory_space<hbm>>
    tpu.enqueue_indirect_dma source(%dma_start3A_45 : memref<10000x128xf32, #tpu.memory_space<hbm>>) target(%arg6 : memref<512x128xf32, #tpu.memory_space<vmem>>) offsets(%arg5 : memref<512xi32, #tpu.memory_space<vmem>>) semaphore(%arg7 : memref<!tpu.dma_semaphore, #tpu.memory_space<semaphore_mem>>)
    %dma_wait3A_46 = arith.constant 0 : i32
    %dma_wait3A_47 = arith.constant 0 : i32
    %dma_wait3A_48 = tpu.memref_slice %arg2[%dma_wait3A_46, %dma_wait3A_47] : memref<10000x128xf32, #tpu.memory_space<hbm>> -> memref<10000x128xf32, #tpu.memory_space<hbm>>
    tpu.wait_indirect_dma semaphore(%arg7 : memref<!tpu.dma_semaphore, #tpu.memory_space<semaphore_mem>>) src(%dma_wait3A_48 : memref<10000x128xf32, #tpu.memory_space<hbm>>) dst(%arg6 : memref<512x128xf32, #tpu.memory_space<vmem>>)
    "tpu.region"() ({
      %run_scoped3A = tpu.sem_alloc : memref<!tpu.dma_semaphore, #tpu.memory_space<semaphore_mem>>
      %dma_start3A_81 = arith.constant 0 : i32
      %dma_start3A_82 = tpu.memref_slice %arg4[%add3A_42, %dma_start3A_81] : memref<163840x128xf32, #tpu.memory_space<hbm>> -> memref<512x128xf32, #tpu.memory_space<hbm>>
      %dma_start3A_83 = arith.constant 0 : i32
      %dma_start3A_84 = tpu.memref_slice %arg4[%add3A_42, %dma_start3A_83] : memref<163840x128xf32, #tpu.memory_space<hbm>> -> memref<512x128xf32, #tpu.memory_space<hbm>>
      tpu.enqueue_dma source(%arg6 : memref<512x128xf32, #tpu.memory_space<vmem>>) target(%dma_start3A_84 : memref<512x128xf32, #tpu.memory_space<hbm>>) target_semaphore(%run_scoped3A : memref<!tpu.dma_semaphore, #tpu.memory_space<semaphore_mem>>)
      %dma_wait3A_85 = arith.constant 0 : i32
      %dma_wait3A_86 = tpu.memref_slice %arg4[%add3A_42, %dma_wait3A_85] : memref<163840x128xf32, #tpu.memory_space<hbm>> -> memref<512x128xf32, #tpu.memory_space<hbm>>
      %dma_wait3A_87 = arith.constant 0 : i32
      %dma_wait3A_88 = tpu.memref_slice %arg4[%add3A_42, %dma_wait3A_87] : memref<163840x128xf32, #tpu.memory_space<hbm>> -> memref<512x128xf32, #tpu.memory_space<hbm>>
      tpu.wait_dma2 semaphore(%run_scoped3A : memref<!tpu.dma_semaphore, #tpu.memory_space<semaphore_mem>>) src(%arg6 : memref<512x128xf32, #tpu.memory_space<vmem>>) dst(%dma_wait3A_88 : memref<512x128xf32, #tpu.memory_space<hbm>>)
      tpu.yield
    }) : () -> ()
    %add3A_49 = arith.constant 3072 : i32
    %add3A_50 = arith.addi %mul3A_2, %add3A_49 : i32
    "tpu.region"() ({
      %run_scoped3A = tpu.sem_alloc : memref<!tpu.dma_semaphore, #tpu.memory_space<semaphore_mem>>
      %dma_start3A_81 = tpu.memref_slice %arg3[%add3A_50] : memref<163840xi32, #tpu.memory_space<hbm>> -> memref<512xi32, #tpu.memory_space<hbm>>
      %dma_start3A_82 = tpu.memref_slice %arg3[%add3A_50] : memref<163840xi32, #tpu.memory_space<hbm>> -> memref<512xi32, #tpu.memory_space<hbm>>
      tpu.enqueue_dma source(%dma_start3A_82 : memref<512xi32, #tpu.memory_space<hbm>>) target(%arg5 : memref<512xi32, #tpu.memory_space<vmem>>) target_semaphore(%run_scoped3A : memref<!tpu.dma_semaphore, #tpu.memory_space<semaphore_mem>>)
      %dma_wait3A_83 = tpu.memref_slice %arg3[%add3A_50] : memref<163840xi32, #tpu.memory_space<hbm>> -> memref<512xi32, #tpu.memory_space<hbm>>
      %dma_wait3A_84 = tpu.memref_slice %arg3[%add3A_50] : memref<163840xi32, #tpu.memory_space<hbm>> -> memref<512xi32, #tpu.memory_space<hbm>>
      tpu.wait_dma2 semaphore(%run_scoped3A : memref<!tpu.dma_semaphore, #tpu.memory_space<semaphore_mem>>) src(%dma_wait3A_84 : memref<512xi32, #tpu.memory_space<hbm>>) dst(%arg5 : memref<512xi32, #tpu.memory_space<vmem>>)
      tpu.yield
    }) : () -> ()
    %dma_start3A_51 = arith.constant 0 : i32
    %dma_start3A_52 = arith.constant 0 : i32
    %dma_start3A_53 = tpu.memref_slice %arg2[%dma_start3A_51, %dma_start3A_52] : memref<10000x128xf32, #tpu.memory_space<hbm>> -> memref<10000x128xf32, #tpu.memory_space<hbm>>
    tpu.enqueue_indirect_dma source(%dma_start3A_53 : memref<10000x128xf32, #tpu.memory_space<hbm>>) target(%arg6 : memref<512x128xf32, #tpu.memory_space<vmem>>) offsets(%arg5 : memref<512xi32, #tpu.memory_space<vmem>>) semaphore(%arg7 : memref<!tpu.dma_semaphore, #tpu.memory_space<semaphore_mem>>)
    %dma_wait3A_54 = arith.constant 0 : i32
    %dma_wait3A_55 = arith.constant 0 : i32
    %dma_wait3A_56 = tpu.memref_slice %arg2[%dma_wait3A_54, %dma_wait3A_55] : memref<10000x128xf32, #tpu.memory_space<hbm>> -> memref<10000x128xf32, #tpu.memory_space<hbm>>
    tpu.wait_indirect_dma semaphore(%arg7 : memref<!tpu.dma_semaphore, #tpu.memory_space<semaphore_mem>>) src(%dma_wait3A_56 : memref<10000x128xf32, #tpu.memory_space<hbm>>) dst(%arg6 : memref<512x128xf32, #tpu.memory_space<vmem>>)
    "tpu.region"() ({
      %run_scoped3A = tpu.sem_alloc : memref<!tpu.dma_semaphore, #tpu.memory_space<semaphore_mem>>
      %dma_start3A_81 = arith.constant 0 : i32
      %dma_start3A_82 = tpu.memref_slice %arg4[%add3A_50, %dma_start3A_81] : memref<163840x128xf32, #tpu.memory_space<hbm>> -> memref<512x128xf32, #tpu.memory_space<hbm>>
      %dma_start3A_83 = arith.constant 0 : i32
      %dma_start3A_84 = tpu.memref_slice %arg4[%add3A_50, %dma_start3A_83] : memref<163840x128xf32, #tpu.memory_space<hbm>> -> memref<512x128xf32, #tpu.memory_space<hbm>>
      tpu.enqueue_dma source(%arg6 : memref<512x128xf32, #tpu.memory_space<vmem>>) target(%dma_start3A_84 : memref<512x128xf32, #tpu.memory_space<hbm>>) target_semaphore(%run_scoped3A : memref<!tpu.dma_semaphore, #tpu.memory_space<semaphore_mem>>)
      %dma_wait3A_85 = arith.constant 0 : i32
      %dma_wait3A_86 = tpu.memref_slice %arg4[%add3A_50, %dma_wait3A_85] : memref<163840x128xf32, #tpu.memory_space<hbm>> -> memref<512x128xf32, #tpu.memory_space<hbm>>
      %dma_wait3A_87 = arith.constant 0 : i32
      %dma_wait3A_88 = tpu.memref_slice %arg4[%add3A_50, %dma_wait3A_87] : memref<163840x128xf32, #tpu.memory_space<hbm>> -> memref<512x128xf32, #tpu.memory_space<hbm>>
      tpu.wait_dma2 semaphore(%run_scoped3A : memref<!tpu.dma_semaphore, #tpu.memory_space<semaphore_mem>>) src(%arg6 : memref<512x128xf32, #tpu.memory_space<vmem>>) dst(%dma_wait3A_88 : memref<512x128xf32, #tpu.memory_space<hbm>>)
      tpu.yield
    }) : () -> ()
    %add3A_57 = arith.constant 3584 : i32
    %add3A_58 = arith.addi %mul3A_2, %add3A_57 : i32
    "tpu.region"() ({
      %run_scoped3A = tpu.sem_alloc : memref<!tpu.dma_semaphore, #tpu.memory_space<semaphore_mem>>
      %dma_start3A_81 = tpu.memref_slice %arg3[%add3A_58] : memref<163840xi32, #tpu.memory_space<hbm>> -> memref<512xi32, #tpu.memory_space<hbm>>
      %dma_start3A_82 = tpu.memref_slice %arg3[%add3A_58] : memref<163840xi32, #tpu.memory_space<hbm>> -> memref<512xi32, #tpu.memory_space<hbm>>
      tpu.enqueue_dma source(%dma_start3A_82 : memref<512xi32, #tpu.memory_space<hbm>>) target(%arg5 : memref<512xi32, #tpu.memory_space<vmem>>) target_semaphore(%run_scoped3A : memref<!tpu.dma_semaphore, #tpu.memory_space<semaphore_mem>>)
      %dma_wait3A_83 = tpu.memref_slice %arg3[%add3A_58] : memref<163840xi32, #tpu.memory_space<hbm>> -> memref<512xi32, #tpu.memory_space<hbm>>
      %dma_wait3A_84 = tpu.memref_slice %arg3[%add3A_58] : memref<163840xi32, #tpu.memory_space<hbm>> -> memref<512xi32, #tpu.memory_space<hbm>>
      tpu.wait_dma2 semaphore(%run_scoped3A : memref<!tpu.dma_semaphore, #tpu.memory_space<semaphore_mem>>) src(%dma_wait3A_84 : memref<512xi32, #tpu.memory_space<hbm>>) dst(%arg5 : memref<512xi32, #tpu.memory_space<vmem>>)
      tpu.yield
    }) : () -> ()
    %dma_start3A_59 = arith.constant 0 : i32
    %dma_start3A_60 = arith.constant 0 : i32
    %dma_start3A_61 = tpu.memref_slice %arg2[%dma_start3A_59, %dma_start3A_60] : memref<10000x128xf32, #tpu.memory_space<hbm>> -> memref<10000x128xf32, #tpu.memory_space<hbm>>
    tpu.enqueue_indirect_dma source(%dma_start3A_61 : memref<10000x128xf32, #tpu.memory_space<hbm>>) target(%arg6 : memref<512x128xf32, #tpu.memory_space<vmem>>) offsets(%arg5 : memref<512xi32, #tpu.memory_space<vmem>>) semaphore(%arg7 : memref<!tpu.dma_semaphore, #tpu.memory_space<semaphore_mem>>)
    %dma_wait3A_62 = arith.constant 0 : i32
    %dma_wait3A_63 = arith.constant 0 : i32
    %dma_wait3A_64 = tpu.memref_slice %arg2[%dma_wait3A_62, %dma_wait3A_63] : memref<10000x128xf32, #tpu.memory_space<hbm>> -> memref<10000x128xf32, #tpu.memory_space<hbm>>
    tpu.wait_indirect_dma semaphore(%arg7 : memref<!tpu.dma_semaphore, #tpu.memory_space<semaphore_mem>>) src(%dma_wait3A_64 : memref<10000x128xf32, #tpu.memory_space<hbm>>) dst(%arg6 : memref<512x128xf32, #tpu.memory_space<vmem>>)
    "tpu.region"() ({
      %run_scoped3A = tpu.sem_alloc : memref<!tpu.dma_semaphore, #tpu.memory_space<semaphore_mem>>
      %dma_start3A_81 = arith.constant 0 : i32
      %dma_start3A_82 = tpu.memref_slice %arg4[%add3A_58, %dma_start3A_81] : memref<163840x128xf32, #tpu.memory_space<hbm>> -> memref<512x128xf32, #tpu.memory_space<hbm>>
      %dma_start3A_83 = arith.constant 0 : i32
      %dma_start3A_84 = tpu.memref_slice %arg4[%add3A_58, %dma_start3A_83] : memref<163840x128xf32, #tpu.memory_space<hbm>> -> memref<512x128xf32, #tpu.memory_space<hbm>>
      tpu.enqueue_dma source(%arg6 : memref<512x128xf32, #tpu.memory_space<vmem>>) target(%dma_start3A_84 : memref<512x128xf32, #tpu.memory_space<hbm>>) target_semaphore(%run_scoped3A : memref<!tpu.dma_semaphore, #tpu.memory_space<semaphore_mem>>)
      %dma_wait3A_85 = arith.constant 0 : i32
      %dma_wait3A_86 = tpu.memref_slice %arg4[%add3A_58, %dma_wait3A_85] : memref<163840x128xf32, #tpu.memory_space<hbm>> -> memref<512x128xf32, #tpu.memory_space<hbm>>
      %dma_wait3A_87 = arith.constant 0 : i32
      %dma_wait3A_88 = tpu.memref_slice %arg4[%add3A_58, %dma_wait3A_87] : memref<163840x128xf32, #tpu.memory_space<hbm>> -> memref<512x128xf32, #tpu.memory_space<hbm>>
      tpu.wait_dma2 semaphore(%run_scoped3A : memref<!tpu.dma_semaphore, #tpu.memory_space<semaphore_mem>>) src(%arg6 : memref<512x128xf32, #tpu.memory_space<vmem>>) dst(%dma_wait3A_88 : memref<512x128xf32, #tpu.memory_space<hbm>>)
      tpu.yield
    }) : () -> ()
    %add3A_65 = arith.constant 4096 : i32
    %add3A_66 = arith.addi %mul3A_2, %add3A_65 : i32
    "tpu.region"() ({
      %run_scoped3A = tpu.sem_alloc : memref<!tpu.dma_semaphore, #tpu.memory_space<semaphore_mem>>
      %dma_start3A_81 = tpu.memref_slice %arg3[%add3A_66] : memref<163840xi32, #tpu.memory_space<hbm>> -> memref<512xi32, #tpu.memory_space<hbm>>
      %dma_start3A_82 = tpu.memref_slice %arg3[%add3A_66] : memref<163840xi32, #tpu.memory_space<hbm>> -> memref<512xi32, #tpu.memory_space<hbm>>
      tpu.enqueue_dma source(%dma_start3A_82 : memref<512xi32, #tpu.memory_space<hbm>>) target(%arg5 : memref<512xi32, #tpu.memory_space<vmem>>) target_semaphore(%run_scoped3A : memref<!tpu.dma_semaphore, #tpu.memory_space<semaphore_mem>>)
      %dma_wait3A_83 = tpu.memref_slice %arg3[%add3A_66] : memref<163840xi32, #tpu.memory_space<hbm>> -> memref<512xi32, #tpu.memory_space<hbm>>
      %dma_wait3A_84 = tpu.memref_slice %arg3[%add3A_66] : memref<163840xi32, #tpu.memory_space<hbm>> -> memref<512xi32, #tpu.memory_space<hbm>>
      tpu.wait_dma2 semaphore(%run_scoped3A : memref<!tpu.dma_semaphore, #tpu.memory_space<semaphore_mem>>) src(%dma_wait3A_84 : memref<512xi32, #tpu.memory_space<hbm>>) dst(%arg5 : memref<512xi32, #tpu.memory_space<vmem>>)
      tpu.yield
    }) : () -> ()
    %dma_start3A_67 = arith.constant 0 : i32
    %dma_start3A_68 = arith.constant 0 : i32
    %dma_start3A_69 = tpu.memref_slice %arg2[%dma_start3A_67, %dma_start3A_68] : memref<10000x128xf32, #tpu.memory_space<hbm>> -> memref<10000x128xf32, #tpu.memory_space<hbm>>
    tpu.enqueue_indirect_dma source(%dma_start3A_69 : memref<10000x128xf32, #tpu.memory_space<hbm>>) target(%arg6 : memref<512x128xf32, #tpu.memory_space<vmem>>) offsets(%arg5 : memref<512xi32, #tpu.memory_space<vmem>>) semaphore(%arg7 : memref<!tpu.dma_semaphore, #tpu.memory_space<semaphore_mem>>)
    %dma_wait3A_70 = arith.constant 0 : i32
    %dma_wait3A_71 = arith.constant 0 : i32
    %dma_wait3A_72 = tpu.memref_slice %arg2[%dma_wait3A_70, %dma_wait3A_71] : memref<10000x128xf32, #tpu.memory_space<hbm>> -> memref<10000x128xf32, #tpu.memory_space<hbm>>
    tpu.wait_indirect_dma semaphore(%arg7 : memref<!tpu.dma_semaphore, #tpu.memory_space<semaphore_mem>>) src(%dma_wait3A_72 : memref<10000x128xf32, #tpu.memory_space<hbm>>) dst(%arg6 : memref<512x128xf32, #tpu.memory_space<vmem>>)
    "tpu.region"() ({
      %run_scoped3A = tpu.sem_alloc : memref<!tpu.dma_semaphore, #tpu.memory_space<semaphore_mem>>
      %dma_start3A_81 = arith.constant 0 : i32
      %dma_start3A_82 = tpu.memref_slice %arg4[%add3A_66, %dma_start3A_81] : memref<163840x128xf32, #tpu.memory_space<hbm>> -> memref<512x128xf32, #tpu.memory_space<hbm>>
      %dma_start3A_83 = arith.constant 0 : i32
      %dma_start3A_84 = tpu.memref_slice %arg4[%add3A_66, %dma_start3A_83] : memref<163840x128xf32, #tpu.memory_space<hbm>> -> memref<512x128xf32, #tpu.memory_space<hbm>>
      tpu.enqueue_dma source(%arg6 : memref<512x128xf32, #tpu.memory_space<vmem>>) target(%dma_start3A_84 : memref<512x128xf32, #tpu.memory_space<hbm>>) target_semaphore(%run_scoped3A : memref<!tpu.dma_semaphore, #tpu.memory_space<semaphore_mem>>)
      %dma_wait3A_85 = arith.constant 0 : i32
      %dma_wait3A_86 = tpu.memref_slice %arg4[%add3A_66, %dma_wait3A_85] : memref<163840x128xf32, #tpu.memory_space<hbm>> -> memref<512x128xf32, #tpu.memory_space<hbm>>
      %dma_wait3A_87 = arith.constant 0 : i32
      %dma_wait3A_88 = tpu.memref_slice %arg4[%add3A_66, %dma_wait3A_87] : memref<163840x128xf32, #tpu.memory_space<hbm>> -> memref<512x128xf32, #tpu.memory_space<hbm>>
      tpu.wait_dma2 semaphore(%run_scoped3A : memref<!tpu.dma_semaphore, #tpu.memory_space<semaphore_mem>>) src(%arg6 : memref<512x128xf32, #tpu.memory_space<vmem>>) dst(%dma_wait3A_88 : memref<512x128xf32, #tpu.memory_space<hbm>>)
      tpu.yield
    }) : () -> ()
    %add3A_73 = arith.constant 4608 : i32
    %add3A_74 = arith.addi %mul3A_2, %add3A_73 : i32
    "tpu.region"() ({
      %run_scoped3A = tpu.sem_alloc : memref<!tpu.dma_semaphore, #tpu.memory_space<semaphore_mem>>
      %dma_start3A_81 = tpu.memref_slice %arg3[%add3A_74] : memref<163840xi32, #tpu.memory_space<hbm>> -> memref<512xi32, #tpu.memory_space<hbm>>
      %dma_start3A_82 = tpu.memref_slice %arg3[%add3A_74] : memref<163840xi32, #tpu.memory_space<hbm>> -> memref<512xi32, #tpu.memory_space<hbm>>
      tpu.enqueue_dma source(%dma_start3A_82 : memref<512xi32, #tpu.memory_space<hbm>>) target(%arg5 : memref<512xi32, #tpu.memory_space<vmem>>) target_semaphore(%run_scoped3A : memref<!tpu.dma_semaphore, #tpu.memory_space<semaphore_mem>>)
      %dma_wait3A_83 = tpu.memref_slice %arg3[%add3A_74] : memref<163840xi32, #tpu.memory_space<hbm>> -> memref<512xi32, #tpu.memory_space<hbm>>
      %dma_wait3A_84 = tpu.memref_slice %arg3[%add3A_74] : memref<163840xi32, #tpu.memory_space<hbm>> -> memref<512xi32, #tpu.memory_space<hbm>>
      tpu.wait_dma2 semaphore(%run_scoped3A : memref<!tpu.dma_semaphore, #tpu.memory_space<semaphore_mem>>) src(%dma_wait3A_84 : memref<512xi32, #tpu.memory_space<hbm>>) dst(%arg5 : memref<512xi32, #tpu.memory_space<vmem>>)
      tpu.yield
    }) : () -> ()
    %dma_start3A_75 = arith.constant 0 : i32
    %dma_start3A_76 = arith.constant 0 : i32
    %dma_start3A_77 = tpu.memref_slice %arg2[%dma_start3A_75, %dma_start3A_76] : memref<10000x128xf32, #tpu.memory_space<hbm>> -> memref<10000x128xf32, #tpu.memory_space<hbm>>
    tpu.enqueue_indirect_dma source(%dma_start3A_77 : memref<10000x128xf32, #tpu.memory_space<hbm>>) target(%arg6 : memref<512x128xf32, #tpu.memory_space<vmem>>) offsets(%arg5 : memref<512xi32, #tpu.memory_space<vmem>>) semaphore(%arg7 : memref<!tpu.dma_semaphore, #tpu.memory_space<semaphore_mem>>)
    %dma_wait3A_78 = arith.constant 0 : i32
    %dma_wait3A_79 = arith.constant 0 : i32
    %dma_wait3A_80 = tpu.memref_slice %arg2[%dma_wait3A_78, %dma_wait3A_79] : memref<10000x128xf32, #tpu.memory_space<hbm>> -> memref<10000x128xf32, #tpu.memory_space<hbm>>
    tpu.wait_indirect_dma semaphore(%arg7 : memref<!tpu.dma_semaphore, #tpu.memory_space<semaphore_mem>>) src(%dma_wait3A_80 : memref<10000x128xf32, #tpu.memory_space<hbm>>) dst(%arg6 : memref<512x128xf32, #tpu.memory_space<vmem>>)
    "tpu.region"() ({
      %run_scoped3A = tpu.sem_alloc : memref<!tpu.dma_semaphore, #tpu.memory_space<semaphore_mem>>
      %dma_start3A_81 = arith.constant 0 : i32
      %dma_start3A_82 = tpu.memref_slice %arg4[%add3A_74, %dma_start3A_81] : memref<163840x128xf32, #tpu.memory_space<hbm>> -> memref<512x128xf32, #tpu.memory_space<hbm>>
      %dma_start3A_83 = arith.constant 0 : i32
      %dma_start3A_84 = tpu.memref_slice %arg4[%add3A_74, %dma_start3A_83] : memref<163840x128xf32, #tpu.memory_space<hbm>> -> memref<512x128xf32, #tpu.memory_space<hbm>>
      tpu.enqueue_dma source(%arg6 : memref<512x128xf32, #tpu.memory_space<vmem>>) target(%dma_start3A_84 : memref<512x128xf32, #tpu.memory_space<hbm>>) target_semaphore(%run_scoped3A : memref<!tpu.dma_semaphore, #tpu.memory_space<semaphore_mem>>)
      %dma_wait3A_85 = arith.constant 0 : i32
      %dma_wait3A_86 = tpu.memref_slice %arg4[%add3A_74, %dma_wait3A_85] : memref<163840x128xf32, #tpu.memory_space<hbm>> -> memref<512x128xf32, #tpu.memory_space<hbm>>
      %dma_wait3A_87 = arith.constant 0 : i32
      %dma_wait3A_88 = tpu.memref_slice %arg4[%add3A_74, %dma_wait3A_87] : memref<163840x128xf32, #tpu.memory_space<hbm>> -> memref<512x128xf32, #tpu.memory_space<hbm>>
      tpu.wait_dma2 semaphore(%run_scoped3A : memref<!tpu.dma_semaphore, #tpu.memory_space<semaphore_mem>>) src(%arg6 : memref<512x128xf32, #tpu.memory_space<vmem>>) dst(%dma_wait3A_88 : memref<512x128xf32, #tpu.memory_space<hbm>>)
      tpu.yield
    }) : () -> ()
    return
  }
}

#map = affine_map<(d0, d1) -> (0, 0)>
#map1 = affine_map<(d0, d1) -> (0)>
module attributes {stable_mosaic.version = 14 : i64} {
  func.func @gather_k(%arg0: i32, %arg1: i32, %arg2: memref<10000x128xf32, #tpu.memory_space<hbm>>, %arg3: memref<163840xi32, #tpu.memory_space<hbm>>, %arg4: memref<163840x128xf32, #tpu.memory_space<hbm>>, %arg5: memref<512xi32, #tpu.memory_space<vmem>>, %arg6: memref<512x128xf32, #tpu.memory_space<vmem>>, %arg7: memref<!tpu.dma_semaphore, #tpu.memory_space<semaphore_mem>>) attributes {dimension_semantics = [#tpu.dimension_semantics<core_parallel>, #tpu.dimension_semantics<subcore_parallel>], iteration_bounds = array<i64: 2, 16>, scalar_prefetch = 0 : i64, scratch_operands = 3 : i64, tpu.core_type = #tpu.core_type<sc_vector_subcore>, window_params = [{transform_indices = #map}, {transform_indices = #map1}, {transform_indices = #map}]} {
    %mul3A = arith.constant 2 : i32
    %mul3A_0 = arith.muli %arg1, %mul3A : i32
    %add3A = arith.addi %mul3A_0, %arg0 : i32
    %mul3A_1 = arith.constant 5120 : i32
    %mul3A_2 = arith.muli %add3A, %mul3A_1 : i32
    %add3A_3 = arith.constant 0 : i32
    %add3A_4 = arith.addi %mul3A_2, %add3A_3 : i32
    "tpu.region"() ({
      %run_scoped3A = tpu.sem_alloc : memref<!tpu.dma_semaphore, #tpu.memory_space<semaphore_mem>>
      %dma_start3A_81 = tpu.memref_slice %arg3[%add3A_4] : memref<163840xi32, #tpu.memory_space<hbm>> -> memref<512xi32, #tpu.memory_space<hbm>>
      %dma_start3A_82 = tpu.memref_slice %arg3[%add3A_4] : memref<163840xi32, #tpu.memory_space<hbm>> -> memref<512xi32, #tpu.memory_space<hbm>>
      tpu.enqueue_dma source(%dma_start3A_82 : memref<512xi32, #tpu.memory_space<hbm>>) target(%arg5 : memref<512xi32, #tpu.memory_space<vmem>>) target_semaphore(%run_scoped3A : memref<!tpu.dma_semaphore, #tpu.memory_space<semaphore_mem>>)
      %dma_wait3A_83 = tpu.memref_slice %arg3[%add3A_4] : memref<163840xi32, #tpu.memory_space<hbm>> -> memref<512xi32, #tpu.memory_space<hbm>>
      %dma_wait3A_84 = tpu.memref_slice %arg3[%add3A_4] : memref<163840xi32, #tpu.memory_space<hbm>> -> memref<512xi32, #tpu.memory_space<hbm>>
      tpu.wait_dma2 semaphore(%run_scoped3A : memref<!tpu.dma_semaphore, #tpu.memory_space<semaphore_mem>>) src(%dma_wait3A_84 : memref<512xi32, #tpu.memory_space<hbm>>) dst(%arg5 : memref<512xi32, #tpu.memory_space<vmem>>)
      tpu.yield
    }) : () -> ()
    %dma_start3A = arith.constant 0 : i32
    %dma_start3A_5 = arith.constant 0 : i32
    %dma_start3A_6 = tpu.memref_slice %arg2[%dma_start3A, %dma_start3A_5] : memref<10000x128xf32, #tpu.memory_space<hbm>> -> memref<10000x128xf32, #tpu.memory_space<hbm>>
    tpu.enqueue_indirect_dma source(%dma_start3A_6 : memref<10000x128xf32, #tpu.memory_space<hbm>>) target(%arg6 : memref<512x128xf32, #tpu.memory_space<vmem>>) offsets(%arg5 : memref<512xi32, #tpu.memory_space<vmem>>) semaphore(%arg7 : memref<!tpu.dma_semaphore, #tpu.memory_space<semaphore_mem>>)
    %dma_wait3A = arith.constant 0 : i32
    %dma_wait3A_7 = arith.constant 0 : i32
    %dma_wait3A_8 = tpu.memref_slice %arg2[%dma_wait3A, %dma_wait3A_7] : memref<10000x128xf32, #tpu.memory_space<hbm>> -> memref<10000x128xf32, #tpu.memory_space<hbm>>
    tpu.wait_indirect_dma semaphore(%arg7 : memref<!tpu.dma_semaphore, #tpu.memory_space<semaphore_mem>>) src(%dma_wait3A_8 : memref<10000x128xf32, #tpu.memory_space<hbm>>) dst(%arg6 : memref<512x128xf32, #tpu.memory_space<vmem>>)
    "tpu.region"() ({
      %run_scoped3A = tpu.sem_alloc : memref<!tpu.dma_semaphore, #tpu.memory_space<semaphore_mem>>
      %dma_start3A_81 = arith.constant 0 : i32
      %dma_start3A_82 = tpu.memref_slice %arg4[%add3A_4, %dma_start3A_81] : memref<163840x128xf32, #tpu.memory_space<hbm>> -> memref<512x128xf32, #tpu.memory_space<hbm>>
      %dma_start3A_83 = arith.constant 0 : i32
      %dma_start3A_84 = tpu.memref_slice %arg4[%add3A_4, %dma_start3A_83] : memref<163840x128xf32, #tpu.memory_space<hbm>> -> memref<512x128xf32, #tpu.memory_space<hbm>>
      tpu.enqueue_dma source(%arg6 : memref<512x128xf32, #tpu.memory_space<vmem>>) target(%dma_start3A_84 : memref<512x128xf32, #tpu.memory_space<hbm>>) target_semaphore(%run_scoped3A : memref<!tpu.dma_semaphore, #tpu.memory_space<semaphore_mem>>)
      %dma_wait3A_85 = arith.constant 0 : i32
      %dma_wait3A_86 = tpu.memref_slice %arg4[%add3A_4, %dma_wait3A_85] : memref<163840x128xf32, #tpu.memory_space<hbm>> -> memref<512x128xf32, #tpu.memory_space<hbm>>
      %dma_wait3A_87 = arith.constant 0 : i32
      %dma_wait3A_88 = tpu.memref_slice %arg4[%add3A_4, %dma_wait3A_87] : memref<163840x128xf32, #tpu.memory_space<hbm>> -> memref<512x128xf32, #tpu.memory_space<hbm>>
      tpu.wait_dma2 semaphore(%run_scoped3A : memref<!tpu.dma_semaphore, #tpu.memory_space<semaphore_mem>>) src(%arg6 : memref<512x128xf32, #tpu.memory_space<vmem>>) dst(%dma_wait3A_88 : memref<512x128xf32, #tpu.memory_space<hbm>>)
      tpu.yield
    }) : () -> ()
    %add3A_9 = arith.constant 512 : i32
    %add3A_10 = arith.addi %mul3A_2, %add3A_9 : i32
    "tpu.region"() ({
      %run_scoped3A = tpu.sem_alloc : memref<!tpu.dma_semaphore, #tpu.memory_space<semaphore_mem>>
      %dma_start3A_81 = tpu.memref_slice %arg3[%add3A_10] : memref<163840xi32, #tpu.memory_space<hbm>> -> memref<512xi32, #tpu.memory_space<hbm>>
      %dma_start3A_82 = tpu.memref_slice %arg3[%add3A_10] : memref<163840xi32, #tpu.memory_space<hbm>> -> memref<512xi32, #tpu.memory_space<hbm>>
      tpu.enqueue_dma source(%dma_start3A_82 : memref<512xi32, #tpu.memory_space<hbm>>) target(%arg5 : memref<512xi32, #tpu.memory_space<vmem>>) target_semaphore(%run_scoped3A : memref<!tpu.dma_semaphore, #tpu.memory_space<semaphore_mem>>)
      %dma_wait3A_83 = tpu.memref_slice %arg3[%add3A_10] : memref<163840xi32, #tpu.memory_space<hbm>> -> memref<512xi32, #tpu.memory_space<hbm>>
      %dma_wait3A_84 = tpu.memref_slice %arg3[%add3A_10] : memref<163840xi32, #tpu.memory_space<hbm>> -> memref<512xi32, #tpu.memory_space<hbm>>
      tpu.wait_dma2 semaphore(%run_scoped3A : memref<!tpu.dma_semaphore, #tpu.memory_space<semaphore_mem>>) src(%dma_wait3A_84 : memref<512xi32, #tpu.memory_space<hbm>>) dst(%arg5 : memref<512xi32, #tpu.memory_space<vmem>>)
      tpu.yield
    }) : () -> ()
    %dma_start3A_11 = arith.constant 0 : i32
    %dma_start3A_12 = arith.constant 0 : i32
    %dma_start3A_13 = tpu.memref_slice %arg2[%dma_start3A_11, %dma_start3A_12] : memref<10000x128xf32, #tpu.memory_space<hbm>> -> memref<10000x128xf32, #tpu.memory_space<hbm>>
    tpu.enqueue_indirect_dma source(%dma_start3A_13 : memref<10000x128xf32, #tpu.memory_space<hbm>>) target(%arg6 : memref<512x128xf32, #tpu.memory_space<vmem>>) offsets(%arg5 : memref<512xi32, #tpu.memory_space<vmem>>) semaphore(%arg7 : memref<!tpu.dma_semaphore, #tpu.memory_space<semaphore_mem>>)
    %dma_wait3A_14 = arith.constant 0 : i32
    %dma_wait3A_15 = arith.constant 0 : i32
    %dma_wait3A_16 = tpu.memref_slice %arg2[%dma_wait3A_14, %dma_wait3A_15] : memref<10000x128xf32, #tpu.memory_space<hbm>> -> memref<10000x128xf32, #tpu.memory_space<hbm>>
    tpu.wait_indirect_dma semaphore(%arg7 : memref<!tpu.dma_semaphore, #tpu.memory_space<semaphore_mem>>) src(%dma_wait3A_16 : memref<10000x128xf32, #tpu.memory_space<hbm>>) dst(%arg6 : memref<512x128xf32, #tpu.memory_space<vmem>>)
    "tpu.region"() ({
      %run_scoped3A = tpu.sem_alloc : memref<!tpu.dma_semaphore, #tpu.memory_space<semaphore_mem>>
      %dma_start3A_81 = arith.constant 0 : i32
      %dma_start3A_82 = tpu.memref_slice %arg4[%add3A_10, %dma_start3A_81] : memref<163840x128xf32, #tpu.memory_space<hbm>> -> memref<512x128xf32, #tpu.memory_space<hbm>>
      %dma_start3A_83 = arith.constant 0 : i32
      %dma_start3A_84 = tpu.memref_slice %arg4[%add3A_10, %dma_start3A_83] : memref<163840x128xf32, #tpu.memory_space<hbm>> -> memref<512x128xf32, #tpu.memory_space<hbm>>
      tpu.enqueue_dma source(%arg6 : memref<512x128xf32, #tpu.memory_space<vmem>>) target(%dma_start3A_84 : memref<512x128xf32, #tpu.memory_space<hbm>>) target_semaphore(%run_scoped3A : memref<!tpu.dma_semaphore, #tpu.memory_space<semaphore_mem>>)
      %dma_wait3A_85 = arith.constant 0 : i32
      %dma_wait3A_86 = tpu.memref_slice %arg4[%add3A_10, %dma_wait3A_85] : memref<163840x128xf32, #tpu.memory_space<hbm>> -> memref<512x128xf32, #tpu.memory_space<hbm>>
      %dma_wait3A_87 = arith.constant 0 : i32
      %dma_wait3A_88 = tpu.memref_slice %arg4[%add3A_10, %dma_wait3A_87] : memref<163840x128xf32, #tpu.memory_space<hbm>> -> memref<512x128xf32, #tpu.memory_space<hbm>>
      tpu.wait_dma2 semaphore(%run_scoped3A : memref<!tpu.dma_semaphore, #tpu.memory_space<semaphore_mem>>) src(%arg6 : memref<512x128xf32, #tpu.memory_space<vmem>>) dst(%dma_wait3A_88 : memref<512x128xf32, #tpu.memory_space<hbm>>)
      tpu.yield
    }) : () -> ()
    %add3A_17 = arith.constant 1024 : i32
    %add3A_18 = arith.addi %mul3A_2, %add3A_17 : i32
    "tpu.region"() ({
      %run_scoped3A = tpu.sem_alloc : memref<!tpu.dma_semaphore, #tpu.memory_space<semaphore_mem>>
      %dma_start3A_81 = tpu.memref_slice %arg3[%add3A_18] : memref<163840xi32, #tpu.memory_space<hbm>> -> memref<512xi32, #tpu.memory_space<hbm>>
      %dma_start3A_82 = tpu.memref_slice %arg3[%add3A_18] : memref<163840xi32, #tpu.memory_space<hbm>> -> memref<512xi32, #tpu.memory_space<hbm>>
      tpu.enqueue_dma source(%dma_start3A_82 : memref<512xi32, #tpu.memory_space<hbm>>) target(%arg5 : memref<512xi32, #tpu.memory_space<vmem>>) target_semaphore(%run_scoped3A : memref<!tpu.dma_semaphore, #tpu.memory_space<semaphore_mem>>)
      %dma_wait3A_83 = tpu.memref_slice %arg3[%add3A_18] : memref<163840xi32, #tpu.memory_space<hbm>> -> memref<512xi32, #tpu.memory_space<hbm>>
      %dma_wait3A_84 = tpu.memref_slice %arg3[%add3A_18] : memref<163840xi32, #tpu.memory_space<hbm>> -> memref<512xi32, #tpu.memory_space<hbm>>
      tpu.wait_dma2 semaphore(%run_scoped3A : memref<!tpu.dma_semaphore, #tpu.memory_space<semaphore_mem>>) src(%dma_wait3A_84 : memref<512xi32, #tpu.memory_space<hbm>>) dst(%arg5 : memref<512xi32, #tpu.memory_space<vmem>>)
      tpu.yield
    }) : () -> ()
    %dma_start3A_19 = arith.constant 0 : i32
    %dma_start3A_20 = arith.constant 0 : i32
    %dma_start3A_21 = tpu.memref_slice %arg2[%dma_start3A_19, %dma_start3A_20] : memref<10000x128xf32, #tpu.memory_space<hbm>> -> memref<10000x128xf32, #tpu.memory_space<hbm>>
    tpu.enqueue_indirect_dma source(%dma_start3A_21 : memref<10000x128xf32, #tpu.memory_space<hbm>>) target(%arg6 : memref<512x128xf32, #tpu.memory_space<vmem>>) offsets(%arg5 : memref<512xi32, #tpu.memory_space<vmem>>) semaphore(%arg7 : memref<!tpu.dma_semaphore, #tpu.memory_space<semaphore_mem>>)
    %dma_wait3A_22 = arith.constant 0 : i32
    %dma_wait3A_23 = arith.constant 0 : i32
    %dma_wait3A_24 = tpu.memref_slice %arg2[%dma_wait3A_22, %dma_wait3A_23] : memref<10000x128xf32, #tpu.memory_space<hbm>> -> memref<10000x128xf32, #tpu.memory_space<hbm>>
    tpu.wait_indirect_dma semaphore(%arg7 : memref<!tpu.dma_semaphore, #tpu.memory_space<semaphore_mem>>) src(%dma_wait3A_24 : memref<10000x128xf32, #tpu.memory_space<hbm>>) dst(%arg6 : memref<512x128xf32, #tpu.memory_space<vmem>>)
    "tpu.region"() ({
      %run_scoped3A = tpu.sem_alloc : memref<!tpu.dma_semaphore, #tpu.memory_space<semaphore_mem>>
      %dma_start3A_81 = arith.constant 0 : i32
      %dma_start3A_82 = tpu.memref_slice %arg4[%add3A_18, %dma_start3A_81] : memref<163840x128xf32, #tpu.memory_space<hbm>> -> memref<512x128xf32, #tpu.memory_space<hbm>>
      %dma_start3A_83 = arith.constant 0 : i32
      %dma_start3A_84 = tpu.memref_slice %arg4[%add3A_18, %dma_start3A_83] : memref<163840x128xf32, #tpu.memory_space<hbm>> -> memref<512x128xf32, #tpu.memory_space<hbm>>
      tpu.enqueue_dma source(%arg6 : memref<512x128xf32, #tpu.memory_space<vmem>>) target(%dma_start3A_84 : memref<512x128xf32, #tpu.memory_space<hbm>>) target_semaphore(%run_scoped3A : memref<!tpu.dma_semaphore, #tpu.memory_space<semaphore_mem>>)
      %dma_wait3A_85 = arith.constant 0 : i32
      %dma_wait3A_86 = tpu.memref_slice %arg4[%add3A_18, %dma_wait3A_85] : memref<163840x128xf32, #tpu.memory_space<hbm>> -> memref<512x128xf32, #tpu.memory_space<hbm>>
      %dma_wait3A_87 = arith.constant 0 : i32
      %dma_wait3A_88 = tpu.memref_slice %arg4[%add3A_18, %dma_wait3A_87] : memref<163840x128xf32, #tpu.memory_space<hbm>> -> memref<512x128xf32, #tpu.memory_space<hbm>>
      tpu.wait_dma2 semaphore(%run_scoped3A : memref<!tpu.dma_semaphore, #tpu.memory_space<semaphore_mem>>) src(%arg6 : memref<512x128xf32, #tpu.memory_space<vmem>>) dst(%dma_wait3A_88 : memref<512x128xf32, #tpu.memory_space<hbm>>)
      tpu.yield
    }) : () -> ()
    %add3A_25 = arith.constant 1536 : i32
    %add3A_26 = arith.addi %mul3A_2, %add3A_25 : i32
    "tpu.region"() ({
      %run_scoped3A = tpu.sem_alloc : memref<!tpu.dma_semaphore, #tpu.memory_space<semaphore_mem>>
      %dma_start3A_81 = tpu.memref_slice %arg3[%add3A_26] : memref<163840xi32, #tpu.memory_space<hbm>> -> memref<512xi32, #tpu.memory_space<hbm>>
      %dma_start3A_82 = tpu.memref_slice %arg3[%add3A_26] : memref<163840xi32, #tpu.memory_space<hbm>> -> memref<512xi32, #tpu.memory_space<hbm>>
      tpu.enqueue_dma source(%dma_start3A_82 : memref<512xi32, #tpu.memory_space<hbm>>) target(%arg5 : memref<512xi32, #tpu.memory_space<vmem>>) target_semaphore(%run_scoped3A : memref<!tpu.dma_semaphore, #tpu.memory_space<semaphore_mem>>)
      %dma_wait3A_83 = tpu.memref_slice %arg3[%add3A_26] : memref<163840xi32, #tpu.memory_space<hbm>> -> memref<512xi32, #tpu.memory_space<hbm>>
      %dma_wait3A_84 = tpu.memref_slice %arg3[%add3A_26] : memref<163840xi32, #tpu.memory_space<hbm>> -> memref<512xi32, #tpu.memory_space<hbm>>
      tpu.wait_dma2 semaphore(%run_scoped3A : memref<!tpu.dma_semaphore, #tpu.memory_space<semaphore_mem>>) src(%dma_wait3A_84 : memref<512xi32, #tpu.memory_space<hbm>>) dst(%arg5 : memref<512xi32, #tpu.memory_space<vmem>>)
      tpu.yield
    }) : () -> ()
    %dma_start3A_27 = arith.constant 0 : i32
    %dma_start3A_28 = arith.constant 0 : i32
    %dma_start3A_29 = tpu.memref_slice %arg2[%dma_start3A_27, %dma_start3A_28] : memref<10000x128xf32, #tpu.memory_space<hbm>> -> memref<10000x128xf32, #tpu.memory_space<hbm>>
    tpu.enqueue_indirect_dma source(%dma_start3A_29 : memref<10000x128xf32, #tpu.memory_space<hbm>>) target(%arg6 : memref<512x128xf32, #tpu.memory_space<vmem>>) offsets(%arg5 : memref<512xi32, #tpu.memory_space<vmem>>) semaphore(%arg7 : memref<!tpu.dma_semaphore, #tpu.memory_space<semaphore_mem>>)
    %dma_wait3A_30 = arith.constant 0 : i32
    %dma_wait3A_31 = arith.constant 0 : i32
    %dma_wait3A_32 = tpu.memref_slice %arg2[%dma_wait3A_30, %dma_wait3A_31] : memref<10000x128xf32, #tpu.memory_space<hbm>> -> memref<10000x128xf32, #tpu.memory_space<hbm>>
    tpu.wait_indirect_dma semaphore(%arg7 : memref<!tpu.dma_semaphore, #tpu.memory_space<semaphore_mem>>) src(%dma_wait3A_32 : memref<10000x128xf32, #tpu.memory_space<hbm>>) dst(%arg6 : memref<512x128xf32, #tpu.memory_space<vmem>>)
    "tpu.region"() ({
      %run_scoped3A = tpu.sem_alloc : memref<!tpu.dma_semaphore, #tpu.memory_space<semaphore_mem>>
      %dma_start3A_81 = arith.constant 0 : i32
      %dma_start3A_82 = tpu.memref_slice %arg4[%add3A_26, %dma_start3A_81] : memref<163840x128xf32, #tpu.memory_space<hbm>> -> memref<512x128xf32, #tpu.memory_space<hbm>>
      %dma_start3A_83 = arith.constant 0 : i32
      %dma_start3A_84 = tpu.memref_slice %arg4[%add3A_26, %dma_start3A_83] : memref<163840x128xf32, #tpu.memory_space<hbm>> -> memref<512x128xf32, #tpu.memory_space<hbm>>
      tpu.enqueue_dma source(%arg6 : memref<512x128xf32, #tpu.memory_space<vmem>>) target(%dma_start3A_84 : memref<512x128xf32, #tpu.memory_space<hbm>>) target_semaphore(%run_scoped3A : memref<!tpu.dma_semaphore, #tpu.memory_space<semaphore_mem>>)
      %dma_wait3A_85 = arith.constant 0 : i32
      %dma_wait3A_86 = tpu.memref_slice %arg4[%add3A_26, %dma_wait3A_85] : memref<163840x128xf32, #tpu.memory_space<hbm>> -> memref<512x128xf32, #tpu.memory_space<hbm>>
      %dma_wait3A_87 = arith.constant 0 : i32
      %dma_wait3A_88 = tpu.memref_slice %arg4[%add3A_26, %dma_wait3A_87] : memref<163840x128xf32, #tpu.memory_space<hbm>> -> memref<512x128xf32, #tpu.memory_space<hbm>>
      tpu.wait_dma2 semaphore(%run_scoped3A : memref<!tpu.dma_semaphore, #tpu.memory_space<semaphore_mem>>) src(%arg6 : memref<512x128xf32, #tpu.memory_space<vmem>>) dst(%dma_wait3A_88 : memref<512x128xf32, #tpu.memory_space<hbm>>)
      tpu.yield
    }) : () -> ()
    %add3A_33 = arith.constant 2048 : i32
    %add3A_34 = arith.addi %mul3A_2, %add3A_33 : i32
    "tpu.region"() ({
      %run_scoped3A = tpu.sem_alloc : memref<!tpu.dma_semaphore, #tpu.memory_space<semaphore_mem>>
      %dma_start3A_81 = tpu.memref_slice %arg3[%add3A_34] : memref<163840xi32, #tpu.memory_space<hbm>> -> memref<512xi32, #tpu.memory_space<hbm>>
      %dma_start3A_82 = tpu.memref_slice %arg3[%add3A_34] : memref<163840xi32, #tpu.memory_space<hbm>> -> memref<512xi32, #tpu.memory_space<hbm>>
      tpu.enqueue_dma source(%dma_start3A_82 : memref<512xi32, #tpu.memory_space<hbm>>) target(%arg5 : memref<512xi32, #tpu.memory_space<vmem>>) target_semaphore(%run_scoped3A : memref<!tpu.dma_semaphore, #tpu.memory_space<semaphore_mem>>)
      %dma_wait3A_83 = tpu.memref_slice %arg3[%add3A_34] : memref<163840xi32, #tpu.memory_space<hbm>> -> memref<512xi32, #tpu.memory_space<hbm>>
      %dma_wait3A_84 = tpu.memref_slice %arg3[%add3A_34] : memref<163840xi32, #tpu.memory_space<hbm>> -> memref<512xi32, #tpu.memory_space<hbm>>
      tpu.wait_dma2 semaphore(%run_scoped3A : memref<!tpu.dma_semaphore, #tpu.memory_space<semaphore_mem>>) src(%dma_wait3A_84 : memref<512xi32, #tpu.memory_space<hbm>>) dst(%arg5 : memref<512xi32, #tpu.memory_space<vmem>>)
      tpu.yield
    }) : () -> ()
    %dma_start3A_35 = arith.constant 0 : i32
    %dma_start3A_36 = arith.constant 0 : i32
    %dma_start3A_37 = tpu.memref_slice %arg2[%dma_start3A_35, %dma_start3A_36] : memref<10000x128xf32, #tpu.memory_space<hbm>> -> memref<10000x128xf32, #tpu.memory_space<hbm>>
    tpu.enqueue_indirect_dma source(%dma_start3A_37 : memref<10000x128xf32, #tpu.memory_space<hbm>>) target(%arg6 : memref<512x128xf32, #tpu.memory_space<vmem>>) offsets(%arg5 : memref<512xi32, #tpu.memory_space<vmem>>) semaphore(%arg7 : memref<!tpu.dma_semaphore, #tpu.memory_space<semaphore_mem>>)
    %dma_wait3A_38 = arith.constant 0 : i32
    %dma_wait3A_39 = arith.constant 0 : i32
    %dma_wait3A_40 = tpu.memref_slice %arg2[%dma_wait3A_38, %dma_wait3A_39] : memref<10000x128xf32, #tpu.memory_space<hbm>> -> memref<10000x128xf32, #tpu.memory_space<hbm>>
    tpu.wait_indirect_dma semaphore(%arg7 : memref<!tpu.dma_semaphore, #tpu.memory_space<semaphore_mem>>) src(%dma_wait3A_40 : memref<10000x128xf32, #tpu.memory_space<hbm>>) dst(%arg6 : memref<512x128xf32, #tpu.memory_space<vmem>>)
    "tpu.region"() ({
      %run_scoped3A = tpu.sem_alloc : memref<!tpu.dma_semaphore, #tpu.memory_space<semaphore_mem>>
      %dma_start3A_81 = arith.constant 0 : i32
      %dma_start3A_82 = tpu.memref_slice %arg4[%add3A_34, %dma_start3A_81] : memref<163840x128xf32, #tpu.memory_space<hbm>> -> memref<512x128xf32, #tpu.memory_space<hbm>>
      %dma_start3A_83 = arith.constant 0 : i32
      %dma_start3A_84 = tpu.memref_slice %arg4[%add3A_34, %dma_start3A_83] : memref<163840x128xf32, #tpu.memory_space<hbm>> -> memref<512x128xf32, #tpu.memory_space<hbm>>
      tpu.enqueue_dma source(%arg6 : memref<512x128xf32, #tpu.memory_space<vmem>>) target(%dma_start3A_84 : memref<512x128xf32, #tpu.memory_space<hbm>>) target_semaphore(%run_scoped3A : memref<!tpu.dma_semaphore, #tpu.memory_space<semaphore_mem>>)
      %dma_wait3A_85 = arith.constant 0 : i32
      %dma_wait3A_86 = tpu.memref_slice %arg4[%add3A_34, %dma_wait3A_85] : memref<163840x128xf32, #tpu.memory_space<hbm>> -> memref<512x128xf32, #tpu.memory_space<hbm>>
      %dma_wait3A_87 = arith.constant 0 : i32
      %dma_wait3A_88 = tpu.memref_slice %arg4[%add3A_34, %dma_wait3A_87] : memref<163840x128xf32, #tpu.memory_space<hbm>> -> memref<512x128xf32, #tpu.memory_space<hbm>>
      tpu.wait_dma2 semaphore(%run_scoped3A : memref<!tpu.dma_semaphore, #tpu.memory_space<semaphore_mem>>) src(%arg6 : memref<512x128xf32, #tpu.memory_space<vmem>>) dst(%dma_wait3A_88 : memref<512x128xf32, #tpu.memory_space<hbm>>)
      tpu.yield
    }) : () -> ()
    %add3A_41 = arith.constant 2560 : i32
    %add3A_42 = arith.addi %mul3A_2, %add3A_41 : i32
    "tpu.region"() ({
      %run_scoped3A = tpu.sem_alloc : memref<!tpu.dma_semaphore, #tpu.memory_space<semaphore_mem>>
      %dma_start3A_81 = tpu.memref_slice %arg3[%add3A_42] : memref<163840xi32, #tpu.memory_space<hbm>> -> memref<512xi32, #tpu.memory_space<hbm>>
      %dma_start3A_82 = tpu.memref_slice %arg3[%add3A_42] : memref<163840xi32, #tpu.memory_space<hbm>> -> memref<512xi32, #tpu.memory_space<hbm>>
      tpu.enqueue_dma source(%dma_start3A_82 : memref<512xi32, #tpu.memory_space<hbm>>) target(%arg5 : memref<512xi32, #tpu.memory_space<vmem>>) target_semaphore(%run_scoped3A : memref<!tpu.dma_semaphore, #tpu.memory_space<semaphore_mem>>)
      %dma_wait3A_83 = tpu.memref_slice %arg3[%add3A_42] : memref<163840xi32, #tpu.memory_space<hbm>> -> memref<512xi32, #tpu.memory_space<hbm>>
      %dma_wait3A_84 = tpu.memref_slice %arg3[%add3A_42] : memref<163840xi32, #tpu.memory_space<hbm>> -> memref<512xi32, #tpu.memory_space<hbm>>
      tpu.wait_dma2 semaphore(%run_scoped3A : memref<!tpu.dma_semaphore, #tpu.memory_space<semaphore_mem>>) src(%dma_wait3A_84 : memref<512xi32, #tpu.memory_space<hbm>>) dst(%arg5 : memref<512xi32, #tpu.memory_space<vmem>>)
      tpu.yield
    }) : () -> ()
    %dma_start3A_43 = arith.constant 0 : i32
    %dma_start3A_44 = arith.constant 0 : i32
    %dma_start3A_45 = tpu.memref_slice %arg2[%dma_start3A_43, %dma_start3A_44] : memref<10000x128xf32, #tpu.memory_space<hbm>> -> memref<10000x128xf32, #tpu.memory_space<hbm>>
    tpu.enqueue_indirect_dma source(%dma_start3A_45 : memref<10000x128xf32, #tpu.memory_space<hbm>>) target(%arg6 : memref<512x128xf32, #tpu.memory_space<vmem>>) offsets(%arg5 : memref<512xi32, #tpu.memory_space<vmem>>) semaphore(%arg7 : memref<!tpu.dma_semaphore, #tpu.memory_space<semaphore_mem>>)
    %dma_wait3A_46 = arith.constant 0 : i32
    %dma_wait3A_47 = arith.constant 0 : i32
    %dma_wait3A_48 = tpu.memref_slice %arg2[%dma_wait3A_46, %dma_wait3A_47] : memref<10000x128xf32, #tpu.memory_space<hbm>> -> memref<10000x128xf32, #tpu.memory_space<hbm>>
    tpu.wait_indirect_dma semaphore(%arg7 : memref<!tpu.dma_semaphore, #tpu.memory_space<semaphore_mem>>) src(%dma_wait3A_48 : memref<10000x128xf32, #tpu.memory_space<hbm>>) dst(%arg6 : memref<512x128xf32, #tpu.memory_space<vmem>>)
    "tpu.region"() ({
      %run_scoped3A = tpu.sem_alloc : memref<!tpu.dma_semaphore, #tpu.memory_space<semaphore_mem>>
      %dma_start3A_81 = arith.constant 0 : i32
      %dma_start3A_82 = tpu.memref_slice %arg4[%add3A_42, %dma_start3A_81] : memref<163840x128xf32, #tpu.memory_space<hbm>> -> memref<512x128xf32, #tpu.memory_space<hbm>>
      %dma_start3A_83 = arith.constant 0 : i32
      %dma_start3A_84 = tpu.memref_slice %arg4[%add3A_42, %dma_start3A_83] : memref<163840x128xf32, #tpu.memory_space<hbm>> -> memref<512x128xf32, #tpu.memory_space<hbm>>
      tpu.enqueue_dma source(%arg6 : memref<512x128xf32, #tpu.memory_space<vmem>>) target(%dma_start3A_84 : memref<512x128xf32, #tpu.memory_space<hbm>>) target_semaphore(%run_scoped3A : memref<!tpu.dma_semaphore, #tpu.memory_space<semaphore_mem>>)
      %dma_wait3A_85 = arith.constant 0 : i32
      %dma_wait3A_86 = tpu.memref_slice %arg4[%add3A_42, %dma_wait3A_85] : memref<163840x128xf32, #tpu.memory_space<hbm>> -> memref<512x128xf32, #tpu.memory_space<hbm>>
      %dma_wait3A_87 = arith.constant 0 : i32
      %dma_wait3A_88 = tpu.memref_slice %arg4[%add3A_42, %dma_wait3A_87] : memref<163840x128xf32, #tpu.memory_space<hbm>> -> memref<512x128xf32, #tpu.memory_space<hbm>>
      tpu.wait_dma2 semaphore(%run_scoped3A : memref<!tpu.dma_semaphore, #tpu.memory_space<semaphore_mem>>) src(%arg6 : memref<512x128xf32, #tpu.memory_space<vmem>>) dst(%dma_wait3A_88 : memref<512x128xf32, #tpu.memory_space<hbm>>)
      tpu.yield
    }) : () -> ()
    %add3A_49 = arith.constant 3072 : i32
    %add3A_50 = arith.addi %mul3A_2, %add3A_49 : i32
    "tpu.region"() ({
      %run_scoped3A = tpu.sem_alloc : memref<!tpu.dma_semaphore, #tpu.memory_space<semaphore_mem>>
      %dma_start3A_81 = tpu.memref_slice %arg3[%add3A_50] : memref<163840xi32, #tpu.memory_space<hbm>> -> memref<512xi32, #tpu.memory_space<hbm>>
      %dma_start3A_82 = tpu.memref_slice %arg3[%add3A_50] : memref<163840xi32, #tpu.memory_space<hbm>> -> memref<512xi32, #tpu.memory_space<hbm>>
      tpu.enqueue_dma source(%dma_start3A_82 : memref<512xi32, #tpu.memory_space<hbm>>) target(%arg5 : memref<512xi32, #tpu.memory_space<vmem>>) target_semaphore(%run_scoped3A : memref<!tpu.dma_semaphore, #tpu.memory_space<semaphore_mem>>)
      %dma_wait3A_83 = tpu.memref_slice %arg3[%add3A_50] : memref<163840xi32, #tpu.memory_space<hbm>> -> memref<512xi32, #tpu.memory_space<hbm>>
      %dma_wait3A_84 = tpu.memref_slice %arg3[%add3A_50] : memref<163840xi32, #tpu.memory_space<hbm>> -> memref<512xi32, #tpu.memory_space<hbm>>
      tpu.wait_dma2 semaphore(%run_scoped3A : memref<!tpu.dma_semaphore, #tpu.memory_space<semaphore_mem>>) src(%dma_wait3A_84 : memref<512xi32, #tpu.memory_space<hbm>>) dst(%arg5 : memref<512xi32, #tpu.memory_space<vmem>>)
      tpu.yield
    }) : () -> ()
    %dma_start3A_51 = arith.constant 0 : i32
    %dma_start3A_52 = arith.constant 0 : i32
    %dma_start3A_53 = tpu.memref_slice %arg2[%dma_start3A_51, %dma_start3A_52] : memref<10000x128xf32, #tpu.memory_space<hbm>> -> memref<10000x128xf32, #tpu.memory_space<hbm>>
    tpu.enqueue_indirect_dma source(%dma_start3A_53 : memref<10000x128xf32, #tpu.memory_space<hbm>>) target(%arg6 : memref<512x128xf32, #tpu.memory_space<vmem>>) offsets(%arg5 : memref<512xi32, #tpu.memory_space<vmem>>) semaphore(%arg7 : memref<!tpu.dma_semaphore, #tpu.memory_space<semaphore_mem>>)
    %dma_wait3A_54 = arith.constant 0 : i32
    %dma_wait3A_55 = arith.constant 0 : i32
    %dma_wait3A_56 = tpu.memref_slice %arg2[%dma_wait3A_54, %dma_wait3A_55] : memref<10000x128xf32, #tpu.memory_space<hbm>> -> memref<10000x128xf32, #tpu.memory_space<hbm>>
    tpu.wait_indirect_dma semaphore(%arg7 : memref<!tpu.dma_semaphore, #tpu.memory_space<semaphore_mem>>) src(%dma_wait3A_56 : memref<10000x128xf32, #tpu.memory_space<hbm>>) dst(%arg6 : memref<512x128xf32, #tpu.memory_space<vmem>>)
    "tpu.region"() ({
      %run_scoped3A = tpu.sem_alloc : memref<!tpu.dma_semaphore, #tpu.memory_space<semaphore_mem>>
      %dma_start3A_81 = arith.constant 0 : i32
      %dma_start3A_82 = tpu.memref_slice %arg4[%add3A_50, %dma_start3A_81] : memref<163840x128xf32, #tpu.memory_space<hbm>> -> memref<512x128xf32, #tpu.memory_space<hbm>>
      %dma_start3A_83 = arith.constant 0 : i32
      %dma_start3A_84 = tpu.memref_slice %arg4[%add3A_50, %dma_start3A_83] : memref<163840x128xf32, #tpu.memory_space<hbm>> -> memref<512x128xf32, #tpu.memory_space<hbm>>
      tpu.enqueue_dma source(%arg6 : memref<512x128xf32, #tpu.memory_space<vmem>>) target(%dma_start3A_84 : memref<512x128xf32, #tpu.memory_space<hbm>>) target_semaphore(%run_scoped3A : memref<!tpu.dma_semaphore, #tpu.memory_space<semaphore_mem>>)
      %dma_wait3A_85 = arith.constant 0 : i32
      %dma_wait3A_86 = tpu.memref_slice %arg4[%add3A_50, %dma_wait3A_85] : memref<163840x128xf32, #tpu.memory_space<hbm>> -> memref<512x128xf32, #tpu.memory_space<hbm>>
      %dma_wait3A_87 = arith.constant 0 : i32
      %dma_wait3A_88 = tpu.memref_slice %arg4[%add3A_50, %dma_wait3A_87] : memref<163840x128xf32, #tpu.memory_space<hbm>> -> memref<512x128xf32, #tpu.memory_space<hbm>>
      tpu.wait_dma2 semaphore(%run_scoped3A : memref<!tpu.dma_semaphore, #tpu.memory_space<semaphore_mem>>) src(%arg6 : memref<512x128xf32, #tpu.memory_space<vmem>>) dst(%dma_wait3A_88 : memref<512x128xf32, #tpu.memory_space<hbm>>)
      tpu.yield
    }) : () -> ()
    %add3A_57 = arith.constant 3584 : i32
    %add3A_58 = arith.addi %mul3A_2, %add3A_57 : i32
    "tpu.region"() ({
      %run_scoped3A = tpu.sem_alloc : memref<!tpu.dma_semaphore, #tpu.memory_space<semaphore_mem>>
      %dma_start3A_81 = tpu.memref_slice %arg3[%add3A_58] : memref<163840xi32, #tpu.memory_space<hbm>> -> memref<512xi32, #tpu.memory_space<hbm>>
      %dma_start3A_82 = tpu.memref_slice %arg3[%add3A_58] : memref<163840xi32, #tpu.memory_space<hbm>> -> memref<512xi32, #tpu.memory_space<hbm>>
      tpu.enqueue_dma source(%dma_start3A_82 : memref<512xi32, #tpu.memory_space<hbm>>) target(%arg5 : memref<512xi32, #tpu.memory_space<vmem>>) target_semaphore(%run_scoped3A : memref<!tpu.dma_semaphore, #tpu.memory_space<semaphore_mem>>)
      %dma_wait3A_83 = tpu.memref_slice %arg3[%add3A_58] : memref<163840xi32, #tpu.memory_space<hbm>> -> memref<512xi32, #tpu.memory_space<hbm>>
      %dma_wait3A_84 = tpu.memref_slice %arg3[%add3A_58] : memref<163840xi32, #tpu.memory_space<hbm>> -> memref<512xi32, #tpu.memory_space<hbm>>
      tpu.wait_dma2 semaphore(%run_scoped3A : memref<!tpu.dma_semaphore, #tpu.memory_space<semaphore_mem>>) src(%dma_wait3A_84 : memref<512xi32, #tpu.memory_space<hbm>>) dst(%arg5 : memref<512xi32, #tpu.memory_space<vmem>>)
      tpu.yield
    }) : () -> ()
    %dma_start3A_59 = arith.constant 0 : i32
    %dma_start3A_60 = arith.constant 0 : i32
    %dma_start3A_61 = tpu.memref_slice %arg2[%dma_start3A_59, %dma_start3A_60] : memref<10000x128xf32, #tpu.memory_space<hbm>> -> memref<10000x128xf32, #tpu.memory_space<hbm>>
    tpu.enqueue_indirect_dma source(%dma_start3A_61 : memref<10000x128xf32, #tpu.memory_space<hbm>>) target(%arg6 : memref<512x128xf32, #tpu.memory_space<vmem>>) offsets(%arg5 : memref<512xi32, #tpu.memory_space<vmem>>) semaphore(%arg7 : memref<!tpu.dma_semaphore, #tpu.memory_space<semaphore_mem>>)
    %dma_wait3A_62 = arith.constant 0 : i32
    %dma_wait3A_63 = arith.constant 0 : i32
    %dma_wait3A_64 = tpu.memref_slice %arg2[%dma_wait3A_62, %dma_wait3A_63] : memref<10000x128xf32, #tpu.memory_space<hbm>> -> memref<10000x128xf32, #tpu.memory_space<hbm>>
    tpu.wait_indirect_dma semaphore(%arg7 : memref<!tpu.dma_semaphore, #tpu.memory_space<semaphore_mem>>) src(%dma_wait3A_64 : memref<10000x128xf32, #tpu.memory_space<hbm>>) dst(%arg6 : memref<512x128xf32, #tpu.memory_space<vmem>>)
    "tpu.region"() ({
      %run_scoped3A = tpu.sem_alloc : memref<!tpu.dma_semaphore, #tpu.memory_space<semaphore_mem>>
      %dma_start3A_81 = arith.constant 0 : i32
      %dma_start3A_82 = tpu.memref_slice %arg4[%add3A_58, %dma_start3A_81] : memref<163840x128xf32, #tpu.memory_space<hbm>> -> memref<512x128xf32, #tpu.memory_space<hbm>>
      %dma_start3A_83 = arith.constant 0 : i32
      %dma_start3A_84 = tpu.memref_slice %arg4[%add3A_58, %dma_start3A_83] : memref<163840x128xf32, #tpu.memory_space<hbm>> -> memref<512x128xf32, #tpu.memory_space<hbm>>
      tpu.enqueue_dma source(%arg6 : memref<512x128xf32, #tpu.memory_space<vmem>>) target(%dma_start3A_84 : memref<512x128xf32, #tpu.memory_space<hbm>>) target_semaphore(%run_scoped3A : memref<!tpu.dma_semaphore, #tpu.memory_space<semaphore_mem>>)
      %dma_wait3A_85 = arith.constant 0 : i32
      %dma_wait3A_86 = tpu.memref_slice %arg4[%add3A_58, %dma_wait3A_85] : memref<163840x128xf32, #tpu.memory_space<hbm>> -> memref<512x128xf32, #tpu.memory_space<hbm>>
      %dma_wait3A_87 = arith.constant 0 : i32
      %dma_wait3A_88 = tpu.memref_slice %arg4[%add3A_58, %dma_wait3A_87] : memref<163840x128xf32, #tpu.memory_space<hbm>> -> memref<512x128xf32, #tpu.memory_space<hbm>>
      tpu.wait_dma2 semaphore(%run_scoped3A : memref<!tpu.dma_semaphore, #tpu.memory_space<semaphore_mem>>) src(%arg6 : memref<512x128xf32, #tpu.memory_space<vmem>>) dst(%dma_wait3A_88 : memref<512x128xf32, #tpu.memory_space<hbm>>)
      tpu.yield
    }) : () -> ()
    %add3A_65 = arith.constant 4096 : i32
    %add3A_66 = arith.addi %mul3A_2, %add3A_65 : i32
    "tpu.region"() ({
      %run_scoped3A = tpu.sem_alloc : memref<!tpu.dma_semaphore, #tpu.memory_space<semaphore_mem>>
      %dma_start3A_81 = tpu.memref_slice %arg3[%add3A_66] : memref<163840xi32, #tpu.memory_space<hbm>> -> memref<512xi32, #tpu.memory_space<hbm>>
      %dma_start3A_82 = tpu.memref_slice %arg3[%add3A_66] : memref<163840xi32, #tpu.memory_space<hbm>> -> memref<512xi32, #tpu.memory_space<hbm>>
      tpu.enqueue_dma source(%dma_start3A_82 : memref<512xi32, #tpu.memory_space<hbm>>) target(%arg5 : memref<512xi32, #tpu.memory_space<vmem>>) target_semaphore(%run_scoped3A : memref<!tpu.dma_semaphore, #tpu.memory_space<semaphore_mem>>)
      %dma_wait3A_83 = tpu.memref_slice %arg3[%add3A_66] : memref<163840xi32, #tpu.memory_space<hbm>> -> memref<512xi32, #tpu.memory_space<hbm>>
      %dma_wait3A_84 = tpu.memref_slice %arg3[%add3A_66] : memref<163840xi32, #tpu.memory_space<hbm>> -> memref<512xi32, #tpu.memory_space<hbm>>
      tpu.wait_dma2 semaphore(%run_scoped3A : memref<!tpu.dma_semaphore, #tpu.memory_space<semaphore_mem>>) src(%dma_wait3A_84 : memref<512xi32, #tpu.memory_space<hbm>>) dst(%arg5 : memref<512xi32, #tpu.memory_space<vmem>>)
      tpu.yield
    }) : () -> ()
    %dma_start3A_67 = arith.constant 0 : i32
    %dma_start3A_68 = arith.constant 0 : i32
    %dma_start3A_69 = tpu.memref_slice %arg2[%dma_start3A_67, %dma_start3A_68] : memref<10000x128xf32, #tpu.memory_space<hbm>> -> memref<10000x128xf32, #tpu.memory_space<hbm>>
    tpu.enqueue_indirect_dma source(%dma_start3A_69 : memref<10000x128xf32, #tpu.memory_space<hbm>>) target(%arg6 : memref<512x128xf32, #tpu.memory_space<vmem>>) offsets(%arg5 : memref<512xi32, #tpu.memory_space<vmem>>) semaphore(%arg7 : memref<!tpu.dma_semaphore, #tpu.memory_space<semaphore_mem>>)
    %dma_wait3A_70 = arith.constant 0 : i32
    %dma_wait3A_71 = arith.constant 0 : i32
    %dma_wait3A_72 = tpu.memref_slice %arg2[%dma_wait3A_70, %dma_wait3A_71] : memref<10000x128xf32, #tpu.memory_space<hbm>> -> memref<10000x128xf32, #tpu.memory_space<hbm>>
    tpu.wait_indirect_dma semaphore(%arg7 : memref<!tpu.dma_semaphore, #tpu.memory_space<semaphore_mem>>) src(%dma_wait3A_72 : memref<10000x128xf32, #tpu.memory_space<hbm>>) dst(%arg6 : memref<512x128xf32, #tpu.memory_space<vmem>>)
    "tpu.region"() ({
      %run_scoped3A = tpu.sem_alloc : memref<!tpu.dma_semaphore, #tpu.memory_space<semaphore_mem>>
      %dma_start3A_81 = arith.constant 0 : i32
      %dma_start3A_82 = tpu.memref_slice %arg4[%add3A_66, %dma_start3A_81] : memref<163840x128xf32, #tpu.memory_space<hbm>> -> memref<512x128xf32, #tpu.memory_space<hbm>>
      %dma_start3A_83 = arith.constant 0 : i32
      %dma_start3A_84 = tpu.memref_slice %arg4[%add3A_66, %dma_start3A_83] : memref<163840x128xf32, #tpu.memory_space<hbm>> -> memref<512x128xf32, #tpu.memory_space<hbm>>
      tpu.enqueue_dma source(%arg6 : memref<512x128xf32, #tpu.memory_space<vmem>>) target(%dma_start3A_84 : memref<512x128xf32, #tpu.memory_space<hbm>>) target_semaphore(%run_scoped3A : memref<!tpu.dma_semaphore, #tpu.memory_space<semaphore_mem>>)
      %dma_wait3A_85 = arith.constant 0 : i32
      %dma_wait3A_86 = tpu.memref_slice %arg4[%add3A_66, %dma_wait3A_85] : memref<163840x128xf32, #tpu.memory_space<hbm>> -> memref<512x128xf32, #tpu.memory_space<hbm>>
      %dma_wait3A_87 = arith.constant 0 : i32
      %dma_wait3A_88 = tpu.memref_slice %arg4[%add3A_66, %dma_wait3A_87] : memref<163840x128xf32, #tpu.memory_space<hbm>> -> memref<512x128xf32, #tpu.memory_space<hbm>>
      tpu.wait_dma2 semaphore(%run_scoped3A : memref<!tpu.dma_semaphore, #tpu.memory_space<semaphore_mem>>) src(%arg6 : memref<512x128xf32, #tpu.memory_space<vmem>>) dst(%dma_wait3A_88 : memref<512x128xf32, #tpu.memory_space<hbm>>)
      tpu.yield
    }) : () -> ()
    %add3A_73 = arith.constant 4608 : i32
    %add3A_74 = arith.addi %mul3A_2, %add3A_73 : i32
    "tpu.region"() ({
      %run_scoped3A = tpu.sem_alloc : memref<!tpu.dma_semaphore, #tpu.memory_space<semaphore_mem>>
      %dma_start3A_81 = tpu.memref_slice %arg3[%add3A_74] : memref<163840xi32, #tpu.memory_space<hbm>> -> memref<512xi32, #tpu.memory_space<hbm>>
      %dma_start3A_82 = tpu.memref_slice %arg3[%add3A_74] : memref<163840xi32, #tpu.memory_space<hbm>> -> memref<512xi32, #tpu.memory_space<hbm>>
      tpu.enqueue_dma source(%dma_start3A_82 : memref<512xi32, #tpu.memory_space<hbm>>) target(%arg5 : memref<512xi32, #tpu.memory_space<vmem>>) target_semaphore(%run_scoped3A : memref<!tpu.dma_semaphore, #tpu.memory_space<semaphore_mem>>)
      %dma_wait3A_83 = tpu.memref_slice %arg3[%add3A_74] : memref<163840xi32, #tpu.memory_space<hbm>> -> memref<512xi32, #tpu.memory_space<hbm>>
      %dma_wait3A_84 = tpu.memref_slice %arg3[%add3A_74] : memref<163840xi32, #tpu.memory_space<hbm>> -> memref<512xi32, #tpu.memory_space<hbm>>
      tpu.wait_dma2 semaphore(%run_scoped3A : memref<!tpu.dma_semaphore, #tpu.memory_space<semaphore_mem>>) src(%dma_wait3A_84 : memref<512xi32, #tpu.memory_space<hbm>>) dst(%arg5 : memref<512xi32, #tpu.memory_space<vmem>>)
      tpu.yield
    }) : () -> ()
    %dma_start3A_75 = arith.constant 0 : i32
    %dma_start3A_76 = arith.constant 0 : i32
    %dma_start3A_77 = tpu.memref_slice %arg2[%dma_start3A_75, %dma_start3A_76] : memref<10000x128xf32, #tpu.memory_space<hbm>> -> memref<10000x128xf32, #tpu.memory_space<hbm>>
    tpu.enqueue_indirect_dma source(%dma_start3A_77 : memref<10000x128xf32, #tpu.memory_space<hbm>>) target(%arg6 : memref<512x128xf32, #tpu.memory_space<vmem>>) offsets(%arg5 : memref<512xi32, #tpu.memory_space<vmem>>) semaphore(%arg7 : memref<!tpu.dma_semaphore, #tpu.memory_space<semaphore_mem>>)
    %dma_wait3A_78 = arith.constant 0 : i32
    %dma_wait3A_79 = arith.constant 0 : i32
    %dma_wait3A_80 = tpu.memref_slice %arg2[%dma_wait3A_78, %dma_wait3A_79] : memref<10000x128xf32, #tpu.memory_space<hbm>> -> memref<10000x128xf32, #tpu.memory_space<hbm>>
    tpu.wait_indirect_dma semaphore(%arg7 : memref<!tpu.dma_semaphore, #tpu.memory_space<semaphore_mem>>) src(%dma_wait3A_80 : memref<10000x128xf32, #tpu.memory_space<hbm>>) dst(%arg6 : memref<512x128xf32, #tpu.memory_space<vmem>>)
    "tpu.region"() ({
      %run_scoped3A = tpu.sem_alloc : memref<!tpu.dma_semaphore, #tpu.memory_space<semaphore_mem>>
      %dma_start3A_81 = arith.constant 0 : i32
      %dma_start3A_82 = tpu.memref_slice %arg4[%add3A_74, %dma_start3A_81] : memref<163840x128xf32, #tpu.memory_space<hbm>> -> memref<512x128xf32, #tpu.memory_space<hbm>>
      %dma_start3A_83 = arith.constant 0 : i32
      %dma_start3A_84 = tpu.memref_slice %arg4[%add3A_74, %dma_start3A_83] : memref<163840x128xf32, #tpu.memory_space<hbm>> -> memref<512x128xf32, #tpu.memory_space<hbm>>
      tpu.enqueue_dma source(%arg6 : memref<512x128xf32, #tpu.memory_space<vmem>>) target(%dma_start3A_84 : memref<512x128xf32, #tpu.memory_space<hbm>>) target_semaphore(%run_scoped3A : memref<!tpu.dma_semaphore, #tpu.memory_space<semaphore_mem>>)
      %dma_wait3A_85 = arith.constant 0 : i32
      %dma_wait3A_86 = tpu.memref_slice %arg4[%add3A_74, %dma_wait3A_85] : memref<163840x128xf32, #tpu.memory_space<hbm>> -> memref<512x128xf32, #tpu.memory_space<hbm>>
      %dma_wait3A_87 = arith.constant 0 : i32
      %dma_wait3A_88 = tpu.memref_slice %arg4[%add3A_74, %dma_wait3A_87] : memref<163840x128xf32, #tpu.memory_space<hbm>> -> memref<512x128xf32, #tpu.memory_space<hbm>>
      tpu.wait_dma2 semaphore(%run_scoped3A : memref<!tpu.dma_semaphore, #tpu.memory_space<semaphore_mem>>) src(%arg6 : memref<512x128xf32, #tpu.memory_space<vmem>>) dst(%dma_wait3A_88 : memref<512x128xf32, #tpu.memory_space<hbm>>)
      tpu.yield
    }) : () -> ()
    return
  }
}

module attributes {stable_mosaic.version = 14 : i64} {
  func.func @_qmlp_body(%arg0: i32, %arg1: memref<2000x128xf32, #tpu.memory_space<vmem>>, %arg2: memref<128x128xf32, #tpu.memory_space<vmem>>, %arg3: memref<1x128xf32, #tpu.memory_space<vmem>>, %arg4: memref<1x128xf32, #tpu.memory_space<vmem>>, %arg5: memref<1x128xf32, #tpu.memory_space<vmem>>, %arg6: memref<128x128xf32, #tpu.memory_space<vmem>>, %arg7: memref<1x128xf32, #tpu.memory_space<vmem>>, %arg8: memref<2000x128xf32, #tpu.memory_space<vmem>>) attributes {dimension_semantics = [#tpu.dimension_semantics<arbitrary>], iteration_bounds = array<i64: 5>, scalar_prefetch = 0 : i64, scratch_operands = 0 : i64, tpu.core_type = #tpu.core_type<tc>, window_params = [{transform_indices = @transform_0, window_bounds = array<i64: 2000, 128>}, {pipeline_mode = #tpu.pipeline_mode<synchronous>, transform_indices = @transform_1, window_bounds = array<i64: 128, 128>}, {pipeline_mode = #tpu.pipeline_mode<synchronous>, transform_indices = @transform_2, window_bounds = array<i64: 1, 128>}, {pipeline_mode = #tpu.pipeline_mode<synchronous>, transform_indices = @transform_3, window_bounds = array<i64: 1, 128>}, {pipeline_mode = #tpu.pipeline_mode<synchronous>, transform_indices = @transform_4, window_bounds = array<i64: 1, 128>}, {pipeline_mode = #tpu.pipeline_mode<synchronous>, transform_indices = @transform_5, window_bounds = array<i64: 128, 128>}, {pipeline_mode = #tpu.pipeline_mode<synchronous>, transform_indices = @transform_6, window_bounds = array<i64: 1, 128>}, {transform_indices = @transform_7, window_bounds = array<i64: 2000, 128>}]} {
    %get3A = arith.constant 0 : index
    %get3A_0 = arith.constant 0 : index
    %get3A_1 = vector.load %arg1[%get3A, %get3A_0] : memref<2000x128xf32, #tpu.memory_space<vmem>>, vector<2000x128xf32>
    %get3A_2 = arith.constant 0 : index
    %get3A_3 = arith.constant 0 : index
    %get3A_4 = vector.load %arg2[%get3A_2, %get3A_3] : memref<128x128xf32, #tpu.memory_space<vmem>>, vector<128x128xf32>
    %dot_general3A = arith.constant dense<0.000000e+00> : vector<2000x128xf32>
    %dot_general3A_5 = tpu.matmul %get3A_1, %get3A_4, %dot_general3A {dimension_numbers = #tpu.dot_dimension_numbers<[1], [0], [0], [1], [0, 0, 1, 1], [], []>, transpose_lhs_hint = false} : vector<2000x128xf32>, vector<128x128xf32>, vector<2000x128xf32> -> vector<2000x128xf32>
    %get3A_6 = arith.constant 0 : index
    %get3A_7 = arith.constant 0 : index
    %get3A_8 = vector.load %arg3[%get3A_6, %get3A_7] : memref<1x128xf32, #tpu.memory_space<vmem>>, vector<1x128xf32>
    %add3A = vector.broadcast %get3A_8 : vector<1x128xf32> to vector<2000x128xf32>
    %add3A_9 = arith.addf %dot_general3A_5, %add3A : vector<2000x128xf32>
    %get3A_10 = arith.constant 0 : index
    %get3A_11 = arith.constant 0 : index
    %get3A_12 = vector.load %arg4[%get3A_10, %get3A_11] : memref<1x128xf32, #tpu.memory_space<vmem>>, vector<1x128xf32>
    %get3A_13 = arith.constant 0 : index
    %get3A_14 = arith.constant 0 : index
    %get3A_15 = vector.load %arg5[%get3A_13, %get3A_14] : memref<1x128xf32, #tpu.memory_space<vmem>>, vector<1x128xf32>
    %reduce_sum3A = arith.constant dense<0.000000e+00> : vector<2000xf32>
    %reduce_sum3A_16 = vector.multi_reduction <add>, %add3A_9, %reduce_sum3A [1] : vector<2000x128xf32> to vector<2000xf32>
    %broadcast_in_dim3A = vector.shape_cast %reduce_sum3A_16 : vector<2000xf32> to vector<2000x1xf32>
    %div3A = arith.constant 1.280000e+02 : f32
    %div3A_17 = vector.broadcast %div3A : f32 to vector<2000x1xf32>
    %div3A_18 = arith.divf %broadcast_in_dim3A, %div3A_17 : vector<2000x1xf32>
    %sub3A = vector.broadcast %div3A_18 : vector<2000x1xf32> to vector<2000x128xf32>
    %sub3A_19 = arith.subf %add3A_9, %sub3A : vector<2000x128xf32>
    %mul3A = arith.mulf %sub3A_19, %sub3A_19 : vector<2000x128xf32>
    %reduce_sum3A_20 = arith.constant dense<0.000000e+00> : vector<2000xf32>
    %reduce_sum3A_21 = vector.multi_reduction <add>, %mul3A, %reduce_sum3A_20 [1] : vector<2000x128xf32> to vector<2000xf32>
    %broadcast_in_dim3A_22 = vector.shape_cast %reduce_sum3A_21 : vector<2000xf32> to vector<2000x1xf32>
    %div3A_23 = arith.constant 1.280000e+02 : f32
    %div3A_24 = vector.broadcast %div3A_23 : f32 to vector<2000x1xf32>
    %div3A_25 = arith.divf %broadcast_in_dim3A_22, %div3A_24 : vector<2000x1xf32>
    %add3A_26 = arith.constant 9.99999974E-6 : f32
    %add3A_27 = vector.broadcast %add3A_26 : f32 to vector<2000x1xf32>
    %add3A_28 = arith.addf %div3A_25, %add3A_27 : vector<2000x1xf32>
    %rsqrt3A = math.rsqrt %add3A_28 : vector<2000x1xf32>
    %mul3A_29 = vector.broadcast %rsqrt3A : vector<2000x1xf32> to vector<2000x128xf32>
    %mul3A_30 = arith.mulf %sub3A_19, %mul3A_29 : vector<2000x128xf32>
    %mul3A_31 = vector.broadcast %get3A_12 : vector<1x128xf32> to vector<2000x128xf32>
    %mul3A_32 = arith.mulf %mul3A_30, %mul3A_31 : vector<2000x128xf32>
    %add3A_33 = vector.broadcast %get3A_15 : vector<1x128xf32> to vector<2000x128xf32>
    %add3A_34 = arith.addf %mul3A_32, %add3A_33 : vector<2000x128xf32>
    %max3A = arith.constant 0.000000e+00 : f32
    %max3A_35 = vector.broadcast %max3A : f32 to vector<2000x128xf32>
    %max3A_36 = arith.maximumf %add3A_34, %max3A_35 : vector<2000x128xf32>
    %get3A_37 = arith.constant 0 : index
    %get3A_38 = arith.constant 0 : index
    %get3A_39 = vector.load %arg6[%get3A_37, %get3A_38] : memref<128x128xf32, #tpu.memory_space<vmem>>, vector<128x128xf32>
    %dot_general3A_40 = arith.constant dense<0.000000e+00> : vector<2000x128xf32>
    %dot_general3A_41 = tpu.matmul %max3A_36, %get3A_39, %dot_general3A_40 {dimension_numbers = #tpu.dot_dimension_numbers<[1], [0], [0], [1], [0, 0, 1, 1], [], []>, transpose_lhs_hint = false} : vector<2000x128xf32>, vector<128x128xf32>, vector<2000x128xf32> -> vector<2000x128xf32>
    %get3A_42 = arith.constant 0 : index
    %get3A_43 = arith.constant 0 : index
    %get3A_44 = vector.load %arg7[%get3A_42, %get3A_43] : memref<1x128xf32, #tpu.memory_space<vmem>>, vector<1x128xf32>
    %add3A_45 = vector.broadcast %get3A_44 : vector<1x128xf32> to vector<2000x128xf32>
    %add3A_46 = arith.addf %dot_general3A_41, %add3A_45 : vector<2000x128xf32>
    %swap3A = arith.constant 0 : index
    %swap3A_47 = arith.constant 0 : index
    %swap3A_48 = vector.load %arg8[%swap3A, %swap3A_47] : memref<2000x128xf32, #tpu.memory_space<vmem>>, vector<2000x128xf32>
    tpu.vector_store %arg8[%swap3A, %swap3A_47], %add3A_46 {strides = array<i32>} : memref<2000x128xf32, #tpu.memory_space<vmem>>, vector<2000x128xf32>,
    return
  }
  func.func @transform_0(%arg0: i32) -> (i32, i32) {
    %c0_i32 = arith.constant 0 : i32
    %c0_i32_0 = arith.constant 0 : i32
    return %arg0, %c0_i32 : i32, i32
  }
  func.func @transform_1(%arg0: i32) -> (i32, i32) {
    %c0_i32 = arith.constant 0 : i32
    %c0_i32_0 = arith.constant 0 : i32
    %c0_i32_1 = arith.constant 0 : i32
    return %c0_i32, %c0_i32_0 : i32, i32
  }
  func.func @transform_2(%arg0: i32) -> (i32, i32) {
    %c0_i32 = arith.constant 0 : i32
    %c0_i32_0 = arith.constant 0 : i32
    %c0_i32_1 = arith.constant 0 : i32
    return %c0_i32, %c0_i32_0 : i32, i32
  }
  func.func @transform_3(%arg0: i32) -> (i32, i32) {
    %c0_i32 = arith.constant 0 : i32
    %c0_i32_0 = arith.constant 0 : i32
    %c0_i32_1 = arith.constant 0 : i32
    return %c0_i32, %c0_i32_0 : i32, i32
  }
  func.func @transform_4(%arg0: i32) -> (i32, i32) {
    %c0_i32 = arith.constant 0 : i32
    %c0_i32_0 = arith.constant 0 : i32
    %c0_i32_1 = arith.constant 0 : i32
    return %c0_i32, %c0_i32_0 : i32, i32
  }
  func.func @transform_5(%arg0: i32) -> (i32, i32) {
    %c0_i32 = arith.constant 0 : i32
    %c0_i32_0 = arith.constant 0 : i32
    %c0_i32_1 = arith.constant 0 : i32
    return %c0_i32, %c0_i32_0 : i32, i32
  }
  func.func @transform_6(%arg0: i32) -> (i32, i32) {
    %c0_i32 = arith.constant 0 : i32
    %c0_i32_0 = arith.constant 0 : i32
    %c0_i32_1 = arith.constant 0 : i32
    return %c0_i32, %c0_i32_0 : i32, i32
  }
  func.func @transform_7(%arg0: i32) -> (i32, i32) {
    %c0_i32 = arith.constant 0 : i32
    %c0_i32_0 = arith.constant 0 : i32
    return %arg0, %c0_i32 : i32, i32
  }
}

module attributes {stable_mosaic.version = 14 : i64} {
  func.func @_edge1_body(%arg0: i32, %arg1: memref<160xi32, #tpu.memory_space<smem>>, %arg2: memref<160xi32, #tpu.memory_space<smem>>, %arg3: memref<1x1x1024xi32, #tpu.memory_space<vmem>>, %arg4: memref<1024x128xf32, #tpu.memory_space<vmem>>, %arg5: memref<1024x128xf32, #tpu.memory_space<vmem>>, %arg6: memref<10512x128xf32, #tpu.memory_space<vmem>>, %arg7: memref<10512x128xf32, #tpu.memory_space<vmem>>, %arg8: memref<10512x128xf32, #tpu.memory_space<vmem>>, %arg9: memref<80x128xf32, #tpu.memory_space<vmem>>, %arg10: memref<128x128xf32, #tpu.memory_space<vmem>>, %arg11: memref<128x128xf32, #tpu.memory_space<vmem>>, %arg12: memref<1x128xf32, #tpu.memory_space<vmem>>, %arg13: memref<1x128xf32, #tpu.memory_space<vmem>>, %arg14: memref<1x128xf32, #tpu.memory_space<vmem>>, %arg15: memref<128x128xf32, #tpu.memory_space<vmem>>, %arg16: memref<1x128xf32, #tpu.memory_space<vmem>>, %arg17: memref<80x128xf32, #tpu.memory_space<vmem>>, %arg18: memref<128x128xf32, #tpu.memory_space<vmem>>, %arg19: memref<128x128xf32, #tpu.memory_space<vmem>>, %arg20: memref<1x128xf32, #tpu.memory_space<vmem>>, %arg21: memref<1x128xf32, #tpu.memory_space<vmem>>, %arg22: memref<1x128xf32, #tpu.memory_space<vmem>>, %arg23: memref<128x128xf32, #tpu.memory_space<vmem>>, %arg24: memref<1x128xf32, #tpu.memory_space<vmem>>, %arg25: memref<80x128xf32, #tpu.memory_space<vmem>>, %arg26: memref<1x128xf32, #tpu.memory_space<vmem>>, %arg27: memref<10512x128xf32, #tpu.memory_space<vmem>>, %arg28: memref<10512x16xf32, #tpu.memory_space<vmem>>, %arg29: memref<1024x128xf32, #tpu.memory_space<vmem>>, %arg30: memref<1024x128xf32, #tpu.memory_space<vmem>>, %arg31: memref<1024x16xf32, #tpu.memory_space<vmem>>) attributes {dimension_semantics = [#tpu.dimension_semantics<arbitrary>], iteration_bounds = array<i64: 160>, scalar_prefetch = 2 : i64, scratch_operands = 3 : i64, tpu.core_type = #tpu.core_type<tc>, window_params = [{transform_indices = @transform_0, window_bounds = array<i64: 1, 1, 1024>}, {transform_indices = @transform_1, window_bounds = array<i64: 1024, 128>}, {transform_indices = @transform_2, window_bounds = array<i64: 1024, 128>}, {pipeline_mode = #tpu.pipeline_mode<synchronous>, transform_indices = @transform_3, window_bounds = array<i64: 10512, 128>}, {pipeline_mode = #tpu.pipeline_mode<synchronous>, transform_indices = @transform_4, window_bounds = array<i64: 10512, 128>}, {pipeline_mode = #tpu.pipeline_mode<synchronous>, transform_indices = @transform_5, window_bounds = array<i64: 10512, 128>}, {pipeline_mode = #tpu.pipeline_mode<synchronous>, transform_indices = @transform_6, window_bounds = array<i64: 80, 128>}, {pipeline_mode = #tpu.pipeline_mode<synchronous>, transform_indices = @transform_7, window_bounds = array<i64: 128, 128>}, {pipeline_mode = #tpu.pipeline_mode<synchronous>, transform_indices = @transform_8, window_bounds = array<i64: 128, 128>}, {pipeline_mode = #tpu.pipeline_mode<synchronous>, transform_indices = @transform_9, window_bounds = array<i64: 1, 128>}, {pipeline_mode = #tpu.pipeline_mode<synchronous>, transform_indices = @transform_10, window_bounds = array<i64: 1, 128>}, {pipeline_mode = #tpu.pipeline_mode<synchronous>, transform_indices = @transform_11, window_bounds = array<i64: 1, 128>}, {pipeline_mode = #tpu.pipeline_mode<synchronous>, transform_indices = @transform_12, window_bounds = array<i64: 128, 128>}, {pipeline_mode = #tpu.pipeline_mode<synchronous>, transform_indices = @transform_13, window_bounds = array<i64: 1, 128>}, {pipeline_mode = #tpu.pipeline_mode<synchronous>, transform_indices = @transform_14, window_bounds = array<i64: 80, 128>}, {pipeline_mode = #tpu.pipeline_mode<synchronous>, transform_indices = @transform_15, window_bounds = array<i64: 128, 128>}, {pipeline_mode = #tpu.pipeline_mode<synchronous>, transform_indices = @transform_16, window_bounds = array<i64: 128, 128>}, {pipeline_mode = #tpu.pipeline_mode<synchronous>, transform_indices = @transform_17, window_bounds = array<i64: 1, 128>}, {pipeline_mode = #tpu.pipeline_mode<synchronous>, transform_indices = @transform_18, window_bounds = array<i64: 1, 128>}, {pipeline_mode = #tpu.pipeline_mode<synchronous>, transform_indices = @transform_19, window_bounds = array<i64: 1, 128>}, {pipeline_mode = #tpu.pipeline_mode<synchronous>, transform_indices = @transform_20, window_bounds = array<i64: 128, 128>}, {pipeline_mode = #tpu.pipeline_mode<synchronous>, transform_indices = @transform_21, window_bounds = array<i64: 1, 128>}, {pipeline_mode = #tpu.pipeline_mode<synchronous>, transform_indices = @transform_22, window_bounds = array<i64: 80, 128>}, {pipeline_mode = #tpu.pipeline_mode<synchronous>, transform_indices = @transform_23, window_bounds = array<i64: 1, 128>}, {pipeline_mode = #tpu.pipeline_mode<synchronous>, transform_indices = @transform_24, window_bounds = array<i64: 10512, 128>}, {pipeline_mode = #tpu.pipeline_mode<synchronous>, transform_indices = @transform_25, window_bounds = array<i64: 10512, 16>}]} {
    %eq3A = arith.constant 0 : i32
    %eq3A_0 = arith.cmpi eq, %arg0, %eq3A : i32
    %convert_element_type3A = arith.extui %eq3A_0 : i1 to i32
    %cond3A = arith.constant 0 : i32
    %cond3A_1 = arith.cmpi ne, %convert_element_type3A, %cond3A : i32
    scf.if %cond3A_1 {
      %broadcast_in_dim3A_357 = arith.constant 0.000000e+00 : f32
      %broadcast_in_dim3A_358 = vector.broadcast %broadcast_in_dim3A_357 : f32 to vector<10512x128xf32>
      %swap3A_359 = arith.constant 0 : index
      %swap3A_360 = arith.constant 0 : index
      %swap3A_361 = vector.load %arg27[%swap3A_359, %swap3A_360] : memref<10512x128xf32, #tpu.memory_space<vmem>>, vector<10512x128xf32>
      tpu.vector_store %arg27[%swap3A_359, %swap3A_360], %broadcast_in_dim3A_358 {strides = array<i32>} : memref<10512x128xf32, #tpu.memory_space<vmem>>, vector<10512x128xf32>,
      %broadcast_in_dim3A_362 = arith.constant 0.000000e+00 : f32
      %broadcast_in_dim3A_363 = vector.broadcast %broadcast_in_dim3A_362 : f32 to vector<10512x16xf32>
      %swap3A_364 = arith.constant 0 : index
      %swap3A_365 = arith.constant 0 : index
      %swap3A_366 = vector.load %arg28[%swap3A_364, %swap3A_365] : memref<10512x16xf32, #tpu.memory_space<vmem>>, vector<10512x16xf32>
      tpu.vector_store %arg28[%swap3A_364, %swap3A_365], %broadcast_in_dim3A_363 {strides = array<i32>} : memref<10512x16xf32, #tpu.memory_space<vmem>>, vector<10512x16xf32>,
    } else {
    }
    %get3A = arith.constant 0 : index
    %get3A_2 = arith.constant 0 : index
    %get3A_3 = arith.constant 0 : index
    %get3A_4 = vector.load %arg3[%get3A, %get3A_2, %get3A_3] : memref<1x1x1024xi32, #tpu.memory_space<vmem>>, vector<1x1x1024xi32>
    %get3A_5 = vector.shape_cast %get3A_4 : vector<1x1x1024xi32> to vector<1024xi32>
    %get3A_6 = arith.constant 0 : index
    %get3A_7 = arith.constant 0 : index
    %get3A_8 = vector.load %arg4[%get3A_6, %get3A_7] : memref<1024x128xf32, #tpu.memory_space<vmem>>, vector<1024x128xf32>
    %get3A_9 = arith.index_cast %arg0 : i32 to index
    %get3A_10 = memref.load %arg1[%get3A_9] : memref<160xi32, #tpu.memory_space<smem>>
    %broadcast_in_dim3A = arith.constant 0.000000e+00 : f32
    %broadcast_in_dim3A_11 = vector.broadcast %broadcast_in_dim3A : f32 to vector<1024x128xf32>
    %swap3A = arith.constant 0 : index
    %swap3A_12 = arith.constant 0 : index
    %swap3A_13 = vector.load %arg29[%swap3A, %swap3A_12] : memref<1024x128xf32, #tpu.memory_space<vmem>>, vector<1024x128xf32>
    tpu.vector_store %arg29[%swap3A, %swap3A_12], %broadcast_in_dim3A_11 {strides = array<i32>} : memref<1024x128xf32, #tpu.memory_space<vmem>>, vector<1024x128xf32>,
    %broadcast_in_dim3A_14 = arith.constant 0.000000e+00 : f32
    %broadcast_in_dim3A_15 = vector.broadcast %broadcast_in_dim3A_14 : f32 to vector<1024x128xf32>
    %swap3A_16 = arith.constant 0 : index
    %swap3A_17 = arith.constant 0 : index
    %swap3A_18 = vector.load %arg30[%swap3A_16, %swap3A_17] : memref<1024x128xf32, #tpu.memory_space<vmem>>, vector<1024x128xf32>
    tpu.vector_store %arg30[%swap3A_16, %swap3A_17], %broadcast_in_dim3A_15 {strides = array<i32>} : memref<1024x128xf32, #tpu.memory_space<vmem>>, vector<1024x128xf32>,
    %broadcast_in_dim3A_19 = arith.constant 0.000000e+00 : f32
    %broadcast_in_dim3A_20 = vector.broadcast %broadcast_in_dim3A_19 : f32 to vector<1024x16xf32>
    %swap3A_21 = arith.constant 0 : index
    %swap3A_22 = arith.constant 0 : index
    %swap3A_23 = vector.load %arg31[%swap3A_21, %swap3A_22] : memref<1024x16xf32, #tpu.memory_space<vmem>>, vector<1024x16xf32>
    tpu.vector_store %arg31[%swap3A_21, %swap3A_22], %broadcast_in_dim3A_20 {strides = array<i32>} : memref<1024x16xf32, #tpu.memory_space<vmem>>, vector<1024x16xf32>,
    %get3A_24 = arith.index_cast %arg0 : i32 to index
    %get3A_25 = memref.load %arg2[%get3A_24] : memref<160xi32, #tpu.memory_space<smem>>
    %while3A = arith.constant 0 : i32
    %while3A_26 = arith.constant 0 : i32
    %while3A_27 = arith.subi %get3A_25, %while3A_26 : i32
    %while3A_28 = arith.addi %while3A_26, %while3A_27 : i32
    %while3A_29 = arith.constant 1 : i32
    %while3A_30 = arith.divsi %while3A_27, %while3A_29 : i32
    %while3A_31 = arith.muli %while3A_30, %while3A_29 : i32
    %while3A_32 = arith.addi %while3A_26, %while3A_31 : i32
    %while3A_33 = arith.constant 1 : i32
    scf.for %while3A_357 = %while3A_26 to %while3A_32 step %while3A_33  : i32 {
      %mul3A_358 = arith.constant 512 : i32
      %mul3A_359 = arith.muli %while3A_357, %mul3A_358 : i32
      %add3A_360 = arith.addi %get3A_10, %mul3A_359 : i32
      %broadcast_in_dim3A_361 = vector.shape_cast %get3A_5 : vector<1024xi32> to vector<1024x1xi32>
      %iota3A_362 = tpu.iota {dimensions = array<i32: 1>} : vector<1024x512xi32>
      %add3A_363 = vector.broadcast %add3A_360 : i32 to vector<1024x512xi32>
      %add3A_364 = arith.addi %add3A_363, %iota3A_362 : vector<1024x512xi32>
      %eq3A_365 = vector.broadcast %broadcast_in_dim3A_361 : vector<1024x1xi32> to vector<1024x512xi32>
      %eq3A_366 = arith.cmpi eq, %eq3A_365, %add3A_364 : vector<1024x512xi32>
      %convert_element_type3A_367 = arith.extui %eq3A_366 : vector<1024x512xi1> to vector<1024x512xi32>
      %convert_element_type3A_368 = arith.sitofp %convert_element_type3A_367 : vector<1024x512xi32> to vector<1024x512xf32>
      %get3A_369 = arith.constant 0 : index
      %get3A_370 = arith.constant 0 : index
      %get3A_371 = vector.load %arg29[%get3A_369, %get3A_370] : memref<1024x128xf32, #tpu.memory_space<vmem>>, vector<1024x128xf32>
      %get3A_372 = arith.index_cast %add3A_360 : i32 to index
      %get3A_373 = arith.constant 0 : index
      %get3A_374 = vector.load %arg6[%get3A_372, %get3A_373] : memref<10512x128xf32, #tpu.memory_space<vmem>>, vector<512x128xf32>
      %dot_general3A_375 = arith.constant dense<0.000000e+00> : vector<1024x128xf32>
      %dot_general3A_376 = tpu.matmul %convert_element_type3A_368, %get3A_374, %dot_general3A_375 {dimension_numbers = #tpu.dot_dimension_numbers<[1], [0], [0], [1], [0, 0, 1, 1], [], []>, transpose_lhs_hint = false} : vector<1024x512xf32>, vector<512x128xf32>, vector<1024x128xf32> -> vector<1024x128xf32>
      %add3A_377 = arith.addf %get3A_371, %dot_general3A_376 : vector<1024x128xf32>
      %swap3A_378 = arith.constant 0 : index
      %swap3A_379 = arith.constant 0 : index
      %swap3A_380 = vector.load %arg29[%swap3A_378, %swap3A_379] : memref<1024x128xf32, #tpu.memory_space<vmem>>, vector<1024x128xf32>
      tpu.vector_store %arg29[%swap3A_378, %swap3A_379], %add3A_377 {strides = array<i32>} : memref<1024x128xf32, #tpu.memory_space<vmem>>, vector<1024x128xf32>,
      %get3A_381 = arith.constant 0 : index
      %get3A_382 = arith.constant 0 : index
      %get3A_383 = vector.load %arg30[%get3A_381, %get3A_382] : memref<1024x128xf32, #tpu.memory_space<vmem>>, vector<1024x128xf32>
      %get3A_384 = arith.index_cast %add3A_360 : i32 to index
      %get3A_385 = arith.constant 0 : index
      %get3A_386 = vector.load %arg7[%get3A_384, %get3A_385] : memref<10512x128xf32, #tpu.memory_space<vmem>>, vector<512x128xf32>
      %dot_general3A_387 = arith.constant dense<0.000000e+00> : vector<1024x128xf32>
      %dot_general3A_388 = tpu.matmul %convert_element_type3A_368, %get3A_386, %dot_general3A_387 {dimension_numbers = #tpu.dot_dimension_numbers<[1], [0], [0], [1], [0, 0, 1, 1], [], []>, transpose_lhs_hint = false} : vector<1024x512xf32>, vector<512x128xf32>, vector<1024x128xf32> -> vector<1024x128xf32>
      %add3A_389 = arith.addf %get3A_383, %dot_general3A_388 : vector<1024x128xf32>
      %swap3A_390 = arith.constant 0 : index
      %swap3A_391 = arith.constant 0 : index
      %swap3A_392 = vector.load %arg30[%swap3A_390, %swap3A_391] : memref<1024x128xf32, #tpu.memory_space<vmem>>, vector<1024x128xf32>
      tpu.vector_store %arg30[%swap3A_390, %swap3A_391], %add3A_389 {strides = array<i32>} : memref<1024x128xf32, #tpu.memory_space<vmem>>, vector<1024x128xf32>,
      %get3A_393 = arith.constant 0 : index
      %get3A_394 = arith.constant 0 : index
      %get3A_395 = vector.load %arg31[%get3A_393, %get3A_394] : memref<1024x16xf32, #tpu.memory_space<vmem>>, vector<1024x16xf32>
      %get3A_396 = arith.index_cast %add3A_360 : i32 to index
      %get3A_397 = arith.constant 0 : index
      %get3A_398 = vector.load %arg8[%get3A_396, %get3A_397] : memref<10512x128xf32, #tpu.memory_space<vmem>>, vector<512x128xf32>
      %slice3A_399 = vector.extract_strided_slice %get3A_398 {offsets = [0, 0], sizes = [512, 16], strides = [1, 1]} : vector<512x128xf32> to vector<512x16xf32>
      %dot_general3A_400 = arith.constant dense<0.000000e+00> : vector<1024x16xf32>
      %dot_general3A_401 = tpu.matmul %convert_element_type3A_368, %slice3A_399, %dot_general3A_400 {dimension_numbers = #tpu.dot_dimension_numbers<[1], [0], [0], [1], [0, 0, 1, 1], [], []>, transpose_lhs_hint = false} : vector<1024x512xf32>, vector<512x16xf32>, vector<1024x16xf32> -> vector<1024x16xf32>
      %add3A_402 = arith.addf %get3A_395, %dot_general3A_401 : vector<1024x16xf32>
      %swap3A_403 = arith.constant 0 : index
      %swap3A_404 = arith.constant 0 : index
      %swap3A_405 = vector.load %arg31[%swap3A_403, %swap3A_404] : memref<1024x16xf32, #tpu.memory_space<vmem>>, vector<1024x16xf32>
      tpu.vector_store %arg31[%swap3A_403, %swap3A_404], %add3A_402 {strides = array<i32>} : memref<1024x16xf32, #tpu.memory_space<vmem>>, vector<1024x16xf32>,
    }
    %while3A_34 = arith.constant 1 : i32
    scf.for %while3A_357 = %while3A_32 to %while3A_28 step %while3A_34  : i32 {
      %mul3A_358 = arith.constant 512 : i32
      %mul3A_359 = arith.muli %while3A_357, %mul3A_358 : i32
      %add3A_360 = arith.addi %get3A_10, %mul3A_359 : i32
      %broadcast_in_dim3A_361 = vector.shape_cast %get3A_5 : vector<1024xi32> to vector<1024x1xi32>
      %iota3A_362 = tpu.iota {dimensions = array<i32: 1>} : vector<1024x512xi32>
      %add3A_363 = vector.broadcast %add3A_360 : i32 to vector<1024x512xi32>
      %add3A_364 = arith.addi %add3A_363, %iota3A_362 : vector<1024x512xi32>
      %eq3A_365 = vector.broadcast %broadcast_in_dim3A_361 : vector<1024x1xi32> to vector<1024x512xi32>
      %eq3A_366 = arith.cmpi eq, %eq3A_365, %add3A_364 : vector<1024x512xi32>
      %convert_element_type3A_367 = arith.extui %eq3A_366 : vector<1024x512xi1> to vector<1024x512xi32>
      %convert_element_type3A_368 = arith.sitofp %convert_element_type3A_367 : vector<1024x512xi32> to vector<1024x512xf32>
      %get3A_369 = arith.constant 0 : index
      %get3A_370 = arith.constant 0 : index
      %get3A_371 = vector.load %arg29[%get3A_369, %get3A_370] : memref<1024x128xf32, #tpu.memory_space<vmem>>, vector<1024x128xf32>
      %get3A_372 = arith.index_cast %add3A_360 : i32 to index
      %get3A_373 = arith.constant 0 : index
      %get3A_374 = vector.load %arg6[%get3A_372, %get3A_373] : memref<10512x128xf32, #tpu.memory_space<vmem>>, vector<512x128xf32>
      %dot_general3A_375 = arith.constant dense<0.000000e+00> : vector<1024x128xf32>
      %dot_general3A_376 = tpu.matmul %convert_element_type3A_368, %get3A_374, %dot_general3A_375 {dimension_numbers = #tpu.dot_dimension_numbers<[1], [0], [0], [1], [0, 0, 1, 1], [], []>, transpose_lhs_hint = false} : vector<1024x512xf32>, vector<512x128xf32>, vector<1024x128xf32> -> vector<1024x128xf32>
      %add3A_377 = arith.addf %get3A_371, %dot_general3A_376 : vector<1024x128xf32>
      %swap3A_378 = arith.constant 0 : index
      %swap3A_379 = arith.constant 0 : index
      %swap3A_380 = vector.load %arg29[%swap3A_378, %swap3A_379] : memref<1024x128xf32, #tpu.memory_space<vmem>>, vector<1024x128xf32>
      tpu.vector_store %arg29[%swap3A_378, %swap3A_379], %add3A_377 {strides = array<i32>} : memref<1024x128xf32, #tpu.memory_space<vmem>>, vector<1024x128xf32>,
      %get3A_381 = arith.constant 0 : index
      %get3A_382 = arith.constant 0 : index
      %get3A_383 = vector.load %arg30[%get3A_381, %get3A_382] : memref<1024x128xf32, #tpu.memory_space<vmem>>, vector<1024x128xf32>
      %get3A_384 = arith.index_cast %add3A_360 : i32 to index
      %get3A_385 = arith.constant 0 : index
      %get3A_386 = vector.load %arg7[%get3A_384, %get3A_385] : memref<10512x128xf32, #tpu.memory_space<vmem>>, vector<512x128xf32>
      %dot_general3A_387 = arith.constant dense<0.000000e+00> : vector<1024x128xf32>
      %dot_general3A_388 = tpu.matmul %convert_element_type3A_368, %get3A_386, %dot_general3A_387 {dimension_numbers = #tpu.dot_dimension_numbers<[1], [0], [0], [1], [0, 0, 1, 1], [], []>, transpose_lhs_hint = false} : vector<1024x512xf32>, vector<512x128xf32>, vector<1024x128xf32> -> vector<1024x128xf32>
      %add3A_389 = arith.addf %get3A_383, %dot_general3A_388 : vector<1024x128xf32>
      %swap3A_390 = arith.constant 0 : index
      %swap3A_391 = arith.constant 0 : index
      %swap3A_392 = vector.load %arg30[%swap3A_390, %swap3A_391] : memref<1024x128xf32, #tpu.memory_space<vmem>>, vector<1024x128xf32>
      tpu.vector_store %arg30[%swap3A_390, %swap3A_391], %add3A_389 {strides = array<i32>} : memref<1024x128xf32, #tpu.memory_space<vmem>>, vector<1024x128xf32>,
      %get3A_393 = arith.constant 0 : index
      %get3A_394 = arith.constant 0 : index
      %get3A_395 = vector.load %arg31[%get3A_393, %get3A_394] : memref<1024x16xf32, #tpu.memory_space<vmem>>, vector<1024x16xf32>
      %get3A_396 = arith.index_cast %add3A_360 : i32 to index
      %get3A_397 = arith.constant 0 : index
      %get3A_398 = vector.load %arg8[%get3A_396, %get3A_397] : memref<10512x128xf32, #tpu.memory_space<vmem>>, vector<512x128xf32>
      %slice3A_399 = vector.extract_strided_slice %get3A_398 {offsets = [0, 0], sizes = [512, 16], strides = [1, 1]} : vector<512x128xf32> to vector<512x16xf32>
      %dot_general3A_400 = arith.constant dense<0.000000e+00> : vector<1024x16xf32>
      %dot_general3A_401 = tpu.matmul %convert_element_type3A_368, %slice3A_399, %dot_general3A_400 {dimension_numbers = #tpu.dot_dimension_numbers<[1], [0], [0], [1], [0, 0, 1, 1], [], []>, transpose_lhs_hint = false} : vector<1024x512xf32>, vector<512x16xf32>, vector<1024x16xf32> -> vector<1024x16xf32>
      %add3A_402 = arith.addf %get3A_395, %dot_general3A_401 : vector<1024x16xf32>
      %swap3A_403 = arith.constant 0 : index
      %swap3A_404 = arith.constant 0 : index
      %swap3A_405 = vector.load %arg31[%swap3A_403, %swap3A_404] : memref<1024x16xf32, #tpu.memory_space<vmem>>, vector<1024x16xf32>
      tpu.vector_store %arg31[%swap3A_403, %swap3A_404], %add3A_402 {strides = array<i32>} : memref<1024x16xf32, #tpu.memory_space<vmem>>, vector<1024x16xf32>,
    }
    %get3A_35 = arith.constant 0 : index
    %get3A_36 = arith.constant 0 : index
    %get3A_37 = vector.load %arg29[%get3A_35, %get3A_36] : memref<1024x128xf32, #tpu.memory_space<vmem>>, vector<1024x128xf32>
    %get3A_38 = arith.constant 0 : index
    %get3A_39 = arith.constant 0 : index
    %get3A_40 = vector.load %arg30[%get3A_38, %get3A_39] : memref<1024x128xf32, #tpu.memory_space<vmem>>, vector<1024x128xf32>
    %get3A_41 = arith.constant 0 : index
    %get3A_42 = arith.constant 0 : index
    %get3A_43 = vector.load %arg5[%get3A_41, %get3A_42] : memref<1024x128xf32, #tpu.memory_space<vmem>>, vector<1024x128xf32>
    %slice3A = vector.extract_strided_slice %get3A_43 {offsets = [0, 0], sizes = [1024, 16], strides = [1, 1]} : vector<1024x128xf32> to vector<1024x16xf32>
    %get3A_44 = arith.constant 0 : index
    %get3A_45 = arith.constant 0 : index
    %get3A_46 = vector.load %arg31[%get3A_44, %get3A_45] : memref<1024x16xf32, #tpu.memory_space<vmem>>, vector<1024x16xf32>
    %iota3A = tpu.iota {dimensions = array<i32: 1>} : vector<1x16xi32>
    %sub3A = arith.subf %get3A_46, %slice3A : vector<1024x16xf32>
    %lt3A = arith.constant 3 : i32
    %lt3A_47 = vector.broadcast %lt3A : i32 to vector<1x16xi32>
    %lt3A_48 = arith.cmpi slt, %iota3A, %lt3A_47 : vector<1x16xi32>
    %convert_element_type3A_49 = arith.extui %lt3A_48 : vector<1x16xi1> to vector<1x16xi32>
    %convert_element_type3A_50 = arith.sitofp %convert_element_type3A_49 : vector<1x16xi32> to vector<1x16xf32>
    %mul3A = vector.broadcast %convert_element_type3A_50 : vector<1x16xf32> to vector<1024x16xf32>
    %mul3A_51 = arith.mulf %sub3A, %mul3A : vector<1024x16xf32>
    %mul3A_52 = arith.mulf %mul3A_51, %mul3A_51 : vector<1024x16xf32>
    %reduce_sum3A = arith.constant dense<0.000000e+00> : vector<1024xf32>
    %reduce_sum3A_53 = vector.multi_reduction <add>, %mul3A_52, %reduce_sum3A [1] : vector<1024x16xf32> to vector<1024xf32>
    %broadcast_in_dim3A_54 = vector.shape_cast %reduce_sum3A_53 : vector<1024xf32> to vector<1024x1xf32>
    %add3A = arith.constant 9.99999996E-13 : f32
    %add3A_55 = vector.broadcast %add3A : f32 to vector<1024x1xf32>
    %add3A_56 = arith.addf %broadcast_in_dim3A_54, %add3A_55 : vector<1024x1xf32>
    %sqrt3A = math.sqrt %add3A_56 : vector<1024x1xf32>
    %iota3A_57 = tpu.iota {dimensions = array<i32: 1>} : vector<1x20xi32>
    %convert_element_type3A_58 = arith.sitofp %iota3A_57 : vector<1x20xi32> to vector<1x20xf32>
    %mul3A_59 = arith.constant 0.526315808 : f32
    %mul3A_60 = vector.broadcast %mul3A_59 : f32 to vector<1x20xf32>
    %mul3A_61 = arith.mulf %convert_element_type3A_58, %mul3A_60 : vector<1x20xf32>
    %sub3A_62 = vector.broadcast %sqrt3A : vector<1024x1xf32> to vector<1024x20xf32>
    %sub3A_63 = vector.broadcast %mul3A_61 : vector<1x20xf32> to vector<1024x20xf32>
    %sub3A_64 = arith.subf %sub3A_62, %sub3A_63 : vector<1024x20xf32>
    %integer_pow3A = arith.mulf %sub3A_64, %sub3A_64 : vector<1024x20xf32>
    %mul3A_65 = arith.constant -1.805000e+00 : f32
    %mul3A_66 = vector.broadcast %mul3A_65 : f32 to vector<1024x20xf32>
    %mul3A_67 = arith.mulf %mul3A_66, %integer_pow3A : vector<1024x20xf32>
    %exp3A = math.exp %mul3A_67 : vector<1024x20xf32>
    %slice3A_68 = vector.extract_strided_slice %slice3A {offsets = [0, 3], sizes = [1024, 1], strides = [1, 1]} : vector<1024x16xf32> to vector<1024x1xf32>
    %slice3A_69 = vector.extract_strided_slice %get3A_46 {offsets = [0, 3], sizes = [1024, 1], strides = [1, 1]} : vector<1024x16xf32> to vector<1024x1xf32>
    %sub3A_70 = arith.constant 1.000000e+00 : f32
    %sub3A_71 = vector.broadcast %sub3A_70 : f32 to vector<1024x1xf32>
    %sub3A_72 = arith.subf %sub3A_71, %slice3A_68 : vector<1024x1xf32>
    %mul3A_73 = arith.constant 2.000000e+00 : f32
    %mul3A_74 = vector.broadcast %mul3A_73 : f32 to vector<1024x1xf32>
    %mul3A_75 = arith.mulf %sub3A_72, %mul3A_74 : vector<1024x1xf32>
    %sub3A_76 = arith.constant 1.000000e+00 : f32
    %sub3A_77 = vector.broadcast %sub3A_76 : f32 to vector<1024x1xf32>
    %sub3A_78 = arith.subf %sub3A_77, %slice3A_69 : vector<1024x1xf32>
    %add3A_79 = arith.addf %mul3A_75, %sub3A_78 : vector<1024x1xf32>
    %eq3A_80 = arith.constant 0.000000e+00 : f32
    %eq3A_81 = vector.broadcast %eq3A_80 : f32 to vector<1024x1xf32>
    %eq3A_82 = arith.cmpf oeq, %add3A_79, %eq3A_81 : vector<1024x1xf32>
    %convert_element_type3A_83 = arith.extui %eq3A_82 : vector<1024x1xi1> to vector<1024x1xi32>
    %convert_element_type3A_84 = arith.sitofp %convert_element_type3A_83 : vector<1024x1xi32> to vector<1024x1xf32>
    %mul3A_85 = vector.broadcast %convert_element_type3A_84 : vector<1024x1xf32> to vector<1024x20xf32>
    %mul3A_86 = arith.mulf %exp3A, %mul3A_85 : vector<1024x20xf32>
    %eq3A_87 = arith.constant 1.000000e+00 : f32
    %eq3A_88 = vector.broadcast %eq3A_87 : f32 to vector<1024x1xf32>
    %eq3A_89 = arith.cmpf oeq, %add3A_79, %eq3A_88 : vector<1024x1xf32>
    %convert_element_type3A_90 = arith.extui %eq3A_89 : vector<1024x1xi1> to vector<1024x1xi32>
    %convert_element_type3A_91 = arith.sitofp %convert_element_type3A_90 : vector<1024x1xi32> to vector<1024x1xf32>
    %mul3A_92 = vector.broadcast %convert_element_type3A_91 : vector<1024x1xf32> to vector<1024x20xf32>
    %mul3A_93 = arith.mulf %exp3A, %mul3A_92 : vector<1024x20xf32>
    %eq3A_94 = arith.constant 2.000000e+00 : f32
    %eq3A_95 = vector.broadcast %eq3A_94 : f32 to vector<1024x1xf32>
    %eq3A_96 = arith.cmpf oeq, %add3A_79, %eq3A_95 : vector<1024x1xf32>
    %convert_element_type3A_97 = arith.extui %eq3A_96 : vector<1024x1xi1> to vector<1024x1xi32>
    %convert_element_type3A_98 = arith.sitofp %convert_element_type3A_97 : vector<1024x1xi32> to vector<1024x1xf32>
    %mul3A_99 = vector.broadcast %convert_element_type3A_98 : vector<1024x1xf32> to vector<1024x20xf32>
    %mul3A_100 = arith.mulf %exp3A, %mul3A_99 : vector<1024x20xf32>
    %eq3A_101 = arith.constant 3.000000e+00 : f32
    %eq3A_102 = vector.broadcast %eq3A_101 : f32 to vector<1024x1xf32>
    %eq3A_103 = arith.cmpf oeq, %add3A_79, %eq3A_102 : vector<1024x1xf32>
    %convert_element_type3A_104 = arith.extui %eq3A_103 : vector<1024x1xi1> to vector<1024x1xi32>
    %convert_element_type3A_105 = arith.sitofp %convert_element_type3A_104 : vector<1024x1xi32> to vector<1024x1xf32>
    %mul3A_106 = vector.broadcast %convert_element_type3A_105 : vector<1024x1xf32> to vector<1024x20xf32>
    %mul3A_107 = arith.mulf %exp3A, %mul3A_106 : vector<1024x20xf32>
    %concatenate3A = tpu.concatenate %mul3A_86, %mul3A_93, %mul3A_100, %mul3A_107 in 1 : vector<1024x20xf32>, vector<1024x20xf32>, vector<1024x20xf32>, vector<1024x20xf32> -> vector<1024x80xf32>
    %get3A_108 = arith.constant 0 : index
    %get3A_109 = arith.constant 0 : index
    %get3A_110 = vector.load %arg9[%get3A_108, %get3A_109] : memref<80x128xf32, #tpu.memory_space<vmem>>, vector<80x128xf32>
    %dot_general3A = arith.constant dense<0.000000e+00> : vector<1024x128xf32>
    %dot_general3A_111 = tpu.matmul %concatenate3A, %get3A_110, %dot_general3A {dimension_numbers = #tpu.dot_dimension_numbers<[1], [0], [0], [1], [0, 0, 1, 1], [], []>, transpose_lhs_hint = false} : vector<1024x80xf32>, vector<80x128xf32>, vector<1024x128xf32> -> vector<1024x128xf32>
    %get3A_112 = arith.constant 0 : index
    %get3A_113 = arith.constant 0 : index
    %get3A_114 = vector.load %arg10[%get3A_112, %get3A_113] : memref<128x128xf32, #tpu.memory_space<vmem>>, vector<128x128xf32>
    %dot_general3A_115 = arith.constant dense<0.000000e+00> : vector<1024x128xf32>
    %dot_general3A_116 = tpu.matmul %get3A_37, %get3A_114, %dot_general3A_115 {dimension_numbers = #tpu.dot_dimension_numbers<[1], [0], [0], [1], [0, 0, 1, 1], [], []>, transpose_lhs_hint = false} : vector<1024x128xf32>, vector<128x128xf32>, vector<1024x128xf32> -> vector<1024x128xf32>
    %add3A_117 = arith.addf %dot_general3A_111, %dot_general3A_116 : vector<1024x128xf32>
    %get3A_118 = arith.constant 0 : index
    %get3A_119 = arith.constant 0 : index
    %get3A_120 = vector.load %arg11[%get3A_118, %get3A_119] : memref<128x128xf32, #tpu.memory_space<vmem>>, vector<128x128xf32>
    %dot_general3A_121 = arith.constant dense<0.000000e+00> : vector<1024x128xf32>
    %dot_general3A_122 = tpu.matmul %get3A_8, %get3A_120, %dot_general3A_121 {dimension_numbers = #tpu.dot_dimension_numbers<[1], [0], [0], [1], [0, 0, 1, 1], [], []>, transpose_lhs_hint = false} : vector<1024x128xf32>, vector<128x128xf32>, vector<1024x128xf32> -> vector<1024x128xf32>
    %add3A_123 = arith.addf %add3A_117, %dot_general3A_122 : vector<1024x128xf32>
    %get3A_124 = arith.constant 0 : index
    %get3A_125 = arith.constant 0 : index
    %get3A_126 = vector.load %arg12[%get3A_124, %get3A_125] : memref<1x128xf32, #tpu.memory_space<vmem>>, vector<1x128xf32>
    %add3A_127 = vector.broadcast %get3A_126 : vector<1x128xf32> to vector<1024x128xf32>
    %add3A_128 = arith.addf %add3A_123, %add3A_127 : vector<1024x128xf32>
    %get3A_129 = arith.constant 0 : index
    %get3A_130 = arith.constant 0 : index
    %get3A_131 = vector.load %arg13[%get3A_129, %get3A_130] : memref<1x128xf32, #tpu.memory_space<vmem>>, vector<1x128xf32>
    %get3A_132 = arith.constant 0 : index
    %get3A_133 = arith.constant 0 : index
    %get3A_134 = vector.load %arg14[%get3A_132, %get3A_133] : memref<1x128xf32, #tpu.memory_space<vmem>>, vector<1x128xf32>
    %reduce_sum3A_135 = arith.constant dense<0.000000e+00> : vector<1024xf32>
    %reduce_sum3A_136 = vector.multi_reduction <add>, %add3A_128, %reduce_sum3A_135 [1] : vector<1024x128xf32> to vector<1024xf32>
    %broadcast_in_dim3A_137 = vector.shape_cast %reduce_sum3A_136 : vector<1024xf32> to vector<1024x1xf32>
    %div3A = arith.constant 1.280000e+02 : f32
    %div3A_138 = vector.broadcast %div3A : f32 to vector<1024x1xf32>
    %div3A_139 = arith.divf %broadcast_in_dim3A_137, %div3A_138 : vector<1024x1xf32>
    %sub3A_140 = vector.broadcast %div3A_139 : vector<1024x1xf32> to vector<1024x128xf32>
    %sub3A_141 = arith.subf %add3A_128, %sub3A_140 : vector<1024x128xf32>
    %mul3A_142 = arith.mulf %sub3A_141, %sub3A_141 : vector<1024x128xf32>
    %reduce_sum3A_143 = arith.constant dense<0.000000e+00> : vector<1024xf32>
    %reduce_sum3A_144 = vector.multi_reduction <add>, %mul3A_142, %reduce_sum3A_143 [1] : vector<1024x128xf32> to vector<1024xf32>
    %broadcast_in_dim3A_145 = vector.shape_cast %reduce_sum3A_144 : vector<1024xf32> to vector<1024x1xf32>
    %div3A_146 = arith.constant 1.280000e+02 : f32
    %div3A_147 = vector.broadcast %div3A_146 : f32 to vector<1024x1xf32>
    %div3A_148 = arith.divf %broadcast_in_dim3A_145, %div3A_147 : vector<1024x1xf32>
    %add3A_149 = arith.constant 9.99999974E-6 : f32
    %add3A_150 = vector.broadcast %add3A_149 : f32 to vector<1024x1xf32>
    %add3A_151 = arith.addf %div3A_148, %add3A_150 : vector<1024x1xf32>
    %rsqrt3A = math.rsqrt %add3A_151 : vector<1024x1xf32>
    %mul3A_152 = vector.broadcast %rsqrt3A : vector<1024x1xf32> to vector<1024x128xf32>
    %mul3A_153 = arith.mulf %sub3A_141, %mul3A_152 : vector<1024x128xf32>
    %mul3A_154 = vector.broadcast %get3A_131 : vector<1x128xf32> to vector<1024x128xf32>
    %mul3A_155 = arith.mulf %mul3A_153, %mul3A_154 : vector<1024x128xf32>
    %add3A_156 = vector.broadcast %get3A_134 : vector<1x128xf32> to vector<1024x128xf32>
    %add3A_157 = arith.addf %mul3A_155, %add3A_156 : vector<1024x128xf32>
    %max3A = arith.constant 0.000000e+00 : f32
    %max3A_158 = vector.broadcast %max3A : f32 to vector<1024x128xf32>
    %max3A_159 = arith.maximumf %add3A_157, %max3A_158 : vector<1024x128xf32>
    %get3A_160 = arith.constant 0 : index
    %get3A_161 = arith.constant 0 : index
    %get3A_162 = vector.load %arg15[%get3A_160, %get3A_161] : memref<128x128xf32, #tpu.memory_space<vmem>>, vector<128x128xf32>
    %dot_general3A_163 = arith.constant dense<0.000000e+00> : vector<1024x128xf32>
    %dot_general3A_164 = tpu.matmul %max3A_159, %get3A_162, %dot_general3A_163 {dimension_numbers = #tpu.dot_dimension_numbers<[1], [0], [0], [1], [0, 0, 1, 1], [], []>, transpose_lhs_hint = false} : vector<1024x128xf32>, vector<128x128xf32>, vector<1024x128xf32> -> vector<1024x128xf32>
    %get3A_165 = arith.constant 0 : index
    %get3A_166 = arith.constant 0 : index
    %get3A_167 = vector.load %arg16[%get3A_165, %get3A_166] : memref<1x128xf32, #tpu.memory_space<vmem>>, vector<1x128xf32>
    %add3A_168 = vector.broadcast %get3A_167 : vector<1x128xf32> to vector<1024x128xf32>
    %add3A_169 = arith.addf %dot_general3A_164, %add3A_168 : vector<1024x128xf32>
    %get3A_170 = arith.constant 0 : index
    %get3A_171 = arith.constant 0 : index
    %get3A_172 = vector.load %arg17[%get3A_170, %get3A_171] : memref<80x128xf32, #tpu.memory_space<vmem>>, vector<80x128xf32>
    %dot_general3A_173 = arith.constant dense<0.000000e+00> : vector<1024x128xf32>
    %dot_general3A_174 = tpu.matmul %concatenate3A, %get3A_172, %dot_general3A_173 {dimension_numbers = #tpu.dot_dimension_numbers<[1], [0], [0], [1], [0, 0, 1, 1], [], []>, transpose_lhs_hint = false} : vector<1024x80xf32>, vector<80x128xf32>, vector<1024x128xf32> -> vector<1024x128xf32>
    %get3A_175 = arith.constant 0 : index
    %get3A_176 = arith.constant 0 : index
    %get3A_177 = vector.load %arg18[%get3A_175, %get3A_176] : memref<128x128xf32, #tpu.memory_space<vmem>>, vector<128x128xf32>
    %dot_general3A_178 = arith.constant dense<0.000000e+00> : vector<1024x128xf32>
    %dot_general3A_179 = tpu.matmul %get3A_37, %get3A_177, %dot_general3A_178 {dimension_numbers = #tpu.dot_dimension_numbers<[1], [0], [0], [1], [0, 0, 1, 1], [], []>, transpose_lhs_hint = false} : vector<1024x128xf32>, vector<128x128xf32>, vector<1024x128xf32> -> vector<1024x128xf32>
    %add3A_180 = arith.addf %dot_general3A_174, %dot_general3A_179 : vector<1024x128xf32>
    %get3A_181 = arith.constant 0 : index
    %get3A_182 = arith.constant 0 : index
    %get3A_183 = vector.load %arg19[%get3A_181, %get3A_182] : memref<128x128xf32, #tpu.memory_space<vmem>>, vector<128x128xf32>
    %dot_general3A_184 = arith.constant dense<0.000000e+00> : vector<1024x128xf32>
    %dot_general3A_185 = tpu.matmul %get3A_8, %get3A_183, %dot_general3A_184 {dimension_numbers = #tpu.dot_dimension_numbers<[1], [0], [0], [1], [0, 0, 1, 1], [], []>, transpose_lhs_hint = false} : vector<1024x128xf32>, vector<128x128xf32>, vector<1024x128xf32> -> vector<1024x128xf32>
    %add3A_186 = arith.addf %add3A_180, %dot_general3A_185 : vector<1024x128xf32>
    %get3A_187 = arith.constant 0 : index
    %get3A_188 = arith.constant 0 : index
    %get3A_189 = vector.load %arg20[%get3A_187, %get3A_188] : memref<1x128xf32, #tpu.memory_space<vmem>>, vector<1x128xf32>
    %add3A_190 = vector.broadcast %get3A_189 : vector<1x128xf32> to vector<1024x128xf32>
    %add3A_191 = arith.addf %add3A_186, %add3A_190 : vector<1024x128xf32>
    %get3A_192 = arith.constant 0 : index
    %get3A_193 = arith.constant 0 : index
    %get3A_194 = vector.load %arg21[%get3A_192, %get3A_193] : memref<1x128xf32, #tpu.memory_space<vmem>>, vector<1x128xf32>
    %get3A_195 = arith.constant 0 : index
    %get3A_196 = arith.constant 0 : index
    %get3A_197 = vector.load %arg22[%get3A_195, %get3A_196] : memref<1x128xf32, #tpu.memory_space<vmem>>, vector<1x128xf32>
    %reduce_sum3A_198 = arith.constant dense<0.000000e+00> : vector<1024xf32>
    %reduce_sum3A_199 = vector.multi_reduction <add>, %add3A_191, %reduce_sum3A_198 [1] : vector<1024x128xf32> to vector<1024xf32>
    %broadcast_in_dim3A_200 = vector.shape_cast %reduce_sum3A_199 : vector<1024xf32> to vector<1024x1xf32>
    %div3A_201 = arith.constant 1.280000e+02 : f32
    %div3A_202 = vector.broadcast %div3A_201 : f32 to vector<1024x1xf32>
    %div3A_203 = arith.divf %broadcast_in_dim3A_200, %div3A_202 : vector<1024x1xf32>
    %sub3A_204 = vector.broadcast %div3A_203 : vector<1024x1xf32> to vector<1024x128xf32>
    %sub3A_205 = arith.subf %add3A_191, %sub3A_204 : vector<1024x128xf32>
    %mul3A_206 = arith.mulf %sub3A_205, %sub3A_205 : vector<1024x128xf32>
    %reduce_sum3A_207 = arith.constant dense<0.000000e+00> : vector<1024xf32>
    %reduce_sum3A_208 = vector.multi_reduction <add>, %mul3A_206, %reduce_sum3A_207 [1] : vector<1024x128xf32> to vector<1024xf32>
    %broadcast_in_dim3A_209 = vector.shape_cast %reduce_sum3A_208 : vector<1024xf32> to vector<1024x1xf32>
    %div3A_210 = arith.constant 1.280000e+02 : f32
    %div3A_211 = vector.broadcast %div3A_210 : f32 to vector<1024x1xf32>
    %div3A_212 = arith.divf %broadcast_in_dim3A_209, %div3A_211 : vector<1024x1xf32>
    %add3A_213 = arith.constant 9.99999974E-6 : f32
    %add3A_214 = vector.broadcast %add3A_213 : f32 to vector<1024x1xf32>
    %add3A_215 = arith.addf %div3A_212, %add3A_214 : vector<1024x1xf32>
    %rsqrt3A_216 = math.rsqrt %add3A_215 : vector<1024x1xf32>
    %mul3A_217 = vector.broadcast %rsqrt3A_216 : vector<1024x1xf32> to vector<1024x128xf32>
    %mul3A_218 = arith.mulf %sub3A_205, %mul3A_217 : vector<1024x128xf32>
    %mul3A_219 = vector.broadcast %get3A_194 : vector<1x128xf32> to vector<1024x128xf32>
    %mul3A_220 = arith.mulf %mul3A_218, %mul3A_219 : vector<1024x128xf32>
    %add3A_221 = vector.broadcast %get3A_197 : vector<1x128xf32> to vector<1024x128xf32>
    %add3A_222 = arith.addf %mul3A_220, %add3A_221 : vector<1024x128xf32>
    %max3A_223 = arith.constant 0.000000e+00 : f32
    %max3A_224 = vector.broadcast %max3A_223 : f32 to vector<1024x128xf32>
    %max3A_225 = arith.maximumf %add3A_222, %max3A_224 : vector<1024x128xf32>
    %get3A_226 = arith.constant 0 : index
    %get3A_227 = arith.constant 0 : index
    %get3A_228 = vector.load %arg23[%get3A_226, %get3A_227] : memref<128x128xf32, #tpu.memory_space<vmem>>, vector<128x128xf32>
    %dot_general3A_229 = arith.constant dense<0.000000e+00> : vector<1024x128xf32>
    %dot_general3A_230 = tpu.matmul %max3A_225, %get3A_228, %dot_general3A_229 {dimension_numbers = #tpu.dot_dimension_numbers<[1], [0], [0], [1], [0, 0, 1, 1], [], []>, transpose_lhs_hint = false} : vector<1024x128xf32>, vector<128x128xf32>, vector<1024x128xf32> -> vector<1024x128xf32>
    %get3A_231 = arith.constant 0 : index
    %get3A_232 = arith.constant 0 : index
    %get3A_233 = vector.load %arg24[%get3A_231, %get3A_232] : memref<1x128xf32, #tpu.memory_space<vmem>>, vector<1x128xf32>
    %add3A_234 = vector.broadcast %get3A_233 : vector<1x128xf32> to vector<1024x128xf32>
    %add3A_235 = arith.addf %dot_general3A_230, %add3A_234 : vector<1024x128xf32>
    %get3A_236 = arith.constant 0 : index
    %get3A_237 = arith.constant 0 : index
    %get3A_238 = vector.load %arg25[%get3A_236, %get3A_237] : memref<80x128xf32, #tpu.memory_space<vmem>>, vector<80x128xf32>
    %dot_general3A_239 = arith.constant dense<0.000000e+00> : vector<1024x128xf32>
    %dot_general3A_240 = tpu.matmul %concatenate3A, %get3A_238, %dot_general3A_239 {dimension_numbers = #tpu.dot_dimension_numbers<[1], [0], [0], [1], [0, 0, 1, 1], [], []>, transpose_lhs_hint = false} : vector<1024x80xf32>, vector<80x128xf32>, vector<1024x128xf32> -> vector<1024x128xf32>
    %get3A_241 = arith.constant 0 : index
    %get3A_242 = arith.constant 0 : index
    %get3A_243 = vector.load %arg26[%get3A_241, %get3A_242] : memref<1x128xf32, #tpu.memory_space<vmem>>, vector<1x128xf32>
    %add3A_244 = vector.broadcast %get3A_243 : vector<1x128xf32> to vector<1024x128xf32>
    %add3A_245 = arith.addf %dot_general3A_240, %add3A_244 : vector<1024x128xf32>
    %logistic3A = arith.negf %add3A_245 : vector<1024x128xf32>
    %logistic3A_246 = math.exp %logistic3A : vector<1024x128xf32>
    %logistic3A_247 = arith.constant 1.000000e+00 : f32
    %logistic3A_248 = vector.broadcast %logistic3A_247 : f32 to vector<1024x128xf32>
    %logistic3A_249 = arith.addf %logistic3A_248, %logistic3A_246 : vector<1024x128xf32>
    %logistic3A_250 = arith.divf %logistic3A_248, %logistic3A_249 : vector<1024x128xf32>
    %mul3A_251 = arith.mulf %add3A_235, %logistic3A_250 : vector<1024x128xf32>
    %iota3A_252 = tpu.iota {dimensions = array<i32: 0>} : vector<128x16xi32>
    %jit3A = arith.constant 8 : i32
    %div3A_253 = vector.broadcast %jit3A : i32 to vector<128x16xi32>
    %div3A_254 = arith.divsi %iota3A_252, %div3A_253 : vector<128x16xi32>
    %sign3A = arith.constant 0 : i32
    %sign3A_255 = vector.broadcast %sign3A : i32 to vector<128x16xi32>
    %sign3A_256 = arith.cmpi sgt, %iota3A_252, %sign3A_255 : vector<128x16xi32>
    %sign3A_257 = arith.extui %sign3A_256 : vector<128x16xi1> to vector<128x16xi32>
    %sign3A_258 = arith.constant 0 : i32
    %sign3A_259 = vector.broadcast %sign3A_258 : i32 to vector<128x16xi32>
    %sign3A_260 = arith.cmpi slt, %iota3A_252, %sign3A_259 : vector<128x16xi32>
    %sign3A_261 = arith.extui %sign3A_260 : vector<128x16xi1> to vector<128x16xi32>
    %sign3A_262 = arith.subi %sign3A_257, %sign3A_261 : vector<128x16xi32>
    %sign3A_263 = arith.constant 0 : i32
    %sign3A_264 = arith.cmpi sgt, %jit3A, %sign3A_263 : i32
    %sign3A_265 = arith.extui %sign3A_264 : i1 to i32
    %sign3A_266 = arith.constant 0 : i32
    %sign3A_267 = arith.cmpi slt, %jit3A, %sign3A_266 : i32
    %sign3A_268 = arith.extui %sign3A_267 : i1 to i32
    %sign3A_269 = arith.subi %sign3A_265, %sign3A_268 : i32
    %ne3A = vector.broadcast %sign3A_269 : i32 to vector<128x16xi32>
    %ne3A_270 = arith.cmpi ne, %sign3A_262, %ne3A : vector<128x16xi32>
    %rem3A = vector.broadcast %jit3A : i32 to vector<128x16xi32>
    %rem3A_271 = arith.remsi %iota3A_252, %rem3A : vector<128x16xi32>
    %ne3A_272 = arith.constant 0 : i32
    %ne3A_273 = vector.broadcast %ne3A_272 : i32 to vector<128x16xi32>
    %ne3A_274 = arith.cmpi ne, %rem3A_271, %ne3A_273 : vector<128x16xi32>
    %and3A = arith.andi %ne3A_270, %ne3A_274 : vector<128x16xi1>
    %sub3A_275 = arith.constant 1 : i32
    %sub3A_276 = vector.broadcast %sub3A_275 : i32 to vector<128x16xi32>
    %sub3A_277 = arith.subi %div3A_254, %sub3A_276 : vector<128x16xi32>
    %select_n3A = arith.select %and3A, %sub3A_277, %div3A_254 : vector<128x16xi1>, vector<128x16xi32>
    %iota3A_278 = tpu.iota {dimensions = array<i32: 1>} : vector<128x16xi32>
    %eq3A_279 = arith.cmpi eq, %select_n3A, %iota3A_278 : vector<128x16xi32>
    %convert_element_type3A_280 = arith.extui %eq3A_279 : vector<128x16xi1> to vector<128x16xi32>
    %convert_element_type3A_281 = arith.sitofp %convert_element_type3A_280 : vector<128x16xi32> to vector<128x16xf32>
    %mul3A_282 = arith.mulf %get3A_40, %add3A_169 : vector<1024x128xf32>
    %dot_general3A_283 = arith.constant dense<0.000000e+00> : vector<1024x16xf32>
    %dot_general3A_284 = tpu.matmul %mul3A_282, %convert_element_type3A_281, %dot_general3A_283 {dimension_numbers = #tpu.dot_dimension_numbers<[1], [0], [0], [1], [0, 0, 1, 1], [], []>, transpose_lhs_hint = false} : vector<1024x128xf32>, vector<128x16xf32>, vector<1024x16xf32> -> vector<1024x16xf32>
    %mul3A_285 = arith.constant 0.353553385 : f32
    %mul3A_286 = vector.broadcast %mul3A_285 : f32 to vector<1024x16xf32>
    %mul3A_287 = arith.mulf %dot_general3A_284, %mul3A_286 : vector<1024x16xf32>
    %mul3A_288 = arith.constant 1024 : i32
    %mul3A_289 = arith.muli %arg0, %mul3A_288 : i32
    %iota3A_290 = tpu.iota {dimensions = array<i32: 0>} : vector<1024x1xi32>
    %add3A_291 = vector.broadcast %mul3A_289 : i32 to vector<1024x1xi32>
    %add3A_292 = arith.addi %add3A_291, %iota3A_290 : vector<1024x1xi32>
    %lt3A_293 = arith.constant 160000 : i32
    %lt3A_294 = vector.broadcast %lt3A_293 : i32 to vector<1024x1xi32>
    %lt3A_295 = arith.cmpi slt, %add3A_292, %lt3A_294 : vector<1024x1xi32>
    %convert_element_type3A_296 = arith.extui %lt3A_295 : vector<1024x1xi1> to vector<1024x1xi32>
    %convert_element_type3A_297 = arith.sitofp %convert_element_type3A_296 : vector<1024x1xi32> to vector<1024x1xf32>
    %jit3A_298 = arith.constant -5.000000e+01 : f32
    %jit3A_299 = arith.constant 5.000000e+01 : f32
    %max3A_300 = vector.broadcast %jit3A_298 : f32 to vector<1024x16xf32>
    %max3A_301 = arith.maximumf %max3A_300, %mul3A_287 : vector<1024x16xf32>
    %min3A = vector.broadcast %jit3A_299 : f32 to vector<1024x16xf32>
    %min3A_302 = arith.minimumf %min3A, %max3A_301 : vector<1024x16xf32>
    %exp3A_303 = math.exp %min3A_302 : vector<1024x16xf32>
    %mul3A_304 = vector.broadcast %convert_element_type3A_297 : vector<1024x1xf32> to vector<1024x16xf32>
    %mul3A_305 = arith.mulf %exp3A_303, %mul3A_304 : vector<1024x16xf32>
    %iota3A_306 = tpu.iota {dimensions = array<i32: 0>} : vector<16x128xi32>
    %iota3A_307 = tpu.iota {dimensions = array<i32: 1>} : vector<16x128xi32>
    %jit3A_308 = arith.constant 8 : i32
    %div3A_309 = vector.broadcast %jit3A_308 : i32 to vector<16x128xi32>
    %div3A_310 = arith.divsi %iota3A_307, %div3A_309 : vector<16x128xi32>
    %sign3A_311 = arith.constant 0 : i32
    %sign3A_312 = vector.broadcast %sign3A_311 : i32 to vector<16x128xi32>
    %sign3A_313 = arith.cmpi sgt, %iota3A_307, %sign3A_312 : vector<16x128xi32>
    %sign3A_314 = arith.extui %sign3A_313 : vector<16x128xi1> to vector<16x128xi32>
    %sign3A_315 = arith.constant 0 : i32
    %sign3A_316 = vector.broadcast %sign3A_315 : i32 to vector<16x128xi32>
    %sign3A_317 = arith.cmpi slt, %iota3A_307, %sign3A_316 : vector<16x128xi32>
    %sign3A_318 = arith.extui %sign3A_317 : vector<16x128xi1> to vector<16x128xi32>
    %sign3A_319 = arith.subi %sign3A_314, %sign3A_318 : vector<16x128xi32>
    %sign3A_320 = arith.constant 0 : i32
    %sign3A_321 = arith.cmpi sgt, %jit3A_308, %sign3A_320 : i32
    %sign3A_322 = arith.extui %sign3A_321 : i1 to i32
    %sign3A_323 = arith.constant 0 : i32
    %sign3A_324 = arith.cmpi slt, %jit3A_308, %sign3A_323 : i32
    %sign3A_325 = arith.extui %sign3A_324 : i1 to i32
    %sign3A_326 = arith.subi %sign3A_322, %sign3A_325 : i32
    %ne3A_327 = vector.broadcast %sign3A_326 : i32 to vector<16x128xi32>
    %ne3A_328 = arith.cmpi ne, %sign3A_319, %ne3A_327 : vector<16x128xi32>
    %rem3A_329 = vector.broadcast %jit3A_308 : i32 to vector<16x128xi32>
    %rem3A_330 = arith.remsi %iota3A_307, %rem3A_329 : vector<16x128xi32>
    %ne3A_331 = arith.constant 0 : i32
    %ne3A_332 = vector.broadcast %ne3A_331 : i32 to vector<16x128xi32>
    %ne3A_333 = arith.cmpi ne, %rem3A_330, %ne3A_332 : vector<16x128xi32>
    %and3A_334 = arith.andi %ne3A_328, %ne3A_333 : vector<16x128xi1>
    %sub3A_335 = arith.constant 1 : i32
    %sub3A_336 = vector.broadcast %sub3A_335 : i32 to vector<16x128xi32>
    %sub3A_337 = arith.subi %div3A_310, %sub3A_336 : vector<16x128xi32>
    %select_n3A_338 = arith.select %and3A_334, %sub3A_337, %div3A_310 : vector<16x128xi1>, vector<16x128xi32>
    %eq3A_339 = arith.cmpi eq, %iota3A_306, %select_n3A_338 : vector<16x128xi32>
    %convert_element_type3A_340 = arith.extui %eq3A_339 : vector<16x128xi1> to vector<16x128xi32>
    %convert_element_type3A_341 = arith.sitofp %convert_element_type3A_340 : vector<16x128xi32> to vector<16x128xf32>
    %dot_general3A_342 = arith.constant dense<0.000000e+00> : vector<1024x128xf32>
    %dot_general3A_343 = tpu.matmul %mul3A_305, %convert_element_type3A_341, %dot_general3A_342 {dimension_numbers = #tpu.dot_dimension_numbers<[1], [0], [0], [1], [0, 0, 1, 1], [], []>, transpose_lhs_hint = false} : vector<1024x16xf32>, vector<16x128xf32>, vector<1024x128xf32> -> vector<1024x128xf32>
    %mul3A_344 = arith.mulf %dot_general3A_343, %mul3A_251 : vector<1024x128xf32>
    %get3A_345 = arith.index_cast %arg0 : i32 to index
    %get3A_346 = memref.load %arg2[%get3A_345] : memref<160xi32, #tpu.memory_space<smem>>
    %while3A_347 = arith.constant 0 : i32
    %while3A_348 = arith.constant 0 : i32
    %while3A_349 = arith.subi %get3A_346, %while3A_348 : i32
    %while3A_350 = arith.addi %while3A_348, %while3A_349 : i32
    %while3A_351 = arith.constant 1 : i32
    %while3A_352 = arith.divsi %while3A_349, %while3A_351 : i32
    %while3A_353 = arith.muli %while3A_352, %while3A_351 : i32
    %while3A_354 = arith.addi %while3A_348, %while3A_353 : i32
    %while3A_355 = arith.constant 1 : i32
    scf.for %while3A_357 = %while3A_348 to %while3A_354 step %while3A_355  : i32 {
      %mul3A_358 = arith.constant 512 : i32
      %mul3A_359 = arith.muli %while3A_357, %mul3A_358 : i32
      %add3A_360 = arith.addi %get3A_10, %mul3A_359 : i32
      %broadcast_in_dim3A_361 = vector.shape_cast %get3A_5 : vector<1024xi32> to vector<1024x1xi32>
      %iota3A_362 = tpu.iota {dimensions = array<i32: 1>} : vector<1024x512xi32>
      %add3A_363 = vector.broadcast %add3A_360 : i32 to vector<1024x512xi32>
      %add3A_364 = arith.addi %add3A_363, %iota3A_362 : vector<1024x512xi32>
      %eq3A_365 = vector.broadcast %broadcast_in_dim3A_361 : vector<1024x1xi32> to vector<1024x512xi32>
      %eq3A_366 = arith.cmpi eq, %eq3A_365, %add3A_364 : vector<1024x512xi32>
      %convert_element_type3A_367 = arith.extui %eq3A_366 : vector<1024x512xi1> to vector<1024x512xi32>
      %convert_element_type3A_368 = arith.sitofp %convert_element_type3A_367 : vector<1024x512xi32> to vector<1024x512xf32>
      %get3A_369 = arith.index_cast %add3A_360 : i32 to index
      %get3A_370 = arith.constant 0 : index
      %get3A_371 = vector.load %arg27[%get3A_369, %get3A_370] : memref<10512x128xf32, #tpu.memory_space<vmem>>, vector<512x128xf32>
      %dot_general3A_372 = arith.constant dense<0.000000e+00> : vector<512x128xf32>
      %dot_general3A_373 = tpu.matmul %convert_element_type3A_368, %mul3A_344, %dot_general3A_372 {dimension_numbers = #tpu.dot_dimension_numbers<[0], [0], [1], [1], [0, 1, 1, 1], [], []>, transpose_lhs_hint = false} : vector<1024x512xf32>, vector<1024x128xf32>, vector<512x128xf32> -> vector<512x128xf32>
      %add3A_374 = arith.addf %get3A_371, %dot_general3A_373 : vector<512x128xf32>
      %swap3A_375 = arith.index_cast %add3A_360 : i32 to index
      %swap3A_376 = arith.constant 0 : index
      %swap3A_377 = vector.load %arg27[%swap3A_375, %swap3A_376] : memref<10512x128xf32, #tpu.memory_space<vmem>>, vector<512x128xf32>
      tpu.vector_store %arg27[%swap3A_375, %swap3A_376], %add3A_374 {strides = array<i32>} : memref<10512x128xf32, #tpu.memory_space<vmem>>, vector<512x128xf32>,
      %get3A_378 = arith.index_cast %add3A_360 : i32 to index
      %get3A_379 = arith.constant 0 : index
      %get3A_380 = vector.load %arg28[%get3A_378, %get3A_379] : memref<10512x16xf32, #tpu.memory_space<vmem>>, vector<512x16xf32>
      %dot_general3A_381 = arith.constant dense<0.000000e+00> : vector<512x16xf32>
      %dot_general3A_382 = tpu.matmul %convert_element_type3A_368, %mul3A_305, %dot_general3A_381 {dimension_numbers = #tpu.dot_dimension_numbers<[0], [0], [1], [1], [0, 1, 1, 1], [], []>, transpose_lhs_hint = false} : vector<1024x512xf32>, vector<1024x16xf32>, vector<512x16xf32> -> vector<512x16xf32>
      %add3A_383 = arith.addf %get3A_380, %dot_general3A_382 : vector<512x16xf32>
      %swap3A_384 = arith.index_cast %add3A_360 : i32 to index
      %swap3A_385 = arith.constant 0 : index
      %swap3A_386 = vector.load %arg28[%swap3A_384, %swap3A_385] : memref<10512x16xf32, #tpu.memory_space<vmem>>, vector<512x16xf32>
      tpu.vector_store %arg28[%swap3A_384, %swap3A_385], %add3A_383 {strides = array<i32>} : memref<10512x16xf32, #tpu.memory_space<vmem>>, vector<512x16xf32>,
    }
    %while3A_356 = arith.constant 1 : i32
    scf.for %while3A_357 = %while3A_354 to %while3A_350 step %while3A_356  : i32 {
      %mul3A_358 = arith.constant 512 : i32
      %mul3A_359 = arith.muli %while3A_357, %mul3A_358 : i32
      %add3A_360 = arith.addi %get3A_10, %mul3A_359 : i32
      %broadcast_in_dim3A_361 = vector.shape_cast %get3A_5 : vector<1024xi32> to vector<1024x1xi32>
      %iota3A_362 = tpu.iota {dimensions = array<i32: 1>} : vector<1024x512xi32>
      %add3A_363 = vector.broadcast %add3A_360 : i32 to vector<1024x512xi32>
      %add3A_364 = arith.addi %add3A_363, %iota3A_362 : vector<1024x512xi32>
      %eq3A_365 = vector.broadcast %broadcast_in_dim3A_361 : vector<1024x1xi32> to vector<1024x512xi32>
      %eq3A_366 = arith.cmpi eq, %eq3A_365, %add3A_364 : vector<1024x512xi32>
      %convert_element_type3A_367 = arith.extui %eq3A_366 : vector<1024x512xi1> to vector<1024x512xi32>
      %convert_element_type3A_368 = arith.sitofp %convert_element_type3A_367 : vector<1024x512xi32> to vector<1024x512xf32>
      %get3A_369 = arith.index_cast %add3A_360 : i32 to index
      %get3A_370 = arith.constant 0 : index
      %get3A_371 = vector.load %arg27[%get3A_369, %get3A_370] : memref<10512x128xf32, #tpu.memory_space<vmem>>, vector<512x128xf32>
      %dot_general3A_372 = arith.constant dense<0.000000e+00> : vector<512x128xf32>
      %dot_general3A_373 = tpu.matmul %convert_element_type3A_368, %mul3A_344, %dot_general3A_372 {dimension_numbers = #tpu.dot_dimension_numbers<[0], [0], [1], [1], [0, 1, 1, 1], [], []>, transpose_lhs_hint = false} : vector<1024x512xf32>, vector<1024x128xf32>, vector<512x128xf32> -> vector<512x128xf32>
      %add3A_374 = arith.addf %get3A_371, %dot_general3A_373 : vector<512x128xf32>
      %swap3A_375 = arith.index_cast %add3A_360 : i32 to index
      %swap3A_376 = arith.constant 0 : index
      %swap3A_377 = vector.load %arg27[%swap3A_375, %swap3A_376] : memref<10512x128xf32, #tpu.memory_space<vmem>>, vector<512x128xf32>
      tpu.vector_store %arg27[%swap3A_375, %swap3A_376], %add3A_374 {strides = array<i32>} : memref<10512x128xf32, #tpu.memory_space<vmem>>, vector<512x128xf32>,
      %get3A_378 = arith.index_cast %add3A_360 : i32 to index
      %get3A_379 = arith.constant 0 : index
      %get3A_380 = vector.load %arg28[%get3A_378, %get3A_379] : memref<10512x16xf32, #tpu.memory_space<vmem>>, vector<512x16xf32>
      %dot_general3A_381 = arith.constant dense<0.000000e+00> : vector<512x16xf32>
      %dot_general3A_382 = tpu.matmul %convert_element_type3A_368, %mul3A_305, %dot_general3A_381 {dimension_numbers = #tpu.dot_dimension_numbers<[0], [0], [1], [1], [0, 1, 1, 1], [], []>, transpose_lhs_hint = false} : vector<1024x512xf32>, vector<1024x16xf32>, vector<512x16xf32> -> vector<512x16xf32>
      %add3A_383 = arith.addf %get3A_380, %dot_general3A_382 : vector<512x16xf32>
      %swap3A_384 = arith.index_cast %add3A_360 : i32 to index
      %swap3A_385 = arith.constant 0 : index
      %swap3A_386 = vector.load %arg28[%swap3A_384, %swap3A_385] : memref<10512x16xf32, #tpu.memory_space<vmem>>, vector<512x16xf32>
      tpu.vector_store %arg28[%swap3A_384, %swap3A_385], %add3A_383 {strides = array<i32>} : memref<10512x16xf32, #tpu.memory_space<vmem>>, vector<512x16xf32>,
    }
    return
  }
  func.func @transform_0(%arg0: i32, %arg1: memref<160xi32, #tpu.memory_space<smem>>, %arg2: memref<160xi32, #tpu.memory_space<smem>>) -> (i32, i32, i32) {
    %c0_i32 = arith.constant 0 : i32
    %c0_i32_0 = arith.constant 0 : i32
    %c0_i32_1 = arith.constant 0 : i32
    return %arg0, %c0_i32, %c0_i32_0 : i32, i32, i32
  }
  func.func @transform_1(%arg0: i32, %arg1: memref<160xi32, #tpu.memory_space<smem>>, %arg2: memref<160xi32, #tpu.memory_space<smem>>) -> (i32, i32) {
    %c0_i32 = arith.constant 0 : i32
    %c0_i32_0 = arith.constant 0 : i32
    return %arg0, %c0_i32 : i32, i32
  }
  func.func @transform_2(%arg0: i32, %arg1: memref<160xi32, #tpu.memory_space<smem>>, %arg2: memref<160xi32, #tpu.memory_space<smem>>) -> (i32, i32) {
    %c0_i32 = arith.constant 0 : i32
    %c0_i32_0 = arith.constant 0 : i32
    return %arg0, %c0_i32 : i32, i32
  }
  func.func @transform_3(%arg0: i32, %arg1: memref<160xi32, #tpu.memory_space<smem>>, %arg2: memref<160xi32, #tpu.memory_space<smem>>) -> (i32, i32) {
    %c0_i32 = arith.constant 0 : i32
    %c0_i32_0 = arith.constant 0 : i32
    %c0_i32_1 = arith.constant 0 : i32
    return %c0_i32, %c0_i32_0 : i32, i32
  }
  func.func @transform_4(%arg0: i32, %arg1: memref<160xi32, #tpu.memory_space<smem>>, %arg2: memref<160xi32, #tpu.memory_space<smem>>) -> (i32, i32) {
    %c0_i32 = arith.constant 0 : i32
    %c0_i32_0 = arith.constant 0 : i32
    %c0_i32_1 = arith.constant 0 : i32
    return %c0_i32, %c0_i32_0 : i32, i32
  }
  func.func @transform_5(%arg0: i32, %arg1: memref<160xi32, #tpu.memory_space<smem>>, %arg2: memref<160xi32, #tpu.memory_space<smem>>) -> (i32, i32) {
    %c0_i32 = arith.constant 0 : i32
    %c0_i32_0 = arith.constant 0 : i32
    %c0_i32_1 = arith.constant 0 : i32
    return %c0_i32, %c0_i32_0 : i32, i32
  }
  func.func @transform_6(%arg0: i32, %arg1: memref<160xi32, #tpu.memory_space<smem>>, %arg2: memref<160xi32, #tpu.memory_space<smem>>) -> (i32, i32) {
    %c0_i32 = arith.constant 0 : i32
    %c0_i32_0 = arith.constant 0 : i32
    %c0_i32_1 = arith.constant 0 : i32
    return %c0_i32, %c0_i32_0 : i32, i32
  }
  func.func @transform_7(%arg0: i32, %arg1: memref<160xi32, #tpu.memory_space<smem>>, %arg2: memref<160xi32, #tpu.memory_space<smem>>) -> (i32, i32) {
    %c0_i32 = arith.constant 0 : i32
    %c0_i32_0 = arith.constant 0 : i32
    %c0_i32_1 = arith.constant 0 : i32
    return %c0_i32, %c0_i32_0 : i32, i32
  }
  func.func @transform_8(%arg0: i32, %arg1: memref<160xi32, #tpu.memory_space<smem>>, %arg2: memref<160xi32, #tpu.memory_space<smem>>) -> (i32, i32) {
    %c0_i32 = arith.constant 0 : i32
    %c0_i32_0 = arith.constant 0 : i32
    %c0_i32_1 = arith.constant 0 : i32
    return %c0_i32, %c0_i32_0 : i32, i32
  }
  func.func @transform_9(%arg0: i32, %arg1: memref<160xi32, #tpu.memory_space<smem>>, %arg2: memref<160xi32, #tpu.memory_space<smem>>) -> (i32, i32) {
    %c0_i32 = arith.constant 0 : i32
    %c0_i32_0 = arith.constant 0 : i32
    %c0_i32_1 = arith.constant 0 : i32
    return %c0_i32, %c0_i32_0 : i32, i32
  }
  func.func @transform_10(%arg0: i32, %arg1: memref<160xi32, #tpu.memory_space<smem>>, %arg2: memref<160xi32, #tpu.memory_space<smem>>) -> (i32, i32) {
    %c0_i32 = arith.constant 0 : i32
    %c0_i32_0 = arith.constant 0 : i32
    %c0_i32_1 = arith.constant 0 : i32
    return %c0_i32, %c0_i32_0 : i32, i32
  }
  func.func @transform_11(%arg0: i32, %arg1: memref<160xi32, #tpu.memory_space<smem>>, %arg2: memref<160xi32, #tpu.memory_space<smem>>) -> (i32, i32) {
    %c0_i32 = arith.constant 0 : i32
    %c0_i32_0 = arith.constant 0 : i32
    %c0_i32_1 = arith.constant 0 : i32
    return %c0_i32, %c0_i32_0 : i32, i32
  }
  func.func @transform_12(%arg0: i32, %arg1: memref<160xi32, #tpu.memory_space<smem>>, %arg2: memref<160xi32, #tpu.memory_space<smem>>) -> (i32, i32) {
    %c0_i32 = arith.constant 0 : i32
    %c0_i32_0 = arith.constant 0 : i32
    %c0_i32_1 = arith.constant 0 : i32
    return %c0_i32, %c0_i32_0 : i32, i32
  }
  func.func @transform_13(%arg0: i32, %arg1: memref<160xi32, #tpu.memory_space<smem>>, %arg2: memref<160xi32, #tpu.memory_space<smem>>) -> (i32, i32) {
    %c0_i32 = arith.constant 0 : i32
    %c0_i32_0 = arith.constant 0 : i32
    %c0_i32_1 = arith.constant 0 : i32
    return %c0_i32, %c0_i32_0 : i32, i32
  }
  func.func @transform_14(%arg0: i32, %arg1: memref<160xi32, #tpu.memory_space<smem>>, %arg2: memref<160xi32, #tpu.memory_space<smem>>) -> (i32, i32) {
    %c0_i32 = arith.constant 0 : i32
    %c0_i32_0 = arith.constant 0 : i32
    %c0_i32_1 = arith.constant 0 : i32
    return %c0_i32, %c0_i32_0 : i32, i32
  }
  func.func @transform_15(%arg0: i32, %arg1: memref<160xi32, #tpu.memory_space<smem>>, %arg2: memref<160xi32, #tpu.memory_space<smem>>) -> (i32, i32) {
    %c0_i32 = arith.constant 0 : i32
    %c0_i32_0 = arith.constant 0 : i32
    %c0_i32_1 = arith.constant 0 : i32
    return %c0_i32, %c0_i32_0 : i32, i32
  }
  func.func @transform_16(%arg0: i32, %arg1: memref<160xi32, #tpu.memory_space<smem>>, %arg2: memref<160xi32, #tpu.memory_space<smem>>) -> (i32, i32) {
    %c0_i32 = arith.constant 0 : i32
    %c0_i32_0 = arith.constant 0 : i32
    %c0_i32_1 = arith.constant 0 : i32
    return %c0_i32, %c0_i32_0 : i32, i32
  }
  func.func @transform_17(%arg0: i32, %arg1: memref<160xi32, #tpu.memory_space<smem>>, %arg2: memref<160xi32, #tpu.memory_space<smem>>) -> (i32, i32) {
    %c0_i32 = arith.constant 0 : i32
    %c0_i32_0 = arith.constant 0 : i32
    %c0_i32_1 = arith.constant 0 : i32
    return %c0_i32, %c0_i32_0 : i32, i32
  }
  func.func @transform_18(%arg0: i32, %arg1: memref<160xi32, #tpu.memory_space<smem>>, %arg2: memref<160xi32, #tpu.memory_space<smem>>) -> (i32, i32) {
    %c0_i32 = arith.constant 0 : i32
    %c0_i32_0 = arith.constant 0 : i32
    %c0_i32_1 = arith.constant 0 : i32
    return %c0_i32, %c0_i32_0 : i32, i32
  }
  func.func @transform_19(%arg0: i32, %arg1: memref<160xi32, #tpu.memory_space<smem>>, %arg2: memref<160xi32, #tpu.memory_space<smem>>) -> (i32, i32) {
    %c0_i32 = arith.constant 0 : i32
    %c0_i32_0 = arith.constant 0 : i32
    %c0_i32_1 = arith.constant 0 : i32
    return %c0_i32, %c0_i32_0 : i32, i32
  }
  func.func @transform_20(%arg0: i32, %arg1: memref<160xi32, #tpu.memory_space<smem>>, %arg2: memref<160xi32, #tpu.memory_space<smem>>) -> (i32, i32) {
    %c0_i32 = arith.constant 0 : i32
    %c0_i32_0 = arith.constant 0 : i32
    %c0_i32_1 = arith.constant 0 : i32
    return %c0_i32, %c0_i32_0 : i32, i32
  }
  func.func @transform_21(%arg0: i32, %arg1: memref<160xi32, #tpu.memory_space<smem>>, %arg2: memref<160xi32, #tpu.memory_space<smem>>) -> (i32, i32) {
    %c0_i32 = arith.constant 0 : i32
    %c0_i32_0 = arith.constant 0 : i32
    %c0_i32_1 = arith.constant 0 : i32
    return %c0_i32, %c0_i32_0 : i32, i32
  }
  func.func @transform_22(%arg0: i32, %arg1: memref<160xi32, #tpu.memory_space<smem>>, %arg2: memref<160xi32, #tpu.memory_space<smem>>) -> (i32, i32) {
    %c0_i32 = arith.constant 0 : i32
    %c0_i32_0 = arith.constant 0 : i32
    %c0_i32_1 = arith.constant 0 : i32
    return %c0_i32, %c0_i32_0 : i32, i32
  }
  func.func @transform_23(%arg0: i32, %arg1: memref<160xi32, #tpu.memory_space<smem>>, %arg2: memref<160xi32, #tpu.memory_space<smem>>) -> (i32, i32) {
    %c0_i32 = arith.constant 0 : i32
    %c0_i32_0 = arith.constant 0 : i32
    %c0_i32_1 = arith.constant 0 : i32
    return %c0_i32, %c0_i32_0 : i32, i32
  }
  func.func @transform_24(%arg0: i32, %arg1: memref<160xi32, #tpu.memory_space<smem>>, %arg2: memref<160xi32, #tpu.memory_space<smem>>) -> (i32, i32) {
    %c0_i32 = arith.constant 0 : i32
    %c0_i32_0 = arith.constant 0 : i32
    %c0_i32_1 = arith.constant 0 : i32
    return %c0_i32, %c0_i32_0 : i32, i32
  }
  func.func @transform_25(%arg0: i32, %arg1: memref<160xi32, #tpu.memory_space<smem>>, %arg2: memref<160xi32, #tpu.memory_space<smem>>) -> (i32, i32) {
    %c0_i32 = arith.constant 0 : i32
    %c0_i32_0 = arith.constant 0 : i32
    %c0_i32_1 = arith.constant 0 : i32
    return %c0_i32, %c0_i32_0 : i32, i32
  }
}

module attributes {stable_mosaic.version = 14 : i64} {
  func.func @_h_update_body(%arg0: i32, %arg1: memref<2000x128xf32, #tpu.memory_space<vmem>>, %arg2: memref<2000x16xf32, #tpu.memory_space<vmem>>, %arg3: memref<2000x128xf32, #tpu.memory_space<vmem>>, %arg4: memref<128x128xf32, #tpu.memory_space<vmem>>, %arg5: memref<128x128xf32, #tpu.memory_space<vmem>>, %arg6: memref<1x128xf32, #tpu.memory_space<vmem>>, %arg7: memref<1x128xf32, #tpu.memory_space<vmem>>, %arg8: memref<1x128xf32, #tpu.memory_space<vmem>>, %arg9: memref<128x128xf32, #tpu.memory_space<vmem>>, %arg10: memref<1x128xf32, #tpu.memory_space<vmem>>, %arg11: memref<128x128xf32, #tpu.memory_space<vmem>>, %arg12: memref<1x128xf32, #tpu.memory_space<vmem>>, %arg13: memref<1x128xf32, #tpu.memory_space<vmem>>, %arg14: memref<1x128xf32, #tpu.memory_space<vmem>>, %arg15: memref<128x128xf32, #tpu.memory_space<vmem>>, %arg16: memref<1x128xf32, #tpu.memory_space<vmem>>, %arg17: memref<2000x128xf32, #tpu.memory_space<vmem>>, %arg18: memref<2000x128xf32, #tpu.memory_space<vmem>>) attributes {dimension_semantics = [#tpu.dimension_semantics<arbitrary>], iteration_bounds = array<i64: 5>, scalar_prefetch = 0 : i64, scratch_operands = 0 : i64, tpu.core_type = #tpu.core_type<tc>, window_params = [{transform_indices = @transform_0, window_bounds = array<i64: 2000, 128>}, {transform_indices = @transform_1, window_bounds = array<i64: 2000, 16>}, {transform_indices = @transform_2, window_bounds = array<i64: 2000, 128>}, {pipeline_mode = #tpu.pipeline_mode<synchronous>, transform_indices = @transform_3, window_bounds = array<i64: 128, 128>}, {pipeline_mode = #tpu.pipeline_mode<synchronous>, transform_indices = @transform_4, window_bounds = array<i64: 128, 128>}, {pipeline_mode = #tpu.pipeline_mode<synchronous>, transform_indices = @transform_5, window_bounds = array<i64: 1, 128>}, {pipeline_mode = #tpu.pipeline_mode<synchronous>, transform_indices = @transform_6, window_bounds = array<i64: 1, 128>}, {pipeline_mode = #tpu.pipeline_mode<synchronous>, transform_indices = @transform_7, window_bounds = array<i64: 1, 128>}, {pipeline_mode = #tpu.pipeline_mode<synchronous>, transform_indices = @transform_8, window_bounds = array<i64: 128, 128>}, {pipeline_mode = #tpu.pipeline_mode<synchronous>, transform_indices = @transform_9, window_bounds = array<i64: 1, 128>}, {pipeline_mode = #tpu.pipeline_mode<synchronous>, transform_indices = @transform_10, window_bounds = array<i64: 128, 128>}, {pipeline_mode = #tpu.pipeline_mode<synchronous>, transform_indices = @transform_11, window_bounds = array<i64: 1, 128>}, {pipeline_mode = #tpu.pipeline_mode<synchronous>, transform_indices = @transform_12, window_bounds = array<i64: 1, 128>}, {pipeline_mode = #tpu.pipeline_mode<synchronous>, transform_indices = @transform_13, window_bounds = array<i64: 1, 128>}, {pipeline_mode = #tpu.pipeline_mode<synchronous>, transform_indices = @transform_14, window_bounds = array<i64: 128, 128>}, {pipeline_mode = #tpu.pipeline_mode<synchronous>, transform_indices = @transform_15, window_bounds = array<i64: 1, 128>}, {transform_indices = @transform_16, window_bounds = array<i64: 2000, 128>}, {transform_indices = @transform_17, window_bounds = array<i64: 2000, 128>}]} {
    %iota3A = tpu.iota {dimensions = array<i32: 0>} : vector<16x128xi32>
    %iota3A_0 = tpu.iota {dimensions = array<i32: 1>} : vector<16x128xi32>
    %jit3A = arith.constant 8 : i32
    %div3A = vector.broadcast %jit3A : i32 to vector<16x128xi32>
    %div3A_1 = arith.divsi %iota3A_0, %div3A : vector<16x128xi32>
    %sign3A = arith.constant 0 : i32
    %sign3A_2 = vector.broadcast %sign3A : i32 to vector<16x128xi32>
    %sign3A_3 = arith.cmpi sgt, %iota3A_0, %sign3A_2 : vector<16x128xi32>
    %sign3A_4 = arith.extui %sign3A_3 : vector<16x128xi1> to vector<16x128xi32>
    %sign3A_5 = arith.constant 0 : i32
    %sign3A_6 = vector.broadcast %sign3A_5 : i32 to vector<16x128xi32>
    %sign3A_7 = arith.cmpi slt, %iota3A_0, %sign3A_6 : vector<16x128xi32>
    %sign3A_8 = arith.extui %sign3A_7 : vector<16x128xi1> to vector<16x128xi32>
    %sign3A_9 = arith.subi %sign3A_4, %sign3A_8 : vector<16x128xi32>
    %sign3A_10 = arith.constant 0 : i32
    %sign3A_11 = arith.cmpi sgt, %jit3A, %sign3A_10 : i32
    %sign3A_12 = arith.extui %sign3A_11 : i1 to i32
    %sign3A_13 = arith.constant 0 : i32
    %sign3A_14 = arith.cmpi slt, %jit3A, %sign3A_13 : i32
    %sign3A_15 = arith.extui %sign3A_14 : i1 to i32
    %sign3A_16 = arith.subi %sign3A_12, %sign3A_15 : i32
    %ne3A = vector.broadcast %sign3A_16 : i32 to vector<16x128xi32>
    %ne3A_17 = arith.cmpi ne, %sign3A_9, %ne3A : vector<16x128xi32>
    %rem3A = vector.broadcast %jit3A : i32 to vector<16x128xi32>
    %rem3A_18 = arith.remsi %iota3A_0, %rem3A : vector<16x128xi32>
    %ne3A_19 = arith.constant 0 : i32
    %ne3A_20 = vector.broadcast %ne3A_19 : i32 to vector<16x128xi32>
    %ne3A_21 = arith.cmpi ne, %rem3A_18, %ne3A_20 : vector<16x128xi32>
    %and3A = arith.andi %ne3A_17, %ne3A_21 : vector<16x128xi1>
    %sub3A = arith.constant 1 : i32
    %sub3A_22 = vector.broadcast %sub3A : i32 to vector<16x128xi32>
    %sub3A_23 = arith.subi %div3A_1, %sub3A_22 : vector<16x128xi32>
    %select_n3A = arith.select %and3A, %sub3A_23, %div3A_1 : vector<16x128xi1>, vector<16x128xi32>
    %eq3A = arith.cmpi eq, %iota3A, %select_n3A : vector<16x128xi32>
    %convert_element_type3A = arith.extui %eq3A : vector<16x128xi1> to vector<16x128xi32>
    %convert_element_type3A_24 = arith.sitofp %convert_element_type3A : vector<16x128xi32> to vector<16x128xf32>
    %get3A = arith.constant 0 : index
    %get3A_25 = arith.constant 0 : index
    %get3A_26 = vector.load %arg3[%get3A, %get3A_25] : memref<2000x128xf32, #tpu.memory_space<vmem>>, vector<2000x128xf32>
    %get3A_27 = arith.constant 0 : index
    %get3A_28 = arith.constant 0 : index
    %get3A_29 = vector.load %arg1[%get3A_27, %get3A_28] : memref<2000x128xf32, #tpu.memory_space<vmem>>, vector<2000x128xf32>
    %get3A_30 = arith.constant 0 : index
    %get3A_31 = arith.constant 0 : index
    %get3A_32 = vector.load %arg2[%get3A_30, %get3A_31] : memref<2000x16xf32, #tpu.memory_space<vmem>>, vector<2000x16xf32>
    %dot_general3A = arith.constant dense<0.000000e+00> : vector<2000x128xf32>
    %dot_general3A_33 = tpu.matmul %get3A_32, %convert_element_type3A_24, %dot_general3A {dimension_numbers = #tpu.dot_dimension_numbers<[1], [0], [0], [1], [0, 0, 1, 1], [], []>, transpose_lhs_hint = false} : vector<2000x16xf32>, vector<16x128xf32>, vector<2000x128xf32> -> vector<2000x128xf32>
    %add3A = arith.constant 1.000000e-16 : f32
    %add3A_34 = vector.broadcast %add3A : f32 to vector<2000x128xf32>
    %add3A_35 = arith.addf %dot_general3A_33, %add3A_34 : vector<2000x128xf32>
    %div3A_36 = arith.divf %get3A_29, %add3A_35 : vector<2000x128xf32>
    %get3A_37 = arith.constant 0 : index
    %get3A_38 = arith.constant 0 : index
    %get3A_39 = vector.load %arg4[%get3A_37, %get3A_38] : memref<128x128xf32, #tpu.memory_space<vmem>>, vector<128x128xf32>
    %dot_general3A_40 = arith.constant dense<0.000000e+00> : vector<2000x128xf32>
    %dot_general3A_41 = tpu.matmul %div3A_36, %get3A_39, %dot_general3A_40 {dimension_numbers = #tpu.dot_dimension_numbers<[1], [0], [0], [1], [0, 0, 1, 1], [], []>, transpose_lhs_hint = false} : vector<2000x128xf32>, vector<128x128xf32>, vector<2000x128xf32> -> vector<2000x128xf32>
    %get3A_42 = arith.constant 0 : index
    %get3A_43 = arith.constant 0 : index
    %get3A_44 = vector.load %arg5[%get3A_42, %get3A_43] : memref<128x128xf32, #tpu.memory_space<vmem>>, vector<128x128xf32>
    %dot_general3A_45 = arith.constant dense<0.000000e+00> : vector<2000x128xf32>
    %dot_general3A_46 = tpu.matmul %get3A_26, %get3A_44, %dot_general3A_45 {dimension_numbers = #tpu.dot_dimension_numbers<[1], [0], [0], [1], [0, 0, 1, 1], [], []>, transpose_lhs_hint = false} : vector<2000x128xf32>, vector<128x128xf32>, vector<2000x128xf32> -> vector<2000x128xf32>
    %add3A_47 = arith.addf %dot_general3A_41, %dot_general3A_46 : vector<2000x128xf32>
    %get3A_48 = arith.constant 0 : index
    %get3A_49 = arith.constant 0 : index
    %get3A_50 = vector.load %arg6[%get3A_48, %get3A_49] : memref<1x128xf32, #tpu.memory_space<vmem>>, vector<1x128xf32>
    %add3A_51 = vector.broadcast %get3A_50 : vector<1x128xf32> to vector<2000x128xf32>
    %add3A_52 = arith.addf %add3A_47, %add3A_51 : vector<2000x128xf32>
    %get3A_53 = arith.constant 0 : index
    %get3A_54 = arith.constant 0 : index
    %get3A_55 = vector.load %arg7[%get3A_53, %get3A_54] : memref<1x128xf32, #tpu.memory_space<vmem>>, vector<1x128xf32>
    %get3A_56 = arith.constant 0 : index
    %get3A_57 = arith.constant 0 : index
    %get3A_58 = vector.load %arg8[%get3A_56, %get3A_57] : memref<1x128xf32, #tpu.memory_space<vmem>>, vector<1x128xf32>
    %reduce_sum3A = arith.constant dense<0.000000e+00> : vector<2000xf32>
    %reduce_sum3A_59 = vector.multi_reduction <add>, %add3A_52, %reduce_sum3A [1] : vector<2000x128xf32> to vector<2000xf32>
    %broadcast_in_dim3A = vector.shape_cast %reduce_sum3A_59 : vector<2000xf32> to vector<2000x1xf32>
    %div3A_60 = arith.constant 1.280000e+02 : f32
    %div3A_61 = vector.broadcast %div3A_60 : f32 to vector<2000x1xf32>
    %div3A_62 = arith.divf %broadcast_in_dim3A, %div3A_61 : vector<2000x1xf32>
    %sub3A_63 = vector.broadcast %div3A_62 : vector<2000x1xf32> to vector<2000x128xf32>
    %sub3A_64 = arith.subf %add3A_52, %sub3A_63 : vector<2000x128xf32>
    %mul3A = arith.mulf %sub3A_64, %sub3A_64 : vector<2000x128xf32>
    %reduce_sum3A_65 = arith.constant dense<0.000000e+00> : vector<2000xf32>
    %reduce_sum3A_66 = vector.multi_reduction <add>, %mul3A, %reduce_sum3A_65 [1] : vector<2000x128xf32> to vector<2000xf32>
    %broadcast_in_dim3A_67 = vector.shape_cast %reduce_sum3A_66 : vector<2000xf32> to vector<2000x1xf32>
    %div3A_68 = arith.constant 1.280000e+02 : f32
    %div3A_69 = vector.broadcast %div3A_68 : f32 to vector<2000x1xf32>
    %div3A_70 = arith.divf %broadcast_in_dim3A_67, %div3A_69 : vector<2000x1xf32>
    %add3A_71 = arith.constant 9.99999974E-6 : f32
    %add3A_72 = vector.broadcast %add3A_71 : f32 to vector<2000x1xf32>
    %add3A_73 = arith.addf %div3A_70, %add3A_72 : vector<2000x1xf32>
    %rsqrt3A = math.rsqrt %add3A_73 : vector<2000x1xf32>
    %mul3A_74 = vector.broadcast %rsqrt3A : vector<2000x1xf32> to vector<2000x128xf32>
    %mul3A_75 = arith.mulf %sub3A_64, %mul3A_74 : vector<2000x128xf32>
    %mul3A_76 = vector.broadcast %get3A_55 : vector<1x128xf32> to vector<2000x128xf32>
    %mul3A_77 = arith.mulf %mul3A_75, %mul3A_76 : vector<2000x128xf32>
    %add3A_78 = vector.broadcast %get3A_58 : vector<1x128xf32> to vector<2000x128xf32>
    %add3A_79 = arith.addf %mul3A_77, %add3A_78 : vector<2000x128xf32>
    %max3A = arith.constant 0.000000e+00 : f32
    %max3A_80 = vector.broadcast %max3A : f32 to vector<2000x128xf32>
    %max3A_81 = arith.maximumf %add3A_79, %max3A_80 : vector<2000x128xf32>
    %get3A_82 = arith.constant 0 : index
    %get3A_83 = arith.constant 0 : index
    %get3A_84 = vector.load %arg9[%get3A_82, %get3A_83] : memref<128x128xf32, #tpu.memory_space<vmem>>, vector<128x128xf32>
    %dot_general3A_85 = arith.constant dense<0.000000e+00> : vector<2000x128xf32>
    %dot_general3A_86 = tpu.matmul %max3A_81, %get3A_84, %dot_general3A_85 {dimension_numbers = #tpu.dot_dimension_numbers<[1], [0], [0], [1], [0, 0, 1, 1], [], []>, transpose_lhs_hint = false} : vector<2000x128xf32>, vector<128x128xf32>, vector<2000x128xf32> -> vector<2000x128xf32>
    %get3A_87 = arith.constant 0 : index
    %get3A_88 = arith.constant 0 : index
    %get3A_89 = vector.load %arg10[%get3A_87, %get3A_88] : memref<1x128xf32, #tpu.memory_space<vmem>>, vector<1x128xf32>
    %add3A_90 = vector.broadcast %get3A_89 : vector<1x128xf32> to vector<2000x128xf32>
    %add3A_91 = arith.addf %dot_general3A_86, %add3A_90 : vector<2000x128xf32>
    %add3A_92 = arith.addf %add3A_91, %get3A_26 : vector<2000x128xf32>
    %swap3A = arith.constant 0 : index
    %swap3A_93 = arith.constant 0 : index
    %swap3A_94 = vector.load %arg17[%swap3A, %swap3A_93] : memref<2000x128xf32, #tpu.memory_space<vmem>>, vector<2000x128xf32>
    tpu.vector_store %arg17[%swap3A, %swap3A_93], %add3A_92 {strides = array<i32>} : memref<2000x128xf32, #tpu.memory_space<vmem>>, vector<2000x128xf32>,
    %get3A_95 = arith.constant 0 : index
    %get3A_96 = arith.constant 0 : index
    %get3A_97 = vector.load %arg11[%get3A_95, %get3A_96] : memref<128x128xf32, #tpu.memory_space<vmem>>, vector<128x128xf32>
    %dot_general3A_98 = arith.constant dense<0.000000e+00> : vector<2000x128xf32>
    %dot_general3A_99 = tpu.matmul %add3A_92, %get3A_97, %dot_general3A_98 {dimension_numbers = #tpu.dot_dimension_numbers<[1], [0], [0], [1], [0, 0, 1, 1], [], []>, transpose_lhs_hint = false} : vector<2000x128xf32>, vector<128x128xf32>, vector<2000x128xf32> -> vector<2000x128xf32>
    %get3A_100 = arith.constant 0 : index
    %get3A_101 = arith.constant 0 : index
    %get3A_102 = vector.load %arg12[%get3A_100, %get3A_101] : memref<1x128xf32, #tpu.memory_space<vmem>>, vector<1x128xf32>
    %add3A_103 = vector.broadcast %get3A_102 : vector<1x128xf32> to vector<2000x128xf32>
    %add3A_104 = arith.addf %dot_general3A_99, %add3A_103 : vector<2000x128xf32>
    %get3A_105 = arith.constant 0 : index
    %get3A_106 = arith.constant 0 : index
    %get3A_107 = vector.load %arg13[%get3A_105, %get3A_106] : memref<1x128xf32, #tpu.memory_space<vmem>>, vector<1x128xf32>
    %get3A_108 = arith.constant 0 : index
    %get3A_109 = arith.constant 0 : index
    %get3A_110 = vector.load %arg14[%get3A_108, %get3A_109] : memref<1x128xf32, #tpu.memory_space<vmem>>, vector<1x128xf32>
    %reduce_sum3A_111 = arith.constant dense<0.000000e+00> : vector<2000xf32>
    %reduce_sum3A_112 = vector.multi_reduction <add>, %add3A_104, %reduce_sum3A_111 [1] : vector<2000x128xf32> to vector<2000xf32>
    %broadcast_in_dim3A_113 = vector.shape_cast %reduce_sum3A_112 : vector<2000xf32> to vector<2000x1xf32>
    %div3A_114 = arith.constant 1.280000e+02 : f32
    %div3A_115 = vector.broadcast %div3A_114 : f32 to vector<2000x1xf32>
    %div3A_116 = arith.divf %broadcast_in_dim3A_113, %div3A_115 : vector<2000x1xf32>
    %sub3A_117 = vector.broadcast %div3A_116 : vector<2000x1xf32> to vector<2000x128xf32>
    %sub3A_118 = arith.subf %add3A_104, %sub3A_117 : vector<2000x128xf32>
    %mul3A_119 = arith.mulf %sub3A_118, %sub3A_118 : vector<2000x128xf32>
    %reduce_sum3A_120 = arith.constant dense<0.000000e+00> : vector<2000xf32>
    %reduce_sum3A_121 = vector.multi_reduction <add>, %mul3A_119, %reduce_sum3A_120 [1] : vector<2000x128xf32> to vector<2000xf32>
    %broadcast_in_dim3A_122 = vector.shape_cast %reduce_sum3A_121 : vector<2000xf32> to vector<2000x1xf32>
    %div3A_123 = arith.constant 1.280000e+02 : f32
    %div3A_124 = vector.broadcast %div3A_123 : f32 to vector<2000x1xf32>
    %div3A_125 = arith.divf %broadcast_in_dim3A_122, %div3A_124 : vector<2000x1xf32>
    %add3A_126 = arith.constant 9.99999974E-6 : f32
    %add3A_127 = vector.broadcast %add3A_126 : f32 to vector<2000x1xf32>
    %add3A_128 = arith.addf %div3A_125, %add3A_127 : vector<2000x1xf32>
    %rsqrt3A_129 = math.rsqrt %add3A_128 : vector<2000x1xf32>
    %mul3A_130 = vector.broadcast %rsqrt3A_129 : vector<2000x1xf32> to vector<2000x128xf32>
    %mul3A_131 = arith.mulf %sub3A_118, %mul3A_130 : vector<2000x128xf32>
    %mul3A_132 = vector.broadcast %get3A_107 : vector<1x128xf32> to vector<2000x128xf32>
    %mul3A_133 = arith.mulf %mul3A_131, %mul3A_132 : vector<2000x128xf32>
    %add3A_134 = vector.broadcast %get3A_110 : vector<1x128xf32> to vector<2000x128xf32>
    %add3A_135 = arith.addf %mul3A_133, %add3A_134 : vector<2000x128xf32>
    %max3A_136 = arith.constant 0.000000e+00 : f32
    %max3A_137 = vector.broadcast %max3A_136 : f32 to vector<2000x128xf32>
    %max3A_138 = arith.maximumf %add3A_135, %max3A_137 : vector<2000x128xf32>
    %get3A_139 = arith.constant 0 : index
    %get3A_140 = arith.constant 0 : index
    %get3A_141 = vector.load %arg15[%get3A_139, %get3A_140] : memref<128x128xf32, #tpu.memory_space<vmem>>, vector<128x128xf32>
    %dot_general3A_142 = arith.constant dense<0.000000e+00> : vector<2000x128xf32>
    %dot_general3A_143 = tpu.matmul %max3A_138, %get3A_141, %dot_general3A_142 {dimension_numbers = #tpu.dot_dimension_numbers<[1], [0], [0], [1], [0, 0, 1, 1], [], []>, transpose_lhs_hint = false} : vector<2000x128xf32>, vector<128x128xf32>, vector<2000x128xf32> -> vector<2000x128xf32>
    %get3A_144 = arith.constant 0 : index
    %get3A_145 = arith.constant 0 : index
    %get3A_146 = vector.load %arg16[%get3A_144, %get3A_145] : memref<1x128xf32, #tpu.memory_space<vmem>>, vector<1x128xf32>
    %add3A_147 = vector.broadcast %get3A_146 : vector<1x128xf32> to vector<2000x128xf32>
    %add3A_148 = arith.addf %dot_general3A_143, %add3A_147 : vector<2000x128xf32>
    %swap3A_149 = arith.constant 0 : index
    %swap3A_150 = arith.constant 0 : index
    %swap3A_151 = vector.load %arg18[%swap3A_149, %swap3A_150] : memref<2000x128xf32, #tpu.memory_space<vmem>>, vector<2000x128xf32>
    tpu.vector_store %arg18[%swap3A_149, %swap3A_150], %add3A_148 {strides = array<i32>} : memref<2000x128xf32, #tpu.memory_space<vmem>>, vector<2000x128xf32>,
    return
  }
  func.func @transform_0(%arg0: i32) -> (i32, i32) {
    %c0_i32 = arith.constant 0 : i32
    %c0_i32_0 = arith.constant 0 : i32
    return %arg0, %c0_i32 : i32, i32
  }
  func.func @transform_1(%arg0: i32) -> (i32, i32) {
    %c0_i32 = arith.constant 0 : i32
    %c0_i32_0 = arith.constant 0 : i32
    return %arg0, %c0_i32 : i32, i32
  }
  func.func @transform_2(%arg0: i32) -> (i32, i32) {
    %c0_i32 = arith.constant 0 : i32
    %c0_i32_0 = arith.constant 0 : i32
    return %arg0, %c0_i32 : i32, i32
  }
  func.func @transform_3(%arg0: i32) -> (i32, i32) {
    %c0_i32 = arith.constant 0 : i32
    %c0_i32_0 = arith.constant 0 : i32
    %c0_i32_1 = arith.constant 0 : i32
    return %c0_i32, %c0_i32_0 : i32, i32
  }
  func.func @transform_4(%arg0: i32) -> (i32, i32) {
    %c0_i32 = arith.constant 0 : i32
    %c0_i32_0 = arith.constant 0 : i32
    %c0_i32_1 = arith.constant 0 : i32
    return %c0_i32, %c0_i32_0 : i32, i32
  }
  func.func @transform_5(%arg0: i32) -> (i32, i32) {
    %c0_i32 = arith.constant 0 : i32
    %c0_i32_0 = arith.constant 0 : i32
    %c0_i32_1 = arith.constant 0 : i32
    return %c0_i32, %c0_i32_0 : i32, i32
  }
  func.func @transform_6(%arg0: i32) -> (i32, i32) {
    %c0_i32 = arith.constant 0 : i32
    %c0_i32_0 = arith.constant 0 : i32
    %c0_i32_1 = arith.constant 0 : i32
    return %c0_i32, %c0_i32_0 : i32, i32
  }
  func.func @transform_7(%arg0: i32) -> (i32, i32) {
    %c0_i32 = arith.constant 0 : i32
    %c0_i32_0 = arith.constant 0 : i32
    %c0_i32_1 = arith.constant 0 : i32
    return %c0_i32, %c0_i32_0 : i32, i32
  }
  func.func @transform_8(%arg0: i32) -> (i32, i32) {
    %c0_i32 = arith.constant 0 : i32
    %c0_i32_0 = arith.constant 0 : i32
    %c0_i32_1 = arith.constant 0 : i32
    return %c0_i32, %c0_i32_0 : i32, i32
  }
  func.func @transform_9(%arg0: i32) -> (i32, i32) {
    %c0_i32 = arith.constant 0 : i32
    %c0_i32_0 = arith.constant 0 : i32
    %c0_i32_1 = arith.constant 0 : i32
    return %c0_i32, %c0_i32_0 : i32, i32
  }
  func.func @transform_10(%arg0: i32) -> (i32, i32) {
    %c0_i32 = arith.constant 0 : i32
    %c0_i32_0 = arith.constant 0 : i32
    %c0_i32_1 = arith.constant 0 : i32
    return %c0_i32, %c0_i32_0 : i32, i32
  }
  func.func @transform_11(%arg0: i32) -> (i32, i32) {
    %c0_i32 = arith.constant 0 : i32
    %c0_i32_0 = arith.constant 0 : i32
    %c0_i32_1 = arith.constant 0 : i32
    return %c0_i32, %c0_i32_0 : i32, i32
  }
  func.func @transform_12(%arg0: i32) -> (i32, i32) {
    %c0_i32 = arith.constant 0 : i32
    %c0_i32_0 = arith.constant 0 : i32
    %c0_i32_1 = arith.constant 0 : i32
    return %c0_i32, %c0_i32_0 : i32, i32
  }
  func.func @transform_13(%arg0: i32) -> (i32, i32) {
    %c0_i32 = arith.constant 0 : i32
    %c0_i32_0 = arith.constant 0 : i32
    %c0_i32_1 = arith.constant 0 : i32
    return %c0_i32, %c0_i32_0 : i32, i32
  }
  func.func @transform_14(%arg0: i32) -> (i32, i32) {
    %c0_i32 = arith.constant 0 : i32
    %c0_i32_0 = arith.constant 0 : i32
    %c0_i32_1 = arith.constant 0 : i32
    return %c0_i32, %c0_i32_0 : i32, i32
  }
  func.func @transform_15(%arg0: i32) -> (i32, i32) {
    %c0_i32 = arith.constant 0 : i32
    %c0_i32_0 = arith.constant 0 : i32
    %c0_i32_1 = arith.constant 0 : i32
    return %c0_i32, %c0_i32_0 : i32, i32
  }
  func.func @transform_16(%arg0: i32) -> (i32, i32) {
    %c0_i32 = arith.constant 0 : i32
    %c0_i32_0 = arith.constant 0 : i32
    return %arg0, %c0_i32 : i32, i32
  }
  func.func @transform_17(%arg0: i32) -> (i32, i32) {
    %c0_i32 = arith.constant 0 : i32
    %c0_i32_0 = arith.constant 0 : i32
    return %arg0, %c0_i32 : i32, i32
  }
}

module attributes {stable_mosaic.version = 14 : i64} {
  func.func @_edge2_body(%arg0: i32, %arg1: memref<160xi32, #tpu.memory_space<smem>>, %arg2: memref<160xi32, #tpu.memory_space<smem>>, %arg3: memref<1x1x1024xi32, #tpu.memory_space<vmem>>, %arg4: memref<1024x128xf32, #tpu.memory_space<vmem>>, %arg5: memref<1024x128xf32, #tpu.memory_space<vmem>>, %arg6: memref<10512x128xf32, #tpu.memory_space<vmem>>, %arg7: memref<10512x128xf32, #tpu.memory_space<vmem>>, %arg8: memref<10512x128xf32, #tpu.memory_space<vmem>>, %arg9: memref<80x128xf32, #tpu.memory_space<vmem>>, %arg10: memref<128x128xf32, #tpu.memory_space<vmem>>, %arg11: memref<128x128xf32, #tpu.memory_space<vmem>>, %arg12: memref<1x128xf32, #tpu.memory_space<vmem>>, %arg13: memref<1x128xf32, #tpu.memory_space<vmem>>, %arg14: memref<1x128xf32, #tpu.memory_space<vmem>>, %arg15: memref<128x128xf32, #tpu.memory_space<vmem>>, %arg16: memref<1x128xf32, #tpu.memory_space<vmem>>, %arg17: memref<80x128xf32, #tpu.memory_space<vmem>>, %arg18: memref<128x128xf32, #tpu.memory_space<vmem>>, %arg19: memref<128x128xf32, #tpu.memory_space<vmem>>, %arg20: memref<1x128xf32, #tpu.memory_space<vmem>>, %arg21: memref<1x128xf32, #tpu.memory_space<vmem>>, %arg22: memref<1x128xf32, #tpu.memory_space<vmem>>, %arg23: memref<128x16xf32, #tpu.memory_space<vmem>>, %arg24: memref<1x16xf32, #tpu.memory_space<vmem>>, %arg25: memref<80x16xf32, #tpu.memory_space<vmem>>, %arg26: memref<1x16xf32, #tpu.memory_space<vmem>>, %arg27: memref<10512x48xf32, #tpu.memory_space<vmem>>, %arg28: memref<10512x16xf32, #tpu.memory_space<vmem>>, %arg29: memref<1024x128xf32, #tpu.memory_space<vmem>>, %arg30: memref<1024x128xf32, #tpu.memory_space<vmem>>, %arg31: memref<1024x16xf32, #tpu.memory_space<vmem>>) attributes {dimension_semantics = [#tpu.dimension_semantics<arbitrary>], iteration_bounds = array<i64: 160>, scalar_prefetch = 2 : i64, scratch_operands = 3 : i64, tpu.core_type = #tpu.core_type<tc>, window_params = [{transform_indices = @transform_0, window_bounds = array<i64: 1, 1, 1024>}, {transform_indices = @transform_1, window_bounds = array<i64: 1024, 128>}, {transform_indices = @transform_2, window_bounds = array<i64: 1024, 128>}, {pipeline_mode = #tpu.pipeline_mode<synchronous>, transform_indices = @transform_3, window_bounds = array<i64: 10512, 128>}, {pipeline_mode = #tpu.pipeline_mode<synchronous>, transform_indices = @transform_4, window_bounds = array<i64: 10512, 128>}, {pipeline_mode = #tpu.pipeline_mode<synchronous>, transform_indices = @transform_5, window_bounds = array<i64: 10512, 128>}, {pipeline_mode = #tpu.pipeline_mode<synchronous>, transform_indices = @transform_6, window_bounds = array<i64: 80, 128>}, {pipeline_mode = #tpu.pipeline_mode<synchronous>, transform_indices = @transform_7, window_bounds = array<i64: 128, 128>}, {pipeline_mode = #tpu.pipeline_mode<synchronous>, transform_indices = @transform_8, window_bounds = array<i64: 128, 128>}, {pipeline_mode = #tpu.pipeline_mode<synchronous>, transform_indices = @transform_9, window_bounds = array<i64: 1, 128>}, {pipeline_mode = #tpu.pipeline_mode<synchronous>, transform_indices = @transform_10, window_bounds = array<i64: 1, 128>}, {pipeline_mode = #tpu.pipeline_mode<synchronous>, transform_indices = @transform_11, window_bounds = array<i64: 1, 128>}, {pipeline_mode = #tpu.pipeline_mode<synchronous>, transform_indices = @transform_12, window_bounds = array<i64: 128, 128>}, {pipeline_mode = #tpu.pipeline_mode<synchronous>, transform_indices = @transform_13, window_bounds = array<i64: 1, 128>}, {pipeline_mode = #tpu.pipeline_mode<synchronous>, transform_indices = @transform_14, window_bounds = array<i64: 80, 128>}, {pipeline_mode = #tpu.pipeline_mode<synchronous>, transform_indices = @transform_15, window_bounds = array<i64: 128, 128>}, {pipeline_mode = #tpu.pipeline_mode<synchronous>, transform_indices = @transform_16, window_bounds = array<i64: 128, 128>}, {pipeline_mode = #tpu.pipeline_mode<synchronous>, transform_indices = @transform_17, window_bounds = array<i64: 1, 128>}, {pipeline_mode = #tpu.pipeline_mode<synchronous>, transform_indices = @transform_18, window_bounds = array<i64: 1, 128>}, {pipeline_mode = #tpu.pipeline_mode<synchronous>, transform_indices = @transform_19, window_bounds = array<i64: 1, 128>}, {pipeline_mode = #tpu.pipeline_mode<synchronous>, transform_indices = @transform_20, window_bounds = array<i64: 128, 16>}, {pipeline_mode = #tpu.pipeline_mode<synchronous>, transform_indices = @transform_21, window_bounds = array<i64: 1, 16>}, {pipeline_mode = #tpu.pipeline_mode<synchronous>, transform_indices = @transform_22, window_bounds = array<i64: 80, 16>}, {pipeline_mode = #tpu.pipeline_mode<synchronous>, transform_indices = @transform_23, window_bounds = array<i64: 1, 16>}, {pipeline_mode = #tpu.pipeline_mode<synchronous>, transform_indices = @transform_24, window_bounds = array<i64: 10512, 48>}, {pipeline_mode = #tpu.pipeline_mode<synchronous>, transform_indices = @transform_25, window_bounds = array<i64: 10512, 16>}]} {
    %eq3A = arith.constant 0 : i32
    %eq3A_0 = arith.cmpi eq, %arg0, %eq3A : i32
    %convert_element_type3A = arith.extui %eq3A_0 : i1 to i32
    %cond3A = arith.constant 0 : i32
    %cond3A_1 = arith.cmpi ne, %convert_element_type3A, %cond3A : i32
    scf.if %cond3A_1 {
      %broadcast_in_dim3A_329 = arith.constant 0.000000e+00 : f32
      %broadcast_in_dim3A_330 = vector.broadcast %broadcast_in_dim3A_329 : f32 to vector<10512x48xf32>
      %swap3A_331 = arith.constant 0 : index
      %swap3A_332 = arith.constant 0 : index
      %swap3A_333 = vector.load %arg27[%swap3A_331, %swap3A_332] : memref<10512x48xf32, #tpu.memory_space<vmem>>, vector<10512x48xf32>
      tpu.vector_store %arg27[%swap3A_331, %swap3A_332], %broadcast_in_dim3A_330 {strides = array<i32>} : memref<10512x48xf32, #tpu.memory_space<vmem>>, vector<10512x48xf32>,
      %broadcast_in_dim3A_334 = arith.constant 0.000000e+00 : f32
      %broadcast_in_dim3A_335 = vector.broadcast %broadcast_in_dim3A_334 : f32 to vector<10512x16xf32>
      %swap3A_336 = arith.constant 0 : index
      %swap3A_337 = arith.constant 0 : index
      %swap3A_338 = vector.load %arg28[%swap3A_336, %swap3A_337] : memref<10512x16xf32, #tpu.memory_space<vmem>>, vector<10512x16xf32>
      tpu.vector_store %arg28[%swap3A_336, %swap3A_337], %broadcast_in_dim3A_335 {strides = array<i32>} : memref<10512x16xf32, #tpu.memory_space<vmem>>, vector<10512x16xf32>,
    } else {
    }
    %get3A = arith.constant 0 : index
    %get3A_2 = arith.constant 0 : index
    %get3A_3 = arith.constant 0 : index
    %get3A_4 = vector.load %arg3[%get3A, %get3A_2, %get3A_3] : memref<1x1x1024xi32, #tpu.memory_space<vmem>>, vector<1x1x1024xi32>
    %get3A_5 = vector.shape_cast %get3A_4 : vector<1x1x1024xi32> to vector<1024xi32>
    %get3A_6 = arith.constant 0 : index
    %get3A_7 = arith.constant 0 : index
    %get3A_8 = vector.load %arg4[%get3A_6, %get3A_7] : memref<1024x128xf32, #tpu.memory_space<vmem>>, vector<1024x128xf32>
    %get3A_9 = arith.index_cast %arg0 : i32 to index
    %get3A_10 = memref.load %arg1[%get3A_9] : memref<160xi32, #tpu.memory_space<smem>>
    %broadcast_in_dim3A = arith.constant 0.000000e+00 : f32
    %broadcast_in_dim3A_11 = vector.broadcast %broadcast_in_dim3A : f32 to vector<1024x128xf32>
    %swap3A = arith.constant 0 : index
    %swap3A_12 = arith.constant 0 : index
    %swap3A_13 = vector.load %arg29[%swap3A, %swap3A_12] : memref<1024x128xf32, #tpu.memory_space<vmem>>, vector<1024x128xf32>
    tpu.vector_store %arg29[%swap3A, %swap3A_12], %broadcast_in_dim3A_11 {strides = array<i32>} : memref<1024x128xf32, #tpu.memory_space<vmem>>, vector<1024x128xf32>,
    %broadcast_in_dim3A_14 = arith.constant 0.000000e+00 : f32
    %broadcast_in_dim3A_15 = vector.broadcast %broadcast_in_dim3A_14 : f32 to vector<1024x128xf32>
    %swap3A_16 = arith.constant 0 : index
    %swap3A_17 = arith.constant 0 : index
    %swap3A_18 = vector.load %arg30[%swap3A_16, %swap3A_17] : memref<1024x128xf32, #tpu.memory_space<vmem>>, vector<1024x128xf32>
    tpu.vector_store %arg30[%swap3A_16, %swap3A_17], %broadcast_in_dim3A_15 {strides = array<i32>} : memref<1024x128xf32, #tpu.memory_space<vmem>>, vector<1024x128xf32>,
    %broadcast_in_dim3A_19 = arith.constant 0.000000e+00 : f32
    %broadcast_in_dim3A_20 = vector.broadcast %broadcast_in_dim3A_19 : f32 to vector<1024x16xf32>
    %swap3A_21 = arith.constant 0 : index
    %swap3A_22 = arith.constant 0 : index
    %swap3A_23 = vector.load %arg31[%swap3A_21, %swap3A_22] : memref<1024x16xf32, #tpu.memory_space<vmem>>, vector<1024x16xf32>
    tpu.vector_store %arg31[%swap3A_21, %swap3A_22], %broadcast_in_dim3A_20 {strides = array<i32>} : memref<1024x16xf32, #tpu.memory_space<vmem>>, vector<1024x16xf32>,
    %get3A_24 = arith.index_cast %arg0 : i32 to index
    %get3A_25 = memref.load %arg2[%get3A_24] : memref<160xi32, #tpu.memory_space<smem>>
    %while3A = arith.constant 0 : i32
    %while3A_26 = arith.constant 0 : i32
    %while3A_27 = arith.subi %get3A_25, %while3A_26 : i32
    %while3A_28 = arith.addi %while3A_26, %while3A_27 : i32
    %while3A_29 = arith.constant 1 : i32
    %while3A_30 = arith.divsi %while3A_27, %while3A_29 : i32
    %while3A_31 = arith.muli %while3A_30, %while3A_29 : i32
    %while3A_32 = arith.addi %while3A_26, %while3A_31 : i32
    %while3A_33 = arith.constant 1 : i32
    scf.for %while3A_329 = %while3A_26 to %while3A_32 step %while3A_33  : i32 {
      %mul3A_330 = arith.constant 512 : i32
      %mul3A_331 = arith.muli %while3A_329, %mul3A_330 : i32
      %add3A_332 = arith.addi %get3A_10, %mul3A_331 : i32
      %broadcast_in_dim3A_333 = vector.shape_cast %get3A_5 : vector<1024xi32> to vector<1024x1xi32>
      %iota3A_334 = tpu.iota {dimensions = array<i32: 1>} : vector<1024x512xi32>
      %add3A_335 = vector.broadcast %add3A_332 : i32 to vector<1024x512xi32>
      %add3A_336 = arith.addi %add3A_335, %iota3A_334 : vector<1024x512xi32>
      %eq3A_337 = vector.broadcast %broadcast_in_dim3A_333 : vector<1024x1xi32> to vector<1024x512xi32>
      %eq3A_338 = arith.cmpi eq, %eq3A_337, %add3A_336 : vector<1024x512xi32>
      %convert_element_type3A_339 = arith.extui %eq3A_338 : vector<1024x512xi1> to vector<1024x512xi32>
      %convert_element_type3A_340 = arith.sitofp %convert_element_type3A_339 : vector<1024x512xi32> to vector<1024x512xf32>
      %get3A_341 = arith.constant 0 : index
      %get3A_342 = arith.constant 0 : index
      %get3A_343 = vector.load %arg29[%get3A_341, %get3A_342] : memref<1024x128xf32, #tpu.memory_space<vmem>>, vector<1024x128xf32>
      %get3A_344 = arith.index_cast %add3A_332 : i32 to index
      %get3A_345 = arith.constant 0 : index
      %get3A_346 = vector.load %arg6[%get3A_344, %get3A_345] : memref<10512x128xf32, #tpu.memory_space<vmem>>, vector<512x128xf32>
      %dot_general3A_347 = arith.constant dense<0.000000e+00> : vector<1024x128xf32>
      %dot_general3A_348 = tpu.matmul %convert_element_type3A_340, %get3A_346, %dot_general3A_347 {dimension_numbers = #tpu.dot_dimension_numbers<[1], [0], [0], [1], [0, 0, 1, 1], [], []>, transpose_lhs_hint = false} : vector<1024x512xf32>, vector<512x128xf32>, vector<1024x128xf32> -> vector<1024x128xf32>
      %add3A_349 = arith.addf %get3A_343, %dot_general3A_348 : vector<1024x128xf32>
      %swap3A_350 = arith.constant 0 : index
      %swap3A_351 = arith.constant 0 : index
      %swap3A_352 = vector.load %arg29[%swap3A_350, %swap3A_351] : memref<1024x128xf32, #tpu.memory_space<vmem>>, vector<1024x128xf32>
      tpu.vector_store %arg29[%swap3A_350, %swap3A_351], %add3A_349 {strides = array<i32>} : memref<1024x128xf32, #tpu.memory_space<vmem>>, vector<1024x128xf32>,
      %get3A_353 = arith.constant 0 : index
      %get3A_354 = arith.constant 0 : index
      %get3A_355 = vector.load %arg30[%get3A_353, %get3A_354] : memref<1024x128xf32, #tpu.memory_space<vmem>>, vector<1024x128xf32>
      %get3A_356 = arith.index_cast %add3A_332 : i32 to index
      %get3A_357 = arith.constant 0 : index
      %get3A_358 = vector.load %arg7[%get3A_356, %get3A_357] : memref<10512x128xf32, #tpu.memory_space<vmem>>, vector<512x128xf32>
      %dot_general3A_359 = arith.constant dense<0.000000e+00> : vector<1024x128xf32>
      %dot_general3A_360 = tpu.matmul %convert_element_type3A_340, %get3A_358, %dot_general3A_359 {dimension_numbers = #tpu.dot_dimension_numbers<[1], [0], [0], [1], [0, 0, 1, 1], [], []>, transpose_lhs_hint = false} : vector<1024x512xf32>, vector<512x128xf32>, vector<1024x128xf32> -> vector<1024x128xf32>
      %add3A_361 = arith.addf %get3A_355, %dot_general3A_360 : vector<1024x128xf32>
      %swap3A_362 = arith.constant 0 : index
      %swap3A_363 = arith.constant 0 : index
      %swap3A_364 = vector.load %arg30[%swap3A_362, %swap3A_363] : memref<1024x128xf32, #tpu.memory_space<vmem>>, vector<1024x128xf32>
      tpu.vector_store %arg30[%swap3A_362, %swap3A_363], %add3A_361 {strides = array<i32>} : memref<1024x128xf32, #tpu.memory_space<vmem>>, vector<1024x128xf32>,
      %get3A_365 = arith.constant 0 : index
      %get3A_366 = arith.constant 0 : index
      %get3A_367 = vector.load %arg31[%get3A_365, %get3A_366] : memref<1024x16xf32, #tpu.memory_space<vmem>>, vector<1024x16xf32>
      %get3A_368 = arith.index_cast %add3A_332 : i32 to index
      %get3A_369 = arith.constant 0 : index
      %get3A_370 = vector.load %arg8[%get3A_368, %get3A_369] : memref<10512x128xf32, #tpu.memory_space<vmem>>, vector<512x128xf32>
      %slice3A_371 = vector.extract_strided_slice %get3A_370 {offsets = [0, 0], sizes = [512, 16], strides = [1, 1]} : vector<512x128xf32> to vector<512x16xf32>
      %dot_general3A_372 = arith.constant dense<0.000000e+00> : vector<1024x16xf32>
      %dot_general3A_373 = tpu.matmul %convert_element_type3A_340, %slice3A_371, %dot_general3A_372 {dimension_numbers = #tpu.dot_dimension_numbers<[1], [0], [0], [1], [0, 0, 1, 1], [], []>, transpose_lhs_hint = false} : vector<1024x512xf32>, vector<512x16xf32>, vector<1024x16xf32> -> vector<1024x16xf32>
      %add3A_374 = arith.addf %get3A_367, %dot_general3A_373 : vector<1024x16xf32>
      %swap3A_375 = arith.constant 0 : index
      %swap3A_376 = arith.constant 0 : index
      %swap3A_377 = vector.load %arg31[%swap3A_375, %swap3A_376] : memref<1024x16xf32, #tpu.memory_space<vmem>>, vector<1024x16xf32>
      tpu.vector_store %arg31[%swap3A_375, %swap3A_376], %add3A_374 {strides = array<i32>} : memref<1024x16xf32, #tpu.memory_space<vmem>>, vector<1024x16xf32>,
    }
    %while3A_34 = arith.constant 1 : i32
    scf.for %while3A_329 = %while3A_32 to %while3A_28 step %while3A_34  : i32 {
      %mul3A_330 = arith.constant 512 : i32
      %mul3A_331 = arith.muli %while3A_329, %mul3A_330 : i32
      %add3A_332 = arith.addi %get3A_10, %mul3A_331 : i32
      %broadcast_in_dim3A_333 = vector.shape_cast %get3A_5 : vector<1024xi32> to vector<1024x1xi32>
      %iota3A_334 = tpu.iota {dimensions = array<i32: 1>} : vector<1024x512xi32>
      %add3A_335 = vector.broadcast %add3A_332 : i32 to vector<1024x512xi32>
      %add3A_336 = arith.addi %add3A_335, %iota3A_334 : vector<1024x512xi32>
      %eq3A_337 = vector.broadcast %broadcast_in_dim3A_333 : vector<1024x1xi32> to vector<1024x512xi32>
      %eq3A_338 = arith.cmpi eq, %eq3A_337, %add3A_336 : vector<1024x512xi32>
      %convert_element_type3A_339 = arith.extui %eq3A_338 : vector<1024x512xi1> to vector<1024x512xi32>
      %convert_element_type3A_340 = arith.sitofp %convert_element_type3A_339 : vector<1024x512xi32> to vector<1024x512xf32>
      %get3A_341 = arith.constant 0 : index
      %get3A_342 = arith.constant 0 : index
      %get3A_343 = vector.load %arg29[%get3A_341, %get3A_342] : memref<1024x128xf32, #tpu.memory_space<vmem>>, vector<1024x128xf32>
      %get3A_344 = arith.index_cast %add3A_332 : i32 to index
      %get3A_345 = arith.constant 0 : index
      %get3A_346 = vector.load %arg6[%get3A_344, %get3A_345] : memref<10512x128xf32, #tpu.memory_space<vmem>>, vector<512x128xf32>
      %dot_general3A_347 = arith.constant dense<0.000000e+00> : vector<1024x128xf32>
      %dot_general3A_348 = tpu.matmul %convert_element_type3A_340, %get3A_346, %dot_general3A_347 {dimension_numbers = #tpu.dot_dimension_numbers<[1], [0], [0], [1], [0, 0, 1, 1], [], []>, transpose_lhs_hint = false} : vector<1024x512xf32>, vector<512x128xf32>, vector<1024x128xf32> -> vector<1024x128xf32>
      %add3A_349 = arith.addf %get3A_343, %dot_general3A_348 : vector<1024x128xf32>
      %swap3A_350 = arith.constant 0 : index
      %swap3A_351 = arith.constant 0 : index
      %swap3A_352 = vector.load %arg29[%swap3A_350, %swap3A_351] : memref<1024x128xf32, #tpu.memory_space<vmem>>, vector<1024x128xf32>
      tpu.vector_store %arg29[%swap3A_350, %swap3A_351], %add3A_349 {strides = array<i32>} : memref<1024x128xf32, #tpu.memory_space<vmem>>, vector<1024x128xf32>,
      %get3A_353 = arith.constant 0 : index
      %get3A_354 = arith.constant 0 : index
      %get3A_355 = vector.load %arg30[%get3A_353, %get3A_354] : memref<1024x128xf32, #tpu.memory_space<vmem>>, vector<1024x128xf32>
      %get3A_356 = arith.index_cast %add3A_332 : i32 to index
      %get3A_357 = arith.constant 0 : index
      %get3A_358 = vector.load %arg7[%get3A_356, %get3A_357] : memref<10512x128xf32, #tpu.memory_space<vmem>>, vector<512x128xf32>
      %dot_general3A_359 = arith.constant dense<0.000000e+00> : vector<1024x128xf32>
      %dot_general3A_360 = tpu.matmul %convert_element_type3A_340, %get3A_358, %dot_general3A_359 {dimension_numbers = #tpu.dot_dimension_numbers<[1], [0], [0], [1], [0, 0, 1, 1], [], []>, transpose_lhs_hint = false} : vector<1024x512xf32>, vector<512x128xf32>, vector<1024x128xf32> -> vector<1024x128xf32>
      %add3A_361 = arith.addf %get3A_355, %dot_general3A_360 : vector<1024x128xf32>
      %swap3A_362 = arith.constant 0 : index
      %swap3A_363 = arith.constant 0 : index
      %swap3A_364 = vector.load %arg30[%swap3A_362, %swap3A_363] : memref<1024x128xf32, #tpu.memory_space<vmem>>, vector<1024x128xf32>
      tpu.vector_store %arg30[%swap3A_362, %swap3A_363], %add3A_361 {strides = array<i32>} : memref<1024x128xf32, #tpu.memory_space<vmem>>, vector<1024x128xf32>,
      %get3A_365 = arith.constant 0 : index
      %get3A_366 = arith.constant 0 : index
      %get3A_367 = vector.load %arg31[%get3A_365, %get3A_366] : memref<1024x16xf32, #tpu.memory_space<vmem>>, vector<1024x16xf32>
      %get3A_368 = arith.index_cast %add3A_332 : i32 to index
      %get3A_369 = arith.constant 0 : index
      %get3A_370 = vector.load %arg8[%get3A_368, %get3A_369] : memref<10512x128xf32, #tpu.memory_space<vmem>>, vector<512x128xf32>
      %slice3A_371 = vector.extract_strided_slice %get3A_370 {offsets = [0, 0], sizes = [512, 16], strides = [1, 1]} : vector<512x128xf32> to vector<512x16xf32>
      %dot_general3A_372 = arith.constant dense<0.000000e+00> : vector<1024x16xf32>
      %dot_general3A_373 = tpu.matmul %convert_element_type3A_340, %slice3A_371, %dot_general3A_372 {dimension_numbers = #tpu.dot_dimension_numbers<[1], [0], [0], [1], [0, 0, 1, 1], [], []>, transpose_lhs_hint = false} : vector<1024x512xf32>, vector<512x16xf32>, vector<1024x16xf32> -> vector<1024x16xf32>
      %add3A_374 = arith.addf %get3A_367, %dot_general3A_373 : vector<1024x16xf32>
      %swap3A_375 = arith.constant 0 : index
      %swap3A_376 = arith.constant 0 : index
      %swap3A_377 = vector.load %arg31[%swap3A_375, %swap3A_376] : memref<1024x16xf32, #tpu.memory_space<vmem>>, vector<1024x16xf32>
      tpu.vector_store %arg31[%swap3A_375, %swap3A_376], %add3A_374 {strides = array<i32>} : memref<1024x16xf32, #tpu.memory_space<vmem>>, vector<1024x16xf32>,
    }
    %get3A_35 = arith.constant 0 : index
    %get3A_36 = arith.constant 0 : index
    %get3A_37 = vector.load %arg29[%get3A_35, %get3A_36] : memref<1024x128xf32, #tpu.memory_space<vmem>>, vector<1024x128xf32>
    %get3A_38 = arith.constant 0 : index
    %get3A_39 = arith.constant 0 : index
    %get3A_40 = vector.load %arg30[%get3A_38, %get3A_39] : memref<1024x128xf32, #tpu.memory_space<vmem>>, vector<1024x128xf32>
    %get3A_41 = arith.constant 0 : index
    %get3A_42 = arith.constant 0 : index
    %get3A_43 = vector.load %arg5[%get3A_41, %get3A_42] : memref<1024x128xf32, #tpu.memory_space<vmem>>, vector<1024x128xf32>
    %slice3A = vector.extract_strided_slice %get3A_43 {offsets = [0, 0], sizes = [1024, 16], strides = [1, 1]} : vector<1024x128xf32> to vector<1024x16xf32>
    %get3A_44 = arith.constant 0 : index
    %get3A_45 = arith.constant 0 : index
    %get3A_46 = vector.load %arg31[%get3A_44, %get3A_45] : memref<1024x16xf32, #tpu.memory_space<vmem>>, vector<1024x16xf32>
    %iota3A = tpu.iota {dimensions = array<i32: 1>} : vector<1x16xi32>
    %sub3A = arith.subf %get3A_46, %slice3A : vector<1024x16xf32>
    %lt3A = arith.constant 3 : i32
    %lt3A_47 = vector.broadcast %lt3A : i32 to vector<1x16xi32>
    %lt3A_48 = arith.cmpi slt, %iota3A, %lt3A_47 : vector<1x16xi32>
    %convert_element_type3A_49 = arith.extui %lt3A_48 : vector<1x16xi1> to vector<1x16xi32>
    %convert_element_type3A_50 = arith.sitofp %convert_element_type3A_49 : vector<1x16xi32> to vector<1x16xf32>
    %mul3A = vector.broadcast %convert_element_type3A_50 : vector<1x16xf32> to vector<1024x16xf32>
    %mul3A_51 = arith.mulf %sub3A, %mul3A : vector<1024x16xf32>
    %mul3A_52 = arith.mulf %mul3A_51, %mul3A_51 : vector<1024x16xf32>
    %reduce_sum3A = arith.constant dense<0.000000e+00> : vector<1024xf32>
    %reduce_sum3A_53 = vector.multi_reduction <add>, %mul3A_52, %reduce_sum3A [1] : vector<1024x16xf32> to vector<1024xf32>
    %broadcast_in_dim3A_54 = vector.shape_cast %reduce_sum3A_53 : vector<1024xf32> to vector<1024x1xf32>
    %add3A = arith.constant 9.99999996E-13 : f32
    %add3A_55 = vector.broadcast %add3A : f32 to vector<1024x1xf32>
    %add3A_56 = arith.addf %broadcast_in_dim3A_54, %add3A_55 : vector<1024x1xf32>
    %sqrt3A = math.sqrt %add3A_56 : vector<1024x1xf32>
    %iota3A_57 = tpu.iota {dimensions = array<i32: 1>} : vector<1x20xi32>
    %convert_element_type3A_58 = arith.sitofp %iota3A_57 : vector<1x20xi32> to vector<1x20xf32>
    %mul3A_59 = arith.constant 0.526315808 : f32
    %mul3A_60 = vector.broadcast %mul3A_59 : f32 to vector<1x20xf32>
    %mul3A_61 = arith.mulf %convert_element_type3A_58, %mul3A_60 : vector<1x20xf32>
    %sub3A_62 = vector.broadcast %sqrt3A : vector<1024x1xf32> to vector<1024x20xf32>
    %sub3A_63 = vector.broadcast %mul3A_61 : vector<1x20xf32> to vector<1024x20xf32>
    %sub3A_64 = arith.subf %sub3A_62, %sub3A_63 : vector<1024x20xf32>
    %integer_pow3A = arith.mulf %sub3A_64, %sub3A_64 : vector<1024x20xf32>
    %mul3A_65 = arith.constant -1.805000e+00 : f32
    %mul3A_66 = vector.broadcast %mul3A_65 : f32 to vector<1024x20xf32>
    %mul3A_67 = arith.mulf %mul3A_66, %integer_pow3A : vector<1024x20xf32>
    %exp3A = math.exp %mul3A_67 : vector<1024x20xf32>
    %slice3A_68 = vector.extract_strided_slice %slice3A {offsets = [0, 3], sizes = [1024, 1], strides = [1, 1]} : vector<1024x16xf32> to vector<1024x1xf32>
    %slice3A_69 = vector.extract_strided_slice %get3A_46 {offsets = [0, 3], sizes = [1024, 1], strides = [1, 1]} : vector<1024x16xf32> to vector<1024x1xf32>
    %sub3A_70 = arith.constant 1.000000e+00 : f32
    %sub3A_71 = vector.broadcast %sub3A_70 : f32 to vector<1024x1xf32>
    %sub3A_72 = arith.subf %sub3A_71, %slice3A_68 : vector<1024x1xf32>
    %mul3A_73 = arith.constant 2.000000e+00 : f32
    %mul3A_74 = vector.broadcast %mul3A_73 : f32 to vector<1024x1xf32>
    %mul3A_75 = arith.mulf %sub3A_72, %mul3A_74 : vector<1024x1xf32>
    %sub3A_76 = arith.constant 1.000000e+00 : f32
    %sub3A_77 = vector.broadcast %sub3A_76 : f32 to vector<1024x1xf32>
    %sub3A_78 = arith.subf %sub3A_77, %slice3A_69 : vector<1024x1xf32>
    %add3A_79 = arith.addf %mul3A_75, %sub3A_78 : vector<1024x1xf32>
    %eq3A_80 = arith.constant 0.000000e+00 : f32
    %eq3A_81 = vector.broadcast %eq3A_80 : f32 to vector<1024x1xf32>
    %eq3A_82 = arith.cmpf oeq, %add3A_79, %eq3A_81 : vector<1024x1xf32>
    %convert_element_type3A_83 = arith.extui %eq3A_82 : vector<1024x1xi1> to vector<1024x1xi32>
    %convert_element_type3A_84 = arith.sitofp %convert_element_type3A_83 : vector<1024x1xi32> to vector<1024x1xf32>
    %mul3A_85 = vector.broadcast %convert_element_type3A_84 : vector<1024x1xf32> to vector<1024x20xf32>
    %mul3A_86 = arith.mulf %exp3A, %mul3A_85 : vector<1024x20xf32>
    %eq3A_87 = arith.constant 1.000000e+00 : f32
    %eq3A_88 = vector.broadcast %eq3A_87 : f32 to vector<1024x1xf32>
    %eq3A_89 = arith.cmpf oeq, %add3A_79, %eq3A_88 : vector<1024x1xf32>
    %convert_element_type3A_90 = arith.extui %eq3A_89 : vector<1024x1xi1> to vector<1024x1xi32>
    %convert_element_type3A_91 = arith.sitofp %convert_element_type3A_90 : vector<1024x1xi32> to vector<1024x1xf32>
    %mul3A_92 = vector.broadcast %convert_element_type3A_91 : vector<1024x1xf32> to vector<1024x20xf32>
    %mul3A_93 = arith.mulf %exp3A, %mul3A_92 : vector<1024x20xf32>
    %eq3A_94 = arith.constant 2.000000e+00 : f32
    %eq3A_95 = vector.broadcast %eq3A_94 : f32 to vector<1024x1xf32>
    %eq3A_96 = arith.cmpf oeq, %add3A_79, %eq3A_95 : vector<1024x1xf32>
    %convert_element_type3A_97 = arith.extui %eq3A_96 : vector<1024x1xi1> to vector<1024x1xi32>
    %convert_element_type3A_98 = arith.sitofp %convert_element_type3A_97 : vector<1024x1xi32> to vector<1024x1xf32>
    %mul3A_99 = vector.broadcast %convert_element_type3A_98 : vector<1024x1xf32> to vector<1024x20xf32>
    %mul3A_100 = arith.mulf %exp3A, %mul3A_99 : vector<1024x20xf32>
    %eq3A_101 = arith.constant 3.000000e+00 : f32
    %eq3A_102 = vector.broadcast %eq3A_101 : f32 to vector<1024x1xf32>
    %eq3A_103 = arith.cmpf oeq, %add3A_79, %eq3A_102 : vector<1024x1xf32>
    %convert_element_type3A_104 = arith.extui %eq3A_103 : vector<1024x1xi1> to vector<1024x1xi32>
    %convert_element_type3A_105 = arith.sitofp %convert_element_type3A_104 : vector<1024x1xi32> to vector<1024x1xf32>
    %mul3A_106 = vector.broadcast %convert_element_type3A_105 : vector<1024x1xf32> to vector<1024x20xf32>
    %mul3A_107 = arith.mulf %exp3A, %mul3A_106 : vector<1024x20xf32>
    %concatenate3A = tpu.concatenate %mul3A_86, %mul3A_93, %mul3A_100, %mul3A_107 in 1 : vector<1024x20xf32>, vector<1024x20xf32>, vector<1024x20xf32>, vector<1024x20xf32> -> vector<1024x80xf32>
    %get3A_108 = arith.constant 0 : index
    %get3A_109 = arith.constant 0 : index
    %get3A_110 = vector.load %arg9[%get3A_108, %get3A_109] : memref<80x128xf32, #tpu.memory_space<vmem>>, vector<80x128xf32>
    %dot_general3A = arith.constant dense<0.000000e+00> : vector<1024x128xf32>
    %dot_general3A_111 = tpu.matmul %concatenate3A, %get3A_110, %dot_general3A {dimension_numbers = #tpu.dot_dimension_numbers<[1], [0], [0], [1], [0, 0, 1, 1], [], []>, transpose_lhs_hint = false} : vector<1024x80xf32>, vector<80x128xf32>, vector<1024x128xf32> -> vector<1024x128xf32>
    %get3A_112 = arith.constant 0 : index
    %get3A_113 = arith.constant 0 : index
    %get3A_114 = vector.load %arg10[%get3A_112, %get3A_113] : memref<128x128xf32, #tpu.memory_space<vmem>>, vector<128x128xf32>
    %dot_general3A_115 = arith.constant dense<0.000000e+00> : vector<1024x128xf32>
    %dot_general3A_116 = tpu.matmul %get3A_37, %get3A_114, %dot_general3A_115 {dimension_numbers = #tpu.dot_dimension_numbers<[1], [0], [0], [1], [0, 0, 1, 1], [], []>, transpose_lhs_hint = false} : vector<1024x128xf32>, vector<128x128xf32>, vector<1024x128xf32> -> vector<1024x128xf32>
    %add3A_117 = arith.addf %dot_general3A_111, %dot_general3A_116 : vector<1024x128xf32>
    %get3A_118 = arith.constant 0 : index
    %get3A_119 = arith.constant 0 : index
    %get3A_120 = vector.load %arg11[%get3A_118, %get3A_119] : memref<128x128xf32, #tpu.memory_space<vmem>>, vector<128x128xf32>
    %dot_general3A_121 = arith.constant dense<0.000000e+00> : vector<1024x128xf32>
    %dot_general3A_122 = tpu.matmul %get3A_8, %get3A_120, %dot_general3A_121 {dimension_numbers = #tpu.dot_dimension_numbers<[1], [0], [0], [1], [0, 0, 1, 1], [], []>, transpose_lhs_hint = false} : vector<1024x128xf32>, vector<128x128xf32>, vector<1024x128xf32> -> vector<1024x128xf32>
    %add3A_123 = arith.addf %add3A_117, %dot_general3A_122 : vector<1024x128xf32>
    %get3A_124 = arith.constant 0 : index
    %get3A_125 = arith.constant 0 : index
    %get3A_126 = vector.load %arg12[%get3A_124, %get3A_125] : memref<1x128xf32, #tpu.memory_space<vmem>>, vector<1x128xf32>
    %add3A_127 = vector.broadcast %get3A_126 : vector<1x128xf32> to vector<1024x128xf32>
    %add3A_128 = arith.addf %add3A_123, %add3A_127 : vector<1024x128xf32>
    %get3A_129 = arith.constant 0 : index
    %get3A_130 = arith.constant 0 : index
    %get3A_131 = vector.load %arg13[%get3A_129, %get3A_130] : memref<1x128xf32, #tpu.memory_space<vmem>>, vector<1x128xf32>
    %get3A_132 = arith.constant 0 : index
    %get3A_133 = arith.constant 0 : index
    %get3A_134 = vector.load %arg14[%get3A_132, %get3A_133] : memref<1x128xf32, #tpu.memory_space<vmem>>, vector<1x128xf32>
    %reduce_sum3A_135 = arith.constant dense<0.000000e+00> : vector<1024xf32>
    %reduce_sum3A_136 = vector.multi_reduction <add>, %add3A_128, %reduce_sum3A_135 [1] : vector<1024x128xf32> to vector<1024xf32>
    %broadcast_in_dim3A_137 = vector.shape_cast %reduce_sum3A_136 : vector<1024xf32> to vector<1024x1xf32>
    %div3A = arith.constant 1.280000e+02 : f32
    %div3A_138 = vector.broadcast %div3A : f32 to vector<1024x1xf32>
    %div3A_139 = arith.divf %broadcast_in_dim3A_137, %div3A_138 : vector<1024x1xf32>
    %sub3A_140 = vector.broadcast %div3A_139 : vector<1024x1xf32> to vector<1024x128xf32>
    %sub3A_141 = arith.subf %add3A_128, %sub3A_140 : vector<1024x128xf32>
    %mul3A_142 = arith.mulf %sub3A_141, %sub3A_141 : vector<1024x128xf32>
    %reduce_sum3A_143 = arith.constant dense<0.000000e+00> : vector<1024xf32>
    %reduce_sum3A_144 = vector.multi_reduction <add>, %mul3A_142, %reduce_sum3A_143 [1] : vector<1024x128xf32> to vector<1024xf32>
    %broadcast_in_dim3A_145 = vector.shape_cast %reduce_sum3A_144 : vector<1024xf32> to vector<1024x1xf32>
    %div3A_146 = arith.constant 1.280000e+02 : f32
    %div3A_147 = vector.broadcast %div3A_146 : f32 to vector<1024x1xf32>
    %div3A_148 = arith.divf %broadcast_in_dim3A_145, %div3A_147 : vector<1024x1xf32>
    %add3A_149 = arith.constant 9.99999974E-6 : f32
    %add3A_150 = vector.broadcast %add3A_149 : f32 to vector<1024x1xf32>
    %add3A_151 = arith.addf %div3A_148, %add3A_150 : vector<1024x1xf32>
    %rsqrt3A = math.rsqrt %add3A_151 : vector<1024x1xf32>
    %mul3A_152 = vector.broadcast %rsqrt3A : vector<1024x1xf32> to vector<1024x128xf32>
    %mul3A_153 = arith.mulf %sub3A_141, %mul3A_152 : vector<1024x128xf32>
    %mul3A_154 = vector.broadcast %get3A_131 : vector<1x128xf32> to vector<1024x128xf32>
    %mul3A_155 = arith.mulf %mul3A_153, %mul3A_154 : vector<1024x128xf32>
    %add3A_156 = vector.broadcast %get3A_134 : vector<1x128xf32> to vector<1024x128xf32>
    %add3A_157 = arith.addf %mul3A_155, %add3A_156 : vector<1024x128xf32>
    %max3A = arith.constant 0.000000e+00 : f32
    %max3A_158 = vector.broadcast %max3A : f32 to vector<1024x128xf32>
    %max3A_159 = arith.maximumf %add3A_157, %max3A_158 : vector<1024x128xf32>
    %get3A_160 = arith.constant 0 : index
    %get3A_161 = arith.constant 0 : index
    %get3A_162 = vector.load %arg15[%get3A_160, %get3A_161] : memref<128x128xf32, #tpu.memory_space<vmem>>, vector<128x128xf32>
    %dot_general3A_163 = arith.constant dense<0.000000e+00> : vector<1024x128xf32>
    %dot_general3A_164 = tpu.matmul %max3A_159, %get3A_162, %dot_general3A_163 {dimension_numbers = #tpu.dot_dimension_numbers<[1], [0], [0], [1], [0, 0, 1, 1], [], []>, transpose_lhs_hint = false} : vector<1024x128xf32>, vector<128x128xf32>, vector<1024x128xf32> -> vector<1024x128xf32>
    %get3A_165 = arith.constant 0 : index
    %get3A_166 = arith.constant 0 : index
    %get3A_167 = vector.load %arg16[%get3A_165, %get3A_166] : memref<1x128xf32, #tpu.memory_space<vmem>>, vector<1x128xf32>
    %add3A_168 = vector.broadcast %get3A_167 : vector<1x128xf32> to vector<1024x128xf32>
    %add3A_169 = arith.addf %dot_general3A_164, %add3A_168 : vector<1024x128xf32>
    %get3A_170 = arith.constant 0 : index
    %get3A_171 = arith.constant 0 : index
    %get3A_172 = vector.load %arg17[%get3A_170, %get3A_171] : memref<80x128xf32, #tpu.memory_space<vmem>>, vector<80x128xf32>
    %dot_general3A_173 = arith.constant dense<0.000000e+00> : vector<1024x128xf32>
    %dot_general3A_174 = tpu.matmul %concatenate3A, %get3A_172, %dot_general3A_173 {dimension_numbers = #tpu.dot_dimension_numbers<[1], [0], [0], [1], [0, 0, 1, 1], [], []>, transpose_lhs_hint = false} : vector<1024x80xf32>, vector<80x128xf32>, vector<1024x128xf32> -> vector<1024x128xf32>
    %get3A_175 = arith.constant 0 : index
    %get3A_176 = arith.constant 0 : index
    %get3A_177 = vector.load %arg18[%get3A_175, %get3A_176] : memref<128x128xf32, #tpu.memory_space<vmem>>, vector<128x128xf32>
    %dot_general3A_178 = arith.constant dense<0.000000e+00> : vector<1024x128xf32>
    %dot_general3A_179 = tpu.matmul %get3A_37, %get3A_177, %dot_general3A_178 {dimension_numbers = #tpu.dot_dimension_numbers<[1], [0], [0], [1], [0, 0, 1, 1], [], []>, transpose_lhs_hint = false} : vector<1024x128xf32>, vector<128x128xf32>, vector<1024x128xf32> -> vector<1024x128xf32>
    %add3A_180 = arith.addf %dot_general3A_174, %dot_general3A_179 : vector<1024x128xf32>
    %get3A_181 = arith.constant 0 : index
    %get3A_182 = arith.constant 0 : index
    %get3A_183 = vector.load %arg19[%get3A_181, %get3A_182] : memref<128x128xf32, #tpu.memory_space<vmem>>, vector<128x128xf32>
    %dot_general3A_184 = arith.constant dense<0.000000e+00> : vector<1024x128xf32>
    %dot_general3A_185 = tpu.matmul %get3A_8, %get3A_183, %dot_general3A_184 {dimension_numbers = #tpu.dot_dimension_numbers<[1], [0], [0], [1], [0, 0, 1, 1], [], []>, transpose_lhs_hint = false} : vector<1024x128xf32>, vector<128x128xf32>, vector<1024x128xf32> -> vector<1024x128xf32>
    %add3A_186 = arith.addf %add3A_180, %dot_general3A_185 : vector<1024x128xf32>
    %get3A_187 = arith.constant 0 : index
    %get3A_188 = arith.constant 0 : index
    %get3A_189 = vector.load %arg20[%get3A_187, %get3A_188] : memref<1x128xf32, #tpu.memory_space<vmem>>, vector<1x128xf32>
    %add3A_190 = vector.broadcast %get3A_189 : vector<1x128xf32> to vector<1024x128xf32>
    %add3A_191 = arith.addf %add3A_186, %add3A_190 : vector<1024x128xf32>
    %get3A_192 = arith.constant 0 : index
    %get3A_193 = arith.constant 0 : index
    %get3A_194 = vector.load %arg21[%get3A_192, %get3A_193] : memref<1x128xf32, #tpu.memory_space<vmem>>, vector<1x128xf32>
    %get3A_195 = arith.constant 0 : index
    %get3A_196 = arith.constant 0 : index
    %get3A_197 = vector.load %arg22[%get3A_195, %get3A_196] : memref<1x128xf32, #tpu.memory_space<vmem>>, vector<1x128xf32>
    %reduce_sum3A_198 = arith.constant dense<0.000000e+00> : vector<1024xf32>
    %reduce_sum3A_199 = vector.multi_reduction <add>, %add3A_191, %reduce_sum3A_198 [1] : vector<1024x128xf32> to vector<1024xf32>
    %broadcast_in_dim3A_200 = vector.shape_cast %reduce_sum3A_199 : vector<1024xf32> to vector<1024x1xf32>
    %div3A_201 = arith.constant 1.280000e+02 : f32
    %div3A_202 = vector.broadcast %div3A_201 : f32 to vector<1024x1xf32>
    %div3A_203 = arith.divf %broadcast_in_dim3A_200, %div3A_202 : vector<1024x1xf32>
    %sub3A_204 = vector.broadcast %div3A_203 : vector<1024x1xf32> to vector<1024x128xf32>
    %sub3A_205 = arith.subf %add3A_191, %sub3A_204 : vector<1024x128xf32>
    %mul3A_206 = arith.mulf %sub3A_205, %sub3A_205 : vector<1024x128xf32>
    %reduce_sum3A_207 = arith.constant dense<0.000000e+00> : vector<1024xf32>
    %reduce_sum3A_208 = vector.multi_reduction <add>, %mul3A_206, %reduce_sum3A_207 [1] : vector<1024x128xf32> to vector<1024xf32>
    %broadcast_in_dim3A_209 = vector.shape_cast %reduce_sum3A_208 : vector<1024xf32> to vector<1024x1xf32>
    %div3A_210 = arith.constant 1.280000e+02 : f32
    %div3A_211 = vector.broadcast %div3A_210 : f32 to vector<1024x1xf32>
    %div3A_212 = arith.divf %broadcast_in_dim3A_209, %div3A_211 : vector<1024x1xf32>
    %add3A_213 = arith.constant 9.99999974E-6 : f32
    %add3A_214 = vector.broadcast %add3A_213 : f32 to vector<1024x1xf32>
    %add3A_215 = arith.addf %div3A_212, %add3A_214 : vector<1024x1xf32>
    %rsqrt3A_216 = math.rsqrt %add3A_215 : vector<1024x1xf32>
    %mul3A_217 = vector.broadcast %rsqrt3A_216 : vector<1024x1xf32> to vector<1024x128xf32>
    %mul3A_218 = arith.mulf %sub3A_205, %mul3A_217 : vector<1024x128xf32>
    %mul3A_219 = vector.broadcast %get3A_194 : vector<1x128xf32> to vector<1024x128xf32>
    %mul3A_220 = arith.mulf %mul3A_218, %mul3A_219 : vector<1024x128xf32>
    %add3A_221 = vector.broadcast %get3A_197 : vector<1x128xf32> to vector<1024x128xf32>
    %add3A_222 = arith.addf %mul3A_220, %add3A_221 : vector<1024x128xf32>
    %max3A_223 = arith.constant 0.000000e+00 : f32
    %max3A_224 = vector.broadcast %max3A_223 : f32 to vector<1024x128xf32>
    %max3A_225 = arith.maximumf %add3A_222, %max3A_224 : vector<1024x128xf32>
    %get3A_226 = arith.constant 0 : index
    %get3A_227 = arith.constant 0 : index
    %get3A_228 = vector.load %arg23[%get3A_226, %get3A_227] : memref<128x16xf32, #tpu.memory_space<vmem>>, vector<128x16xf32>
    %dot_general3A_229 = arith.constant dense<0.000000e+00> : vector<1024x16xf32>
    %dot_general3A_230 = tpu.matmul %max3A_225, %get3A_228, %dot_general3A_229 {dimension_numbers = #tpu.dot_dimension_numbers<[1], [0], [0], [1], [0, 0, 1, 1], [], []>, transpose_lhs_hint = false} : vector<1024x128xf32>, vector<128x16xf32>, vector<1024x16xf32> -> vector<1024x16xf32>
    %get3A_231 = arith.constant 0 : index
    %get3A_232 = arith.constant 0 : index
    %get3A_233 = vector.load %arg24[%get3A_231, %get3A_232] : memref<1x16xf32, #tpu.memory_space<vmem>>, vector<1x16xf32>
    %add3A_234 = vector.broadcast %get3A_233 : vector<1x16xf32> to vector<1024x16xf32>
    %add3A_235 = arith.addf %dot_general3A_230, %add3A_234 : vector<1024x16xf32>
    %get3A_236 = arith.constant 0 : index
    %get3A_237 = arith.constant 0 : index
    %get3A_238 = vector.load %arg25[%get3A_236, %get3A_237] : memref<80x16xf32, #tpu.memory_space<vmem>>, vector<80x16xf32>
    %dot_general3A_239 = arith.constant dense<0.000000e+00> : vector<1024x16xf32>
    %dot_general3A_240 = tpu.matmul %concatenate3A, %get3A_238, %dot_general3A_239 {dimension_numbers = #tpu.dot_dimension_numbers<[1], [0], [0], [1], [0, 0, 1, 1], [], []>, transpose_lhs_hint = false} : vector<1024x80xf32>, vector<80x16xf32>, vector<1024x16xf32> -> vector<1024x16xf32>
    %get3A_241 = arith.constant 0 : index
    %get3A_242 = arith.constant 0 : index
    %get3A_243 = vector.load %arg26[%get3A_241, %get3A_242] : memref<1x16xf32, #tpu.memory_space<vmem>>, vector<1x16xf32>
    %add3A_244 = vector.broadcast %get3A_243 : vector<1x16xf32> to vector<1024x16xf32>
    %add3A_245 = arith.addf %dot_general3A_240, %add3A_244 : vector<1024x16xf32>
    %logistic3A = arith.negf %add3A_245 : vector<1024x16xf32>
    %logistic3A_246 = math.exp %logistic3A : vector<1024x16xf32>
    %logistic3A_247 = arith.constant 1.000000e+00 : f32
    %logistic3A_248 = vector.broadcast %logistic3A_247 : f32 to vector<1024x16xf32>
    %logistic3A_249 = arith.addf %logistic3A_248, %logistic3A_246 : vector<1024x16xf32>
    %logistic3A_250 = arith.divf %logistic3A_248, %logistic3A_249 : vector<1024x16xf32>
    %mul3A_251 = arith.mulf %add3A_235, %logistic3A_250 : vector<1024x16xf32>
    %iota3A_252 = tpu.iota {dimensions = array<i32: 0>} : vector<128x16xi32>
    %jit3A = arith.constant 8 : i32
    %div3A_253 = vector.broadcast %jit3A : i32 to vector<128x16xi32>
    %div3A_254 = arith.divsi %iota3A_252, %div3A_253 : vector<128x16xi32>
    %sign3A = arith.constant 0 : i32
    %sign3A_255 = vector.broadcast %sign3A : i32 to vector<128x16xi32>
    %sign3A_256 = arith.cmpi sgt, %iota3A_252, %sign3A_255 : vector<128x16xi32>
    %sign3A_257 = arith.extui %sign3A_256 : vector<128x16xi1> to vector<128x16xi32>
    %sign3A_258 = arith.constant 0 : i32
    %sign3A_259 = vector.broadcast %sign3A_258 : i32 to vector<128x16xi32>
    %sign3A_260 = arith.cmpi slt, %iota3A_252, %sign3A_259 : vector<128x16xi32>
    %sign3A_261 = arith.extui %sign3A_260 : vector<128x16xi1> to vector<128x16xi32>
    %sign3A_262 = arith.subi %sign3A_257, %sign3A_261 : vector<128x16xi32>
    %sign3A_263 = arith.constant 0 : i32
    %sign3A_264 = arith.cmpi sgt, %jit3A, %sign3A_263 : i32
    %sign3A_265 = arith.extui %sign3A_264 : i1 to i32
    %sign3A_266 = arith.constant 0 : i32
    %sign3A_267 = arith.cmpi slt, %jit3A, %sign3A_266 : i32
    %sign3A_268 = arith.extui %sign3A_267 : i1 to i32
    %sign3A_269 = arith.subi %sign3A_265, %sign3A_268 : i32
    %ne3A = vector.broadcast %sign3A_269 : i32 to vector<128x16xi32>
    %ne3A_270 = arith.cmpi ne, %sign3A_262, %ne3A : vector<128x16xi32>
    %rem3A = vector.broadcast %jit3A : i32 to vector<128x16xi32>
    %rem3A_271 = arith.remsi %iota3A_252, %rem3A : vector<128x16xi32>
    %ne3A_272 = arith.constant 0 : i32
    %ne3A_273 = vector.broadcast %ne3A_272 : i32 to vector<128x16xi32>
    %ne3A_274 = arith.cmpi ne, %rem3A_271, %ne3A_273 : vector<128x16xi32>
    %and3A = arith.andi %ne3A_270, %ne3A_274 : vector<128x16xi1>
    %sub3A_275 = arith.constant 1 : i32
    %sub3A_276 = vector.broadcast %sub3A_275 : i32 to vector<128x16xi32>
    %sub3A_277 = arith.subi %div3A_254, %sub3A_276 : vector<128x16xi32>
    %select_n3A = arith.select %and3A, %sub3A_277, %div3A_254 : vector<128x16xi1>, vector<128x16xi32>
    %iota3A_278 = tpu.iota {dimensions = array<i32: 1>} : vector<128x16xi32>
    %eq3A_279 = arith.cmpi eq, %select_n3A, %iota3A_278 : vector<128x16xi32>
    %convert_element_type3A_280 = arith.extui %eq3A_279 : vector<128x16xi1> to vector<128x16xi32>
    %convert_element_type3A_281 = arith.sitofp %convert_element_type3A_280 : vector<128x16xi32> to vector<128x16xf32>
    %mul3A_282 = arith.mulf %get3A_40, %add3A_169 : vector<1024x128xf32>
    %dot_general3A_283 = arith.constant dense<0.000000e+00> : vector<1024x16xf32>
    %dot_general3A_284 = tpu.matmul %mul3A_282, %convert_element_type3A_281, %dot_general3A_283 {dimension_numbers = #tpu.dot_dimension_numbers<[1], [0], [0], [1], [0, 0, 1, 1], [], []>, transpose_lhs_hint = false} : vector<1024x128xf32>, vector<128x16xf32>, vector<1024x16xf32> -> vector<1024x16xf32>
    %mul3A_285 = arith.constant 0.353553385 : f32
    %mul3A_286 = vector.broadcast %mul3A_285 : f32 to vector<1024x16xf32>
    %mul3A_287 = arith.mulf %dot_general3A_284, %mul3A_286 : vector<1024x16xf32>
    %mul3A_288 = arith.constant 1024 : i32
    %mul3A_289 = arith.muli %arg0, %mul3A_288 : i32
    %iota3A_290 = tpu.iota {dimensions = array<i32: 0>} : vector<1024x1xi32>
    %add3A_291 = vector.broadcast %mul3A_289 : i32 to vector<1024x1xi32>
    %add3A_292 = arith.addi %add3A_291, %iota3A_290 : vector<1024x1xi32>
    %lt3A_293 = arith.constant 160000 : i32
    %lt3A_294 = vector.broadcast %lt3A_293 : i32 to vector<1024x1xi32>
    %lt3A_295 = arith.cmpi slt, %add3A_292, %lt3A_294 : vector<1024x1xi32>
    %convert_element_type3A_296 = arith.extui %lt3A_295 : vector<1024x1xi1> to vector<1024x1xi32>
    %convert_element_type3A_297 = arith.sitofp %convert_element_type3A_296 : vector<1024x1xi32> to vector<1024x1xf32>
    %jit3A_298 = arith.constant -5.000000e+01 : f32
    %jit3A_299 = arith.constant 5.000000e+01 : f32
    %max3A_300 = vector.broadcast %jit3A_298 : f32 to vector<1024x16xf32>
    %max3A_301 = arith.maximumf %max3A_300, %mul3A_287 : vector<1024x16xf32>
    %min3A = vector.broadcast %jit3A_299 : f32 to vector<1024x16xf32>
    %min3A_302 = arith.minimumf %min3A, %max3A_301 : vector<1024x16xf32>
    %exp3A_303 = math.exp %min3A_302 : vector<1024x16xf32>
    %mul3A_304 = vector.broadcast %convert_element_type3A_297 : vector<1024x1xf32> to vector<1024x16xf32>
    %mul3A_305 = arith.mulf %exp3A_303, %mul3A_304 : vector<1024x16xf32>
    %mul3A_306 = arith.mulf %mul3A_305, %mul3A_251 : vector<1024x16xf32>
    %slice3A_307 = vector.extract_strided_slice %mul3A_51 {offsets = [0, 0], sizes = [1024, 1], strides = [1, 1]} : vector<1024x16xf32> to vector<1024x1xf32>
    %mul3A_308 = vector.broadcast %slice3A_307 : vector<1024x1xf32> to vector<1024x16xf32>
    %mul3A_309 = arith.mulf %mul3A_306, %mul3A_308 : vector<1024x16xf32>
    %slice3A_310 = vector.extract_strided_slice %mul3A_51 {offsets = [0, 1], sizes = [1024, 1], strides = [1, 1]} : vector<1024x16xf32> to vector<1024x1xf32>
    %mul3A_311 = vector.broadcast %slice3A_310 : vector<1024x1xf32> to vector<1024x16xf32>
    %mul3A_312 = arith.mulf %mul3A_306, %mul3A_311 : vector<1024x16xf32>
    %slice3A_313 = vector.extract_strided_slice %mul3A_51 {offsets = [0, 2], sizes = [1024, 1], strides = [1, 1]} : vector<1024x16xf32> to vector<1024x1xf32>
    %mul3A_314 = vector.broadcast %slice3A_313 : vector<1024x1xf32> to vector<1024x16xf32>
    %mul3A_315 = arith.mulf %mul3A_306, %mul3A_314 : vector<1024x16xf32>
    %concatenate3A_316 = tpu.concatenate %mul3A_309, %mul3A_312, %mul3A_315 in 1 : vector<1024x16xf32>, vector<1024x16xf32>, vector<1024x16xf32> -> vector<1024x48xf32>
    %get3A_317 = arith.index_cast %arg0 : i32 to index
    %get3A_318 = memref.load %arg2[%get3A_317] : memref<160xi32, #tpu.memory_space<smem>>
    %while3A_319 = arith.constant 0 : i32
    %while3A_320 = arith.constant 0 : i32
    %while3A_321 = arith.subi %get3A_318, %while3A_320 : i32
    %while3A_322 = arith.addi %while3A_320, %while3A_321 : i32
    %while3A_323 = arith.constant 1 : i32
    %while3A_324 = arith.divsi %while3A_321, %while3A_323 : i32
    %while3A_325 = arith.muli %while3A_324, %while3A_323 : i32
    %while3A_326 = arith.addi %while3A_320, %while3A_325 : i32
    %while3A_327 = arith.constant 1 : i32
    scf.for %while3A_329 = %while3A_320 to %while3A_326 step %while3A_327  : i32 {
      %mul3A_330 = arith.constant 512 : i32
      %mul3A_331 = arith.muli %while3A_329, %mul3A_330 : i32
      %add3A_332 = arith.addi %get3A_10, %mul3A_331 : i32
      %broadcast_in_dim3A_333 = vector.shape_cast %get3A_5 : vector<1024xi32> to vector<1024x1xi32>
      %iota3A_334 = tpu.iota {dimensions = array<i32: 1>} : vector<1024x512xi32>
      %add3A_335 = vector.broadcast %add3A_332 : i32 to vector<1024x512xi32>
      %add3A_336 = arith.addi %add3A_335, %iota3A_334 : vector<1024x512xi32>
      %eq3A_337 = vector.broadcast %broadcast_in_dim3A_333 : vector<1024x1xi32> to vector<1024x512xi32>
      %eq3A_338 = arith.cmpi eq, %eq3A_337, %add3A_336 : vector<1024x512xi32>
      %convert_element_type3A_339 = arith.extui %eq3A_338 : vector<1024x512xi1> to vector<1024x512xi32>
      %convert_element_type3A_340 = arith.sitofp %convert_element_type3A_339 : vector<1024x512xi32> to vector<1024x512xf32>
      %get3A_341 = arith.index_cast %add3A_332 : i32 to index
      %get3A_342 = arith.constant 0 : index
      %get3A_343 = vector.load %arg27[%get3A_341, %get3A_342] : memref<10512x48xf32, #tpu.memory_space<vmem>>, vector<512x48xf32>
      %dot_general3A_344 = arith.constant dense<0.000000e+00> : vector<512x48xf32>
      %dot_general3A_345 = tpu.matmul %convert_element_type3A_340, %concatenate3A_316, %dot_general3A_344 {dimension_numbers = #tpu.dot_dimension_numbers<[0], [0], [1], [1], [0, 1, 1, 1], [], []>, transpose_lhs_hint = false} : vector<1024x512xf32>, vector<1024x48xf32>, vector<512x48xf32> -> vector<512x48xf32>
      %add3A_346 = arith.addf %get3A_343, %dot_general3A_345 : vector<512x48xf32>
      %swap3A_347 = arith.index_cast %add3A_332 : i32 to index
      %swap3A_348 = arith.constant 0 : index
      %swap3A_349 = vector.load %arg27[%swap3A_347, %swap3A_348] : memref<10512x48xf32, #tpu.memory_space<vmem>>, vector<512x48xf32>
      tpu.vector_store %arg27[%swap3A_347, %swap3A_348], %add3A_346 {strides = array<i32>} : memref<10512x48xf32, #tpu.memory_space<vmem>>, vector<512x48xf32>,
      %get3A_350 = arith.index_cast %add3A_332 : i32 to index
      %get3A_351 = arith.constant 0 : index
      %get3A_352 = vector.load %arg28[%get3A_350, %get3A_351] : memref<10512x16xf32, #tpu.memory_space<vmem>>, vector<512x16xf32>
      %dot_general3A_353 = arith.constant dense<0.000000e+00> : vector<512x16xf32>
      %dot_general3A_354 = tpu.matmul %convert_element_type3A_340, %mul3A_305, %dot_general3A_353 {dimension_numbers = #tpu.dot_dimension_numbers<[0], [0], [1], [1], [0, 1, 1, 1], [], []>, transpose_lhs_hint = false} : vector<1024x512xf32>, vector<1024x16xf32>, vector<512x16xf32> -> vector<512x16xf32>
      %add3A_355 = arith.addf %get3A_352, %dot_general3A_354 : vector<512x16xf32>
      %swap3A_356 = arith.index_cast %add3A_332 : i32 to index
      %swap3A_357 = arith.constant 0 : index
      %swap3A_358 = vector.load %arg28[%swap3A_356, %swap3A_357] : memref<10512x16xf32, #tpu.memory_space<vmem>>, vector<512x16xf32>
      tpu.vector_store %arg28[%swap3A_356, %swap3A_357], %add3A_355 {strides = array<i32>} : memref<10512x16xf32, #tpu.memory_space<vmem>>, vector<512x16xf32>,
    }
    %while3A_328 = arith.constant 1 : i32
    scf.for %while3A_329 = %while3A_326 to %while3A_322 step %while3A_328  : i32 {
      %mul3A_330 = arith.constant 512 : i32
      %mul3A_331 = arith.muli %while3A_329, %mul3A_330 : i32
      %add3A_332 = arith.addi %get3A_10, %mul3A_331 : i32
      %broadcast_in_dim3A_333 = vector.shape_cast %get3A_5 : vector<1024xi32> to vector<1024x1xi32>
      %iota3A_334 = tpu.iota {dimensions = array<i32: 1>} : vector<1024x512xi32>
      %add3A_335 = vector.broadcast %add3A_332 : i32 to vector<1024x512xi32>
      %add3A_336 = arith.addi %add3A_335, %iota3A_334 : vector<1024x512xi32>
      %eq3A_337 = vector.broadcast %broadcast_in_dim3A_333 : vector<1024x1xi32> to vector<1024x512xi32>
      %eq3A_338 = arith.cmpi eq, %eq3A_337, %add3A_336 : vector<1024x512xi32>
      %convert_element_type3A_339 = arith.extui %eq3A_338 : vector<1024x512xi1> to vector<1024x512xi32>
      %convert_element_type3A_340 = arith.sitofp %convert_element_type3A_339 : vector<1024x512xi32> to vector<1024x512xf32>
      %get3A_341 = arith.index_cast %add3A_332 : i32 to index
      %get3A_342 = arith.constant 0 : index
      %get3A_343 = vector.load %arg27[%get3A_341, %get3A_342] : memref<10512x48xf32, #tpu.memory_space<vmem>>, vector<512x48xf32>
      %dot_general3A_344 = arith.constant dense<0.000000e+00> : vector<512x48xf32>
      %dot_general3A_345 = tpu.matmul %convert_element_type3A_340, %concatenate3A_316, %dot_general3A_344 {dimension_numbers = #tpu.dot_dimension_numbers<[0], [0], [1], [1], [0, 1, 1, 1], [], []>, transpose_lhs_hint = false} : vector<1024x512xf32>, vector<1024x48xf32>, vector<512x48xf32> -> vector<512x48xf32>
      %add3A_346 = arith.addf %get3A_343, %dot_general3A_345 : vector<512x48xf32>
      %swap3A_347 = arith.index_cast %add3A_332 : i32 to index
      %swap3A_348 = arith.constant 0 : index
      %swap3A_349 = vector.load %arg27[%swap3A_347, %swap3A_348] : memref<10512x48xf32, #tpu.memory_space<vmem>>, vector<512x48xf32>
      tpu.vector_store %arg27[%swap3A_347, %swap3A_348], %add3A_346 {strides = array<i32>} : memref<10512x48xf32, #tpu.memory_space<vmem>>, vector<512x48xf32>,
      %get3A_350 = arith.index_cast %add3A_332 : i32 to index
      %get3A_351 = arith.constant 0 : index
      %get3A_352 = vector.load %arg28[%get3A_350, %get3A_351] : memref<10512x16xf32, #tpu.memory_space<vmem>>, vector<512x16xf32>
      %dot_general3A_353 = arith.constant dense<0.000000e+00> : vector<512x16xf32>
      %dot_general3A_354 = tpu.matmul %convert_element_type3A_340, %mul3A_305, %dot_general3A_353 {dimension_numbers = #tpu.dot_dimension_numbers<[0], [0], [1], [1], [0, 1, 1, 1], [], []>, transpose_lhs_hint = false} : vector<1024x512xf32>, vector<1024x16xf32>, vector<512x16xf32> -> vector<512x16xf32>
      %add3A_355 = arith.addf %get3A_352, %dot_general3A_354 : vector<512x16xf32>
      %swap3A_356 = arith.index_cast %add3A_332 : i32 to index
      %swap3A_357 = arith.constant 0 : index
      %swap3A_358 = vector.load %arg28[%swap3A_356, %swap3A_357] : memref<10512x16xf32, #tpu.memory_space<vmem>>, vector<512x16xf32>
      tpu.vector_store %arg28[%swap3A_356, %swap3A_357], %add3A_355 {strides = array<i32>} : memref<10512x16xf32, #tpu.memory_space<vmem>>, vector<512x16xf32>,
    }
    return
  }
  func.func @transform_0(%arg0: i32, %arg1: memref<160xi32, #tpu.memory_space<smem>>, %arg2: memref<160xi32, #tpu.memory_space<smem>>) -> (i32, i32, i32) {
    %c0_i32 = arith.constant 0 : i32
    %c0_i32_0 = arith.constant 0 : i32
    %c0_i32_1 = arith.constant 0 : i32
    return %arg0, %c0_i32, %c0_i32_0 : i32, i32, i32
  }
  func.func @transform_1(%arg0: i32, %arg1: memref<160xi32, #tpu.memory_space<smem>>, %arg2: memref<160xi32, #tpu.memory_space<smem>>) -> (i32, i32) {
    %c0_i32 = arith.constant 0 : i32
    %c0_i32_0 = arith.constant 0 : i32
    return %arg0, %c0_i32 : i32, i32
  }
  func.func @transform_2(%arg0: i32, %arg1: memref<160xi32, #tpu.memory_space<smem>>, %arg2: memref<160xi32, #tpu.memory_space<smem>>) -> (i32, i32) {
    %c0_i32 = arith.constant 0 : i32
    %c0_i32_0 = arith.constant 0 : i32
    return %arg0, %c0_i32 : i32, i32
  }
  func.func @transform_3(%arg0: i32, %arg1: memref<160xi32, #tpu.memory_space<smem>>, %arg2: memref<160xi32, #tpu.memory_space<smem>>) -> (i32, i32) {
    %c0_i32 = arith.constant 0 : i32
    %c0_i32_0 = arith.constant 0 : i32
    %c0_i32_1 = arith.constant 0 : i32
    return %c0_i32, %c0_i32_0 : i32, i32
  }
  func.func @transform_4(%arg0: i32, %arg1: memref<160xi32, #tpu.memory_space<smem>>, %arg2: memref<160xi32, #tpu.memory_space<smem>>) -> (i32, i32) {
    %c0_i32 = arith.constant 0 : i32
    %c0_i32_0 = arith.constant 0 : i32
    %c0_i32_1 = arith.constant 0 : i32
    return %c0_i32, %c0_i32_0 : i32, i32
  }
  func.func @transform_5(%arg0: i32, %arg1: memref<160xi32, #tpu.memory_space<smem>>, %arg2: memref<160xi32, #tpu.memory_space<smem>>) -> (i32, i32) {
    %c0_i32 = arith.constant 0 : i32
    %c0_i32_0 = arith.constant 0 : i32
    %c0_i32_1 = arith.constant 0 : i32
    return %c0_i32, %c0_i32_0 : i32, i32
  }
  func.func @transform_6(%arg0: i32, %arg1: memref<160xi32, #tpu.memory_space<smem>>, %arg2: memref<160xi32, #tpu.memory_space<smem>>) -> (i32, i32) {
    %c0_i32 = arith.constant 0 : i32
    %c0_i32_0 = arith.constant 0 : i32
    %c0_i32_1 = arith.constant 0 : i32
    return %c0_i32, %c0_i32_0 : i32, i32
  }
  func.func @transform_7(%arg0: i32, %arg1: memref<160xi32, #tpu.memory_space<smem>>, %arg2: memref<160xi32, #tpu.memory_space<smem>>) -> (i32, i32) {
    %c0_i32 = arith.constant 0 : i32
    %c0_i32_0 = arith.constant 0 : i32
    %c0_i32_1 = arith.constant 0 : i32
    return %c0_i32, %c0_i32_0 : i32, i32
  }
  func.func @transform_8(%arg0: i32, %arg1: memref<160xi32, #tpu.memory_space<smem>>, %arg2: memref<160xi32, #tpu.memory_space<smem>>) -> (i32, i32) {
    %c0_i32 = arith.constant 0 : i32
    %c0_i32_0 = arith.constant 0 : i32
    %c0_i32_1 = arith.constant 0 : i32
    return %c0_i32, %c0_i32_0 : i32, i32
  }
  func.func @transform_9(%arg0: i32, %arg1: memref<160xi32, #tpu.memory_space<smem>>, %arg2: memref<160xi32, #tpu.memory_space<smem>>) -> (i32, i32) {
    %c0_i32 = arith.constant 0 : i32
    %c0_i32_0 = arith.constant 0 : i32
    %c0_i32_1 = arith.constant 0 : i32
    return %c0_i32, %c0_i32_0 : i32, i32
  }
  func.func @transform_10(%arg0: i32, %arg1: memref<160xi32, #tpu.memory_space<smem>>, %arg2: memref<160xi32, #tpu.memory_space<smem>>) -> (i32, i32) {
    %c0_i32 = arith.constant 0 : i32
    %c0_i32_0 = arith.constant 0 : i32
    %c0_i32_1 = arith.constant 0 : i32
    return %c0_i32, %c0_i32_0 : i32, i32
  }
  func.func @transform_11(%arg0: i32, %arg1: memref<160xi32, #tpu.memory_space<smem>>, %arg2: memref<160xi32, #tpu.memory_space<smem>>) -> (i32, i32) {
    %c0_i32 = arith.constant 0 : i32
    %c0_i32_0 = arith.constant 0 : i32
    %c0_i32_1 = arith.constant 0 : i32
    return %c0_i32, %c0_i32_0 : i32, i32
  }
  func.func @transform_12(%arg0: i32, %arg1: memref<160xi32, #tpu.memory_space<smem>>, %arg2: memref<160xi32, #tpu.memory_space<smem>>) -> (i32, i32) {
    %c0_i32 = arith.constant 0 : i32
    %c0_i32_0 = arith.constant 0 : i32
    %c0_i32_1 = arith.constant 0 : i32
    return %c0_i32, %c0_i32_0 : i32, i32
  }
  func.func @transform_13(%arg0: i32, %arg1: memref<160xi32, #tpu.memory_space<smem>>, %arg2: memref<160xi32, #tpu.memory_space<smem>>) -> (i32, i32) {
    %c0_i32 = arith.constant 0 : i32
    %c0_i32_0 = arith.constant 0 : i32
    %c0_i32_1 = arith.constant 0 : i32
    return %c0_i32, %c0_i32_0 : i32, i32
  }
  func.func @transform_14(%arg0: i32, %arg1: memref<160xi32, #tpu.memory_space<smem>>, %arg2: memref<160xi32, #tpu.memory_space<smem>>) -> (i32, i32) {
    %c0_i32 = arith.constant 0 : i32
    %c0_i32_0 = arith.constant 0 : i32
    %c0_i32_1 = arith.constant 0 : i32
    return %c0_i32, %c0_i32_0 : i32, i32
  }
  func.func @transform_15(%arg0: i32, %arg1: memref<160xi32, #tpu.memory_space<smem>>, %arg2: memref<160xi32, #tpu.memory_space<smem>>) -> (i32, i32) {
    %c0_i32 = arith.constant 0 : i32
    %c0_i32_0 = arith.constant 0 : i32
    %c0_i32_1 = arith.constant 0 : i32
    return %c0_i32, %c0_i32_0 : i32, i32
  }
  func.func @transform_16(%arg0: i32, %arg1: memref<160xi32, #tpu.memory_space<smem>>, %arg2: memref<160xi32, #tpu.memory_space<smem>>) -> (i32, i32) {
    %c0_i32 = arith.constant 0 : i32
    %c0_i32_0 = arith.constant 0 : i32
    %c0_i32_1 = arith.constant 0 : i32
    return %c0_i32, %c0_i32_0 : i32, i32
  }
  func.func @transform_17(%arg0: i32, %arg1: memref<160xi32, #tpu.memory_space<smem>>, %arg2: memref<160xi32, #tpu.memory_space<smem>>) -> (i32, i32) {
    %c0_i32 = arith.constant 0 : i32
    %c0_i32_0 = arith.constant 0 : i32
    %c0_i32_1 = arith.constant 0 : i32
    return %c0_i32, %c0_i32_0 : i32, i32
  }
  func.func @transform_18(%arg0: i32, %arg1: memref<160xi32, #tpu.memory_space<smem>>, %arg2: memref<160xi32, #tpu.memory_space<smem>>) -> (i32, i32) {
    %c0_i32 = arith.constant 0 : i32
    %c0_i32_0 = arith.constant 0 : i32
    %c0_i32_1 = arith.constant 0 : i32
    return %c0_i32, %c0_i32_0 : i32, i32
  }
  func.func @transform_19(%arg0: i32, %arg1: memref<160xi32, #tpu.memory_space<smem>>, %arg2: memref<160xi32, #tpu.memory_space<smem>>) -> (i32, i32) {
    %c0_i32 = arith.constant 0 : i32
    %c0_i32_0 = arith.constant 0 : i32
    %c0_i32_1 = arith.constant 0 : i32
    return %c0_i32, %c0_i32_0 : i32, i32
  }
  func.func @transform_20(%arg0: i32, %arg1: memref<160xi32, #tpu.memory_space<smem>>, %arg2: memref<160xi32, #tpu.memory_space<smem>>) -> (i32, i32) {
    %c0_i32 = arith.constant 0 : i32
    %c0_i32_0 = arith.constant 0 : i32
    %c0_i32_1 = arith.constant 0 : i32
    return %c0_i32, %c0_i32_0 : i32, i32
  }
  func.func @transform_21(%arg0: i32, %arg1: memref<160xi32, #tpu.memory_space<smem>>, %arg2: memref<160xi32, #tpu.memory_space<smem>>) -> (i32, i32) {
    %c0_i32 = arith.constant 0 : i32
    %c0_i32_0 = arith.constant 0 : i32
    %c0_i32_1 = arith.constant 0 : i32
    return %c0_i32, %c0_i32_0 : i32, i32
  }
  func.func @transform_22(%arg0: i32, %arg1: memref<160xi32, #tpu.memory_space<smem>>, %arg2: memref<160xi32, #tpu.memory_space<smem>>) -> (i32, i32) {
    %c0_i32 = arith.constant 0 : i32
    %c0_i32_0 = arith.constant 0 : i32
    %c0_i32_1 = arith.constant 0 : i32
    return %c0_i32, %c0_i32_0 : i32, i32
  }
  func.func @transform_23(%arg0: i32, %arg1: memref<160xi32, #tpu.memory_space<smem>>, %arg2: memref<160xi32, #tpu.memory_space<smem>>) -> (i32, i32) {
    %c0_i32 = arith.constant 0 : i32
    %c0_i32_0 = arith.constant 0 : i32
    %c0_i32_1 = arith.constant 0 : i32
    return %c0_i32, %c0_i32_0 : i32, i32
  }
  func.func @transform_24(%arg0: i32, %arg1: memref<160xi32, #tpu.memory_space<smem>>, %arg2: memref<160xi32, #tpu.memory_space<smem>>) -> (i32, i32) {
    %c0_i32 = arith.constant 0 : i32
    %c0_i32_0 = arith.constant 0 : i32
    %c0_i32_1 = arith.constant 0 : i32
    return %c0_i32, %c0_i32_0 : i32, i32
  }
  func.func @transform_25(%arg0: i32, %arg1: memref<160xi32, #tpu.memory_space<smem>>, %arg2: memref<160xi32, #tpu.memory_space<smem>>) -> (i32, i32) {
    %c0_i32 = arith.constant 0 : i32
    %c0_i32_0 = arith.constant 0 : i32
    %c0_i32_1 = arith.constant 0 : i32
    return %c0_i32, %c0_i32_0 : i32, i32
  }
}

module attributes {stable_mosaic.version = 14 : i64} {
  func.func @_x_update_body(%arg0: i32, %arg1: memref<2000x128xf32, #tpu.memory_space<vmem>>, %arg2: memref<2000x48xf32, #tpu.memory_space<vmem>>, %arg3: memref<2000x16xf32, #tpu.memory_space<vmem>>, %arg4: memref<2000x16xf32, #tpu.memory_space<vmem>>) attributes {dimension_semantics = [#tpu.dimension_semantics<arbitrary>], iteration_bounds = array<i64: 5>, scalar_prefetch = 0 : i64, scratch_operands = 0 : i64, tpu.core_type = #tpu.core_type<tc>, window_params = [{transform_indices = @transform_0, window_bounds = array<i64: 2000, 128>}, {transform_indices = @transform_1, window_bounds = array<i64: 2000, 48>}, {transform_indices = @transform_2, window_bounds = array<i64: 2000, 16>}, {transform_indices = @transform_3, window_bounds = array<i64: 2000, 16>}]} {
    %get3A = arith.constant 0 : index
    %get3A_0 = arith.constant 0 : index
    %get3A_1 = vector.load %arg1[%get3A, %get3A_0] : memref<2000x128xf32, #tpu.memory_space<vmem>>, vector<2000x128xf32>
    %get3A_2 = arith.constant 0 : index
    %get3A_3 = arith.constant 0 : index
    %get3A_4 = vector.load %arg3[%get3A_2, %get3A_3] : memref<2000x16xf32, #tpu.memory_space<vmem>>, vector<2000x16xf32>
    %add3A = arith.constant 1.000000e-16 : f32
    %add3A_5 = vector.broadcast %add3A : f32 to vector<2000x16xf32>
    %add3A_6 = arith.addf %get3A_4, %add3A_5 : vector<2000x16xf32>
    %get3A_7 = arith.constant 0 : index
    %get3A_8 = arith.constant 0 : index
    %get3A_9 = vector.load %arg2[%get3A_7, %get3A_8] : memref<2000x48xf32, #tpu.memory_space<vmem>>, vector<2000x48xf32>
    %slice3A = vector.extract_strided_slice %get3A_9 {offsets = [0, 0], sizes = [2000, 16], strides = [1, 1]} : vector<2000x48xf32> to vector<2000x16xf32>
    %div3A = arith.divf %slice3A, %add3A_6 : vector<2000x16xf32>
    %reduce_sum3A = arith.constant dense<0.000000e+00> : vector<2000xf32>
    %reduce_sum3A_10 = vector.multi_reduction <add>, %div3A, %reduce_sum3A [1] : vector<2000x16xf32> to vector<2000xf32>
    %broadcast_in_dim3A = vector.shape_cast %reduce_sum3A_10 : vector<2000xf32> to vector<2000x1xf32>
    %mul3A = arith.constant 6.250000e-02 : f32
    %mul3A_11 = vector.broadcast %mul3A : f32 to vector<2000x1xf32>
    %mul3A_12 = arith.mulf %broadcast_in_dim3A, %mul3A_11 : vector<2000x1xf32>
    %slice3A_13 = vector.extract_strided_slice %get3A_1 {offsets = [0, 0], sizes = [2000, 1], strides = [1, 1]} : vector<2000x128xf32> to vector<2000x1xf32>
    %slice3A_14 = vector.extract_strided_slice %get3A_1 {offsets = [0, 3], sizes = [2000, 1], strides = [1, 1]} : vector<2000x128xf32> to vector<2000x1xf32>
    %mul3A_15 = arith.mulf %mul3A_12, %slice3A_14 : vector<2000x1xf32>
    %add3A_16 = arith.addf %slice3A_13, %mul3A_15 : vector<2000x1xf32>
    %slice3A_17 = vector.extract_strided_slice %get3A_9 {offsets = [0, 16], sizes = [2000, 16], strides = [1, 1]} : vector<2000x48xf32> to vector<2000x16xf32>
    %div3A_18 = arith.divf %slice3A_17, %add3A_6 : vector<2000x16xf32>
    %reduce_sum3A_19 = arith.constant dense<0.000000e+00> : vector<2000xf32>
    %reduce_sum3A_20 = vector.multi_reduction <add>, %div3A_18, %reduce_sum3A_19 [1] : vector<2000x16xf32> to vector<2000xf32>
    %broadcast_in_dim3A_21 = vector.shape_cast %reduce_sum3A_20 : vector<2000xf32> to vector<2000x1xf32>
    %mul3A_22 = arith.constant 6.250000e-02 : f32
    %mul3A_23 = vector.broadcast %mul3A_22 : f32 to vector<2000x1xf32>
    %mul3A_24 = arith.mulf %broadcast_in_dim3A_21, %mul3A_23 : vector<2000x1xf32>
    %slice3A_25 = vector.extract_strided_slice %get3A_1 {offsets = [0, 1], sizes = [2000, 1], strides = [1, 1]} : vector<2000x128xf32> to vector<2000x1xf32>
    %slice3A_26 = vector.extract_strided_slice %get3A_1 {offsets = [0, 3], sizes = [2000, 1], strides = [1, 1]} : vector<2000x128xf32> to vector<2000x1xf32>
    %mul3A_27 = arith.mulf %mul3A_24, %slice3A_26 : vector<2000x1xf32>
    %add3A_28 = arith.addf %slice3A_25, %mul3A_27 : vector<2000x1xf32>
    %slice3A_29 = vector.extract_strided_slice %get3A_9 {offsets = [0, 32], sizes = [2000, 16], strides = [1, 1]} : vector<2000x48xf32> to vector<2000x16xf32>
    %div3A_30 = arith.divf %slice3A_29, %add3A_6 : vector<2000x16xf32>
    %reduce_sum3A_31 = arith.constant dense<0.000000e+00> : vector<2000xf32>
    %reduce_sum3A_32 = vector.multi_reduction <add>, %div3A_30, %reduce_sum3A_31 [1] : vector<2000x16xf32> to vector<2000xf32>
    %broadcast_in_dim3A_33 = vector.shape_cast %reduce_sum3A_32 : vector<2000xf32> to vector<2000x1xf32>
    %mul3A_34 = arith.constant 6.250000e-02 : f32
    %mul3A_35 = vector.broadcast %mul3A_34 : f32 to vector<2000x1xf32>
    %mul3A_36 = arith.mulf %broadcast_in_dim3A_33, %mul3A_35 : vector<2000x1xf32>
    %slice3A_37 = vector.extract_strided_slice %get3A_1 {offsets = [0, 2], sizes = [2000, 1], strides = [1, 1]} : vector<2000x128xf32> to vector<2000x1xf32>
    %slice3A_38 = vector.extract_strided_slice %get3A_1 {offsets = [0, 3], sizes = [2000, 1], strides = [1, 1]} : vector<2000x128xf32> to vector<2000x1xf32>
    %mul3A_39 = arith.mulf %mul3A_36, %slice3A_38 : vector<2000x1xf32>
    %add3A_40 = arith.addf %slice3A_37, %mul3A_39 : vector<2000x1xf32>
    %broadcast_in_dim3A_41 = arith.constant 0.000000e+00 : f32
    %broadcast_in_dim3A_42 = vector.broadcast %broadcast_in_dim3A_41 : f32 to vector<2000x13xf32>
    %concatenate3A = tpu.concatenate %add3A_16, %add3A_28, %add3A_40, %broadcast_in_dim3A_42 in 1 : vector<2000x1xf32>, vector<2000x1xf32>, vector<2000x1xf32>, vector<2000x13xf32> -> vector<2000x16xf32>
    %swap3A = arith.constant 0 : index
    %swap3A_43 = arith.constant 0 : index
    %swap3A_44 = vector.load %arg4[%swap3A, %swap3A_43] : memref<2000x16xf32, #tpu.memory_space<vmem>>, vector<2000x16xf32>
    tpu.vector_store %arg4[%swap3A, %swap3A_43], %concatenate3A {strides = array<i32>} : memref<2000x16xf32, #tpu.memory_space<vmem>>, vector<2000x16xf32>,
    return
  }
  func.func @transform_0(%arg0: i32) -> (i32, i32) {
    %c0_i32 = arith.constant 0 : i32
    %c0_i32_0 = arith.constant 0 : i32
    return %arg0, %c0_i32 : i32, i32
  }
  func.func @transform_1(%arg0: i32) -> (i32, i32) {
    %c0_i32 = arith.constant 0 : i32
    %c0_i32_0 = arith.constant 0 : i32
    return %arg0, %c0_i32 : i32, i32
  }
  func.func @transform_2(%arg0: i32) -> (i32, i32) {
    %c0_i32 = arith.constant 0 : i32
    %c0_i32_0 = arith.constant 0 : i32
    return %arg0, %c0_i32 : i32, i32
  }
  func.func @transform_3(%arg0: i32) -> (i32, i32) {
    %c0_i32 = arith.constant 0 : i32
    %c0_i32_0 = arith.constant 0 : i32
    return %arg0, %c0_i32 : i32, i32
  }
}

</mosaic_0001>

<sc_bundles>
// kernel: gather_offload_async_start.1
scs
__scs_entry_jumppad:
0x0: {  	(pc) =	sbr.rel $0x88, $3  }
0x1: {  	(tag) =	ssettag $0x0;
	lr =	simm.s32 $0x1  }
0x2: {  	[smem:$0x3F6F] =	sst lr;
	_ =	strace $0xD0000000  }
0x3: {  	_ = 	snop  }
0x4: {  	_ = 	snop  }
0x5: {  	_ = 	snop  }
0x6: {  	_ = 	snop  }
0x7: {  	_ = 	snop  }
__scs_overlays_trampoline_lowered:
0x8: {  	[smem:$0x3F7E] =	sst s0  }
0x9: {  	[smem:$0x3F7F] =	sst s1  }
0xa: {  	[smem:$0x3F80] =	sst s2  }
0xb: {  	[smem:$0x3F81] =	sst s3  }
0xc: {  	[smem:$0x3F82] =	sst s4  }
0xd: {  	[smem:$0x3F83] =	sst s5  }
0xe: {  	[smem:$0x3F84] =	sst s6  }
0xf: {  	[smem:$0x3F85] =	sst s7  }
0x10: {  	[smem:$0x3F86] =	sst s8  }
0x11: {  	[smem:$0x3F87] =	sst s9;
	s0 =	simm.s32 @!p0 $0x0  }
0x12: {  	s1 =	sld [smem:$0x3F6D];
	s0 =	simm.s32 @p0 $0x1  }
0x13: {  	[smem:$0x3F88] =	sst s0;
	s0 =	simm.s32 @!p1 $0x0  }
0x14: {  	s2 =	sld [smem:$0x3F6C];
	s0 =	simm.s32 @p1 $0x1  }
0x15: {  	[smem:$0x3F89] =	sst s0;
	s0 =	simm.s32 @!p2 $0x0  }
0x16: {  	s3 =	sld [smem:$0x3FDB];
	s0 =	simm.s32 @p2 $0x1  }
0x17: {  	s4 =	simm.s32 $0x1BF5;
	[smem:$0x3F8B] =	sst s0  }
0x18: {  	s0 =	sld [smem:$0x3F6E];
	_ =	swait.ge [sflag:s4], $0x0  }
0x19: {  	s7 =	sld [smem:$0x3F6F]  }
0x1a: {  	s8 =	sadd.s32 $0xFFFFE003, lr  }
0x1b: {  	s9 =	sadd.s32 $0xFFFFFEF7, lr;
	s5 =	simm.s32 $0xFFFFFFFF;
	p2 =	slt.u32 s8, $0xFFFFF086  }
0x1c: {  	p1 =	slt.u32 s9, $0xF7A;
	s5 =	simm.s32 @!p2 $0x0  }
0x1d: {  	s5 =	simm.s32 @p1 $0x1;
	p0 =	seq.s32 s7, s2  }
0x1e: {  	s7 =	smul.u32 @!p0 $0xF7A, s2;
	p2 =	seq.s32 @!p0 s5, $0x0  }
0x1f: {  	s9 =	smul.u32 $0xF7A, s1;
	s8 =	simm.s32 @!p0 $0x1BF5;
	p2 =	por !p2, p0  }
0x20: {  	[sflag:s8] =	ssyncset.s32 @!p0 $0xFFFFF086;
	s6 =	sadd.s32 @!p0 s3, s7;
	s7 =	simm.s32 @!p0 $0x108  }
0x21: {  	s3 =	sadd.s32 s3, s9;
	s6 =	sadd.s32 @!p0 $0x88, s6;
	s7 =	simm.s32 @p2 $0x1082  }
0x22: {  	[simem:s7], [sflag:s8] =	dma.local @!p0 [hbm:s6], $0xF7A  }
0x23: {  	s9 =	sor.u32 $0xD0000000, s2;
	s6 =	simm.s32 $0x108;
	_ =	swait.ge @!p0 [sflag:s8], $0x0  }
0x24: {  	s3 =	sadd.s32 $0x88, s3;
	s6 =	simm.s32 @!p1 $0x1082;
	[sflag:s4] =	ssyncset.s32 $0xFFFFF086  }
0x25: {  	[simem:s6], [sflag:s4] =	dma.local [hbm:s3], $0xF7A  }
0x26: {  	[smem:$0x3F6F] =	sst s1;
	(tag) =	ssettag s2;
	_ =	strace s9  }
0x27: {  	s1 =	sld [smem:$0x3F7F]  }
0x28: {  	s2 =	sld [smem:$0x3F80]  }
0x29: {  	s4 =	sld [smem:$0x3F82]  }
0x2a: {  	p0 =	seq.s32 s5, $0x0;
	s5 =	sld [smem:$0x3F83]  }
0x2b: {  	s6 =	sld [smem:$0x3F84]  }
0x2c: {  	s7 =	sld [smem:$0x3F85]  }
0x2d: {  	s3 =	simm.s32 $0x108;
	s8 =	sld [smem:$0x3F86]  }
0x2e: {  	s3 =	simm.s32 @!p0 $0x1082;
	s9 =	sld [smem:$0x3F87]  }
0x2f: {  	lr =	sadd.s32 s0, s3;
	s0 =	sld [smem:$0x3F7E]  }
0x30: {  	s3 =	sld [smem:$0x3F81]  }
0x31: {  	[smem:$0x3F8A] =	sst s10  }
0x32: {  	s10 =	sld [smem:$0x3F88];
	_ =	sdelay $0x3  }
0x33: {  	p0 =	seq.s32 s10, $0x1;
	s10 =	sld [smem:$0x3F8A];
	_ =	sdelay $0x3  }
0x34: {  	[smem:$0x3F8A] =	sst s10  }
0x35: {  	s10 =	sld [smem:$0x3F89];
	_ =	sdelay $0x3  }
0x36: {  	p1 =	seq.s32 s10, $0x1;
	s10 =	sld [smem:$0x3F8A];
	_ =	sdelay $0x3  }
0x37: {  	[smem:$0x3F8A] =	sst s10  }
0x38: {  	s10 =	sld [smem:$0x3F8B]  }
0x39: {  	_ = 	snop;
	(pc) =	sbr.ind lr, $3  }
0x3a: {  	_ = 	snop  }
0x3b: {  	_ = 	snop  }
0x3c: {  	p2 =	seq.s32 s10, $0x1;
	s10 =	sld [smem:$0x3F8A]  }
0x3d: {  	_ =	shalt  }
0x3e: {  	_ =	shalt  }
0x3f: {  	_ =	shalt  }
0x40: {  	_ =	shalt  }
0x41: {  	_ =	shalt  }
0x42: {  	_ =	shalt  }
0x43: {  	_ =	shalt  }
0x44: {  	_ =	shalt  }
0x45: {  	_ =	shalt  }
0x46: {  	_ =	shalt  }
0x47: {  	_ =	shalt  }
0x48: {  	_ =	shalt  }
0x49: {  	_ =	shalt  }
0x4a: {  	_ =	shalt  }
0x4b: {  	_ =	shalt  }
0x4c: {  	_ =	shalt  }
0x4d: {  	_ =	shalt  }
0x4e: {  	_ =	shalt  }
0x4f: {  	_ =	shalt  }
0x50: {  	_ =	shalt  }
0x51: {  	_ =	shalt  }
0x52: {  	_ =	shalt  }
0x53: {  	_ =	shalt  }
0x54: {  	_ =	shalt  }
0x55: {  	_ =	shalt  }
0x56: {  	_ =	shalt  }
0x57: {  	_ =	shalt  }
0x58: {  	_ =	shalt  }
0x59: {  	_ =	shalt  }
0x5a: {  	_ =	shalt  }
0x5b: {  	_ =	shalt  }
0x5c: {  	_ =	shalt  }
0x5d: {  	_ =	shalt  }
0x5e: {  	_ =	shalt  }
0x5f: {  	_ =	shalt  }
0x60: {  	_ =	shalt  }
0x61: {  	_ =	shalt  }
0x62: {  	_ =	shalt  }
0x63: {  	_ =	shalt  }
0x64: {  	_ =	shalt  }
0x65: {  	_ =	shalt  }
0x66: {  	_ =	shalt  }
0x67: {  	_ =	shalt  }
0x68: {  	_ =	shalt  }
0x69: {  	_ =	shalt  }
0x6a: {  	_ =	shalt  }
0x6b: {  	_ =	shalt  }
0x6c: {  	_ =	shalt  }
0x6d: {  	_ =	shalt  }
0x6e: {  	_ =	shalt  }
0x6f: {  	_ =	shalt  }
0x70: {  	_ =	shalt  }
0x71: {  	_ =	shalt  }
0x72: {  	_ =	shalt  }
0x73: {  	_ =	shalt  }
0x74: {  	_ =	shalt  }
0x75: {  	_ =	shalt  }
0x76: {  	_ =	shalt  }
0x77: {  	_ =	shalt  }
0x78: {  	_ =	shalt  }
0x79: {  	_ =	shalt  }
0x7a: {  	_ =	shalt  }
0x7b: {  	_ =	shalt  }
0x7c: {  	_ =	shalt  }
0x7d: {  	_ =	shalt  }
0x7e: {  	_ =	shalt  }
0x7f: {  	_ =	shalt  }
0x80: {  	_ =	shalt  }
0x81: {  	_ =	shalt  }
0x82: {  	_ =	shalt  }
0x83: {  	_ =	shalt  }
0x84: {  	_ =	shalt  }
0x85: {  	_ =	shalt  }
0x86: {  	_ =	shalt  }
0x87: {  	_ =	shalt  }
.Lfunc_end0:
.L_simem_size_0:
called_computation.1_lowered:
.L_overlay_start_0:
0x88: {  	s2 =	sld [smem:$0x3FD9]  }
0x89: {  	s3 =	sld [smem:$0x3FFE];
	_ =	sdelay $0x1  }
0x8a: {  	s1 =	srdreg.scid  }
0x8b: {  	s0 =	sand.u32 $0x1, s1  }
0x8c: {  	s16 =	sshll.u32 s0, $0xA;
	s2 =	sadd.s32 s3, s2  }
0x8d: {  	s2 =	sadd.s32 s2, s16  }
0x8e: {  	[smem:$0x3F96] =	sst s2  }
0x8f: {  	_ = 	snop  }
0x90: {  	(tm) =	ssettm $0x1  }
0x91: {  	s17 =	sld [smem:$0x3FFB];
	_ =	sdelay $0x3  }
0x92: {  	_ =	strace s17  }
0x93: {  	s2 =	sld [smem:$0x3FFC];
	_ =	sdelay $0x3  }
0x94: {  	_ =	strace s2  }
0x95: {  	s2 =	sld [smem:$0x3FFD];
	_ =	sdelay $0x3  }
0x96: {  	_ =	strace s2  }
0x97: {  	_ =	strace $0x8FFFFFFF  }
0x98: {  	s18 =	sld [smem:$0x3FDB];
	_ =	sdelay $0x1  }
0x99: {  	s19 =	simm.s32 $_scs_section_size  }
0x9a: {  	s4 =	simm.s32 $_size__tile_overlayer_lowered;
	s5 =	simm.s32 $_tile_overlayer_lowered  }
0x9b: {  	s22 =	simm.s32 $0x1BFF;
	s21 =	sshll.u32 s5, $0x1;
	s2 =	sadd.s32 s19, s18  }
0x9c: {  	s6 =	simm.s32 $0x0;
	s20 =	sshll.u32 s4, $0x1;
	s4 =	sadd.s32 s21, s2  }
0x9d: {  	[timem:s6], [sflag:s22] =	dma.local [hbm:s4], s20  }
0x9e: {  	_ =	swait.ge [sflag:s22], s20  }
0x9f: {  	s3 =	ssub.s32 $0x0, s20;
	[sflag:s22] =	ssyncset.done $0x0  }
0xa0: {  	[sflag:s22] =	ssyncadd.s32 s3;
	_ =	sdelay $0x1  }
0xa1: {  	s23 =	simm.s32 $0x1B8B  }
0xa2: {  	_ =	swait.ge [sflag:s23], $0x1  }
0xa3: {  	[sflag:s23] =	ssyncset.done $0x0  }
0xa4: {  	s25 =	simm.s32 $0x1B8E;
	s24 =	sld [smem:$0x3FFE];
	[sflag:s23] =	ssyncadd.s32 $0xFFFFFFFF  }
0xa5: {  	s26 =	simm.s32 $execute0_lowered;
	[smem:$0x3FD2] =	sst s25  }
0xa6: {  	s4 =	sshll.u32 s26, $0x1;
	_ =	strace $0x80000046;
	[dreg:$0x1] =	wrdreg $0xFFFFFFFF  }
0xa7: {  	s28 =	simm.s32 $_size_execute0_lowered;
	s2 =	sadd.s32 s2, s4;
	[dreg:$0x0] =	wrdreg $0x0  }
0xa8: {  	s4 =	sshll.u32 s28, $0x1;
	[dreg:$0x2] =	wrdreg s2  }
0xa9: {  	[dreg:$0x3] =	wrdreg s4  }
0xaa: {  	[dreg:$0x4] =	wrdreg $0xC0  }
0xab: {  	_ =	task [dreg:s6], $0x5FFFF  }
0xac: {  	[dreg:$0x1] =	wrdreg $0xFFFFFFFF  }
0xad: {  	[dreg:$0x0] =	wrdreg $0x60  }
0xae: {  	[dreg:$0x2] =	wrdreg s24  }
0xaf: {  	[dreg:$0x3] =	wrdreg $0xA  }
0xb0: {  	_ =	task.clear_ibuf [dreg:s6], $0x4FFFF;
	_ =	strace $0x90000046  }
0xb1: {  	s29 =	simm.s32 $0xA;
	_ =	strace $0x80000048  }
0xb2: {  	_ =	swait.ge [sflag:s29], $0x1  }
0xb3: {  	[sflag:s29] =	ssyncadd.s32 $0xFFFFFFFF  }
0xb4: {  	_ =	strace $0x90000048  }
0xb5: {  	_ =	sfence  }
0xb6: {  	s30 =	sld [smem:$0x0];
	_ =	sdelay $0x2  }
0xb7: {  	s31 =	sshll.u32 s1, $0xD;
	s1 =	sshrl.u32 s1, $0x2  }
0xb8: {  	s3 =	sand.u32 $0x4000, s31;
	s1 =	sadd.s32 s1, s30  }
0xb9: {  	s0 =	sor.u32 s3, s0;
	s1 =	sshll.u32 s1, $0x11  }
0xba: {  	s0 =	sor.u32 s1, s0  }
0xbb: {  	s0 =	sadd.s32 $0x8F2B, s0  }
0xbc: {  	[sflag:s0] =	ssyncadd.remote.s32 $0x1  }
0xbd: {  	_ =	sfence.sel $0xFFFF  }
0xbe: {  	[dreg:$0x0] =	wrdreg $0xFFFFFFFF;
	(pc) =	sbr.abs _section_cstart, $3  }
0xbf: {  	[dreg:$0x1] =	wrdreg $0xFFFFFFFF  }
0xc0: {  	_ =	task.clear_ibuf [dreg:s6], $0x2FFFF;
	_ =	strace $0x9FFFFFFF  }
0xc1: {  	(tm) =	ssettm $0x7FFFFFFF  }
tec
execute0_lowered:
.L_overlay_start_1:
0x0: {  	(tag) =	ssettag $0x1  }
0x1: {  	s8 =	rddreg [dreg:$0x0]  }
0x2: {  	s0 =	rddreg [dreg:$0x1];
	_ =	strace $0x80000047;
	s1 =	stileid.u32  }
0x3: {  	s3 =	srdreg.scid;
	s4 =	simm.s32 $0x1;
	s7 =	simm.s32 $0x1  }
0x4: {  	s9 =	simm.s32 $0x1;
	s10 =	simm.s32 $0x3;
	s13 =	simm.s32 $0x0  }
0x5: {  	s12 =	simm.s32 $0x0;
	s5 =	sand.u32 $0x1, s3;
	s6 =	sshll.u32 s1, $0x1  }
0x6: {  	s2 =	sadd.s32 $0x7200, s8;
	s3 =	sadd.s32 $0x11200, s8;
	s5 =	sor.u32 s6, s5  }
.Ltmp0:
0x7: {  	[sflag:s4] =	ssyncpa.u1 $0x0;
	p0 =	slt.u32 s5, $0x9;
	(pc) =	sbr.rel .LBB2_1-.Ltmp0, $4  }
0x8: {  	s6 =	simm.s32 $0x2;
	s7 =	simm.s32 @!p0 $0x0;
	p0 =	sne.s32 s5, $0x8  }
0x9: {  	[sflag:s6] =	ssyncpa.u1 $0x0;
	s5 =	smul.u32 $0xFA0, s5;
	s9 =	simm.s32 @!p0 $0x0  }
0xa: {  	s8 =	sadd.s32 $0x3D400, s8;
	[sflag:s10] =	ssyncpa.u1 $0x0;
	s7 =	sadd.s32 s9, s7  }
0xb: {  	vm0 =	vmmov $0xffff;
	s10 =	simm.s32 $0x0;
	s11 =	smov.u32 s5;
	s9 =	sadd.s32 $0x1, s7  }
.LBB2_4:
0xc: {  	v2 =	vnsel vm1, $0x0, v2  }
0xd: {  	vm1 =	vgt.s32 v0, $0x0;
	v2 =	vmin.u32 v2, $0x270FF  }
0xe: {  	v0 =	vnsel vm1, $0x0, v0  }
0xf: {  	v0 =	vmin.u32 v0, $0x270FF  }
0x10: {  	[tilespmem:s18], [sflag:$0x1] =	stream.indirect_vreg.gather [hbm4b:s2+s10], $0x1, v1, vm0, $0x4038;
	[tilespmem:$0x3E80] =	vst v63  }
0x11: {  	(ifvalue) =	ssetifvalue $0x7FFFFFFF  }
0x12: {  	[tilespmem:s15], [sflag:$0x1] =	stream.indirect_vreg.gather [hbm4b:s2+s10], $0x1, v2, vm0, $0x4038;
	[tilespmem:$0x3E80] =	vst v63  }
0x13: {  	s29 =	sadd.s32 $0x10, s15;
	(ifvalue) =	ssetifvalue $0x7FFFFFFF  }
0x14: {  	[tilespmem:s29], [sflag:$0x1] =	stream.indirect_vreg.gather [hbm4b:s2+s10], $0x1, v0, vm0, $0x4038;
	[tilespmem:$0x3E80] =	vst v63  }
0x15: {  	_ =	swait.ge [sflag:s4], $0xFA0  }
0x16: {  	s30 =	sshrl.u32 s13, $0x3;
	[sflag:s4] =	ssyncset.done $0x0  }
0x17: {  	s31 =	sand.u32 $0x7, s13;
	s15 =	sadd.s32 s8, s30;
	[sflag:s4] =	ssyncadd.s32 $0xFFFFF060  }
0x18: {  	[hbm4b:s15+s31] =	stream.linear.scatter [tilespmem:s14], [sflag:$0x3], $0xFA0, $0x38;
	[tilespmem:$0x3E80] =	vst v63  }
.LBB2_5:
0x19: {  	s15 =	sadd.s32 $0x1F400, s11  }
0x1a: {  	p1 =	sgt.s32 s15, $0x270FF  }
0x1b: {  	s15 =	smov.u32 @p1 s5;
	p1 =	sne.s32 s12, s9  }
.Ltmp1:
0x1c: {  	p0 =	slt.u32 s12, $0x2;
	(pc) =	sbr.rel @!p1 .LBB2_6-.Ltmp1, $4  }
0x1d: {  	s14 =	simm.s32 @!p0 $0x3  }
0x1e: {  	_ =	swait.ge @!p0 [sflag:s14], $0xFA0  }
0x1f: {  	s16 =	sadd.s32 $0x1, s12;
	s13 =	smov.u32 s11;
	[sflag:s14] =	ssyncset.done @!p0 $0x0  }
0x20: {  	s12 =	smov.u32 s16;
	s11 =	smov.u32 s15;
	[sflag:s14] =	ssyncadd.s32 @!p0 $0xFFFFF060  }
.LBB2_1:
0x21: {  	p0 =	sge.u32 s12, s7  }
0x22: {  	s14 =	sxor.u32 @!p0 $0x1, s12  }
0x23: {  	s14 =	smul.u32 @!p0 $0x3E80, s14  }
0x24: {  	s31 =	sadd.s32 $0xFFFFFFFF, s12;
	s15 =	sshrl.u32 @!p0 s11, $0x3  }
0x25: {  	s16 =	sand.u32 @!p0 $0x7, s11;
	s15 =	sadd.s32 @!p0 s3, s15;
	s14 =	sshra.s32 @!p0 s14, $0x2  }
0x26: {  	[tilespmem:s14], [sflag:$0x2] =	stream.linear.gather @!p0 [hbm4b:s15+s16], $0xFA0, $0x38;
	[tilespmem:$0x3E80] =	vst v63  }
0x27: {  	p0 =	sge.u32 s31, s7  }
.Ltmp2:
0x28: {  	_ = 	snop;
	(pc) =	sbr.rel @p0 .LBB2_5-.Ltmp2, $1  }
0x29: {  	_ =	sdelay $0x3  }
0x2a: {  	s14 =	sand.u32 $0x1, s12  }
0x2b: {  	_ =	swait.ge [sflag:s6], $0xFA0;
	p0 =	seq.s32 s14, $0x1;
	s14 =	simm.s32 $0xFA0  }
0x2c: {  	[sflag:s6] =	ssyncset.done $0x0;
	s14 =	simm.s32 @!p0 $0x0  }
0x2d: {  	[sflag:s6] =	ssyncadd.s32 $0xFFFFF060;
	(ifvalue) =	ssetifvalue $0x7FFFFFFF;
	v0 =	vld.msk [tilespmem:s14+$0x0 ss:$0x1], $0xffff;
	_ =	sdelay $0x4  }
0x2e: {  	s15 =	sadd.s32 $0x10, s14;
	vm1 =	vgt.s32 v0, $0x0  }
0x2f: {  	v2 =	vld.msk [tilespmem:s15+$0x0 ss:$0x1], $0xffff;
	v1 =	vnsel vm1, $0x0, v0  }
0x30: {  	v1 =	vmin.u32 v1, $0x270FF;
	_ =	sdelay $0x2  }
0x31: {  	s17 =	simm.s32 $0x20;
	s14 =	sadd.s32 $0x1F40, s14;
	s16 =	sadd.s32 $0x10, s15  }
0x32: {  	s15 =	sadd.s32 $0x10, s14;
	s18 =	smov.u32 s14;
	v0 =	vld.msk [tilespmem:s16+$0x0 ss:$0x1], $0xffff;
	vm1 =	vgt.s32 v2, $0x0;
	(ifvalue) =	ssetifvalue $0x7FFFFFFF  }
.LBB2_3:
0x33: {  	[tilespmem:s18], [sflag:$0x1] =	stream.indirect_vreg.gather [hbm4b:s2+s10], $0x1, v1, vm0, $0x4038;
	[tilespmem:$0x3E80] =	vst v63  }
0x34: {  	s17 =	sadd.s32 $0x10, s17  }
0x35: {  	v2 =	vnsel vm1, $0x0, v2;
	p0 =	slt.u32 s17, $0xF90  }
.Ltmp3:
0x36: {  	s18 =	smov.u32 s15;
	v1 =	vmin.u32 v2, $0x270FF;
	(pc) =	sbr.rel @p0 .LBB2_3-.Ltmp3, $3  }
0x37: {  	_ =	sdelay $0x1  }
0x38: {  	s16 =	sadd.s32 $0x10, s16  }
0x39: {  	vm1 =	vgt.s32 v0, $0x0;
	s15 =	sadd.s32 $0x10, s15;
	v2 =	vmov v0;
	(ifvalue) =	ssetifvalue $0x7FFFFFFF;
	v0 =	vld.msk [tilespmem:s16+$0x0 ss:$0x1], $0xffff  }
.Ltmp4:
0x3a: {  	_ = 	snop;
	(pc) =	sbr.rel .LBB2_4-.Ltmp4, $1  }
0x3b: {  	_ =	sdelay $0x3  }
.LBB2_6:
0x3c: {  	_ =	sfence.sel $0x180000  }
0x3d: {  	s2 =	simm.s32 $0x2;
	[bflag:$0x0] =	sbarrier.arrive $0xFFFF  }
0x3e: {  	s30 =	simm.s32 $0x3;
	[sflag:s2] =	ssyncpa.u1 $0x1  }
0x3f: {  	s31 =	simm.s32 $0x1;
	[sflag:s30] =	ssyncpa.u1 $0x1  }
0x40: {  	[sflag:s31] =	ssyncpa.u1 $0x1  }
0x41: {  	p0 =	sne.s32 s1, $0x0;
	_ =	strace $0x90000047  }
0x42: {  	s0 =	sadd.s32 @!p0 $0x100000, s0;
	[bflag:$0x2] =	sbarrier.arrive $0xFFFF  }
0x43: {  	[sflag:s0] =	ssyncadd.tile.s32 @!p0 $0x1;
	_ =	shalt  }
.Lfunc_end2:
_tile_overlayer_lowered:
.L_overlay_start_2:
0x44: {  	(tag) =	ssettag $0x2  }
0x45: {  	s0 =	rddreg [dreg:$0x0];
	s2 =	stileid.u32  }
0x46: {  	s1 =	rddreg [dreg:$0x1];
	p0 =	sne.s32 s2, $0x0  }
0x47: {  	s3 =	rddreg [dreg:$0x2];
	[bflag:$0x3] =	sbarrier.arrive $0xFFFF;
	s2 =	simm.s32 @!p0 $0x1C01  }
0x48: {  	[timem:s3], [sflag:s2] =	dma.local @!p0 [hbm:s0], s1  }
0x49: {  	s0 =	simm.s32 @!p0 $0x1  }
0x4a: {  	_ =	swait.ge @!p0 [sflag:s0], s1  }
0x4b: {  	s1 =	ssub.s32 @!p0 $0x0, s1;
	[sflag:s0] =	ssyncset.done @!p0 $0x0  }
0x4c: {  	[sflag:s0] =	ssyncadd.s32 @!p0 s1  }
0x4d: {  	[bflag:$0x3] =	sbarrier.arrive $0xFFFF  }
0x4e: {  	_ =	shalt  }

// kernel: gather_offload_async_start
scs
__scs_entry_jumppad:
0x0: {  	(pc) =	sbr.rel $0x88, $3  }
0x1: {  	(tag) =	ssettag $0x0;
	lr =	simm.s32 $0x1  }
0x2: {  	[smem:$0x3F6F] =	sst lr;
	_ =	strace $0xD0000000  }
0x3: {  	_ = 	snop  }
0x4: {  	_ = 	snop  }
0x5: {  	_ = 	snop  }
0x6: {  	_ = 	snop  }
0x7: {  	_ = 	snop  }
__scs_overlays_trampoline_lowered:
0x8: {  	[smem:$0x3F7E] =	sst s0  }
0x9: {  	[smem:$0x3F7F] =	sst s1  }
0xa: {  	[smem:$0x3F80] =	sst s2  }
0xb: {  	[smem:$0x3F81] =	sst s3  }
0xc: {  	[smem:$0x3F82] =	sst s4  }
0xd: {  	[smem:$0x3F83] =	sst s5  }
0xe: {  	[smem:$0x3F84] =	sst s6  }
0xf: {  	[smem:$0x3F85] =	sst s7  }
0x10: {  	[smem:$0x3F86] =	sst s8  }
0x11: {  	[smem:$0x3F87] =	sst s9;
	s0 =	simm.s32 @!p0 $0x0  }
0x12: {  	s1 =	sld [smem:$0x3F6D];
	s0 =	simm.s32 @p0 $0x1  }
0x13: {  	[smem:$0x3F88] =	sst s0;
	s0 =	simm.s32 @!p1 $0x0  }
0x14: {  	s2 =	sld [smem:$0x3F6C];
	s0 =	simm.s32 @p1 $0x1  }
0x15: {  	[smem:$0x3F89] =	sst s0;
	s0 =	simm.s32 @!p2 $0x0  }
0x16: {  	s3 =	sld [smem:$0x3FDB];
	s0 =	simm.s32 @p2 $0x1  }
0x17: {  	s4 =	simm.s32 $0x1BF5;
	[smem:$0x3F8B] =	sst s0  }
0x18: {  	s0 =	sld [smem:$0x3F6E];
	_ =	swait.ge [sflag:s4], $0x0  }
0x19: {  	s7 =	sld [smem:$0x3F6F]  }
0x1a: {  	s8 =	sadd.s32 $0xFFFFE003, lr  }
0x1b: {  	s9 =	sadd.s32 $0xFFFFFEF7, lr;
	s5 =	simm.s32 $0xFFFFFFFF;
	p2 =	slt.u32 s8, $0xFFFFF086  }
0x1c: {  	p1 =	slt.u32 s9, $0xF7A;
	s5 =	simm.s32 @!p2 $0x0  }
0x1d: {  	s5 =	simm.s32 @p1 $0x1;
	p0 =	seq.s32 s7, s2  }
0x1e: {  	s7 =	smul.u32 @!p0 $0xF7A, s2;
	p2 =	seq.s32 @!p0 s5, $0x0  }
0x1f: {  	s9 =	smul.u32 $0xF7A, s1;
	s8 =	simm.s32 @!p0 $0x1BF5;
	p2 =	por !p2, p0  }
0x20: {  	[sflag:s8] =	ssyncset.s32 @!p0 $0xFFFFF086;
	s6 =	sadd.s32 @!p0 s3, s7;
	s7 =	simm.s32 @!p0 $0x108  }
0x21: {  	s3 =	sadd.s32 s3, s9;
	s6 =	sadd.s32 @!p0 $0x88, s6;
	s7 =	simm.s32 @p2 $0x1082  }
0x22: {  	[simem:s7], [sflag:s8] =	dma.local @!p0 [hbm:s6], $0xF7A  }
0x23: {  	s9 =	sor.u32 $0xD0000000, s2;
	s6 =	simm.s32 $0x108;
	_ =	swait.ge @!p0 [sflag:s8], $0x0  }
0x24: {  	s3 =	sadd.s32 $0x88, s3;
	s6 =	simm.s32 @!p1 $0x1082;
	[sflag:s4] =	ssyncset.s32 $0xFFFFF086  }
0x25: {  	[simem:s6], [sflag:s4] =	dma.local [hbm:s3], $0xF7A  }
0x26: {  	[smem:$0x3F6F] =	sst s1;
	(tag) =	ssettag s2;
	_ =	strace s9  }
0x27: {  	s1 =	sld [smem:$0x3F7F]  }
0x28: {  	s2 =	sld [smem:$0x3F80]  }
0x29: {  	s4 =	sld [smem:$0x3F82]  }
0x2a: {  	p0 =	seq.s32 s5, $0x0;
	s5 =	sld [smem:$0x3F83]  }
0x2b: {  	s6 =	sld [smem:$0x3F84]  }
0x2c: {  	s7 =	sld [smem:$0x3F85]  }
0x2d: {  	s3 =	simm.s32 $0x108;
	s8 =	sld [smem:$0x3F86]  }
0x2e: {  	s3 =	simm.s32 @!p0 $0x1082;
	s9 =	sld [smem:$0x3F87]  }
0x2f: {  	lr =	sadd.s32 s0, s3;
	s0 =	sld [smem:$0x3F7E]  }
0x30: {  	s3 =	sld [smem:$0x3F81]  }
0x31: {  	[smem:$0x3F8A] =	sst s10  }
0x32: {  	s10 =	sld [smem:$0x3F88];
	_ =	sdelay $0x3  }
0x33: {  	p0 =	seq.s32 s10, $0x1;
	s10 =	sld [smem:$0x3F8A];
	_ =	sdelay $0x3  }
0x34: {  	[smem:$0x3F8A] =	sst s10  }
0x35: {  	s10 =	sld [smem:$0x3F89];
	_ =	sdelay $0x3  }
0x36: {  	p1 =	seq.s32 s10, $0x1;
	s10 =	sld [smem:$0x3F8A];
	_ =	sdelay $0x3  }
0x37: {  	[smem:$0x3F8A] =	sst s10  }
0x38: {  	s10 =	sld [smem:$0x3F8B]  }
0x39: {  	_ = 	snop;
	(pc) =	sbr.ind lr, $3  }
0x3a: {  	_ = 	snop  }
0x3b: {  	_ = 	snop  }
0x3c: {  	p2 =	seq.s32 s10, $0x1;
	s10 =	sld [smem:$0x3F8A]  }
0x3d: {  	_ =	shalt  }
0x3e: {  	_ =	shalt  }
0x3f: {  	_ =	shalt  }
0x40: {  	_ =	shalt  }
0x41: {  	_ =	shalt  }
0x42: {  	_ =	shalt  }
0x43: {  	_ =	shalt  }
0x44: {  	_ =	shalt  }
0x45: {  	_ =	shalt  }
0x46: {  	_ =	shalt  }
0x47: {  	_ =	shalt  }
0x48: {  	_ =	shalt  }
0x49: {  	_ =	shalt  }
0x4a: {  	_ =	shalt  }
0x4b: {  	_ =	shalt  }
0x4c: {  	_ =	shalt  }
0x4d: {  	_ =	shalt  }
0x4e: {  	_ =	shalt  }
0x4f: {  	_ =	shalt  }
0x50: {  	_ =	shalt  }
0x51: {  	_ =	shalt  }
0x52: {  	_ =	shalt  }
0x53: {  	_ =	shalt  }
0x54: {  	_ =	shalt  }
0x55: {  	_ =	shalt  }
0x56: {  	_ =	shalt  }
0x57: {  	_ =	shalt  }
0x58: {  	_ =	shalt  }
0x59: {  	_ =	shalt  }
0x5a: {  	_ =	shalt  }
0x5b: {  	_ =	shalt  }
0x5c: {  	_ =	shalt  }
0x5d: {  	_ =	shalt  }
0x5e: {  	_ =	shalt  }
0x5f: {  	_ =	shalt  }
0x60: {  	_ =	shalt  }
0x61: {  	_ =	shalt  }
0x62: {  	_ =	shalt  }
0x63: {  	_ =	shalt  }
0x64: {  	_ =	shalt  }
0x65: {  	_ =	shalt  }
0x66: {  	_ =	shalt  }
0x67: {  	_ =	shalt  }
0x68: {  	_ =	shalt  }
0x69: {  	_ =	shalt  }
0x6a: {  	_ =	shalt  }
0x6b: {  	_ =	shalt  }
0x6c: {  	_ =	shalt  }
0x6d: {  	_ =	shalt  }
0x6e: {  	_ =	shalt  }
0x6f: {  	_ =	shalt  }
0x70: {  	_ =	shalt  }
0x71: {  	_ =	shalt  }
0x72: {  	_ =	shalt  }
0x73: {  	_ =	shalt  }
0x74: {  	_ =	shalt  }
0x75: {  	_ =	shalt  }
0x76: {  	_ =	shalt  }
0x77: {  	_ =	shalt  }
0x78: {  	_ =	shalt  }
0x79: {  	_ =	shalt  }
0x7a: {  	_ =	shalt  }
0x7b: {  	_ =	shalt  }
0x7c: {  	_ =	shalt  }
0x7d: {  	_ =	shalt  }
0x7e: {  	_ =	shalt  }
0x7f: {  	_ =	shalt  }
0x80: {  	_ =	shalt  }
0x81: {  	_ =	shalt  }
0x82: {  	_ =	shalt  }
0x83: {  	_ =	shalt  }
0x84: {  	_ =	shalt  }
0x85: {  	_ =	shalt  }
0x86: {  	_ =	shalt  }
0x87: {  	_ =	shalt  }
.Lfunc_end0:
.L_simem_size_0:
called_computation_lowered:
.L_overlay_start_0:
0x88: {  	s2 =	sld [smem:$0x3FD9]  }
0x89: {  	s3 =	sld [smem:$0x3FFE];
	_ =	sdelay $0x1  }
0x8a: {  	s1 =	srdreg.scid  }
0x8b: {  	s0 =	sand.u32 $0x1, s1  }
0x8c: {  	s15 =	sshll.u32 s0, $0xA;
	s2 =	sadd.s32 s3, s2  }
0x8d: {  	s2 =	sadd.s32 s2, s15  }
0x8e: {  	[smem:$0x3F96] =	sst s2  }
0x8f: {  	_ = 	snop  }
0x90: {  	s2 =	sld [smem:$0x3FD0];
	_ =	sdelay $0x2  }
0x91: {  	s16 =	simm.s32 $0xC;
	s4 =	simm.s32 $0x10  }
0x92: {  	[smem:s4], [sflag:s16] =	dma.local [hbm:s2], $0x1  }
0x93: {  	_ =	swait.eq [sflag:s16], $0x1  }
0x94: {  	[sflag:s16] =	ssyncset.done $0x0  }
0x95: {  	[sflag:s16] =	ssyncadd.s32 $0xFFFFFFFF  }
0x96: {  	s17 =	sld [smem:$0x10];
	(tm) =	ssettm $0x1  }
0x97: {  	s18 =	sld [smem:$0x3FFB];
	_ =	sdelay $0x3  }
0x98: {  	_ =	strace s18  }
0x99: {  	s2 =	sld [smem:$0x3FFC];
	_ =	sdelay $0x3  }
0x9a: {  	_ =	strace s2  }
0x9b: {  	s2 =	sld [smem:$0x3FFD];
	_ =	sdelay $0x3  }
0x9c: {  	_ =	strace s2  }
0x9d: {  	_ =	strace $0x8FFFFFFF  }
0x9e: {  	s19 =	sld [smem:$0x3FDB];
	_ =	sdelay $0x1  }
0x9f: {  	s20 =	simm.s32 $_scs_section_size  }
0xa0: {  	s5 =	simm.s32 $_size__tile_overlayer_lowered;
	s6 =	simm.s32 $_tile_overlayer_lowered  }
0xa1: {  	s7 =	simm.s32 $0x1BFF;
	s21 =	sshll.u32 s6, $0x1;
	s4 =	sadd.s32 s20, s19  }
0xa2: {  	s22 =	simm.s32 $0x0;
	s5 =	sshll.u32 s5, $0x1;
	s6 =	sadd.s32 s21, s4  }
0xa3: {  	[timem:s22], [sflag:s7] =	dma.local [hbm:s6], s5  }
0xa4: {  	_ =	swait.ge [sflag:s7], s5  }
0xa5: {  	s5 =	ssub.s32 $0x0, s5;
	[sflag:s7] =	ssyncset.done $0x0  }
0xa6: {  	[sflag:s7] =	ssyncadd.s32 s5;
	_ =	sdelay $0x1  }
0xa7: {  	s23 =	simm.s32 $0x1B8B  }
0xa8: {  	_ =	swait.ge [sflag:s23], $0x1  }
0xa9: {  	[sflag:s23] =	ssyncset.done $0x0  }
0xaa: {  	[sflag:s23] =	ssyncadd.s32 $0xFFFFFFFF  }
0xab: {  	s5 =	sld [smem:$0x0]  }
0xac: {  	s6 =	sand.u32 $0xFFFFFFFE, s1  }
0xad: {  	p0 =	sne.s32 s1, s6  }
0xae: {  	s6 =	sshll.u32 @p0 s6, $0xE  }
0xaf: {  	s6 =	sadd.s32 @p0 $0x11B8D, s6;
	s7 =	sshll.u32 @p0 s5, $0x11  }
0xb0: {  	s6 =	sor.u32 @p0 s7, s6  }
0xb1: {  	[sflag:s6] =	ssyncadd.remote.s32 @p0 $0x1;
	_ =	sdelay $0x1  }
0xb2: {  	s6 =	simm.s32 @p0 $0x1B8D  }
0xb3: {  	_ =	swait.eq @p0 [sflag:s6], $0x1  }
0xb4: {  	[sflag:s6] =	ssyncadd.s32 @p0 $0xFFFFFFFF  }
0xb5: {  	s7 =	sshll.u32 @!p0 s1, $0xE  }
0xb6: {  	s7 =	sor.u32 @!p0 $0x4000, s7;
	s6 =	simm.s32 @!p0 $0x1B8D  }
0xb7: {  	s5 =	sshll.u32 @!p0 s5, $0x11;
	s7 =	sadd.s32 @!p0 $0x11B8D, s7;
	_ =	swait.eq @!p0 [sflag:s6], $0x1  }
0xb8: {  	s5 =	sor.u32 @!p0 s5, s7;
	[sflag:s6] =	ssyncadd.s32 @!p0 $0xFFFFFFFF  }
0xb9: {  	s25 =	simm.s32 $0x1B8E;
	s24 =	sld [smem:$0x3FFE];
	[sflag:s5] =	ssyncadd.remote.s32 @!p0 $0x1  }
0xba: {  	s26 =	simm.s32 $execute0_lowered;
	[smem:$0x3FD2] =	sst s25  }
0xbb: {  	s6 =	sshll.u32 s26, $0x1;
	_ =	strace $0x80000049;
	[dreg:$0x1] =	wrdreg $0xFFFFFFFF  }
0xbc: {  	s28 =	simm.s32 $_size_execute0_lowered;
	s4 =	sadd.s32 s4, s6;
	[dreg:$0x0] =	wrdreg $0x0  }
0xbd: {  	s6 =	sshll.u32 s28, $0x1;
	[dreg:$0x2] =	wrdreg s4  }
0xbe: {  	[dreg:$0x3] =	wrdreg s6  }
0xbf: {  	[dreg:$0x4] =	wrdreg $0xC0  }
0xc0: {  	_ =	task [dreg:s22], $0x5FFFF  }
0xc1: {  	[dreg:$0x1] =	wrdreg $0xFFFFFFFF  }
0xc2: {  	[dreg:$0x0] =	wrdreg $0x60  }
0xc3: {  	[dreg:$0x2] =	wrdreg s24  }
0xc4: {  	[dreg:$0x3] =	wrdreg s17  }
0xc5: {  	[dreg:$0x4] =	wrdreg $0x9  }
0xc6: {  	_ =	task.clear_ibuf [dreg:s22], $0x5FFFF;
	_ =	strace $0x90000049  }
0xc7: {  	s29 =	simm.s32 $0x9;
	_ =	strace $0x8000004B  }
0xc8: {  	_ =	swait.ge [sflag:s29], $0x1  }
0xc9: {  	[sflag:s29] =	ssyncadd.s32 $0xFFFFFFFF  }
0xca: {  	_ =	strace $0x9000004B  }
0xcb: {  	_ =	sfence  }
0xcc: {  	s30 =	sld [smem:$0x0];
	_ =	sdelay $0x2  }
0xcd: {  	s31 =	sshll.u32 s1, $0xD;
	s1 =	sshrl.u32 s1, $0x2  }
0xce: {  	s4 =	sand.u32 $0x4000, s31;
	s1 =	sadd.s32 s1, s30  }
0xcf: {  	s0 =	sor.u32 s4, s0;
	s1 =	sshll.u32 s1, $0x11  }
0xd0: {  	s0 =	sor.u32 s1, s0  }
0xd1: {  	s0 =	sadd.s32 $0x8F2B, s0  }
0xd2: {  	[sflag:s0] =	ssyncadd.remote.s32 $0x1  }
0xd3: {  	_ =	sfence.sel $0xFFFF  }
0xd4: {  	[dreg:$0x0] =	wrdreg $0xFFFFFFFF;
	(pc) =	sbr.abs _section_cstart, $3  }
0xd5: {  	[dreg:$0x1] =	wrdreg $0xFFFFFFFF  }
0xd6: {  	_ =	task.clear_ibuf [dreg:s22], $0x2FFFF;
	_ =	strace $0x9FFFFFFF  }
0xd7: {  	(tm) =	ssettm $0x7FFFFFFF  }
tec
execute0_lowered:
.L_overlay_start_1:
0x0: {  	(tag) =	ssettag $0x1  }
0x1: {  	s8 =	rddreg [dreg:$0x0]  }
0x2: {  	s2 =	rddreg [dreg:$0x1]  }
0x3: {  	s0 =	rddreg [dreg:$0x2];
	s1 =	stileid.u32  }
0x4: {  	s3 =	srdreg.scid;
	_ =	strace $0x8000004A;
	s4 =	simm.s32 $0x1  }
0x5: {  	s7 =	simm.s32 $0x1;
	s9 =	simm.s32 $0x1;
	s10 =	simm.s32 $0x3  }
0x6: {  	s13 =	simm.s32 $0x0;
	s5 =	sand.u32 $0x1, s3;
	s6 =	sshll.u32 s1, $0x1  }
0x7: {  	s12 =	simm.s32 $0x0;
	s3 =	sadd.s32 $0xC200, s8;
	s5 =	sor.u32 s6, s5  }
.Ltmp0:
0x8: {  	[sflag:s4] =	ssyncpa.u1 $0x0;
	p0 =	slt.u32 s5, $0x9;
	(pc) =	sbr.rel .LBB2_1-.Ltmp0, $4  }
0x9: {  	s6 =	simm.s32 $0x2;
	s7 =	simm.s32 @!p0 $0x0;
	p0 =	sne.s32 s5, $0x8  }
0xa: {  	[sflag:s6] =	ssyncpa.u1 $0x0;
	s5 =	smul.u32 $0xFA0, s5;
	s9 =	simm.s32 @!p0 $0x0  }
0xb: {  	s8 =	sadd.s32 $0x11200, s8;
	[sflag:s10] =	ssyncpa.u1 $0x0;
	s7 =	sadd.s32 s9, s7  }
0xc: {  	vm0 =	vmmov $0xffff;
	s10 =	simm.s32 $0x0;
	s11 =	smov.u32 s5;
	s9 =	sadd.s32 $0x1, s7  }
.LBB2_4:
0xd: {  	v2 =	vnsel vm1, $0x0, v2  }
0xe: {  	vm1 =	vgt.s32 v0, $0x0;
	v2 =	vmin.u32 v2, $0x270FF  }
0xf: {  	v0 =	vnsel vm1, $0x0, v0  }
0x10: {  	v0 =	vmin.u32 v0, $0x270FF  }
0x11: {  	[tilespmem:s18], [sflag:$0x1] =	stream.indirect_vreg.gather [hbm4b:s3+s10], $0x1, v1, vm0, $0x4038;
	[tilespmem:$0x3E80] =	vst v63  }
0x12: {  	(ifvalue) =	ssetifvalue $0x7FFFFFFF  }
0x13: {  	[tilespmem:s15], [sflag:$0x1] =	stream.indirect_vreg.gather [hbm4b:s3+s10], $0x1, v2, vm0, $0x4038;
	[tilespmem:$0x3E80] =	vst v63  }
0x14: {  	s29 =	sadd.s32 $0x10, s15;
	(ifvalue) =	ssetifvalue $0x7FFFFFFF  }
0x15: {  	[tilespmem:s29], [sflag:$0x1] =	stream.indirect_vreg.gather [hbm4b:s3+s10], $0x1, v0, vm0, $0x4038;
	[tilespmem:$0x3E80] =	vst v63  }
0x16: {  	_ =	swait.ge [sflag:s4], $0xFA0  }
0x17: {  	s30 =	sshrl.u32 s13, $0x3;
	[sflag:s4] =	ssyncset.done $0x0  }
0x18: {  	s31 =	sand.u32 $0x7, s13;
	s15 =	sadd.s32 s2, s30;
	[sflag:s4] =	ssyncadd.s32 $0xFFFFF060  }
0x19: {  	[hbm4b:s15+s31] =	stream.linear.scatter [tilespmem:s14], [sflag:$0x3], $0xFA0, $0x38;
	[tilespmem:$0x3E80] =	vst v63  }
.LBB2_5:
0x1a: {  	s15 =	sadd.s32 $0x1F400, s11  }
0x1b: {  	p1 =	sgt.s32 s15, $0x270FF  }
0x1c: {  	s15 =	smov.u32 @p1 s5;
	p1 =	sne.s32 s12, s9  }
.Ltmp1:
0x1d: {  	p0 =	slt.u32 s12, $0x2;
	(pc) =	sbr.rel @!p1 .LBB2_6-.Ltmp1, $4  }
0x1e: {  	s14 =	simm.s32 @!p0 $0x3  }
0x1f: {  	_ =	swait.ge @!p0 [sflag:s14], $0xFA0  }
0x20: {  	s16 =	sadd.s32 $0x1, s12;
	s13 =	smov.u32 s11;
	[sflag:s14] =	ssyncset.done @!p0 $0x0  }
0x21: {  	s12 =	smov.u32 s16;
	s11 =	smov.u32 s15;
	[sflag:s14] =	ssyncadd.s32 @!p0 $0xFFFFF060  }
.LBB2_1:
0x22: {  	p0 =	sge.u32 s12, s7  }
0x23: {  	s14 =	sxor.u32 @!p0 $0x1, s12  }
0x24: {  	s14 =	smul.u32 @!p0 $0x3E80, s14  }
0x25: {  	s31 =	sadd.s32 $0xFFFFFFFF, s12;
	s15 =	sshrl.u32 @!p0 s11, $0x3  }
0x26: {  	s16 =	sand.u32 @!p0 $0x7, s11;
	s15 =	sadd.s32 @!p0 s8, s15;
	s14 =	sshra.s32 @!p0 s14, $0x2  }
0x27: {  	[tilespmem:s14], [sflag:$0x2] =	stream.linear.gather @!p0 [hbm4b:s15+s16], $0xFA0, $0x38;
	[tilespmem:$0x3E80] =	vst v63  }
0x28: {  	p0 =	sge.u32 s31, s7  }
.Ltmp2:
0x29: {  	_ = 	snop;
	(pc) =	sbr.rel @p0 .LBB2_5-.Ltmp2, $1  }
0x2a: {  	_ =	sdelay $0x3  }
0x2b: {  	s14 =	sand.u32 $0x1, s12  }
0x2c: {  	_ =	swait.ge [sflag:s6], $0xFA0;
	p0 =	seq.s32 s14, $0x1;
	s14 =	simm.s32 $0xFA0  }
0x2d: {  	[sflag:s6] =	ssyncset.done $0x0;
	s14 =	simm.s32 @!p0 $0x0  }
0x2e: {  	[sflag:s6] =	ssyncadd.s32 $0xFFFFF060;
	(ifvalue) =	ssetifvalue $0x7FFFFFFF;
	v0 =	vld.msk [tilespmem:s14+$0x0 ss:$0x1], $0xffff;
	_ =	sdelay $0x4  }
0x2f: {  	s15 =	sadd.s32 $0x10, s14;
	vm1 =	vgt.s32 v0, $0x0  }
0x30: {  	v2 =	vld.msk [tilespmem:s15+$0x0 ss:$0x1], $0xffff;
	v1 =	vnsel vm1, $0x0, v0  }
0x31: {  	v1 =	vmin.u32 v1, $0x270FF;
	_ =	sdelay $0x2  }
0x32: {  	s17 =	simm.s32 $0x20;
	s14 =	sadd.s32 $0x1F40, s14;
	s16 =	sadd.s32 $0x10, s15  }
0x33: {  	s15 =	sadd.s32 $0x10, s14;
	s18 =	smov.u32 s14;
	v0 =	vld.msk [tilespmem:s16+$0x0 ss:$0x1], $0xffff;
	vm1 =	vgt.s32 v2, $0x0;
	(ifvalue) =	ssetifvalue $0x7FFFFFFF  }
.LBB2_3:
0x34: {  	[tilespmem:s18], [sflag:$0x1] =	stream.indirect_vreg.gather [hbm4b:s3+s10], $0x1, v1, vm0, $0x4038;
	[tilespmem:$0x3E80] =	vst v63  }
0x35: {  	s17 =	sadd.s32 $0x10, s17  }
0x36: {  	v2 =	vnsel vm1, $0x0, v2;
	p0 =	slt.u32 s17, $0xF90  }
.Ltmp3:
0x37: {  	s18 =	smov.u32 s15;
	v1 =	vmin.u32 v2, $0x270FF;
	(pc) =	sbr.rel @p0 .LBB2_3-.Ltmp3, $3  }
0x38: {  	_ =	sdelay $0x1  }
0x39: {  	s16 =	sadd.s32 $0x10, s16  }
0x3a: {  	vm1 =	vgt.s32 v0, $0x0;
	s15 =	sadd.s32 $0x10, s15;
	v2 =	vmov v0;
	(ifvalue) =	ssetifvalue $0x7FFFFFFF;
	v0 =	vld.msk [tilespmem:s16+$0x0 ss:$0x1], $0xffff  }
.Ltmp4:
0x3b: {  	_ = 	snop;
	(pc) =	sbr.rel .LBB2_4-.Ltmp4, $1  }
0x3c: {  	_ =	sdelay $0x3  }
.LBB2_6:
0x3d: {  	_ =	sfence.sel $0x180000  }
0x3e: {  	s2 =	simm.s32 $0x2;
	[bflag:$0x0] =	sbarrier.arrive $0xFFFF  }
0x3f: {  	s30 =	simm.s32 $0x3;
	[sflag:s2] =	ssyncpa.u1 $0x1  }
0x40: {  	s31 =	simm.s32 $0x1;
	[sflag:s30] =	ssyncpa.u1 $0x1  }
0x41: {  	[sflag:s31] =	ssyncpa.u1 $0x1  }
0x42: {  	p0 =	sne.s32 s1, $0x0;
	_ =	strace $0x9000004A  }
0x43: {  	s0 =	sadd.s32 @!p0 $0x100000, s0;
	[bflag:$0x2] =	sbarrier.arrive $0xFFFF  }
0x44: {  	[sflag:s0] =	ssyncadd.tile.s32 @!p0 $0x1;
	_ =	shalt  }
.Lfunc_end2:
_tile_overlayer_lowered:
.L_overlay_start_2:
0x45: {  	(tag) =	ssettag $0x2  }
0x46: {  	s0 =	rddreg [dreg:$0x0];
	s2 =	stileid.u32  }
0x47: {  	s1 =	rddreg [dreg:$0x1];
	p0 =	sne.s32 s2, $0x0  }
0x48: {  	s3 =	rddreg [dreg:$0x2];
	[bflag:$0x3] =	sbarrier.arrive $0xFFFF;
	s2 =	simm.s32 @!p0 $0x1C01  }
0x49: {  	[timem:s3], [sflag:s2] =	dma.local @!p0 [hbm:s0], s1  }
0x4a: {  	s0 =	simm.s32 @!p0 $0x1  }
0x4b: {  	_ =	swait.ge @!p0 [sflag:s0], s1  }
0x4c: {  	s1 =	ssub.s32 @!p0 $0x0, s1;
	[sflag:s0] =	ssyncset.done @!p0 $0x0  }
0x4d: {  	[sflag:s0] =	ssyncadd.s32 @!p0 s1  }
0x4e: {  	[bflag:$0x3] =	sbarrier.arrive $0xFFFF  }
0x4f: {  	_ =	shalt  }

// kernel: kernel.10.cloned.1.call-start
scs
__scs_entry_jumppad:
0x0: {  	(pc) =	sbr.rel $0x88, $3  }
0x1: {  	(tag) =	ssettag $0x0;
	lr =	simm.s32 $0x1  }
0x2: {  	[smem:$0x3F6F] =	sst lr;
	_ =	strace $0xD0000000  }
0x3: {  	_ = 	snop  }
0x4: {  	_ = 	snop  }
0x5: {  	_ = 	snop  }
0x6: {  	_ = 	snop  }
0x7: {  	_ = 	snop  }
__scs_overlays_trampoline_lowered:
0x8: {  	[smem:$0x3F7E] =	sst s0  }
0x9: {  	[smem:$0x3F7F] =	sst s1  }
0xa: {  	[smem:$0x3F80] =	sst s2  }
0xb: {  	[smem:$0x3F81] =	sst s3  }
0xc: {  	[smem:$0x3F82] =	sst s4  }
0xd: {  	[smem:$0x3F83] =	sst s5  }
0xe: {  	[smem:$0x3F84] =	sst s6  }
0xf: {  	[smem:$0x3F85] =	sst s7  }
0x10: {  	[smem:$0x3F86] =	sst s8  }
0x11: {  	[smem:$0x3F87] =	sst s9;
	s0 =	simm.s32 @!p0 $0x0  }
0x12: {  	s1 =	sld [smem:$0x3F6D];
	s0 =	simm.s32 @p0 $0x1  }
0x13: {  	[smem:$0x3F88] =	sst s0;
	s0 =	simm.s32 @!p1 $0x0  }
0x14: {  	s2 =	sld [smem:$0x3F6C];
	s0 =	simm.s32 @p1 $0x1  }
0x15: {  	[smem:$0x3F89] =	sst s0;
	s0 =	simm.s32 @!p2 $0x0  }
0x16: {  	s3 =	sld [smem:$0x3FDB];
	s0 =	simm.s32 @p2 $0x1  }
0x17: {  	s4 =	simm.s32 $0x1BF5;
	[smem:$0x3F8B] =	sst s0  }
0x18: {  	s0 =	sld [smem:$0x3F6E];
	_ =	swait.ge [sflag:s4], $0x0  }
0x19: {  	s7 =	sld [smem:$0x3F6F]  }
0x1a: {  	s8 =	sadd.s32 $0xFFFFE003, lr  }
0x1b: {  	s9 =	sadd.s32 $0xFFFFFEF7, lr;
	s5 =	simm.s32 $0xFFFFFFFF;
	p2 =	slt.u32 s8, $0xFFFFF086  }
0x1c: {  	p1 =	slt.u32 s9, $0xF7A;
	s5 =	simm.s32 @!p2 $0x0  }
0x1d: {  	s5 =	simm.s32 @p1 $0x1;
	p0 =	seq.s32 s7, s2  }
0x1e: {  	s7 =	smul.u32 @!p0 $0xF7A, s2;
	p2 =	seq.s32 @!p0 s5, $0x0  }
0x1f: {  	s9 =	smul.u32 $0xF7A, s1;
	s8 =	simm.s32 @!p0 $0x1BF5;
	p2 =	por !p2, p0  }
0x20: {  	[sflag:s8] =	ssyncset.s32 @!p0 $0xFFFFF086;
	s6 =	sadd.s32 @!p0 s3, s7;
	s7 =	simm.s32 @!p0 $0x108  }
0x21: {  	s3 =	sadd.s32 s3, s9;
	s6 =	sadd.s32 @!p0 $0x88, s6;
	s7 =	simm.s32 @p2 $0x1082  }
0x22: {  	[simem:s7], [sflag:s8] =	dma.local @!p0 [hbm:s6], $0xF7A  }
0x23: {  	s9 =	sor.u32 $0xD0000000, s2;
	s6 =	simm.s32 $0x108;
	_ =	swait.ge @!p0 [sflag:s8], $0x0  }
0x24: {  	s3 =	sadd.s32 $0x88, s3;
	s6 =	simm.s32 @!p1 $0x1082;
	[sflag:s4] =	ssyncset.s32 $0xFFFFF086  }
0x25: {  	[simem:s6], [sflag:s4] =	dma.local [hbm:s3], $0xF7A  }
0x26: {  	[smem:$0x3F6F] =	sst s1;
	(tag) =	ssettag s2;
	_ =	strace s9  }
0x27: {  	s1 =	sld [smem:$0x3F7F]  }
0x28: {  	s2 =	sld [smem:$0x3F80]  }
0x29: {  	s4 =	sld [smem:$0x3F82]  }
0x2a: {  	p0 =	seq.s32 s5, $0x0;
	s5 =	sld [smem:$0x3F83]  }
0x2b: {  	s6 =	sld [smem:$0x3F84]  }
0x2c: {  	s7 =	sld [smem:$0x3F85]  }
0x2d: {  	s3 =	simm.s32 $0x108;
	s8 =	sld [smem:$0x3F86]  }
0x2e: {  	s3 =	simm.s32 @!p0 $0x1082;
	s9 =	sld [smem:$0x3F87]  }
0x2f: {  	lr =	sadd.s32 s0, s3;
	s0 =	sld [smem:$0x3F7E]  }
0x30: {  	s3 =	sld [smem:$0x3F81]  }
0x31: {  	[smem:$0x3F8A] =	sst s10  }
0x32: {  	s10 =	sld [smem:$0x3F88];
	_ =	sdelay $0x3  }
0x33: {  	p0 =	seq.s32 s10, $0x1;
	s10 =	sld [smem:$0x3F8A];
	_ =	sdelay $0x3  }
0x34: {  	[smem:$0x3F8A] =	sst s10  }
0x35: {  	s10 =	sld [smem:$0x3F89];
	_ =	sdelay $0x3  }
0x36: {  	p1 =	seq.s32 s10, $0x1;
	s10 =	sld [smem:$0x3F8A];
	_ =	sdelay $0x3  }
0x37: {  	[smem:$0x3F8A] =	sst s10  }
0x38: {  	s10 =	sld [smem:$0x3F8B]  }
0x39: {  	_ = 	snop;
	(pc) =	sbr.ind lr, $3  }
0x3a: {  	_ = 	snop  }
0x3b: {  	_ = 	snop  }
0x3c: {  	p2 =	seq.s32 s10, $0x1;
	s10 =	sld [smem:$0x3F8A]  }
0x3d: {  	_ =	shalt  }
0x3e: {  	_ =	shalt  }
0x3f: {  	_ =	shalt  }
0x40: {  	_ =	shalt  }
0x41: {  	_ =	shalt  }
0x42: {  	_ =	shalt  }
0x43: {  	_ =	shalt  }
0x44: {  	_ =	shalt  }
0x45: {  	_ =	shalt  }
0x46: {  	_ =	shalt  }
0x47: {  	_ =	shalt  }
0x48: {  	_ =	shalt  }
0x49: {  	_ =	shalt  }
0x4a: {  	_ =	shalt  }
0x4b: {  	_ =	shalt  }
0x4c: {  	_ =	shalt  }
0x4d: {  	_ =	shalt  }
0x4e: {  	_ =	shalt  }
0x4f: {  	_ =	shalt  }
0x50: {  	_ =	shalt  }
0x51: {  	_ =	shalt  }
0x52: {  	_ =	shalt  }
0x53: {  	_ =	shalt  }
0x54: {  	_ =	shalt  }
0x55: {  	_ =	shalt  }
0x56: {  	_ =	shalt  }
0x57: {  	_ =	shalt  }
0x58: {  	_ =	shalt  }
0x59: {  	_ =	shalt  }
0x5a: {  	_ =	shalt  }
0x5b: {  	_ =	shalt  }
0x5c: {  	_ =	shalt  }
0x5d: {  	_ =	shalt  }
0x5e: {  	_ =	shalt  }
0x5f: {  	_ =	shalt  }
0x60: {  	_ =	shalt  }
0x61: {  	_ =	shalt  }
0x62: {  	_ =	shalt  }
0x63: {  	_ =	shalt  }
0x64: {  	_ =	shalt  }
0x65: {  	_ =	shalt  }
0x66: {  	_ =	shalt  }
0x67: {  	_ =	shalt  }
0x68: {  	_ =	shalt  }
0x69: {  	_ =	shalt  }
0x6a: {  	_ =	shalt  }
0x6b: {  	_ =	shalt  }
0x6c: {  	_ =	shalt  }
0x6d: {  	_ =	shalt  }
0x6e: {  	_ =	shalt  }
0x6f: {  	_ =	shalt  }
0x70: {  	_ =	shalt  }
0x71: {  	_ =	shalt  }
0x72: {  	_ =	shalt  }
0x73: {  	_ =	shalt  }
0x74: {  	_ =	shalt  }
0x75: {  	_ =	shalt  }
0x76: {  	_ =	shalt  }
0x77: {  	_ =	shalt  }
0x78: {  	_ =	shalt  }
0x79: {  	_ =	shalt  }
0x7a: {  	_ =	shalt  }
0x7b: {  	_ =	shalt  }
0x7c: {  	_ =	shalt  }
0x7d: {  	_ =	shalt  }
0x7e: {  	_ =	shalt  }
0x7f: {  	_ =	shalt  }
0x80: {  	_ =	shalt  }
0x81: {  	_ =	shalt  }
0x82: {  	_ =	shalt  }
0x83: {  	_ =	shalt  }
0x84: {  	_ =	shalt  }
0x85: {  	_ =	shalt  }
0x86: {  	_ =	shalt  }
0x87: {  	_ =	shalt  }
.Lfunc_end0:
.L_simem_size_0:
called_computation.2_lowered:
.L_overlay_start_0:
0x88: {  	s2 =	sld [smem:$0x3FD9]  }
0x89: {  	s3 =	sld [smem:$0x3FFE];
	_ =	sdelay $0x1  }
0x8a: {  	s1 =	srdreg.scid  }
0x8b: {  	s0 =	sand.u32 $0x1, s1  }
0x8c: {  	s17 =	sshll.u32 s0, $0xA;
	s2 =	sadd.s32 s3, s2  }
0x8d: {  	s2 =	sadd.s32 s2, s17  }
0x8e: {  	[smem:$0x3F96] =	sst s2  }
0x8f: {  	_ = 	snop  }
0x90: {  	s18 =	sld [smem:$0x3FC9];
	(tm) =	ssettm $0x1  }
0x91: {  	s19 =	sld [smem:$0x3FFB];
	_ =	sdelay $0x3  }
0x92: {  	_ =	strace s19  }
0x93: {  	s2 =	sld [smem:$0x3FFC];
	_ =	sdelay $0x3  }
0x94: {  	_ =	strace s2  }
0x95: {  	s2 =	sld [smem:$0x3FFD];
	_ =	sdelay $0x3  }
0x96: {  	_ =	strace s2  }
0x97: {  	_ =	strace $0x8FFFFFFF  }
0x98: {  	s20 =	sld [smem:$0x3FDB];
	_ =	sdelay $0x1  }
0x99: {  	s4 =	simm.s32 $_scs_section_size  }
0x9a: {  	s5 =	simm.s32 $_size__tile_overlayer_lowered;
	s6 =	simm.s32 $_tile_overlayer_lowered  }
0x9b: {  	s7 =	simm.s32 $0x1BFF;
	s21 =	sshll.u32 s6, $0x1;
	s4 =	sadd.s32 s4, s20  }
0x9c: {  	s22 =	simm.s32 $0x0;
	s5 =	sshll.u32 s5, $0x1;
	s6 =	sadd.s32 s21, s4  }
0x9d: {  	[timem:s22], [sflag:s7] =	dma.local [hbm:s6], s5  }
0x9e: {  	_ =	swait.ge [sflag:s7], s5  }
0x9f: {  	s5 =	ssub.s32 $0x0, s5;
	[sflag:s7] =	ssyncset.done $0x0  }
0xa0: {  	[sflag:s7] =	ssyncadd.s32 s5;
	_ =	sdelay $0x1  }
0xa1: {  	s23 =	simm.s32 $0x1B8B  }
0xa2: {  	_ =	swait.ge [sflag:s23], $0x1  }
0xa3: {  	[sflag:s23] =	ssyncset.done $0x0  }
0xa4: {  	[sflag:s23] =	ssyncadd.s32 $0xFFFFFFFF  }
0xa5: {  	s5 =	sld [smem:$0x0]  }
0xa6: {  	s6 =	sand.u32 $0xFFFFFFFE, s1  }
0xa7: {  	p0 =	sne.s32 s1, s6  }
0xa8: {  	s6 =	sshll.u32 @p0 s6, $0xE  }
0xa9: {  	s6 =	sadd.s32 @p0 $0x11B8D, s6;
	s7 =	sshll.u32 @p0 s5, $0x11  }
0xaa: {  	s6 =	sor.u32 @p0 s7, s6  }
0xab: {  	[sflag:s6] =	ssyncadd.remote.s32 @p0 $0x1;
	_ =	sdelay $0x1  }
0xac: {  	s6 =	simm.s32 @p0 $0x1B8D  }
0xad: {  	_ =	swait.eq @p0 [sflag:s6], $0x1  }
0xae: {  	[sflag:s6] =	ssyncadd.s32 @p0 $0xFFFFFFFF  }
0xaf: {  	s7 =	sshll.u32 @!p0 s1, $0xE  }
0xb0: {  	s7 =	sor.u32 @!p0 $0x4000, s7;
	s6 =	simm.s32 @!p0 $0x1B8D  }
0xb1: {  	s5 =	sshll.u32 @!p0 s5, $0x11;
	s7 =	sadd.s32 @!p0 $0x11B8D, s7;
	_ =	swait.eq @!p0 [sflag:s6], $0x1  }
0xb2: {  	s5 =	sor.u32 @!p0 s5, s7;
	[sflag:s6] =	ssyncadd.s32 @!p0 $0xFFFFFFFF  }
0xb3: {  	s25 =	simm.s32 $0x1B8E;
	s24 =	sld [smem:$0x3FFE];
	[sflag:s5] =	ssyncadd.remote.s32 @!p0 $0x1  }
0xb4: {  	s26 =	simm.s32 $execute0_lowered;
	[smem:$0x3FD2] =	sst s25  }
0xb5: {  	s6 =	sshll.u32 s26, $0x1;
	_ =	strace $0x8000004F;
	[dreg:$0x1] =	wrdreg $0xFFFFFFFF  }
0xb6: {  	s28 =	simm.s32 $_size_execute0_lowered;
	s4 =	sadd.s32 s4, s6;
	[dreg:$0x0] =	wrdreg $0x0  }
0xb7: {  	s6 =	sshll.u32 s28, $0x1;
	[dreg:$0x2] =	wrdreg s4  }
0xb8: {  	[dreg:$0x3] =	wrdreg s6  }
0xb9: {  	[dreg:$0x4] =	wrdreg $0xC0  }
0xba: {  	_ =	task [dreg:s22], $0x5FFFF  }
0xbb: {  	[dreg:$0x1] =	wrdreg $0xFFFFFFFF  }
0xbc: {  	[dreg:$0x0] =	wrdreg $0x60  }
0xbd: {  	[dreg:$0x2] =	wrdreg s18  }
0xbe: {  	[dreg:$0x3] =	wrdreg s24  }
0xbf: {  	[dreg:$0x4] =	wrdreg $0xA  }
0xc0: {  	_ =	task.clear_ibuf [dreg:s22], $0x5FFFF;
	_ =	strace $0x9000004F  }
0xc1: {  	s29 =	simm.s32 $0xA;
	_ =	strace $0x80000051  }
0xc2: {  	_ =	swait.ge [sflag:s29], $0x1  }
0xc3: {  	[sflag:s29] =	ssyncadd.s32 $0xFFFFFFFF  }
0xc4: {  	_ =	strace $0x90000051  }
0xc5: {  	_ =	sfence  }
0xc6: {  	s30 =	sld [smem:$0x0];
	_ =	sdelay $0x2  }
0xc7: {  	s31 =	sshll.u32 s1, $0xD;
	s1 =	sshrl.u32 s1, $0x2  }
0xc8: {  	s4 =	sand.u32 $0x4000, s31;
	s1 =	sadd.s32 s1, s30  }
0xc9: {  	s0 =	sor.u32 s4, s0;
	s1 =	sshll.u32 s1, $0x11  }
0xca: {  	s0 =	sor.u32 s1, s0  }
0xcb: {  	s0 =	sadd.s32 $0x8F2B, s0  }
0xcc: {  	[sflag:s0] =	ssyncadd.remote.s32 $0x1  }
0xcd: {  	_ =	sfence.sel $0xFFFF  }
0xce: {  	[dreg:$0x0] =	wrdreg $0xFFFFFFFF;
	(pc) =	sbr.abs _section_cstart, $3  }
0xcf: {  	[dreg:$0x1] =	wrdreg $0xFFFFFFFF  }
0xd0: {  	_ =	task.clear_ibuf [dreg:s22], $0x2FFFF;
	_ =	strace $0x9FFFFFFF  }
0xd1: {  	(tm) =	ssettm $0x7FFFFFFF  }
tec
execute0_lowered:
.L_overlay_start_1:
0x0: {  	(tag) =	ssettag $0x1  }
0x1: {  	s1 =	srdreg.scid;
	s0 =	stileid.u32  }
0x2: {  	s26 =	sand.u32 $0x1, s1;
	s29 =	sshll.u32 s0, $0x1  }
0x3: {  	s2 =	rddreg [dreg:$0x0];
	s8 =	sor.u32 s26, s29  }
0x4: {  	s9 =	rddreg [dreg:$0x1];
	s28 =	smul.u32 $0x1400, s8  }
0x5: {  	s3 =	simm.s32 $0x0;
	s1 =	rddreg [dreg:$0x2]  }
0x6: {  	[smem:$0x7FF] =	sst s3;
	s25 =	sadd.s32 $0x42400, s9;
	s4 =	sshrl.u32 s28, $0x3  }
0x7: {  	_ =	strace $0x80000050;
	s5 =	sadd.s32 s25, s4;
	s4 =	simm.s32 $0x2  }
0x8: {  	[tilespmem:s3], [sflag:$0x2] =	stream.linear.gather [hbm4b:s5+s3], $0x200, $0x38;
	[tilespmem:$0x10200] =	vst v63  }
0x9: {  	_ =	swait.ge [sflag:s4], $0x200  }
0xa: {  	[sflag:s4] =	ssyncset.done $0x0  }
0xb: {  	s6 =	simm.s32 $0x200;
	s7 =	simm.s32 $0x1;
	[sflag:s4] =	ssyncadd.s32 $0xFFFFFE00  }
0xc: {  	[tilespmem:s6], [sflag:$0x1] =	stream.indirect.gather [hbm4b:s2+s6], $0x80, s3, s6, $0xb8;
	[tilespmem:$0x10200] =	vst v63  }
0xd: {  	s8 =	smul.u32 $0x14000, s8;
	_ =	swait.ge [sflag:s7], $0x10000  }
0xe: {  	s29 =	sadd.s32 $0x2C7400, s9;
	[sflag:s7] =	ssyncset.done $0x0  }
0xf: {  	s8 =	sadd.s32 s29, s8;
	[sflag:s7] =	ssyncadd.s32 $0xFFFF0000  }
0x10: {  	[hbm4b:s8+s3] =	stream.linear.scatter [tilespmem:s6], [sflag:$0x2], $0x10000, $0x38;
	[tilespmem:$0x10200] =	vst v63  }
0x11: {  	s10 =	sor.u32 $0x200, s28;
	_ =	swait.ge [sflag:s4], $0x10000  }
0x12: {  	s30 =	sshrl.u32 s10, $0x3;
	[sflag:s4] =	ssyncset.done $0x0  }
0x13: {  	s9 =	sadd.s32 s25, s30;
	[sflag:s4] =	ssyncadd.s32 $0xFFFF0000  }
0x14: {  	[tilespmem:s3], [sflag:$0x2] =	stream.linear.gather [hbm4b:s9+s3], $0x200, $0x38;
	[tilespmem:$0x10200] =	vst v63  }
0x15: {  	_ =	swait.ge [sflag:s4], $0x200  }
0x16: {  	[sflag:s4] =	ssyncset.done $0x0  }
0x17: {  	[sflag:s4] =	ssyncadd.s32 $0xFFFFFE00  }
0x18: {  	[tilespmem:s6], [sflag:$0x1] =	stream.indirect.gather [hbm4b:s2+s6], $0x80, s3, s6, $0xb8;
	[tilespmem:$0x10200] =	vst v63  }
0x19: {  	_ =	swait.ge [sflag:s7], $0x10000  }
0x1a: {  	s10 =	sshll.u32 s10, $0x4;
	[sflag:s7] =	ssyncset.done $0x0  }
0x1b: {  	s10 =	sadd.s32 s29, s10;
	[sflag:s7] =	ssyncadd.s32 $0xFFFF0000  }
0x1c: {  	[hbm4b:s10+s3] =	stream.linear.scatter [tilespmem:s6], [sflag:$0x2], $0x10000, $0x38;
	[tilespmem:$0x10200] =	vst v63  }
0x1d: {  	s12 =	sadd.s32 $0x400, s28;
	_ =	swait.ge [sflag:s4], $0x10000  }
0x1e: {  	s11 =	sshrl.u32 s12, $0x3;
	[sflag:s4] =	ssyncset.done $0x0  }
0x1f: {  	s11 =	sadd.s32 s25, s11;
	[sflag:s4] =	ssyncadd.s32 $0xFFFF0000  }
0x20: {  	[tilespmem:s3], [sflag:$0x2] =	stream.linear.gather [hbm4b:s11+s3], $0x200, $0x38;
	[tilespmem:$0x10200] =	vst v63  }
0x21: {  	_ =	swait.ge [sflag:s4], $0x200  }
0x22: {  	[sflag:s4] =	ssyncset.done $0x0  }
0x23: {  	[sflag:s4] =	ssyncadd.s32 $0xFFFFFE00  }
0x24: {  	[tilespmem:s6], [sflag:$0x1] =	stream.indirect.gather [hbm4b:s2+s6], $0x80, s3, s6, $0xb8;
	[tilespmem:$0x10200] =	vst v63  }
0x25: {  	_ =	swait.ge [sflag:s7], $0x10000  }
0x26: {  	s12 =	sshll.u32 s12, $0x4;
	[sflag:s7] =	ssyncset.done $0x0  }
0x27: {  	s12 =	sadd.s32 s29, s12;
	[sflag:s7] =	ssyncadd.s32 $0xFFFF0000  }
0x28: {  	[hbm4b:s12+s3] =	stream.linear.scatter [tilespmem:s6], [sflag:$0x2], $0x10000, $0x38;
	[tilespmem:$0x10200] =	vst v63  }
0x29: {  	s14 =	sadd.s32 $0x600, s28;
	_ =	swait.ge [sflag:s4], $0x10000  }
0x2a: {  	s13 =	sshrl.u32 s14, $0x3;
	[sflag:s4] =	ssyncset.done $0x0  }
0x2b: {  	s13 =	sadd.s32 s25, s13;
	[sflag:s4] =	ssyncadd.s32 $0xFFFF0000  }
0x2c: {  	[tilespmem:s3], [sflag:$0x2] =	stream.linear.gather [hbm4b:s13+s3], $0x200, $0x38;
	[tilespmem:$0x10200] =	vst v63  }
0x2d: {  	_ =	swait.ge [sflag:s4], $0x200  }
0x2e: {  	[sflag:s4] =	ssyncset.done $0x0  }
0x2f: {  	[sflag:s4] =	ssyncadd.s32 $0xFFFFFE00  }
0x30: {  	[tilespmem:s6], [sflag:$0x1] =	stream.indirect.gather [hbm4b:s2+s6], $0x80, s3, s6, $0xb8;
	[tilespmem:$0x10200] =	vst v63  }
0x31: {  	_ =	swait.ge [sflag:s7], $0x10000  }
0x32: {  	s14 =	sshll.u32 s14, $0x4;
	[sflag:s7] =	ssyncset.done $0x0  }
0x33: {  	s14 =	sadd.s32 s29, s14;
	[sflag:s7] =	ssyncadd.s32 $0xFFFF0000  }
0x34: {  	[hbm4b:s14+s3] =	stream.linear.scatter [tilespmem:s6], [sflag:$0x2], $0x10000, $0x38;
	[tilespmem:$0x10200] =	vst v63  }
0x35: {  	s16 =	sadd.s32 $0x800, s28;
	_ =	swait.ge [sflag:s4], $0x10000  }
0x36: {  	s15 =	sshrl.u32 s16, $0x3;
	[sflag:s4] =	ssyncset.done $0x0  }
0x37: {  	s15 =	sadd.s32 s25, s15;
	[sflag:s4] =	ssyncadd.s32 $0xFFFF0000  }
0x38: {  	[tilespmem:s3], [sflag:$0x2] =	stream.linear.gather [hbm4b:s15+s3], $0x200, $0x38;
	[tilespmem:$0x10200] =	vst v63  }
0x39: {  	_ =	swait.ge [sflag:s4], $0x200  }
0x3a: {  	[sflag:s4] =	ssyncset.done $0x0  }
0x3b: {  	[sflag:s4] =	ssyncadd.s32 $0xFFFFFE00  }
0x3c: {  	[tilespmem:s6], [sflag:$0x1] =	stream.indirect.gather [hbm4b:s2+s6], $0x80, s3, s6, $0xb8;
	[tilespmem:$0x10200] =	vst v63  }
0x3d: {  	_ =	swait.ge [sflag:s7], $0x10000  }
0x3e: {  	s16 =	sshll.u32 s16, $0x4;
	[sflag:s7] =	ssyncset.done $0x0  }
0x3f: {  	s16 =	sadd.s32 s29, s16;
	[sflag:s7] =	ssyncadd.s32 $0xFFFF0000  }
0x40: {  	[hbm4b:s16+s3] =	stream.linear.scatter [tilespmem:s6], [sflag:$0x2], $0x10000, $0x38;
	[tilespmem:$0x10200] =	vst v63  }
0x41: {  	s18 =	sadd.s32 $0xA00, s28;
	_ =	swait.ge [sflag:s4], $0x10000  }
0x42: {  	s17 =	sshrl.u32 s18, $0x3;
	[sflag:s4] =	ssyncset.done $0x0  }
0x43: {  	s17 =	sadd.s32 s25, s17;
	[sflag:s4] =	ssyncadd.s32 $0xFFFF0000  }
0x44: {  	[tilespmem:s3], [sflag:$0x2] =	stream.linear.gather [hbm4b:s17+s3], $0x200, $0x38;
	[tilespmem:$0x10200] =	vst v63  }
0x45: {  	_ =	swait.ge [sflag:s4], $0x200  }
0x46: {  	[sflag:s4] =	ssyncset.done $0x0  }
0x47: {  	[sflag:s4] =	ssyncadd.s32 $0xFFFFFE00  }
0x48: {  	[tilespmem:s6], [sflag:$0x1] =	stream.indirect.gather [hbm4b:s2+s6], $0x80, s3, s6, $0xb8;
	[tilespmem:$0x10200] =	vst v63  }
0x49: {  	_ =	swait.ge [sflag:s7], $0x10000  }
0x4a: {  	s18 =	sshll.u32 s18, $0x4;
	[sflag:s7] =	ssyncset.done $0x0  }
0x4b: {  	s18 =	sadd.s32 s29, s18;
	[sflag:s7] =	ssyncadd.s32 $0xFFFF0000  }
0x4c: {  	[hbm4b:s18+s3] =	stream.linear.scatter [tilespmem:s6], [sflag:$0x2], $0x10000, $0x38;
	[tilespmem:$0x10200] =	vst v63  }
0x4d: {  	s20 =	sadd.s32 $0xC00, s28;
	_ =	swait.ge [sflag:s4], $0x10000  }
0x4e: {  	s19 =	sshrl.u32 s20, $0x3;
	[sflag:s4] =	ssyncset.done $0x0  }
0x4f: {  	s19 =	sadd.s32 s25, s19;
	[sflag:s4] =	ssyncadd.s32 $0xFFFF0000  }
0x50: {  	[tilespmem:s3], [sflag:$0x2] =	stream.linear.gather [hbm4b:s19+s3], $0x200, $0x38;
	[tilespmem:$0x10200] =	vst v63  }
0x51: {  	_ =	swait.ge [sflag:s4], $0x200  }
0x52: {  	[sflag:s4] =	ssyncset.done $0x0  }
0x53: {  	[sflag:s4] =	ssyncadd.s32 $0xFFFFFE00  }
0x54: {  	[tilespmem:s6], [sflag:$0x1] =	stream.indirect.gather [hbm4b:s2+s6], $0x80, s3, s6, $0xb8;
	[tilespmem:$0x10200] =	vst v63  }
0x55: {  	_ =	swait.ge [sflag:s7], $0x10000  }
0x56: {  	s20 =	sshll.u32 s20, $0x4;
	[sflag:s7] =	ssyncset.done $0x0  }
0x57: {  	s20 =	sadd.s32 s29, s20;
	[sflag:s7] =	ssyncadd.s32 $0xFFFF0000  }
0x58: {  	[hbm4b:s20+s3] =	stream.linear.scatter [tilespmem:s6], [sflag:$0x2], $0x10000, $0x38;
	[tilespmem:$0x10200] =	vst v63  }
0x59: {  	s22 =	sadd.s32 $0xE00, s28;
	_ =	swait.ge [sflag:s4], $0x10000  }
0x5a: {  	s21 =	sshrl.u32 s22, $0x3;
	[sflag:s4] =	ssyncset.done $0x0  }
0x5b: {  	s21 =	sadd.s32 s25, s21;
	[sflag:s4] =	ssyncadd.s32 $0xFFFF0000  }
0x5c: {  	[tilespmem:s3], [sflag:$0x2] =	stream.linear.gather [hbm4b:s21+s3], $0x200, $0x38;
	[tilespmem:$0x10200] =	vst v63  }
0x5d: {  	_ =	swait.ge [sflag:s4], $0x200  }
0x5e: {  	[sflag:s4] =	ssyncset.done $0x0  }
0x5f: {  	[sflag:s4] =	ssyncadd.s32 $0xFFFFFE00  }
0x60: {  	[tilespmem:s6], [sflag:$0x1] =	stream.indirect.gather [hbm4b:s2+s6], $0x80, s3, s6, $0xb8;
	[tilespmem:$0x10200] =	vst v63  }
0x61: {  	_ =	swait.ge [sflag:s7], $0x10000  }
0x62: {  	s22 =	sshll.u32 s22, $0x4;
	[sflag:s7] =	ssyncset.done $0x0  }
0x63: {  	s22 =	sadd.s32 s29, s22;
	[sflag:s7] =	ssyncadd.s32 $0xFFFF0000  }
0x64: {  	[hbm4b:s22+s3] =	stream.linear.scatter [tilespmem:s6], [sflag:$0x2], $0x10000, $0x38;
	[tilespmem:$0x10200] =	vst v63  }
0x65: {  	s24 =	sadd.s32 $0x1000, s28;
	_ =	swait.ge [sflag:s4], $0x10000  }
0x66: {  	s23 =	sshrl.u32 s24, $0x3;
	[sflag:s4] =	ssyncset.done $0x0  }
0x67: {  	s23 =	sadd.s32 s25, s23;
	[sflag:s4] =	ssyncadd.s32 $0xFFFF0000  }
0x68: {  	[tilespmem:s3], [sflag:$0x2] =	stream.linear.gather [hbm4b:s23+s3], $0x200, $0x38;
	[tilespmem:$0x10200] =	vst v63  }
0x69: {  	_ =	swait.ge [sflag:s4], $0x200  }
0x6a: {  	[sflag:s4] =	ssyncset.done $0x0  }
0x6b: {  	[sflag:s4] =	ssyncadd.s32 $0xFFFFFE00  }
0x6c: {  	[tilespmem:s6], [sflag:$0x1] =	stream.indirect.gather [hbm4b:s2+s6], $0x80, s3, s6, $0xb8;
	[tilespmem:$0x10200] =	vst v63  }
0x6d: {  	_ =	swait.ge [sflag:s7], $0x10000  }
0x6e: {  	s24 =	sshll.u32 s24, $0x4;
	[sflag:s7] =	ssyncset.done $0x0  }
0x6f: {  	s24 =	sadd.s32 s29, s24;
	[sflag:s7] =	ssyncadd.s32 $0xFFFF0000  }
0x70: {  	[hbm4b:s24+s3] =	stream.linear.scatter [tilespmem:s6], [sflag:$0x2], $0x10000, $0x38;
	[tilespmem:$0x10200] =	vst v63  }
0x71: {  	s28 =	sadd.s32 $0x1200, s28;
	_ =	swait.ge [sflag:s4], $0x10000  }
0x72: {  	s30 =	sshrl.u32 s28, $0x3;
	[sflag:s4] =	ssyncset.done $0x0  }
0x73: {  	s26 =	ssub.s32 $0x2, s26;
	s25 =	sadd.s32 s25, s30;
	[sflag:s4] =	ssyncadd.s32 $0xFFFF0000  }
0x74: {  	[tilespmem:s3], [sflag:$0x2] =	stream.linear.gather [hbm4b:s25+s3], $0x200, $0x38;
	[tilespmem:$0x10200] =	vst v63  }
0x75: {  	s31 =	sshrl.u32 s26, $0x1;
	_ =	swait.ge [sflag:s4], $0x200  }
0x76: {  	s30 =	ssub.s32 s26, s31;
	[sflag:s4] =	ssyncset.done $0x0  }
0x77: {  	s31 =	sshll.u32 s28, $0x4;
	s28 =	smax.u32 s30, $0x1;
	[sflag:s4] =	ssyncadd.s32 $0xFFFFFE00  }
0x78: {  	[tilespmem:s6], [sflag:$0x1] =	stream.indirect.gather [hbm4b:s2+s6], $0x80, s3, s6, $0xb8;
	[tilespmem:$0x10200] =	vst v63  }
0x79: {  	p0 =	sne.s32 s28, $0x1;
	_ =	swait.ge [sflag:s7], $0x10000  }
.Ltmp0:
0x7a: {  	[sflag:s7] =	ssyncset.done $0x0;
	(pc) =	sbr.rel @!p0 .LBB2_2-.Ltmp0, $4  }
0x7b: {  	s26 =	sadd.s32 s29, s31;
	[sflag:s7] =	ssyncadd.s32 $0xFFFF0000  }
0x7c: {  	[hbm4b:s26+s3] =	stream.linear.scatter [tilespmem:s6], [sflag:$0x2], $0x10000, $0x38;
	[tilespmem:$0x10200] =	vst v63  }
0x7d: {  	_ =	swait.ge [sflag:s4], $0x10000  }
0x7e: {  	s28 =	sadd.s32 $0xFFFFFFFF, s28;
	[sflag:s4] =	ssyncset.done $0x0  }
.LBB2_1:
0x7f: {  	p0 =	sne.s32 s28, $0x1;
	s28 =	sadd.s32 $0xFFFFFFFF, s28;
	[sflag:s4] =	ssyncadd.s32 $0xFFFF0000  }
0x80: {  	[tilespmem:s3], [sflag:$0x2] =	stream.linear.gather [hbm4b:s5+s3], $0x200, $0x38;
	[tilespmem:$0x10200] =	vst v63  }
0x81: {  	_ =	swait.ge [sflag:s4], $0x200  }
0x82: {  	[sflag:s4] =	ssyncset.done $0x0  }
0x83: {  	[sflag:s4] =	ssyncadd.s32 $0xFFFFFE00  }
0x84: {  	[tilespmem:s6], [sflag:$0x1] =	stream.indirect.gather [hbm4b:s2+s6], $0x80, s3, s6, $0xb8;
	[tilespmem:$0x10200] =	vst v63  }
0x85: {  	_ =	swait.ge [sflag:s7], $0x10000  }
0x86: {  	[sflag:s7] =	ssyncset.done $0x0  }
0x87: {  	[sflag:s7] =	ssyncadd.s32 $0xFFFF0000  }
0x88: {  	[hbm4b:s8+s3] =	stream.linear.scatter [tilespmem:s6], [sflag:$0x2], $0x10000, $0x38;
	[tilespmem:$0x10200] =	vst v63  }
0x89: {  	_ =	swait.ge [sflag:s4], $0x10000  }
0x8a: {  	[sflag:s4] =	ssyncset.done $0x0  }
0x8b: {  	[sflag:s4] =	ssyncadd.s32 $0xFFFF0000  }
0x8c: {  	[tilespmem:s3], [sflag:$0x2] =	stream.linear.gather [hbm4b:s9+s3], $0x200, $0x38;
	[tilespmem:$0x10200] =	vst v63  }
0x8d: {  	_ =	swait.ge [sflag:s4], $0x200  }
0x8e: {  	[sflag:s4] =	ssyncset.done $0x0  }
0x8f: {  	[sflag:s4] =	ssyncadd.s32 $0xFFFFFE00  }
0x90: {  	[tilespmem:s6], [sflag:$0x1] =	stream.indirect.gather [hbm4b:s2+s6], $0x80, s3, s6, $0xb8;
	[tilespmem:$0x10200] =	vst v63  }
0x91: {  	_ =	swait.ge [sflag:s7], $0x10000  }
0x92: {  	[sflag:s7] =	ssyncset.done $0x0  }
0x93: {  	[sflag:s7] =	ssyncadd.s32 $0xFFFF0000  }
0x94: {  	[hbm4b:s10+s3] =	stream.linear.scatter [tilespmem:s6], [sflag:$0x2], $0x10000, $0x38;
	[tilespmem:$0x10200] =	vst v63  }
0x95: {  	_ =	swait.ge [sflag:s4], $0x10000  }
0x96: {  	[sflag:s4] =	ssyncset.done $0x0  }
0x97: {  	[sflag:s4] =	ssyncadd.s32 $0xFFFF0000  }
0x98: {  	[tilespmem:s3], [sflag:$0x2] =	stream.linear.gather [hbm4b:s11+s3], $0x200, $0x38;
	[tilespmem:$0x10200] =	vst v63  }
0x99: {  	_ =	swait.ge [sflag:s4], $0x200  }
0x9a: {  	[sflag:s4] =	ssyncset.done $0x0  }
0x9b: {  	[sflag:s4] =	ssyncadd.s32 $0xFFFFFE00  }
0x9c: {  	[tilespmem:s6], [sflag:$0x1] =	stream.indirect.gather [hbm4b:s2+s6], $0x80, s3, s6, $0xb8;
	[tilespmem:$0x10200] =	vst v63  }
0x9d: {  	_ =	swait.ge [sflag:s7], $0x10000  }
0x9e: {  	[sflag:s7] =	ssyncset.done $0x0  }
0x9f: {  	[sflag:s7] =	ssyncadd.s32 $0xFFFF0000  }
0xa0: {  	[hbm4b:s12+s3] =	stream.linear.scatter [tilespmem:s6], [sflag:$0x2], $0x10000, $0x38;
	[tilespmem:$0x10200] =	vst v63  }
0xa1: {  	_ =	swait.ge [sflag:s4], $0x10000  }
0xa2: {  	[sflag:s4] =	ssyncset.done $0x0  }
0xa3: {  	[sflag:s4] =	ssyncadd.s32 $0xFFFF0000  }
0xa4: {  	[tilespmem:s3], [sflag:$0x2] =	stream.linear.gather [hbm4b:s13+s3], $0x200, $0x38;
	[tilespmem:$0x10200] =	vst v63  }
0xa5: {  	_ =	swait.ge [sflag:s4], $0x200  }
0xa6: {  	[sflag:s4] =	ssyncset.done $0x0  }
0xa7: {  	[sflag:s4] =	ssyncadd.s32 $0xFFFFFE00  }
0xa8: {  	[tilespmem:s6], [sflag:$0x1] =	stream.indirect.gather [hbm4b:s2+s6], $0x80, s3, s6, $0xb8;
	[tilespmem:$0x10200] =	vst v63  }
0xa9: {  	_ =	swait.ge [sflag:s7], $0x10000  }
0xaa: {  	[sflag:s7] =	ssyncset.done $0x0  }
0xab: {  	[sflag:s7] =	ssyncadd.s32 $0xFFFF0000  }
0xac: {  	[hbm4b:s14+s3] =	stream.linear.scatter [tilespmem:s6], [sflag:$0x2], $0x10000, $0x38;
	[tilespmem:$0x10200] =	vst v63  }
0xad: {  	_ =	swait.ge [sflag:s4], $0x10000  }
0xae: {  	[sflag:s4] =	ssyncset.done $0x0  }
0xaf: {  	[sflag:s4] =	ssyncadd.s32 $0xFFFF0000  }
0xb0: {  	[tilespmem:s3], [sflag:$0x2] =	stream.linear.gather [hbm4b:s15+s3], $0x200, $0x38;
	[tilespmem:$0x10200] =	vst v63  }
0xb1: {  	_ =	swait.ge [sflag:s4], $0x200  }
0xb2: {  	[sflag:s4] =	ssyncset.done $0x0  }
0xb3: {  	[sflag:s4] =	ssyncadd.s32 $0xFFFFFE00  }
0xb4: {  	[tilespmem:s6], [sflag:$0x1] =	stream.indirect.gather [hbm4b:s2+s6], $0x80, s3, s6, $0xb8;
	[tilespmem:$0x10200] =	vst v63  }
0xb5: {  	_ =	swait.ge [sflag:s7], $0x10000  }
0xb6: {  	[sflag:s7] =	ssyncset.done $0x0  }
0xb7: {  	[sflag:s7] =	ssyncadd.s32 $0xFFFF0000  }
0xb8: {  	[hbm4b:s16+s3] =	stream.linear.scatter [tilespmem:s6], [sflag:$0x2], $0x10000, $0x38;
	[tilespmem:$0x10200] =	vst v63  }
0xb9: {  	_ =	swait.ge [sflag:s4], $0x10000  }
0xba: {  	[sflag:s4] =	ssyncset.done $0x0  }
0xbb: {  	[sflag:s4] =	ssyncadd.s32 $0xFFFF0000  }
0xbc: {  	[tilespmem:s3], [sflag:$0x2] =	stream.linear.gather [hbm4b:s17+s3], $0x200, $0x38;
	[tilespmem:$0x10200] =	vst v63  }
0xbd: {  	_ =	swait.ge [sflag:s4], $0x200  }
0xbe: {  	[sflag:s4] =	ssyncset.done $0x0  }
0xbf: {  	[sflag:s4] =	ssyncadd.s32 $0xFFFFFE00  }
0xc0: {  	[tilespmem:s6], [sflag:$0x1] =	stream.indirect.gather [hbm4b:s2+s6], $0x80, s3, s6, $0xb8;
	[tilespmem:$0x10200] =	vst v63  }
0xc1: {  	_ =	swait.ge [sflag:s7], $0x10000  }
0xc2: {  	[sflag:s7] =	ssyncset.done $0x0  }
0xc3: {  	[sflag:s7] =	ssyncadd.s32 $0xFFFF0000  }
0xc4: {  	[hbm4b:s18+s3] =	stream.linear.scatter [tilespmem:s6], [sflag:$0x2], $0x10000, $0x38;
	[tilespmem:$0x10200] =	vst v63  }
0xc5: {  	_ =	swait.ge [sflag:s4], $0x10000  }
0xc6: {  	[sflag:s4] =	ssyncset.done $0x0  }
0xc7: {  	[sflag:s4] =	ssyncadd.s32 $0xFFFF0000  }
0xc8: {  	[tilespmem:s3], [sflag:$0x2] =	stream.linear.gather [hbm4b:s19+s3], $0x200, $0x38;
	[tilespmem:$0x10200] =	vst v63  }
0xc9: {  	_ =	swait.ge [sflag:s4], $0x200  }
0xca: {  	[sflag:s4] =	ssyncset.done $0x0  }
0xcb: {  	[sflag:s4] =	ssyncadd.s32 $0xFFFFFE00  }
0xcc: {  	[tilespmem:s6], [sflag:$0x1] =	stream.indirect.gather [hbm4b:s2+s6], $0x80, s3, s6, $0xb8;
	[tilespmem:$0x10200] =	vst v63  }
0xcd: {  	_ =	swait.ge [sflag:s7], $0x10000  }
0xce: {  	[sflag:s7] =	ssyncset.done $0x0  }
0xcf: {  	[sflag:s7] =	ssyncadd.s32 $0xFFFF0000  }
0xd0: {  	[hbm4b:s20+s3] =	stream.linear.scatter [tilespmem:s6], [sflag:$0x2], $0x10000, $0x38;
	[tilespmem:$0x10200] =	vst v63  }
0xd1: {  	_ =	swait.ge [sflag:s4], $0x10000  }
0xd2: {  	[sflag:s4] =	ssyncset.done $0x0  }
0xd3: {  	[sflag:s4] =	ssyncadd.s32 $0xFFFF0000  }
0xd4: {  	[tilespmem:s3], [sflag:$0x2] =	stream.linear.gather [hbm4b:s21+s3], $0x200, $0x38;
	[tilespmem:$0x10200] =	vst v63  }
0xd5: {  	_ =	swait.ge [sflag:s4], $0x200  }
0xd6: {  	[sflag:s4] =	ssyncset.done $0x0  }
0xd7: {  	[sflag:s4] =	ssyncadd.s32 $0xFFFFFE00  }
0xd8: {  	[tilespmem:s6], [sflag:$0x1] =	stream.indirect.gather [hbm4b:s2+s6], $0x80, s3, s6, $0xb8;
	[tilespmem:$0x10200] =	vst v63  }
0xd9: {  	_ =	swait.ge [sflag:s7], $0x10000  }
0xda: {  	[sflag:s7] =	ssyncset.done $0x0  }
0xdb: {  	[sflag:s7] =	ssyncadd.s32 $0xFFFF0000  }
0xdc: {  	[hbm4b:s22+s3] =	stream.linear.scatter [tilespmem:s6], [sflag:$0x2], $0x10000, $0x38;
	[tilespmem:$0x10200] =	vst v63  }
0xdd: {  	_ =	swait.ge [sflag:s4], $0x10000  }
0xde: {  	[sflag:s4] =	ssyncset.done $0x0  }
0xdf: {  	[sflag:s4] =	ssyncadd.s32 $0xFFFF0000  }
0xe0: {  	[tilespmem:s3], [sflag:$0x2] =	stream.linear.gather [hbm4b:s23+s3], $0x200, $0x38;
	[tilespmem:$0x10200] =	vst v63  }
0xe1: {  	_ =	swait.ge [sflag:s4], $0x200  }
0xe2: {  	[sflag:s4] =	ssyncset.done $0x0  }
0xe3: {  	[sflag:s4] =	ssyncadd.s32 $0xFFFFFE00  }
0xe4: {  	[tilespmem:s6], [sflag:$0x1] =	stream.indirect.gather [hbm4b:s2+s6], $0x80, s3, s6, $0xb8;
	[tilespmem:$0x10200] =	vst v63  }
0xe5: {  	_ =	swait.ge [sflag:s7], $0x10000  }
0xe6: {  	[sflag:s7] =	ssyncset.done $0x0  }
0xe7: {  	[sflag:s7] =	ssyncadd.s32 $0xFFFF0000  }
0xe8: {  	[hbm4b:s24+s3] =	stream.linear.scatter [tilespmem:s6], [sflag:$0x2], $0x10000, $0x38;
	[tilespmem:$0x10200] =	vst v63  }
0xe9: {  	_ =	swait.ge [sflag:s4], $0x10000  }
0xea: {  	[sflag:s4] =	ssyncset.done $0x0  }
0xeb: {  	[sflag:s4] =	ssyncadd.s32 $0xFFFF0000  }
0xec: {  	[tilespmem:s3], [sflag:$0x2] =	stream.linear.gather [hbm4b:s25+s3], $0x200, $0x38;
	[tilespmem:$0x10200] =	vst v63  }
0xed: {  	_ =	swait.ge [sflag:s4], $0x200  }
0xee: {  	[sflag:s4] =	ssyncset.done $0x0  }
0xef: {  	[sflag:s4] =	ssyncadd.s32 $0xFFFFFE00  }
0xf0: {  	[tilespmem:s6], [sflag:$0x1] =	stream.indirect.gather [hbm4b:s2+s6], $0x80, s3, s6, $0xb8;
	[tilespmem:$0x10200] =	vst v63  }
0xf1: {  	_ =	swait.ge [sflag:s7], $0x10000  }
.Ltmp1:
0xf2: {  	[sflag:s7] =	ssyncset.done $0x0;
	(pc) =	sbr.rel @p0 .LBB2_1-.Ltmp1, $4  }
0xf3: {  	[sflag:s7] =	ssyncadd.s32 $0xFFFF0000  }
0xf4: {  	[hbm4b:s26+s3] =	stream.linear.scatter [tilespmem:s6], [sflag:$0x2], $0x10000, $0x38;
	[tilespmem:$0x10200] =	vst v63  }
0xf5: {  	_ =	swait.ge [sflag:s4], $0x10000  }
0xf6: {  	[sflag:s4] =	ssyncset.done $0x0  }
.LBB2_2:
0xf7: {  	[sflag:s4] =	ssyncadd.s32 $0xFFFF0000  }
0xf8: {  	_ =	sfence.sel $0x180000  }
0xf9: {  	[bflag:$0x0] =	sbarrier.arrive $0xFFFF  }
0xfa: {  	p0 =	sne.s32 s0, $0x0;
	_ =	strace $0x90000050  }
0xfb: {  	s0 =	sadd.s32 @!p0 $0x100000, s1;
	[bflag:$0x2] =	sbarrier.arrive $0xFFFF  }
0xfc: {  	[sflag:s0] =	ssyncadd.tile.s32 @!p0 $0x1;
	_ =	shalt  }
.Lfunc_end2:
_tile_overlayer_lowered:
.L_overlay_start_2:
0xfd: {  	(tag) =	ssettag $0x2  }
0xfe: {  	s0 =	rddreg [dreg:$0x0];
	s2 =	stileid.u32  }
0xff: {  	s1 =	rddreg [dreg:$0x1];
	p0 =	sne.s32 s2, $0x0  }
0x100: {  	s3 =	rddreg [dreg:$0x2];
	[bflag:$0x3] =	sbarrier.arrive $0xFFFF;
	s2 =	simm.s32 @!p0 $0x1C02  }
0x101: {  	[timem:s3], [sflag:s2] =	dma.local @!p0 [hbm:s0], s1  }
0x102: {  	s0 =	simm.s32 @!p0 $0x2  }
0x103: {  	_ =	swait.ge @!p0 [sflag:s0], s1  }
0x104: {  	s1 =	ssub.s32 @!p0 $0x0, s1;
	[sflag:s0] =	ssyncset.done @!p0 $0x0  }
0x105: {  	[sflag:s0] =	ssyncadd.s32 @!p0 s1  }
0x106: {  	[bflag:$0x3] =	sbarrier.arrive $0xFFFF  }
0x107: {  	_ =	shalt  }

// kernel: kernel.13.cloned.1.call-start
scs
__scs_entry_jumppad:
0x0: {  	(pc) =	sbr.rel $0x88, $3  }
0x1: {  	(tag) =	ssettag $0x0;
	lr =	simm.s32 $0x1  }
0x2: {  	[smem:$0x3F6F] =	sst lr;
	_ =	strace $0xD0000000  }
0x3: {  	_ = 	snop  }
0x4: {  	_ = 	snop  }
0x5: {  	_ = 	snop  }
0x6: {  	_ = 	snop  }
0x7: {  	_ = 	snop  }
__scs_overlays_trampoline_lowered:
0x8: {  	[smem:$0x3F7E] =	sst s0  }
0x9: {  	[smem:$0x3F7F] =	sst s1  }
0xa: {  	[smem:$0x3F80] =	sst s2  }
0xb: {  	[smem:$0x3F81] =	sst s3  }
0xc: {  	[smem:$0x3F82] =	sst s4  }
0xd: {  	[smem:$0x3F83] =	sst s5  }
0xe: {  	[smem:$0x3F84] =	sst s6  }
0xf: {  	[smem:$0x3F85] =	sst s7  }
0x10: {  	[smem:$0x3F86] =	sst s8  }
0x11: {  	[smem:$0x3F87] =	sst s9;
	s0 =	simm.s32 @!p0 $0x0  }
0x12: {  	s1 =	sld [smem:$0x3F6D];
	s0 =	simm.s32 @p0 $0x1  }
0x13: {  	[smem:$0x3F88] =	sst s0;
	s0 =	simm.s32 @!p1 $0x0  }
0x14: {  	s2 =	sld [smem:$0x3F6C];
	s0 =	simm.s32 @p1 $0x1  }
0x15: {  	[smem:$0x3F89] =	sst s0;
	s0 =	simm.s32 @!p2 $0x0  }
0x16: {  	s3 =	sld [smem:$0x3FDB];
	s0 =	simm.s32 @p2 $0x1  }
0x17: {  	s4 =	simm.s32 $0x1BF5;
	[smem:$0x3F8B] =	sst s0  }
0x18: {  	s0 =	sld [smem:$0x3F6E];
	_ =	swait.ge [sflag:s4], $0x0  }
0x19: {  	s7 =	sld [smem:$0x3F6F]  }
0x1a: {  	s8 =	sadd.s32 $0xFFFFE003, lr  }
0x1b: {  	s9 =	sadd.s32 $0xFFFFFEF7, lr;
	s5 =	simm.s32 $0xFFFFFFFF;
	p2 =	slt.u32 s8, $0xFFFFF086  }
0x1c: {  	p1 =	slt.u32 s9, $0xF7A;
	s5 =	simm.s32 @!p2 $0x0  }
0x1d: {  	s5 =	simm.s32 @p1 $0x1;
	p0 =	seq.s32 s7, s2  }
0x1e: {  	s7 =	smul.u32 @!p0 $0xF7A, s2;
	p2 =	seq.s32 @!p0 s5, $0x0  }
0x1f: {  	s9 =	smul.u32 $0xF7A, s1;
	s8 =	simm.s32 @!p0 $0x1BF5;
	p2 =	por !p2, p0  }
0x20: {  	[sflag:s8] =	ssyncset.s32 @!p0 $0xFFFFF086;
	s6 =	sadd.s32 @!p0 s3, s7;
	s7 =	simm.s32 @!p0 $0x108  }
0x21: {  	s3 =	sadd.s32 s3, s9;
	s6 =	sadd.s32 @!p0 $0x88, s6;
	s7 =	simm.s32 @p2 $0x1082  }
0x22: {  	[simem:s7], [sflag:s8] =	dma.local @!p0 [hbm:s6], $0xF7A  }
0x23: {  	s9 =	sor.u32 $0xD0000000, s2;
	s6 =	simm.s32 $0x108;
	_ =	swait.ge @!p0 [sflag:s8], $0x0  }
0x24: {  	s3 =	sadd.s32 $0x88, s3;
	s6 =	simm.s32 @!p1 $0x1082;
	[sflag:s4] =	ssyncset.s32 $0xFFFFF086  }
0x25: {  	[simem:s6], [sflag:s4] =	dma.local [hbm:s3], $0xF7A  }
0x26: {  	[smem:$0x3F6F] =	sst s1;
	(tag) =	ssettag s2;
	_ =	strace s9  }
0x27: {  	s1 =	sld [smem:$0x3F7F]  }
0x28: {  	s2 =	sld [smem:$0x3F80]  }
0x29: {  	s4 =	sld [smem:$0x3F82]  }
0x2a: {  	p0 =	seq.s32 s5, $0x0;
	s5 =	sld [smem:$0x3F83]  }
0x2b: {  	s6 =	sld [smem:$0x3F84]  }
0x2c: {  	s7 =	sld [smem:$0x3F85]  }
0x2d: {  	s3 =	simm.s32 $0x108;
	s8 =	sld [smem:$0x3F86]  }
0x2e: {  	s3 =	simm.s32 @!p0 $0x1082;
	s9 =	sld [smem:$0x3F87]  }
0x2f: {  	lr =	sadd.s32 s0, s3;
	s0 =	sld [smem:$0x3F7E]  }
0x30: {  	s3 =	sld [smem:$0x3F81]  }
0x31: {  	[smem:$0x3F8A] =	sst s10  }
0x32: {  	s10 =	sld [smem:$0x3F88];
	_ =	sdelay $0x3  }
0x33: {  	p0 =	seq.s32 s10, $0x1;
	s10 =	sld [smem:$0x3F8A];
	_ =	sdelay $0x3  }
0x34: {  	[smem:$0x3F8A] =	sst s10  }
0x35: {  	s10 =	sld [smem:$0x3F89];
	_ =	sdelay $0x3  }
0x36: {  	p1 =	seq.s32 s10, $0x1;
	s10 =	sld [smem:$0x3F8A];
	_ =	sdelay $0x3  }
0x37: {  	[smem:$0x3F8A] =	sst s10  }
0x38: {  	s10 =	sld [smem:$0x3F8B]  }
0x39: {  	_ = 	snop;
	(pc) =	sbr.ind lr, $3  }
0x3a: {  	_ = 	snop  }
0x3b: {  	_ = 	snop  }
0x3c: {  	p2 =	seq.s32 s10, $0x1;
	s10 =	sld [smem:$0x3F8A]  }
0x3d: {  	_ =	shalt  }
0x3e: {  	_ =	shalt  }
0x3f: {  	_ =	shalt  }
0x40: {  	_ =	shalt  }
0x41: {  	_ =	shalt  }
0x42: {  	_ =	shalt  }
0x43: {  	_ =	shalt  }
0x44: {  	_ =	shalt  }
0x45: {  	_ =	shalt  }
0x46: {  	_ =	shalt  }
0x47: {  	_ =	shalt  }
0x48: {  	_ =	shalt  }
0x49: {  	_ =	shalt  }
0x4a: {  	_ =	shalt  }
0x4b: {  	_ =	shalt  }
0x4c: {  	_ =	shalt  }
0x4d: {  	_ =	shalt  }
0x4e: {  	_ =	shalt  }
0x4f: {  	_ =	shalt  }
0x50: {  	_ =	shalt  }
0x51: {  	_ =	shalt  }
0x52: {  	_ =	shalt  }
0x53: {  	_ =	shalt  }
0x54: {  	_ =	shalt  }
0x55: {  	_ =	shalt  }
0x56: {  	_ =	shalt  }
0x57: {  	_ =	shalt  }
0x58: {  	_ =	shalt  }
0x59: {  	_ =	shalt  }
0x5a: {  	_ =	shalt  }
0x5b: {  	_ =	shalt  }
0x5c: {  	_ =	shalt  }
0x5d: {  	_ =	shalt  }
0x5e: {  	_ =	shalt  }
0x5f: {  	_ =	shalt  }
0x60: {  	_ =	shalt  }
0x61: {  	_ =	shalt  }
0x62: {  	_ =	shalt  }
0x63: {  	_ =	shalt  }
0x64: {  	_ =	shalt  }
0x65: {  	_ =	shalt  }
0x66: {  	_ =	shalt  }
0x67: {  	_ =	shalt  }
0x68: {  	_ =	shalt  }
0x69: {  	_ =	shalt  }
0x6a: {  	_ =	shalt  }
0x6b: {  	_ =	shalt  }
0x6c: {  	_ =	shalt  }
0x6d: {  	_ =	shalt  }
0x6e: {  	_ =	shalt  }
0x6f: {  	_ =	shalt  }
0x70: {  	_ =	shalt  }
0x71: {  	_ =	shalt  }
0x72: {  	_ =	shalt  }
0x73: {  	_ =	shalt  }
0x74: {  	_ =	shalt  }
0x75: {  	_ =	shalt  }
0x76: {  	_ =	shalt  }
0x77: {  	_ =	shalt  }
0x78: {  	_ =	shalt  }
0x79: {  	_ =	shalt  }
0x7a: {  	_ =	shalt  }
0x7b: {  	_ =	shalt  }
0x7c: {  	_ =	shalt  }
0x7d: {  	_ =	shalt  }
0x7e: {  	_ =	shalt  }
0x7f: {  	_ =	shalt  }
0x80: {  	_ =	shalt  }
0x81: {  	_ =	shalt  }
0x82: {  	_ =	shalt  }
0x83: {  	_ =	shalt  }
0x84: {  	_ =	shalt  }
0x85: {  	_ =	shalt  }
0x86: {  	_ =	shalt  }
0x87: {  	_ =	shalt  }
.Lfunc_end0:
.L_simem_size_0:
called_computation.3_lowered:
.L_overlay_start_0:
0x88: {  	s2 =	sld [smem:$0x3FD9]  }
0x89: {  	s3 =	sld [smem:$0x3FFE];
	_ =	sdelay $0x1  }
0x8a: {  	s1 =	srdreg.scid  }
0x8b: {  	s0 =	sand.u32 $0x1, s1  }
0x8c: {  	s17 =	sshll.u32 s0, $0xA;
	s2 =	sadd.s32 s3, s2  }
0x8d: {  	s2 =	sadd.s32 s2, s17  }
0x8e: {  	[smem:$0x3F96] =	sst s2  }
0x8f: {  	_ = 	snop  }
0x90: {  	(tm) =	ssettm $0x1  }
0x91: {  	s18 =	sld [smem:$0x3FFB];
	_ =	sdelay $0x3  }
0x92: {  	_ =	strace s18  }
0x93: {  	s2 =	sld [smem:$0x3FFC];
	_ =	sdelay $0x3  }
0x94: {  	_ =	strace s2  }
0x95: {  	s2 =	sld [smem:$0x3FFD];
	_ =	sdelay $0x3  }
0x96: {  	_ =	strace s2  }
0x97: {  	_ =	strace $0x8FFFFFFF  }
0x98: {  	s19 =	sld [smem:$0x3FDB];
	_ =	sdelay $0x1  }
0x99: {  	s20 =	simm.s32 $_scs_section_size  }
0x9a: {  	s4 =	simm.s32 $_size__tile_overlayer_lowered;
	s5 =	simm.s32 $_tile_overlayer_lowered  }
0x9b: {  	s6 =	simm.s32 $0x1BFF;
	s21 =	sshll.u32 s5, $0x1;
	s3 =	sadd.s32 s20, s19  }
0x9c: {  	s22 =	simm.s32 $0x0;
	s4 =	sshll.u32 s4, $0x1;
	s5 =	sadd.s32 s21, s3  }
0x9d: {  	[timem:s22], [sflag:s6] =	dma.local [hbm:s5], s4  }
0x9e: {  	_ =	swait.ge [sflag:s6], s4  }
0x9f: {  	s4 =	ssub.s32 $0x0, s4;
	[sflag:s6] =	ssyncset.done $0x0  }
0xa0: {  	[sflag:s6] =	ssyncadd.s32 s4;
	_ =	sdelay $0x1  }
0xa1: {  	s23 =	simm.s32 $0x1B8B  }
0xa2: {  	_ =	swait.ge [sflag:s23], $0x1  }
0xa3: {  	[sflag:s23] =	ssyncset.done $0x0  }
0xa4: {  	[sflag:s23] =	ssyncadd.s32 $0xFFFFFFFF  }
0xa5: {  	s4 =	sld [smem:$0x0]  }
0xa6: {  	s5 =	sand.u32 $0xFFFFFFFE, s1  }
0xa7: {  	p0 =	sne.s32 s1, s5  }
0xa8: {  	s5 =	sshll.u32 @p0 s5, $0xE  }
0xa9: {  	s5 =	sadd.s32 @p0 $0x11B8D, s5;
	s6 =	sshll.u32 @p0 s4, $0x11  }
0xaa: {  	s5 =	sor.u32 @p0 s6, s5  }
0xab: {  	[sflag:s5] =	ssyncadd.remote.s32 @p0 $0x1;
	_ =	sdelay $0x1  }
0xac: {  	s5 =	simm.s32 @p0 $0x1B8D  }
0xad: {  	_ =	swait.eq @p0 [sflag:s5], $0x1  }
0xae: {  	[sflag:s5] =	ssyncadd.s32 @p0 $0xFFFFFFFF  }
0xaf: {  	s6 =	sshll.u32 @!p0 s1, $0xE  }
0xb0: {  	s6 =	sor.u32 @!p0 $0x4000, s6;
	s5 =	simm.s32 @!p0 $0x1B8D  }
0xb1: {  	s4 =	sshll.u32 @!p0 s4, $0x11;
	s6 =	sadd.s32 @!p0 $0x11B8D, s6;
	_ =	swait.eq @!p0 [sflag:s5], $0x1  }
0xb2: {  	s4 =	sor.u32 @!p0 s4, s6;
	[sflag:s5] =	ssyncadd.s32 @!p0 $0xFFFFFFFF  }
0xb3: {  	s25 =	simm.s32 $0x1B8E;
	s24 =	sld [smem:$0x3FFE];
	[sflag:s4] =	ssyncadd.remote.s32 @!p0 $0x1  }
0xb4: {  	s26 =	simm.s32 $execute0_lowered;
	[smem:$0x3FD2] =	sst s25  }
0xb5: {  	s5 =	sshll.u32 s26, $0x1;
	_ =	strace $0x8000004C;
	[dreg:$0x1] =	wrdreg $0xFFFFFFFF  }
0xb6: {  	s28 =	simm.s32 $_size_execute0_lowered;
	s3 =	sadd.s32 s3, s5;
	[dreg:$0x0] =	wrdreg $0x0  }
0xb7: {  	s5 =	sshll.u32 s28, $0x1;
	[dreg:$0x2] =	wrdreg s3  }
0xb8: {  	[dreg:$0x3] =	wrdreg s5  }
0xb9: {  	[dreg:$0x4] =	wrdreg $0xC0  }
0xba: {  	_ =	task [dreg:s22], $0x5FFFF  }
0xbb: {  	[dreg:$0x1] =	wrdreg $0xFFFFFFFF  }
0xbc: {  	[dreg:$0x0] =	wrdreg $0x60  }
0xbd: {  	[dreg:$0x2] =	wrdreg s24  }
0xbe: {  	[dreg:$0x3] =	wrdreg $0xB  }
0xbf: {  	_ =	task.clear_ibuf [dreg:s22], $0x4FFFF;
	_ =	strace $0x9000004C  }
0xc0: {  	s29 =	simm.s32 $0xB;
	_ =	strace $0x8000004E  }
0xc1: {  	_ =	swait.ge [sflag:s29], $0x1  }
0xc2: {  	[sflag:s29] =	ssyncadd.s32 $0xFFFFFFFF  }
0xc3: {  	_ =	strace $0x9000004E  }
0xc4: {  	_ =	sfence  }
0xc5: {  	s30 =	sld [smem:$0x0];
	_ =	sdelay $0x2  }
0xc6: {  	s31 =	sshll.u32 s1, $0xD;
	s1 =	sshrl.u32 s1, $0x2  }
0xc7: {  	s4 =	sand.u32 $0x4000, s31;
	s1 =	sadd.s32 s1, s30  }
0xc8: {  	s0 =	sor.u32 s4, s0;
	s1 =	sshll.u32 s1, $0x11  }
0xc9: {  	s0 =	sor.u32 s1, s0  }
0xca: {  	s0 =	sadd.s32 $0x8F2B, s0  }
0xcb: {  	[sflag:s0] =	ssyncadd.remote.s32 $0x1  }
0xcc: {  	_ =	sfence.sel $0xFFFF  }
0xcd: {  	[dreg:$0x0] =	wrdreg $0xFFFFFFFF;
	(pc) =	sbr.abs _section_cstart, $3  }
0xce: {  	[dreg:$0x1] =	wrdreg $0xFFFFFFFF  }
0xcf: {  	_ =	task.clear_ibuf [dreg:s22], $0x2FFFF;
	_ =	strace $0x9FFFFFFF  }
0xd0: {  	(tm) =	ssettm $0x7FFFFFFF  }
0xd1: {  	_ =	shalt  }
tec
execute0_lowered:
.L_overlay_start_1:
0x0: {  	(tag) =	ssettag $0x1  }
0x1: {  	s1 =	srdreg.scid;
	s0 =	stileid.u32  }
0x2: {  	s26 =	sand.u32 $0x1, s1;
	s29 =	sshll.u32 s0, $0x1  }
0x3: {  	s8 =	sor.u32 s26, s29  }
0x4: {  	s9 =	rddreg [dreg:$0x0];
	s28 =	smul.u32 $0x1400, s8  }
0x5: {  	s2 =	simm.s32 $0x0;
	s1 =	rddreg [dreg:$0x1]  }
0x6: {  	[smem:$0x7FF] =	sst s2;
	s25 =	sadd.s32 $0x42400, s9;
	s3 =	sshrl.u32 s28, $0x3  }
0x7: {  	_ =	strace $0x8000004D;
	s4 =	sadd.s32 s25, s3;
	s3 =	simm.s32 $0x2  }
0x8: {  	[tilespmem:s2], [sflag:$0x2] =	stream.linear.gather [hbm4b:s4+s2], $0x200, $0x38;
	[tilespmem:$0x10200] =	vst v63  }
0x9: {  	_ =	swait.ge [sflag:s3], $0x200  }
0xa: {  	s6 =	simm.s32 $0x200;
	[sflag:s3] =	ssyncset.done $0x0  }
0xb: {  	s7 =	simm.s32 $0x1;
	s5 =	sadd.s32 $0x16200, s9;
	[sflag:s3] =	ssyncadd.s32 $0xFFFFFE00  }
0xc: {  	[tilespmem:s6], [sflag:$0x1] =	stream.indirect.gather [hbm4b:s5+s6], $0x80, s2, s6, $0xb8;
	[tilespmem:$0x10200] =	vst v63  }
0xd: {  	s8 =	smul.u32 $0x14000, s8;
	_ =	swait.ge [sflag:s7], $0x10000  }
0xe: {  	s29 =	sadd.s32 $0x47400, s9;
	[sflag:s7] =	ssyncset.done $0x0  }
0xf: {  	s8 =	sadd.s32 s29, s8;
	[sflag:s7] =	ssyncadd.s32 $0xFFFF0000  }
0x10: {  	[hbm4b:s8+s2] =	stream.linear.scatter [tilespmem:s6], [sflag:$0x2], $0x10000, $0x38;
	[tilespmem:$0x10200] =	vst v63  }
0x11: {  	s10 =	sor.u32 $0x200, s28;
	_ =	swait.ge [sflag:s3], $0x10000  }
0x12: {  	s30 =	sshrl.u32 s10, $0x3;
	[sflag:s3] =	ssyncset.done $0x0  }
0x13: {  	s9 =	sadd.s32 s25, s30;
	[sflag:s3] =	ssyncadd.s32 $0xFFFF0000  }
0x14: {  	[tilespmem:s2], [sflag:$0x2] =	stream.linear.gather [hbm4b:s9+s2], $0x200, $0x38;
	[tilespmem:$0x10200] =	vst v63  }
0x15: {  	_ =	swait.ge [sflag:s3], $0x200  }
0x16: {  	[sflag:s3] =	ssyncset.done $0x0  }
0x17: {  	[sflag:s3] =	ssyncadd.s32 $0xFFFFFE00  }
0x18: {  	[tilespmem:s6], [sflag:$0x1] =	stream.indirect.gather [hbm4b:s5+s6], $0x80, s2, s6, $0xb8;
	[tilespmem:$0x10200] =	vst v63  }
0x19: {  	_ =	swait.ge [sflag:s7], $0x10000  }
0x1a: {  	s10 =	sshll.u32 s10, $0x4;
	[sflag:s7] =	ssyncset.done $0x0  }
0x1b: {  	s10 =	sadd.s32 s29, s10;
	[sflag:s7] =	ssyncadd.s32 $0xFFFF0000  }
0x1c: {  	[hbm4b:s10+s2] =	stream.linear.scatter [tilespmem:s6], [sflag:$0x2], $0x10000, $0x38;
	[tilespmem:$0x10200] =	vst v63  }
0x1d: {  	s12 =	sadd.s32 $0x400, s28;
	_ =	swait.ge [sflag:s3], $0x10000  }
0x1e: {  	s11 =	sshrl.u32 s12, $0x3;
	[sflag:s3] =	ssyncset.done $0x0  }
0x1f: {  	s11 =	sadd.s32 s25, s11;
	[sflag:s3] =	ssyncadd.s32 $0xFFFF0000  }
0x20: {  	[tilespmem:s2], [sflag:$0x2] =	stream.linear.gather [hbm4b:s11+s2], $0x200, $0x38;
	[tilespmem:$0x10200] =	vst v63  }
0x21: {  	_ =	swait.ge [sflag:s3], $0x200  }
0x22: {  	[sflag:s3] =	ssyncset.done $0x0  }
0x23: {  	[sflag:s3] =	ssyncadd.s32 $0xFFFFFE00  }
0x24: {  	[tilespmem:s6], [sflag:$0x1] =	stream.indirect.gather [hbm4b:s5+s6], $0x80, s2, s6, $0xb8;
	[tilespmem:$0x10200] =	vst v63  }
0x25: {  	_ =	swait.ge [sflag:s7], $0x10000  }
0x26: {  	s12 =	sshll.u32 s12, $0x4;
	[sflag:s7] =	ssyncset.done $0x0  }
0x27: {  	s12 =	sadd.s32 s29, s12;
	[sflag:s7] =	ssyncadd.s32 $0xFFFF0000  }
0x28: {  	[hbm4b:s12+s2] =	stream.linear.scatter [tilespmem:s6], [sflag:$0x2], $0x10000, $0x38;
	[tilespmem:$0x10200] =	vst v63  }
0x29: {  	s14 =	sadd.s32 $0x600, s28;
	_ =	swait.ge [sflag:s3], $0x10000  }
0x2a: {  	s13 =	sshrl.u32 s14, $0x3;
	[sflag:s3] =	ssyncset.done $0x0  }
0x2b: {  	s13 =	sadd.s32 s25, s13;
	[sflag:s3] =	ssyncadd.s32 $0xFFFF0000  }
0x2c: {  	[tilespmem:s2], [sflag:$0x2] =	stream.linear.gather [hbm4b:s13+s2], $0x200, $0x38;
	[tilespmem:$0x10200] =	vst v63  }
0x2d: {  	_ =	swait.ge [sflag:s3], $0x200  }
0x2e: {  	[sflag:s3] =	ssyncset.done $0x0  }
0x2f: {  	[sflag:s3] =	ssyncadd.s32 $0xFFFFFE00  }
0x30: {  	[tilespmem:s6], [sflag:$0x1] =	stream.indirect.gather [hbm4b:s5+s6], $0x80, s2, s6, $0xb8;
	[tilespmem:$0x10200] =	vst v63  }
0x31: {  	_ =	swait.ge [sflag:s7], $0x10000  }
0x32: {  	s14 =	sshll.u32 s14, $0x4;
	[sflag:s7] =	ssyncset.done $0x0  }
0x33: {  	s14 =	sadd.s32 s29, s14;
	[sflag:s7] =	ssyncadd.s32 $0xFFFF0000  }
0x34: {  	[hbm4b:s14+s2] =	stream.linear.scatter [tilespmem:s6], [sflag:$0x2], $0x10000, $0x38;
	[tilespmem:$0x10200] =	vst v63  }
0x35: {  	s16 =	sadd.s32 $0x800, s28;
	_ =	swait.ge [sflag:s3], $0x10000  }
0x36: {  	s15 =	sshrl.u32 s16, $0x3;
	[sflag:s3] =	ssyncset.done $0x0  }
0x37: {  	s15 =	sadd.s32 s25, s15;
	[sflag:s3] =	ssyncadd.s32 $0xFFFF0000  }
0x38: {  	[tilespmem:s2], [sflag:$0x2] =	stream.linear.gather [hbm4b:s15+s2], $0x200, $0x38;
	[tilespmem:$0x10200] =	vst v63  }
0x39: {  	_ =	swait.ge [sflag:s3], $0x200  }
0x3a: {  	[sflag:s3] =	ssyncset.done $0x0  }
0x3b: {  	[sflag:s3] =	ssyncadd.s32 $0xFFFFFE00  }
0x3c: {  	[tilespmem:s6], [sflag:$0x1] =	stream.indirect.gather [hbm4b:s5+s6], $0x80, s2, s6, $0xb8;
	[tilespmem:$0x10200] =	vst v63  }
0x3d: {  	_ =	swait.ge [sflag:s7], $0x10000  }
0x3e: {  	s16 =	sshll.u32 s16, $0x4;
	[sflag:s7] =	ssyncset.done $0x0  }
0x3f: {  	s16 =	sadd.s32 s29, s16;
	[sflag:s7] =	ssyncadd.s32 $0xFFFF0000  }
0x40: {  	[hbm4b:s16+s2] =	stream.linear.scatter [tilespmem:s6], [sflag:$0x2], $0x10000, $0x38;
	[tilespmem:$0x10200] =	vst v63  }
0x41: {  	s18 =	sadd.s32 $0xA00, s28;
	_ =	swait.ge [sflag:s3], $0x10000  }
0x42: {  	s17 =	sshrl.u32 s18, $0x3;
	[sflag:s3] =	ssyncset.done $0x0  }
0x43: {  	s17 =	sadd.s32 s25, s17;
	[sflag:s3] =	ssyncadd.s32 $0xFFFF0000  }
0x44: {  	[tilespmem:s2], [sflag:$0x2] =	stream.linear.gather [hbm4b:s17+s2], $0x200, $0x38;
	[tilespmem:$0x10200] =	vst v63  }
0x45: {  	_ =	swait.ge [sflag:s3], $0x200  }
0x46: {  	[sflag:s3] =	ssyncset.done $0x0  }
0x47: {  	[sflag:s3] =	ssyncadd.s32 $0xFFFFFE00  }
0x48: {  	[tilespmem:s6], [sflag:$0x1] =	stream.indirect.gather [hbm4b:s5+s6], $0x80, s2, s6, $0xb8;
	[tilespmem:$0x10200] =	vst v63  }
0x49: {  	_ =	swait.ge [sflag:s7], $0x10000  }
0x4a: {  	s18 =	sshll.u32 s18, $0x4;
	[sflag:s7] =	ssyncset.done $0x0  }
0x4b: {  	s18 =	sadd.s32 s29, s18;
	[sflag:s7] =	ssyncadd.s32 $0xFFFF0000  }
0x4c: {  	[hbm4b:s18+s2] =	stream.linear.scatter [tilespmem:s6], [sflag:$0x2], $0x10000, $0x38;
	[tilespmem:$0x10200] =	vst v63  }
0x4d: {  	s20 =	sadd.s32 $0xC00, s28;
	_ =	swait.ge [sflag:s3], $0x10000  }
0x4e: {  	s19 =	sshrl.u32 s20, $0x3;
	[sflag:s3] =	ssyncset.done $0x0  }
0x4f: {  	s19 =	sadd.s32 s25, s19;
	[sflag:s3] =	ssyncadd.s32 $0xFFFF0000  }
0x50: {  	[tilespmem:s2], [sflag:$0x2] =	stream.linear.gather [hbm4b:s19+s2], $0x200, $0x38;
	[tilespmem:$0x10200] =	vst v63  }
0x51: {  	_ =	swait.ge [sflag:s3], $0x200  }
0x52: {  	[sflag:s3] =	ssyncset.done $0x0  }
0x53: {  	[sflag:s3] =	ssyncadd.s32 $0xFFFFFE00  }
0x54: {  	[tilespmem:s6], [sflag:$0x1] =	stream.indirect.gather [hbm4b:s5+s6], $0x80, s2, s6, $0xb8;
	[tilespmem:$0x10200] =	vst v63  }
0x55: {  	_ =	swait.ge [sflag:s7], $0x10000  }
0x56: {  	s20 =	sshll.u32 s20, $0x4;
	[sflag:s7] =	ssyncset.done $0x0  }
0x57: {  	s20 =	sadd.s32 s29, s20;
	[sflag:s7] =	ssyncadd.s32 $0xFFFF0000  }
0x58: {  	[hbm4b:s20+s2] =	stream.linear.scatter [tilespmem:s6], [sflag:$0x2], $0x10000, $0x38;
	[tilespmem:$0x10200] =	vst v63  }
0x59: {  	s22 =	sadd.s32 $0xE00, s28;
	_ =	swait.ge [sflag:s3], $0x10000  }
0x5a: {  	s21 =	sshrl.u32 s22, $0x3;
	[sflag:s3] =	ssyncset.done $0x0  }
0x5b: {  	s21 =	sadd.s32 s25, s21;
	[sflag:s3] =	ssyncadd.s32 $0xFFFF0000  }
0x5c: {  	[tilespmem:s2], [sflag:$0x2] =	stream.linear.gather [hbm4b:s21+s2], $0x200, $0x38;
	[tilespmem:$0x10200] =	vst v63  }
0x5d: {  	_ =	swait.ge [sflag:s3], $0x200  }
0x5e: {  	[sflag:s3] =	ssyncset.done $0x0  }
0x5f: {  	[sflag:s3] =	ssyncadd.s32 $0xFFFFFE00  }
0x60: {  	[tilespmem:s6], [sflag:$0x1] =	stream.indirect.gather [hbm4b:s5+s6], $0x80, s2, s6, $0xb8;
	[tilespmem:$0x10200] =	vst v63  }
0x61: {  	_ =	swait.ge [sflag:s7], $0x10000  }
0x62: {  	s22 =	sshll.u32 s22, $0x4;
	[sflag:s7] =	ssyncset.done $0x0  }
0x63: {  	s22 =	sadd.s32 s29, s22;
	[sflag:s7] =	ssyncadd.s32 $0xFFFF0000  }
0x64: {  	[hbm4b:s22+s2] =	stream.linear.scatter [tilespmem:s6], [sflag:$0x2], $0x10000, $0x38;
	[tilespmem:$0x10200] =	vst v63  }
0x65: {  	s24 =	sadd.s32 $0x1000, s28;
	_ =	swait.ge [sflag:s3], $0x10000  }
0x66: {  	s23 =	sshrl.u32 s24, $0x3;
	[sflag:s3] =	ssyncset.done $0x0  }
0x67: {  	s23 =	sadd.s32 s25, s23;
	[sflag:s3] =	ssyncadd.s32 $0xFFFF0000  }
0x68: {  	[tilespmem:s2], [sflag:$0x2] =	stream.linear.gather [hbm4b:s23+s2], $0x200, $0x38;
	[tilespmem:$0x10200] =	vst v63  }
0x69: {  	_ =	swait.ge [sflag:s3], $0x200  }
0x6a: {  	[sflag:s3] =	ssyncset.done $0x0  }
0x6b: {  	[sflag:s3] =	ssyncadd.s32 $0xFFFFFE00  }
0x6c: {  	[tilespmem:s6], [sflag:$0x1] =	stream.indirect.gather [hbm4b:s5+s6], $0x80, s2, s6, $0xb8;
	[tilespmem:$0x10200] =	vst v63  }
0x6d: {  	_ =	swait.ge [sflag:s7], $0x10000  }
0x6e: {  	s24 =	sshll.u32 s24, $0x4;
	[sflag:s7] =	ssyncset.done $0x0  }
0x6f: {  	s24 =	sadd.s32 s29, s24;
	[sflag:s7] =	ssyncadd.s32 $0xFFFF0000  }
0x70: {  	[hbm4b:s24+s2] =	stream.linear.scatter [tilespmem:s6], [sflag:$0x2], $0x10000, $0x38;
	[tilespmem:$0x10200] =	vst v63  }
0x71: {  	s28 =	sadd.s32 $0x1200, s28;
	_ =	swait.ge [sflag:s3], $0x10000  }
0x72: {  	s30 =	sshrl.u32 s28, $0x3;
	[sflag:s3] =	ssyncset.done $0x0  }
0x73: {  	s26 =	ssub.s32 $0x2, s26;
	s25 =	sadd.s32 s25, s30;
	[sflag:s3] =	ssyncadd.s32 $0xFFFF0000  }
0x74: {  	[tilespmem:s2], [sflag:$0x2] =	stream.linear.gather [hbm4b:s25+s2], $0x200, $0x38;
	[tilespmem:$0x10200] =	vst v63  }
0x75: {  	s31 =	sshrl.u32 s26, $0x1;
	_ =	swait.ge [sflag:s3], $0x200  }
0x76: {  	s30 =	ssub.s32 s26, s31;
	[sflag:s3] =	ssyncset.done $0x0  }
0x77: {  	s31 =	sshll.u32 s28, $0x4;
	s28 =	smax.u32 s30, $0x1;
	[sflag:s3] =	ssyncadd.s32 $0xFFFFFE00  }
0x78: {  	[tilespmem:s6], [sflag:$0x1] =	stream.indirect.gather [hbm4b:s5+s6], $0x80, s2, s6, $0xb8;
	[tilespmem:$0x10200] =	vst v63  }
0x79: {  	p0 =	sne.s32 s28, $0x1;
	_ =	swait.ge [sflag:s7], $0x10000  }
.Ltmp0:
0x7a: {  	[sflag:s7] =	ssyncset.done $0x0;
	(pc) =	sbr.rel @!p0 .LBB2_2-.Ltmp0, $4  }
0x7b: {  	s26 =	sadd.s32 s29, s31;
	[sflag:s7] =	ssyncadd.s32 $0xFFFF0000  }
0x7c: {  	[hbm4b:s26+s2] =	stream.linear.scatter [tilespmem:s6], [sflag:$0x2], $0x10000, $0x38;
	[tilespmem:$0x10200] =	vst v63  }
0x7d: {  	_ =	swait.ge [sflag:s3], $0x10000  }
0x7e: {  	s28 =	sadd.s32 $0xFFFFFFFF, s28;
	[sflag:s3] =	ssyncset.done $0x0  }
.LBB2_1:
0x7f: {  	p0 =	sne.s32 s28, $0x1;
	s28 =	sadd.s32 $0xFFFFFFFF, s28;
	[sflag:s3] =	ssyncadd.s32 $0xFFFF0000  }
0x80: {  	[tilespmem:s2], [sflag:$0x2] =	stream.linear.gather [hbm4b:s4+s2], $0x200, $0x38;
	[tilespmem:$0x10200] =	vst v63  }
0x81: {  	_ =	swait.ge [sflag:s3], $0x200  }
0x82: {  	[sflag:s3] =	ssyncset.done $0x0  }
0x83: {  	[sflag:s3] =	ssyncadd.s32 $0xFFFFFE00  }
0x84: {  	[tilespmem:s6], [sflag:$0x1] =	stream.indirect.gather [hbm4b:s5+s6], $0x80, s2, s6, $0xb8;
	[tilespmem:$0x10200] =	vst v63  }
0x85: {  	_ =	swait.ge [sflag:s7], $0x10000  }
0x86: {  	[sflag:s7] =	ssyncset.done $0x0  }
0x87: {  	[sflag:s7] =	ssyncadd.s32 $0xFFFF0000  }
0x88: {  	[hbm4b:s8+s2] =	stream.linear.scatter [tilespmem:s6], [sflag:$0x2], $0x10000, $0x38;
	[tilespmem:$0x10200] =	vst v63  }
0x89: {  	_ =	swait.ge [sflag:s3], $0x10000  }
0x8a: {  	[sflag:s3] =	ssyncset.done $0x0  }
0x8b: {  	[sflag:s3] =	ssyncadd.s32 $0xFFFF0000  }
0x8c: {  	[tilespmem:s2], [sflag:$0x2] =	stream.linear.gather [hbm4b:s9+s2], $0x200, $0x38;
	[tilespmem:$0x10200] =	vst v63  }
0x8d: {  	_ =	swait.ge [sflag:s3], $0x200  }
0x8e: {  	[sflag:s3] =	ssyncset.done $0x0  }
0x8f: {  	[sflag:s3] =	ssyncadd.s32 $0xFFFFFE00  }
0x90: {  	[tilespmem:s6], [sflag:$0x1] =	stream.indirect.gather [hbm4b:s5+s6], $0x80, s2, s6, $0xb8;
	[tilespmem:$0x10200] =	vst v63  }
0x91: {  	_ =	swait.ge [sflag:s7], $0x10000  }
0x92: {  	[sflag:s7] =	ssyncset.done $0x0  }
0x93: {  	[sflag:s7] =	ssyncadd.s32 $0xFFFF0000  }
0x94: {  	[hbm4b:s10+s2] =	stream.linear.scatter [tilespmem:s6], [sflag:$0x2], $0x10000, $0x38;
	[tilespmem:$0x10200] =	vst v63  }
0x95: {  	_ =	swait.ge [sflag:s3], $0x10000  }
0x96: {  	[sflag:s3] =	ssyncset.done $0x0  }
0x97: {  	[sflag:s3] =	ssyncadd.s32 $0xFFFF0000  }
0x98: {  	[tilespmem:s2], [sflag:$0x2] =	stream.linear.gather [hbm4b:s11+s2], $0x200, $0x38;
	[tilespmem:$0x10200] =	vst v63  }
0x99: {  	_ =	swait.ge [sflag:s3], $0x200  }
0x9a: {  	[sflag:s3] =	ssyncset.done $0x0  }
0x9b: {  	[sflag:s3] =	ssyncadd.s32 $0xFFFFFE00  }
0x9c: {  	[tilespmem:s6], [sflag:$0x1] =	stream.indirect.gather [hbm4b:s5+s6], $0x80, s2, s6, $0xb8;
	[tilespmem:$0x10200] =	vst v63  }
0x9d: {  	_ =	swait.ge [sflag:s7], $0x10000  }
0x9e: {  	[sflag:s7] =	ssyncset.done $0x0  }
0x9f: {  	[sflag:s7] =	ssyncadd.s32 $0xFFFF0000  }
0xa0: {  	[hbm4b:s12+s2] =	stream.linear.scatter [tilespmem:s6], [sflag:$0x2], $0x10000, $0x38;
	[tilespmem:$0x10200] =	vst v63  }
0xa1: {  	_ =	swait.ge [sflag:s3], $0x10000  }
0xa2: {  	[sflag:s3] =	ssyncset.done $0x0  }
0xa3: {  	[sflag:s3] =	ssyncadd.s32 $0xFFFF0000  }
0xa4: {  	[tilespmem:s2], [sflag:$0x2] =	stream.linear.gather [hbm4b:s13+s2], $0x200, $0x38;
	[tilespmem:$0x10200] =	vst v63  }
0xa5: {  	_ =	swait.ge [sflag:s3], $0x200  }
0xa6: {  	[sflag:s3] =	ssyncset.done $0x0  }
0xa7: {  	[sflag:s3] =	ssyncadd.s32 $0xFFFFFE00  }
0xa8: {  	[tilespmem:s6], [sflag:$0x1] =	stream.indirect.gather [hbm4b:s5+s6], $0x80, s2, s6, $0xb8;
	[tilespmem:$0x10200] =	vst v63  }
0xa9: {  	_ =	swait.ge [sflag:s7], $0x10000  }
0xaa: {  	[sflag:s7] =	ssyncset.done $0x0  }
0xab: {  	[sflag:s7] =	ssyncadd.s32 $0xFFFF0000  }
0xac: {  	[hbm4b:s14+s2] =	stream.linear.scatter [tilespmem:s6], [sflag:$0x2], $0x10000, $0x38;
	[tilespmem:$0x10200] =	vst v63  }
0xad: {  	_ =	swait.ge [sflag:s3], $0x10000  }
0xae: {  	[sflag:s3] =	ssyncset.done $0x0  }
0xaf: {  	[sflag:s3] =	ssyncadd.s32 $0xFFFF0000  }
0xb0: {  	[tilespmem:s2], [sflag:$0x2] =	stream.linear.gather [hbm4b:s15+s2], $0x200, $0x38;
	[tilespmem:$0x10200] =	vst v63  }
0xb1: {  	_ =	swait.ge [sflag:s3], $0x200  }
0xb2: {  	[sflag:s3] =	ssyncset.done $0x0  }
0xb3: {  	[sflag:s3] =	ssyncadd.s32 $0xFFFFFE00  }
0xb4: {  	[tilespmem:s6], [sflag:$0x1] =	stream.indirect.gather [hbm4b:s5+s6], $0x80, s2, s6, $0xb8;
	[tilespmem:$0x10200] =	vst v63  }
0xb5: {  	_ =	swait.ge [sflag:s7], $0x10000  }
0xb6: {  	[sflag:s7] =	ssyncset.done $0x0  }
0xb7: {  	[sflag:s7] =	ssyncadd.s32 $0xFFFF0000  }
0xb8: {  	[hbm4b:s16+s2] =	stream.linear.scatter [tilespmem:s6], [sflag:$0x2], $0x10000, $0x38;
	[tilespmem:$0x10200] =	vst v63  }
0xb9: {  	_ =	swait.ge [sflag:s3], $0x10000  }
0xba: {  	[sflag:s3] =	ssyncset.done $0x0  }
0xbb: {  	[sflag:s3] =	ssyncadd.s32 $0xFFFF0000  }
0xbc: {  	[tilespmem:s2], [sflag:$0x2] =	stream.linear.gather [hbm4b:s17+s2], $0x200, $0x38;
	[tilespmem:$0x10200] =	vst v63  }
0xbd: {  	_ =	swait.ge [sflag:s3], $0x200  }
0xbe: {  	[sflag:s3] =	ssyncset.done $0x0  }
0xbf: {  	[sflag:s3] =	ssyncadd.s32 $0xFFFFFE00  }
0xc0: {  	[tilespmem:s6], [sflag:$0x1] =	stream.indirect.gather [hbm4b:s5+s6], $0x80, s2, s6, $0xb8;
	[tilespmem:$0x10200] =	vst v63  }
0xc1: {  	_ =	swait.ge [sflag:s7], $0x10000  }
0xc2: {  	[sflag:s7] =	ssyncset.done $0x0  }
0xc3: {  	[sflag:s7] =	ssyncadd.s32 $0xFFFF0000  }
0xc4: {  	[hbm4b:s18+s2] =	stream.linear.scatter [tilespmem:s6], [sflag:$0x2], $0x10000, $0x38;
	[tilespmem:$0x10200] =	vst v63  }
0xc5: {  	_ =	swait.ge [sflag:s3], $0x10000  }
0xc6: {  	[sflag:s3] =	ssyncset.done $0x0  }
0xc7: {  	[sflag:s3] =	ssyncadd.s32 $0xFFFF0000  }
0xc8: {  	[tilespmem:s2], [sflag:$0x2] =	stream.linear.gather [hbm4b:s19+s2], $0x200, $0x38;
	[tilespmem:$0x10200] =	vst v63  }
0xc9: {  	_ =	swait.ge [sflag:s3], $0x200  }
0xca: {  	[sflag:s3] =	ssyncset.done $0x0  }
0xcb: {  	[sflag:s3] =	ssyncadd.s32 $0xFFFFFE00  }
0xcc: {  	[tilespmem:s6], [sflag:$0x1] =	stream.indirect.gather [hbm4b:s5+s6], $0x80, s2, s6, $0xb8;
	[tilespmem:$0x10200] =	vst v63  }
0xcd: {  	_ =	swait.ge [sflag:s7], $0x10000  }
0xce: {  	[sflag:s7] =	ssyncset.done $0x0  }
0xcf: {  	[sflag:s7] =	ssyncadd.s32 $0xFFFF0000  }
0xd0: {  	[hbm4b:s20+s2] =	stream.linear.scatter [tilespmem:s6], [sflag:$0x2], $0x10000, $0x38;
	[tilespmem:$0x10200] =	vst v63  }
0xd1: {  	_ =	swait.ge [sflag:s3], $0x10000  }
0xd2: {  	[sflag:s3] =	ssyncset.done $0x0  }
0xd3: {  	[sflag:s3] =	ssyncadd.s32 $0xFFFF0000  }
0xd4: {  	[tilespmem:s2], [sflag:$0x2] =	stream.linear.gather [hbm4b:s21+s2], $0x200, $0x38;
	[tilespmem:$0x10200] =	vst v63  }
0xd5: {  	_ =	swait.ge [sflag:s3], $0x200  }
0xd6: {  	[sflag:s3] =	ssyncset.done $0x0  }
0xd7: {  	[sflag:s3] =	ssyncadd.s32 $0xFFFFFE00  }
0xd8: {  	[tilespmem:s6], [sflag:$0x1] =	stream.indirect.gather [hbm4b:s5+s6], $0x80, s2, s6, $0xb8;
	[tilespmem:$0x10200] =	vst v63  }
0xd9: {  	_ =	swait.ge [sflag:s7], $0x10000  }
0xda: {  	[sflag:s7] =	ssyncset.done $0x0  }
0xdb: {  	[sflag:s7] =	ssyncadd.s32 $0xFFFF0000  }
0xdc: {  	[hbm4b:s22+s2] =	stream.linear.scatter [tilespmem:s6], [sflag:$0x2], $0x10000, $0x38;
	[tilespmem:$0x10200] =	vst v63  }
0xdd: {  	_ =	swait.ge [sflag:s3], $0x10000  }
0xde: {  	[sflag:s3] =	ssyncset.done $0x0  }
0xdf: {  	[sflag:s3] =	ssyncadd.s32 $0xFFFF0000  }
0xe0: {  	[tilespmem:s2], [sflag:$0x2] =	stream.linear.gather [hbm4b:s23+s2], $0x200, $0x38;
	[tilespmem:$0x10200] =	vst v63  }
0xe1: {  	_ =	swait.ge [sflag:s3], $0x200  }
0xe2: {  	[sflag:s3] =	ssyncset.done $0x0  }
0xe3: {  	[sflag:s3] =	ssyncadd.s32 $0xFFFFFE00  }
0xe4: {  	[tilespmem:s6], [sflag:$0x1] =	stream.indirect.gather [hbm4b:s5+s6], $0x80, s2, s6, $0xb8;
	[tilespmem:$0x10200] =	vst v63  }
0xe5: {  	_ =	swait.ge [sflag:s7], $0x10000  }
0xe6: {  	[sflag:s7] =	ssyncset.done $0x0  }
0xe7: {  	[sflag:s7] =	ssyncadd.s32 $0xFFFF0000  }
0xe8: {  	[hbm4b:s24+s2] =	stream.linear.scatter [tilespmem:s6], [sflag:$0x2], $0x10000, $0x38;
	[tilespmem:$0x10200] =	vst v63  }
0xe9: {  	_ =	swait.ge [sflag:s3], $0x10000  }
0xea: {  	[sflag:s3] =	ssyncset.done $0x0  }
0xeb: {  	[sflag:s3] =	ssyncadd.s32 $0xFFFF0000  }
0xec: {  	[tilespmem:s2], [sflag:$0x2] =	stream.linear.gather [hbm4b:s25+s2], $0x200, $0x38;
	[tilespmem:$0x10200] =	vst v63  }
0xed: {  	_ =	swait.ge [sflag:s3], $0x200  }
0xee: {  	[sflag:s3] =	ssyncset.done $0x0  }
0xef: {  	[sflag:s3] =	ssyncadd.s32 $0xFFFFFE00  }
0xf0: {  	[tilespmem:s6], [sflag:$0x1] =	stream.indirect.gather [hbm4b:s5+s6], $0x80, s2, s6, $0xb8;
	[tilespmem:$0x10200] =	vst v63  }
0xf1: {  	_ =	swait.ge [sflag:s7], $0x10000  }
.Ltmp1:
0xf2: {  	[sflag:s7] =	ssyncset.done $0x0;
	(pc) =	sbr.rel @p0 .LBB2_1-.Ltmp1, $4  }
0xf3: {  	[sflag:s7] =	ssyncadd.s32 $0xFFFF0000  }
0xf4: {  	[hbm4b:s26+s2] =	stream.linear.scatter [tilespmem:s6], [sflag:$0x2], $0x10000, $0x38;
	[tilespmem:$0x10200] =	vst v63  }
0xf5: {  	_ =	swait.ge [sflag:s3], $0x10000  }
0xf6: {  	[sflag:s3] =	ssyncset.done $0x0  }
.LBB2_2:
0xf7: {  	[sflag:s3] =	ssyncadd.s32 $0xFFFF0000  }
0xf8: {  	_ =	sfence.sel $0x180000  }
0xf9: {  	[bflag:$0x0] =	sbarrier.arrive $0xFFFF  }
0xfa: {  	p0 =	sne.s32 s0, $0x0;
	_ =	strace $0x9000004D  }
0xfb: {  	s0 =	sadd.s32 @!p0 $0x100000, s1;
	[bflag:$0x2] =	sbarrier.arrive $0xFFFF  }
0xfc: {  	[sflag:s0] =	ssyncadd.tile.s32 @!p0 $0x1;
	_ =	shalt  }
.Lfunc_end2:
_tile_overlayer_lowered:
.L_overlay_start_2:
0xfd: {  	(tag) =	ssettag $0x2  }
0xfe: {  	s0 =	rddreg [dreg:$0x0];
	s2 =	stileid.u32  }
0xff: {  	s1 =	rddreg [dreg:$0x1];
	p0 =	sne.s32 s2, $0x0  }
0x100: {  	s3 =	rddreg [dreg:$0x2];
	[bflag:$0x3] =	sbarrier.arrive $0xFFFF;
	s2 =	simm.s32 @!p0 $0x1C02  }
0x101: {  	[timem:s3], [sflag:s2] =	dma.local @!p0 [hbm:s0], s1  }
0x102: {  	s0 =	simm.s32 @!p0 $0x2  }
0x103: {  	_ =	swait.ge @!p0 [sflag:s0], s1  }
0x104: {  	s1 =	ssub.s32 @!p0 $0x0, s1;
	[sflag:s0] =	ssyncset.done @!p0 $0x0  }
0x105: {  	[sflag:s0] =	ssyncadd.s32 @!p0 s1  }
0x106: {  	[bflag:$0x3] =	sbarrier.arrive $0xFFFF  }
0x107: {  	_ =	shalt  }

// kernel: kernel.16.cloned.1.call-start
scs
__scs_entry_jumppad:
0x0: {  	(pc) =	sbr.rel $0x88, $3  }
0x1: {  	(tag) =	ssettag $0x0;
	lr =	simm.s32 $0x1  }
0x2: {  	[smem:$0x3F6F] =	sst lr;
	_ =	strace $0xD0000000  }
0x3: {  	_ = 	snop  }
0x4: {  	_ = 	snop  }
0x5: {  	_ = 	snop  }
0x6: {  	_ = 	snop  }
0x7: {  	_ = 	snop  }
__scs_overlays_trampoline_lowered:
0x8: {  	[smem:$0x3F7E] =	sst s0  }
0x9: {  	[smem:$0x3F7F] =	sst s1  }
0xa: {  	[smem:$0x3F80] =	sst s2  }
0xb: {  	[smem:$0x3F81] =	sst s3  }
0xc: {  	[smem:$0x3F82] =	sst s4  }
0xd: {  	[smem:$0x3F83] =	sst s5  }
0xe: {  	[smem:$0x3F84] =	sst s6  }
0xf: {  	[smem:$0x3F85] =	sst s7  }
0x10: {  	[smem:$0x3F86] =	sst s8  }
0x11: {  	[smem:$0x3F87] =	sst s9;
	s0 =	simm.s32 @!p0 $0x0  }
0x12: {  	s1 =	sld [smem:$0x3F6D];
	s0 =	simm.s32 @p0 $0x1  }
0x13: {  	[smem:$0x3F88] =	sst s0;
	s0 =	simm.s32 @!p1 $0x0  }
0x14: {  	s2 =	sld [smem:$0x3F6C];
	s0 =	simm.s32 @p1 $0x1  }
0x15: {  	[smem:$0x3F89] =	sst s0;
	s0 =	simm.s32 @!p2 $0x0  }
0x16: {  	s3 =	sld [smem:$0x3FDB];
	s0 =	simm.s32 @p2 $0x1  }
0x17: {  	s4 =	simm.s32 $0x1BF5;
	[smem:$0x3F8B] =	sst s0  }
0x18: {  	s0 =	sld [smem:$0x3F6E];
	_ =	swait.ge [sflag:s4], $0x0  }
0x19: {  	s7 =	sld [smem:$0x3F6F]  }
0x1a: {  	s8 =	sadd.s32 $0xFFFFE003, lr  }
0x1b: {  	s9 =	sadd.s32 $0xFFFFFEF7, lr;
	s5 =	simm.s32 $0xFFFFFFFF;
	p2 =	slt.u32 s8, $0xFFFFF086  }
0x1c: {  	p1 =	slt.u32 s9, $0xF7A;
	s5 =	simm.s32 @!p2 $0x0  }
0x1d: {  	s5 =	simm.s32 @p1 $0x1;
	p0 =	seq.s32 s7, s2  }
0x1e: {  	s7 =	smul.u32 @!p0 $0xF7A, s2;
	p2 =	seq.s32 @!p0 s5, $0x0  }
0x1f: {  	s9 =	smul.u32 $0xF7A, s1;
	s8 =	simm.s32 @!p0 $0x1BF5;
	p2 =	por !p2, p0  }
0x20: {  	[sflag:s8] =	ssyncset.s32 @!p0 $0xFFFFF086;
	s6 =	sadd.s32 @!p0 s3, s7;
	s7 =	simm.s32 @!p0 $0x108  }
0x21: {  	s3 =	sadd.s32 s3, s9;
	s6 =	sadd.s32 @!p0 $0x88, s6;
	s7 =	simm.s32 @p2 $0x1082  }
0x22: {  	[simem:s7], [sflag:s8] =	dma.local @!p0 [hbm:s6], $0xF7A  }
0x23: {  	s9 =	sor.u32 $0xD0000000, s2;
	s6 =	simm.s32 $0x108;
	_ =	swait.ge @!p0 [sflag:s8], $0x0  }
0x24: {  	s3 =	sadd.s32 $0x88, s3;
	s6 =	simm.s32 @!p1 $0x1082;
	[sflag:s4] =	ssyncset.s32 $0xFFFFF086  }
0x25: {  	[simem:s6], [sflag:s4] =	dma.local [hbm:s3], $0xF7A  }
0x26: {  	[smem:$0x3F6F] =	sst s1;
	(tag) =	ssettag s2;
	_ =	strace s9  }
0x27: {  	s1 =	sld [smem:$0x3F7F]  }
0x28: {  	s2 =	sld [smem:$0x3F80]  }
0x29: {  	s4 =	sld [smem:$0x3F82]  }
0x2a: {  	p0 =	seq.s32 s5, $0x0;
	s5 =	sld [smem:$0x3F83]  }
0x2b: {  	s6 =	sld [smem:$0x3F84]  }
0x2c: {  	s7 =	sld [smem:$0x3F85]  }
0x2d: {  	s3 =	simm.s32 $0x108;
	s8 =	sld [smem:$0x3F86]  }
0x2e: {  	s3 =	simm.s32 @!p0 $0x1082;
	s9 =	sld [smem:$0x3F87]  }
0x2f: {  	lr =	sadd.s32 s0, s3;
	s0 =	sld [smem:$0x3F7E]  }
0x30: {  	s3 =	sld [smem:$0x3F81]  }
0x31: {  	[smem:$0x3F8A] =	sst s10  }
0x32: {  	s10 =	sld [smem:$0x3F88];
	_ =	sdelay $0x3  }
0x33: {  	p0 =	seq.s32 s10, $0x1;
	s10 =	sld [smem:$0x3F8A];
	_ =	sdelay $0x3  }
0x34: {  	[smem:$0x3F8A] =	sst s10  }
0x35: {  	s10 =	sld [smem:$0x3F89];
	_ =	sdelay $0x3  }
0x36: {  	p1 =	seq.s32 s10, $0x1;
	s10 =	sld [smem:$0x3F8A];
	_ =	sdelay $0x3  }
0x37: {  	[smem:$0x3F8A] =	sst s10  }
0x38: {  	s10 =	sld [smem:$0x3F8B]  }
0x39: {  	_ = 	snop;
	(pc) =	sbr.ind lr, $3  }
0x3a: {  	_ = 	snop  }
0x3b: {  	_ = 	snop  }
0x3c: {  	p2 =	seq.s32 s10, $0x1;
	s10 =	sld [smem:$0x3F8A]  }
0x3d: {  	_ =	shalt  }
0x3e: {  	_ =	shalt  }
0x3f: {  	_ =	shalt  }
0x40: {  	_ =	shalt  }
0x41: {  	_ =	shalt  }
0x42: {  	_ =	shalt  }
0x43: {  	_ =	shalt  }
0x44: {  	_ =	shalt  }
0x45: {  	_ =	shalt  }
0x46: {  	_ =	shalt  }
0x47: {  	_ =	shalt  }
0x48: {  	_ =	shalt  }
0x49: {  	_ =	shalt  }
0x4a: {  	_ =	shalt  }
0x4b: {  	_ =	shalt  }
0x4c: {  	_ =	shalt  }
0x4d: {  	_ =	shalt  }
0x4e: {  	_ =	shalt  }
0x4f: {  	_ =	shalt  }
0x50: {  	_ =	shalt  }
0x51: {  	_ =	shalt  }
0x52: {  	_ =	shalt  }
0x53: {  	_ =	shalt  }
0x54: {  	_ =	shalt  }
0x55: {  	_ =	shalt  }
0x56: {  	_ =	shalt  }
0x57: {  	_ =	shalt  }
0x58: {  	_ =	shalt  }
0x59: {  	_ =	shalt  }
0x5a: {  	_ =	shalt  }
0x5b: {  	_ =	shalt  }
0x5c: {  	_ =	shalt  }
0x5d: {  	_ =	shalt  }
0x5e: {  	_ =	shalt  }
0x5f: {  	_ =	shalt  }
0x60: {  	_ =	shalt  }
0x61: {  	_ =	shalt  }
0x62: {  	_ =	shalt  }
0x63: {  	_ =	shalt  }
0x64: {  	_ =	shalt  }
0x65: {  	_ =	shalt  }
0x66: {  	_ =	shalt  }
0x67: {  	_ =	shalt  }
0x68: {  	_ =	shalt  }
0x69: {  	_ =	shalt  }
0x6a: {  	_ =	shalt  }
0x6b: {  	_ =	shalt  }
0x6c: {  	_ =	shalt  }
0x6d: {  	_ =	shalt  }
0x6e: {  	_ =	shalt  }
0x6f: {  	_ =	shalt  }
0x70: {  	_ =	shalt  }
0x71: {  	_ =	shalt  }
0x72: {  	_ =	shalt  }
0x73: {  	_ =	shalt  }
0x74: {  	_ =	shalt  }
0x75: {  	_ =	shalt  }
0x76: {  	_ =	shalt  }
0x77: {  	_ =	shalt  }
0x78: {  	_ =	shalt  }
0x79: {  	_ =	shalt  }
0x7a: {  	_ =	shalt  }
0x7b: {  	_ =	shalt  }
0x7c: {  	_ =	shalt  }
0x7d: {  	_ =	shalt  }
0x7e: {  	_ =	shalt  }
0x7f: {  	_ =	shalt  }
0x80: {  	_ =	shalt  }
0x81: {  	_ =	shalt  }
0x82: {  	_ =	shalt  }
0x83: {  	_ =	shalt  }
0x84: {  	_ =	shalt  }
0x85: {  	_ =	shalt  }
0x86: {  	_ =	shalt  }
0x87: {  	_ =	shalt  }
.Lfunc_end0:
.L_simem_size_0:
called_computation.4_lowered:
.L_overlay_start_0:
0x88: {  	s2 =	sld [smem:$0x3FD9]  }
0x89: {  	s3 =	sld [smem:$0x3FFE];
	_ =	sdelay $0x1  }
0x8a: {  	s1 =	srdreg.scid  }
0x8b: {  	s0 =	sand.u32 $0x1, s1  }
0x8c: {  	s14 =	sshll.u32 s0, $0xA;
	s2 =	sadd.s32 s3, s2  }
0x8d: {  	s2 =	sadd.s32 s2, s14  }
0x8e: {  	[smem:$0x3F96] =	sst s2  }
0x8f: {  	_ = 	snop  }
0x90: {  	s2 =	sld [smem:$0x3FD0];
	_ =	sdelay $0x2  }
0x91: {  	s15 =	simm.s32 $0xC;
	s4 =	simm.s32 $0x10  }
0x92: {  	[smem:s4], [sflag:s15] =	dma.local [hbm:s2], $0x1  }
0x93: {  	_ =	swait.eq [sflag:s15], $0x1  }
0x94: {  	[sflag:s15] =	ssyncset.done $0x0  }
0x95: {  	[sflag:s15] =	ssyncadd.s32 $0xFFFFFFFF  }
0x96: {  	s16 =	sld [smem:$0x10];
	(tm) =	ssettm $0x1  }
0x97: {  	s17 =	sld [smem:$0x3FFB];
	_ =	sdelay $0x3  }
0x98: {  	_ =	strace s17  }
0x99: {  	s3 =	sld [smem:$0x3FFC];
	_ =	sdelay $0x3  }
0x9a: {  	_ =	strace s3  }
0x9b: {  	s3 =	sld [smem:$0x3FFD];
	_ =	sdelay $0x3  }
0x9c: {  	_ =	strace s3  }
0x9d: {  	_ =	strace $0x8FFFFFFF  }
0x9e: {  	s18 =	sld [smem:$0x3FDB];
	_ =	sdelay $0x1  }
0x9f: {  	s19 =	simm.s32 $_scs_section_size  }
0xa0: {  	s5 =	simm.s32 $_size__tile_overlayer_lowered;
	s6 =	simm.s32 $_tile_overlayer_lowered  }
0xa1: {  	s22 =	simm.s32 $0x1BFF;
	s21 =	sshll.u32 s6, $0x1;
	s3 =	sadd.s32 s19, s18  }
0xa2: {  	s7 =	simm.s32 $0x0;
	s20 =	sshll.u32 s5, $0x1;
	s5 =	sadd.s32 s21, s3  }
0xa3: {  	[timem:s7], [sflag:s22] =	dma.local [hbm:s5], s20  }
0xa4: {  	_ =	swait.ge [sflag:s22], s20  }
0xa5: {  	s4 =	ssub.s32 $0x0, s20;
	[sflag:s22] =	ssyncset.done $0x0  }
0xa6: {  	[sflag:s22] =	ssyncadd.s32 s4;
	_ =	sdelay $0x1  }
0xa7: {  	s23 =	simm.s32 $0x1B8B  }
0xa8: {  	_ =	swait.ge [sflag:s23], $0x1  }
0xa9: {  	[sflag:s23] =	ssyncset.done $0x0  }
0xaa: {  	s25 =	simm.s32 $0x1B8E;
	s24 =	sld [smem:$0x3FFE];
	[sflag:s23] =	ssyncadd.s32 $0xFFFFFFFF  }
0xab: {  	s26 =	simm.s32 $execute0_lowered;
	[smem:$0x3FD2] =	sst s25  }
0xac: {  	s5 =	sshll.u32 s26, $0x1;
	_ =	strace $0x80000052;
	[dreg:$0x1] =	wrdreg $0xFFFFFFFF  }
0xad: {  	s28 =	simm.s32 $_size_execute0_lowered;
	s3 =	sadd.s32 s3, s5;
	[dreg:$0x0] =	wrdreg $0x0  }
0xae: {  	s5 =	sshll.u32 s28, $0x1;
	[dreg:$0x2] =	wrdreg s3  }
0xaf: {  	[dreg:$0x3] =	wrdreg s5  }
0xb0: {  	[dreg:$0x4] =	wrdreg $0xC0  }
0xb1: {  	_ =	task [dreg:s7], $0x5FFFF  }
0xb2: {  	[dreg:$0x1] =	wrdreg $0xFFFFFFFF  }
0xb3: {  	[dreg:$0x0] =	wrdreg $0x60  }
0xb4: {  	[dreg:$0x2] =	wrdreg s16  }
0xb5: {  	[dreg:$0x3] =	wrdreg s24  }
0xb6: {  	[dreg:$0x4] =	wrdreg $0x9  }
0xb7: {  	_ =	task.clear_ibuf [dreg:s7], $0x5FFFF;
	_ =	strace $0x90000052  }
0xb8: {  	s29 =	simm.s32 $0x9;
	_ =	strace $0x80000054  }
0xb9: {  	_ =	swait.ge [sflag:s29], $0x1  }
0xba: {  	[sflag:s29] =	ssyncadd.s32 $0xFFFFFFFF  }
0xbb: {  	_ =	strace $0x90000054  }
0xbc: {  	_ =	sfence  }
0xbd: {  	s30 =	sld [smem:$0x0];
	_ =	sdelay $0x2  }
0xbe: {  	s31 =	sshll.u32 s1, $0xD;
	s1 =	sshrl.u32 s1, $0x2  }
0xbf: {  	s3 =	sand.u32 $0x4000, s31;
	s1 =	sadd.s32 s1, s30  }
0xc0: {  	s0 =	sor.u32 s3, s0;
	s1 =	sshll.u32 s1, $0x11  }
0xc1: {  	s0 =	sor.u32 s1, s0  }
0xc2: {  	s0 =	sadd.s32 $0x8F2B, s0  }
0xc3: {  	[sflag:s0] =	ssyncadd.remote.s32 $0x1  }
0xc4: {  	_ =	sfence.sel $0xFFFF  }
0xc5: {  	[dreg:$0x0] =	wrdreg $0xFFFFFFFF;
	(pc) =	sbr.abs _section_cstart, $3  }
0xc6: {  	[dreg:$0x1] =	wrdreg $0xFFFFFFFF  }
0xc7: {  	_ =	task.clear_ibuf [dreg:s7], $0x2FFFF;
	_ =	strace $0x9FFFFFFF  }
0xc8: {  	(tm) =	ssettm $0x7FFFFFFF  }
0xc9: {  	_ =	shalt  }
tec
execute0_lowered:
.L_overlay_start_1:
0x0: {  	(tag) =	ssettag $0x1  }
0x1: {  	s1 =	srdreg.scid;
	s0 =	stileid.u32  }
0x2: {  	s26 =	sand.u32 $0x1, s1;
	s29 =	sshll.u32 s0, $0x1  }
0x3: {  	s2 =	rddreg [dreg:$0x0];
	s8 =	sor.u32 s26, s29  }
0x4: {  	s9 =	rddreg [dreg:$0x1];
	s28 =	smul.u32 $0x1400, s8  }
0x5: {  	s3 =	simm.s32 $0x0;
	s1 =	rddreg [dreg:$0x2]  }
0x6: {  	[smem:$0x7FF] =	sst s3;
	s25 =	sadd.s32 $0x42400, s9;
	s4 =	sshrl.u32 s28, $0x3  }
0x7: {  	_ =	strace $0x80000053;
	s5 =	sadd.s32 s25, s4;
	s4 =	simm.s32 $0x2  }
0x8: {  	[tilespmem:s3], [sflag:$0x2] =	stream.linear.gather [hbm4b:s5+s3], $0x200, $0x38;
	[tilespmem:$0x10200] =	vst v63  }
0x9: {  	_ =	swait.ge [sflag:s4], $0x200  }
0xa: {  	[sflag:s4] =	ssyncset.done $0x0  }
0xb: {  	s6 =	simm.s32 $0x200;
	s7 =	simm.s32 $0x1;
	[sflag:s4] =	ssyncadd.s32 $0xFFFFFE00  }
0xc: {  	[tilespmem:s6], [sflag:$0x1] =	stream.indirect.gather [hbm4b:s2+s6], $0x80, s3, s6, $0xb8;
	[tilespmem:$0x10200] =	vst v63  }
0xd: {  	s8 =	smul.u32 $0x14000, s8;
	_ =	swait.ge [sflag:s7], $0x10000  }
0xe: {  	s29 =	sadd.s32 $0x2C7400, s9;
	[sflag:s7] =	ssyncset.done $0x0  }
0xf: {  	s8 =	sadd.s32 s29, s8;
	[sflag:s7] =	ssyncadd.s32 $0xFFFF0000  }
0x10: {  	[hbm4b:s8+s3] =	stream.linear.scatter [tilespmem:s6], [sflag:$0x2], $0x10000, $0x38;
	[tilespmem:$0x10200] =	vst v63  }
0x11: {  	s10 =	sor.u32 $0x200, s28;
	_ =	swait.ge [sflag:s4], $0x10000  }
0x12: {  	s30 =	sshrl.u32 s10, $0x3;
	[sflag:s4] =	ssyncset.done $0x0  }
0x13: {  	s9 =	sadd.s32 s25, s30;
	[sflag:s4] =	ssyncadd.s32 $0xFFFF0000  }
0x14: {  	[tilespmem:s3], [sflag:$0x2] =	stream.linear.gather [hbm4b:s9+s3], $0x200, $0x38;
	[tilespmem:$0x10200] =	vst v63  }
0x15: {  	_ =	swait.ge [sflag:s4], $0x200  }
0x16: {  	[sflag:s4] =	ssyncset.done $0x0  }
0x17: {  	[sflag:s4] =	ssyncadd.s32 $0xFFFFFE00  }
0x18: {  	[tilespmem:s6], [sflag:$0x1] =	stream.indirect.gather [hbm4b:s2+s6], $0x80, s3, s6, $0xb8;
	[tilespmem:$0x10200] =	vst v63  }
0x19: {  	_ =	swait.ge [sflag:s7], $0x10000  }
0x1a: {  	s10 =	sshll.u32 s10, $0x4;
	[sflag:s7] =	ssyncset.done $0x0  }
0x1b: {  	s10 =	sadd.s32 s29, s10;
	[sflag:s7] =	ssyncadd.s32 $0xFFFF0000  }
0x1c: {  	[hbm4b:s10+s3] =	stream.linear.scatter [tilespmem:s6], [sflag:$0x2], $0x10000, $0x38;
	[tilespmem:$0x10200] =	vst v63  }
0x1d: {  	s12 =	sadd.s32 $0x400, s28;
	_ =	swait.ge [sflag:s4], $0x10000  }
0x1e: {  	s11 =	sshrl.u32 s12, $0x3;
	[sflag:s4] =	ssyncset.done $0x0  }
0x1f: {  	s11 =	sadd.s32 s25, s11;
	[sflag:s4] =	ssyncadd.s32 $0xFFFF0000  }
0x20: {  	[tilespmem:s3], [sflag:$0x2] =	stream.linear.gather [hbm4b:s11+s3], $0x200, $0x38;
	[tilespmem:$0x10200] =	vst v63  }
0x21: {  	_ =	swait.ge [sflag:s4], $0x200  }
0x22: {  	[sflag:s4] =	ssyncset.done $0x0  }
0x23: {  	[sflag:s4] =	ssyncadd.s32 $0xFFFFFE00  }
0x24: {  	[tilespmem:s6], [sflag:$0x1] =	stream.indirect.gather [hbm4b:s2+s6], $0x80, s3, s6, $0xb8;
	[tilespmem:$0x10200] =	vst v63  }
0x25: {  	_ =	swait.ge [sflag:s7], $0x10000  }
0x26: {  	s12 =	sshll.u32 s12, $0x4;
	[sflag:s7] =	ssyncset.done $0x0  }
0x27: {  	s12 =	sadd.s32 s29, s12;
	[sflag:s7] =	ssyncadd.s32 $0xFFFF0000  }
0x28: {  	[hbm4b:s12+s3] =	stream.linear.scatter [tilespmem:s6], [sflag:$0x2], $0x10000, $0x38;
	[tilespmem:$0x10200] =	vst v63  }
0x29: {  	s14 =	sadd.s32 $0x600, s28;
	_ =	swait.ge [sflag:s4], $0x10000  }
0x2a: {  	s13 =	sshrl.u32 s14, $0x3;
	[sflag:s4] =	ssyncset.done $0x0  }
0x2b: {  	s13 =	sadd.s32 s25, s13;
	[sflag:s4] =	ssyncadd.s32 $0xFFFF0000  }
0x2c: {  	[tilespmem:s3], [sflag:$0x2] =	stream.linear.gather [hbm4b:s13+s3], $0x200, $0x38;
	[tilespmem:$0x10200] =	vst v63  }
0x2d: {  	_ =	swait.ge [sflag:s4], $0x200  }
0x2e: {  	[sflag:s4] =	ssyncset.done $0x0  }
0x2f: {  	[sflag:s4] =	ssyncadd.s32 $0xFFFFFE00  }
0x30: {  	[tilespmem:s6], [sflag:$0x1] =	stream.indirect.gather [hbm4b:s2+s6], $0x80, s3, s6, $0xb8;
	[tilespmem:$0x10200] =	vst v63  }
0x31: {  	_ =	swait.ge [sflag:s7], $0x10000  }
0x32: {  	s14 =	sshll.u32 s14, $0x4;
	[sflag:s7] =	ssyncset.done $0x0  }
0x33: {  	s14 =	sadd.s32 s29, s14;
	[sflag:s7] =	ssyncadd.s32 $0xFFFF0000  }
0x34: {  	[hbm4b:s14+s3] =	stream.linear.scatter [tilespmem:s6], [sflag:$0x2], $0x10000, $0x38;
	[tilespmem:$0x10200] =	vst v63  }
0x35: {  	s16 =	sadd.s32 $0x800, s28;
	_ =	swait.ge [sflag:s4], $0x10000  }
0x36: {  	s15 =	sshrl.u32 s16, $0x3;
	[sflag:s4] =	ssyncset.done $0x0  }
0x37: {  	s15 =	sadd.s32 s25, s15;
	[sflag:s4] =	ssyncadd.s32 $0xFFFF0000  }
0x38: {  	[tilespmem:s3], [sflag:$0x2] =	stream.linear.gather [hbm4b:s15+s3], $0x200, $0x38;
	[tilespmem:$0x10200] =	vst v63  }
0x39: {  	_ =	swait.ge [sflag:s4], $0x200  }
0x3a: {  	[sflag:s4] =	ssyncset.done $0x0  }
0x3b: {  	[sflag:s4] =	ssyncadd.s32 $0xFFFFFE00  }
0x3c: {  	[tilespmem:s6], [sflag:$0x1] =	stream.indirect.gather [hbm4b:s2+s6], $0x80, s3, s6, $0xb8;
	[tilespmem:$0x10200] =	vst v63  }
0x3d: {  	_ =	swait.ge [sflag:s7], $0x10000  }
0x3e: {  	s16 =	sshll.u32 s16, $0x4;
	[sflag:s7] =	ssyncset.done $0x0  }
0x3f: {  	s16 =	sadd.s32 s29, s16;
	[sflag:s7] =	ssyncadd.s32 $0xFFFF0000  }
0x40: {  	[hbm4b:s16+s3] =	stream.linear.scatter [tilespmem:s6], [sflag:$0x2], $0x10000, $0x38;
	[tilespmem:$0x10200] =	vst v63  }
0x41: {  	s18 =	sadd.s32 $0xA00, s28;
	_ =	swait.ge [sflag:s4], $0x10000  }
0x42: {  	s17 =	sshrl.u32 s18, $0x3;
	[sflag:s4] =	ssyncset.done $0x0  }
0x43: {  	s17 =	sadd.s32 s25, s17;
	[sflag:s4] =	ssyncadd.s32 $0xFFFF0000  }
0x44: {  	[tilespmem:s3], [sflag:$0x2] =	stream.linear.gather [hbm4b:s17+s3], $0x200, $0x38;
	[tilespmem:$0x10200] =	vst v63  }
0x45: {  	_ =	swait.ge [sflag:s4], $0x200  }
0x46: {  	[sflag:s4] =	ssyncset.done $0x0  }
0x47: {  	[sflag:s4] =	ssyncadd.s32 $0xFFFFFE00  }
0x48: {  	[tilespmem:s6], [sflag:$0x1] =	stream.indirect.gather [hbm4b:s2+s6], $0x80, s3, s6, $0xb8;
	[tilespmem:$0x10200] =	vst v63  }
0x49: {  	_ =	swait.ge [sflag:s7], $0x10000  }
0x4a: {  	s18 =	sshll.u32 s18, $0x4;
	[sflag:s7] =	ssyncset.done $0x0  }
0x4b: {  	s18 =	sadd.s32 s29, s18;
	[sflag:s7] =	ssyncadd.s32 $0xFFFF0000  }
0x4c: {  	[hbm4b:s18+s3] =	stream.linear.scatter [tilespmem:s6], [sflag:$0x2], $0x10000, $0x38;
	[tilespmem:$0x10200] =	vst v63  }
0x4d: {  	s20 =	sadd.s32 $0xC00, s28;
	_ =	swait.ge [sflag:s4], $0x10000  }
0x4e: {  	s19 =	sshrl.u32 s20, $0x3;
	[sflag:s4] =	ssyncset.done $0x0  }
0x4f: {  	s19 =	sadd.s32 s25, s19;
	[sflag:s4] =	ssyncadd.s32 $0xFFFF0000  }
0x50: {  	[tilespmem:s3], [sflag:$0x2] =	stream.linear.gather [hbm4b:s19+s3], $0x200, $0x38;
	[tilespmem:$0x10200] =	vst v63  }
0x51: {  	_ =	swait.ge [sflag:s4], $0x200  }
0x52: {  	[sflag:s4] =	ssyncset.done $0x0  }
0x53: {  	[sflag:s4] =	ssyncadd.s32 $0xFFFFFE00  }
0x54: {  	[tilespmem:s6], [sflag:$0x1] =	stream.indirect.gather [hbm4b:s2+s6], $0x80, s3, s6, $0xb8;
	[tilespmem:$0x10200] =	vst v63  }
0x55: {  	_ =	swait.ge [sflag:s7], $0x10000  }
0x56: {  	s20 =	sshll.u32 s20, $0x4;
	[sflag:s7] =	ssyncset.done $0x0  }
0x57: {  	s20 =	sadd.s32 s29, s20;
	[sflag:s7] =	ssyncadd.s32 $0xFFFF0000  }
0x58: {  	[hbm4b:s20+s3] =	stream.linear.scatter [tilespmem:s6], [sflag:$0x2], $0x10000, $0x38;
	[tilespmem:$0x10200] =	vst v63  }
0x59: {  	s22 =	sadd.s32 $0xE00, s28;
	_ =	swait.ge [sflag:s4], $0x10000  }
0x5a: {  	s21 =	sshrl.u32 s22, $0x3;
	[sflag:s4] =	ssyncset.done $0x0  }
0x5b: {  	s21 =	sadd.s32 s25, s21;
	[sflag:s4] =	ssyncadd.s32 $0xFFFF0000  }
0x5c: {  	[tilespmem:s3], [sflag:$0x2] =	stream.linear.gather [hbm4b:s21+s3], $0x200, $0x38;
	[tilespmem:$0x10200] =	vst v63  }
0x5d: {  	_ =	swait.ge [sflag:s4], $0x200  }
0x5e: {  	[sflag:s4] =	ssyncset.done $0x0  }
0x5f: {  	[sflag:s4] =	ssyncadd.s32 $0xFFFFFE00  }
0x60: {  	[tilespmem:s6], [sflag:$0x1] =	stream.indirect.gather [hbm4b:s2+s6], $0x80, s3, s6, $0xb8;
	[tilespmem:$0x10200] =	vst v63  }
0x61: {  	_ =	swait.ge [sflag:s7], $0x10000  }
0x62: {  	s22 =	sshll.u32 s22, $0x4;
	[sflag:s7] =	ssyncset.done $0x0  }
0x63: {  	s22 =	sadd.s32 s29, s22;
	[sflag:s7] =	ssyncadd.s32 $0xFFFF0000  }
0x64: {  	[hbm4b:s22+s3] =	stream.linear.scatter [tilespmem:s6], [sflag:$0x2], $0x10000, $0x38;
	[tilespmem:$0x10200] =	vst v63  }
0x65: {  	s24 =	sadd.s32 $0x1000, s28;
	_ =	swait.ge [sflag:s4], $0x10000  }
0x66: {  	s23 =	sshrl.u32 s24, $0x3;
	[sflag:s4] =	ssyncset.done $0x0  }
0x67: {  	s23 =	sadd.s32 s25, s23;
	[sflag:s4] =	ssyncadd.s32 $0xFFFF0000  }
0x68: {  	[tilespmem:s3], [sflag:$0x2] =	stream.linear.gather [hbm4b:s23+s3], $0x200, $0x38;
	[tilespmem:$0x10200] =	vst v63  }
0x69: {  	_ =	swait.ge [sflag:s4], $0x200  }
0x6a: {  	[sflag:s4] =	ssyncset.done $0x0  }
0x6b: {  	[sflag:s4] =	ssyncadd.s32 $0xFFFFFE00  }
0x6c: {  	[tilespmem:s6], [sflag:$0x1] =	stream.indirect.gather [hbm4b:s2+s6], $0x80, s3, s6, $0xb8;
	[tilespmem:$0x10200] =	vst v63  }
0x6d: {  	_ =	swait.ge [sflag:s7], $0x10000  }
0x6e: {  	s24 =	sshll.u32 s24, $0x4;
	[sflag:s7] =	ssyncset.done $0x0  }
0x6f: {  	s24 =	sadd.s32 s29, s24;
	[sflag:s7] =	ssyncadd.s32 $0xFFFF0000  }
0x70: {  	[hbm4b:s24+s3] =	stream.linear.scatter [tilespmem:s6], [sflag:$0x2], $0x10000, $0x38;
	[tilespmem:$0x10200] =	vst v63  }
0x71: {  	s28 =	sadd.s32 $0x1200, s28;
	_ =	swait.ge [sflag:s4], $0x10000  }
0x72: {  	s30 =	sshrl.u32 s28, $0x3;
	[sflag:s4] =	ssyncset.done $0x0  }
0x73: {  	s26 =	ssub.s32 $0x2, s26;
	s25 =	sadd.s32 s25, s30;
	[sflag:s4] =	ssyncadd.s32 $0xFFFF0000  }
0x74: {  	[tilespmem:s3], [sflag:$0x2] =	stream.linear.gather [hbm4b:s25+s3], $0x200, $0x38;
	[tilespmem:$0x10200] =	vst v63  }
0x75: {  	s31 =	sshrl.u32 s26, $0x1;
	_ =	swait.ge [sflag:s4], $0x200  }
0x76: {  	s30 =	ssub.s32 s26, s31;
	[sflag:s4] =	ssyncset.done $0x0  }
0x77: {  	s31 =	sshll.u32 s28, $0x4;
	s28 =	smax.u32 s30, $0x1;
	[sflag:s4] =	ssyncadd.s32 $0xFFFFFE00  }
0x78: {  	[tilespmem:s6], [sflag:$0x1] =	stream.indirect.gather [hbm4b:s2+s6], $0x80, s3, s6, $0xb8;
	[tilespmem:$0x10200] =	vst v63  }
0x79: {  	p0 =	sne.s32 s28, $0x1;
	_ =	swait.ge [sflag:s7], $0x10000  }
.Ltmp0:
0x7a: {  	[sflag:s7] =	ssyncset.done $0x0;
	(pc) =	sbr.rel @!p0 .LBB2_2-.Ltmp0, $4  }
0x7b: {  	s26 =	sadd.s32 s29, s31;
	[sflag:s7] =	ssyncadd.s32 $0xFFFF0000  }
0x7c: {  	[hbm4b:s26+s3] =	stream.linear.scatter [tilespmem:s6], [sflag:$0x2], $0x10000, $0x38;
	[tilespmem:$0x10200] =	vst v63  }
0x7d: {  	_ =	swait.ge [sflag:s4], $0x10000  }
0x7e: {  	s28 =	sadd.s32 $0xFFFFFFFF, s28;
	[sflag:s4] =	ssyncset.done $0x0  }
.LBB2_1:
0x7f: {  	p0 =	sne.s32 s28, $0x1;
	s28 =	sadd.s32 $0xFFFFFFFF, s28;
	[sflag:s4] =	ssyncadd.s32 $0xFFFF0000  }
0x80: {  	[tilespmem:s3], [sflag:$0x2] =	stream.linear.gather [hbm4b:s5+s3], $0x200, $0x38;
	[tilespmem:$0x10200] =	vst v63  }
0x81: {  	_ =	swait.ge [sflag:s4], $0x200  }
0x82: {  	[sflag:s4] =	ssyncset.done $0x0  }
0x83: {  	[sflag:s4] =	ssyncadd.s32 $0xFFFFFE00  }
0x84: {  	[tilespmem:s6], [sflag:$0x1] =	stream.indirect.gather [hbm4b:s2+s6], $0x80, s3, s6, $0xb8;
	[tilespmem:$0x10200] =	vst v63  }
0x85: {  	_ =	swait.ge [sflag:s7], $0x10000  }
0x86: {  	[sflag:s7] =	ssyncset.done $0x0  }
0x87: {  	[sflag:s7] =	ssyncadd.s32 $0xFFFF0000  }
0x88: {  	[hbm4b:s8+s3] =	stream.linear.scatter [tilespmem:s6], [sflag:$0x2], $0x10000, $0x38;
	[tilespmem:$0x10200] =	vst v63  }
0x89: {  	_ =	swait.ge [sflag:s4], $0x10000  }
0x8a: {  	[sflag:s4] =	ssyncset.done $0x0  }
0x8b: {  	[sflag:s4] =	ssyncadd.s32 $0xFFFF0000  }
0x8c: {  	[tilespmem:s3], [sflag:$0x2] =	stream.linear.gather [hbm4b:s9+s3], $0x200, $0x38;
	[tilespmem:$0x10200] =	vst v63  }
0x8d: {  	_ =	swait.ge [sflag:s4], $0x200  }
0x8e: {  	[sflag:s4] =	ssyncset.done $0x0  }
0x8f: {  	[sflag:s4] =	ssyncadd.s32 $0xFFFFFE00  }
0x90: {  	[tilespmem:s6], [sflag:$0x1] =	stream.indirect.gather [hbm4b:s2+s6], $0x80, s3, s6, $0xb8;
	[tilespmem:$0x10200] =	vst v63  }
0x91: {  	_ =	swait.ge [sflag:s7], $0x10000  }
0x92: {  	[sflag:s7] =	ssyncset.done $0x0  }
0x93: {  	[sflag:s7] =	ssyncadd.s32 $0xFFFF0000  }
0x94: {  	[hbm4b:s10+s3] =	stream.linear.scatter [tilespmem:s6], [sflag:$0x2], $0x10000, $0x38;
	[tilespmem:$0x10200] =	vst v63  }
0x95: {  	_ =	swait.ge [sflag:s4], $0x10000  }
0x96: {  	[sflag:s4] =	ssyncset.done $0x0  }
0x97: {  	[sflag:s4] =	ssyncadd.s32 $0xFFFF0000  }
0x98: {  	[tilespmem:s3], [sflag:$0x2] =	stream.linear.gather [hbm4b:s11+s3], $0x200, $0x38;
	[tilespmem:$0x10200] =	vst v63  }
0x99: {  	_ =	swait.ge [sflag:s4], $0x200  }
0x9a: {  	[sflag:s4] =	ssyncset.done $0x0  }
0x9b: {  	[sflag:s4] =	ssyncadd.s32 $0xFFFFFE00  }
0x9c: {  	[tilespmem:s6], [sflag:$0x1] =	stream.indirect.gather [hbm4b:s2+s6], $0x80, s3, s6, $0xb8;
	[tilespmem:$0x10200] =	vst v63  }
0x9d: {  	_ =	swait.ge [sflag:s7], $0x10000  }
0x9e: {  	[sflag:s7] =	ssyncset.done $0x0  }
0x9f: {  	[sflag:s7] =	ssyncadd.s32 $0xFFFF0000  }
0xa0: {  	[hbm4b:s12+s3] =	stream.linear.scatter [tilespmem:s6], [sflag:$0x2], $0x10000, $0x38;
	[tilespmem:$0x10200] =	vst v63  }
0xa1: {  	_ =	swait.ge [sflag:s4], $0x10000  }
0xa2: {  	[sflag:s4] =	ssyncset.done $0x0  }
0xa3: {  	[sflag:s4] =	ssyncadd.s32 $0xFFFF0000  }
0xa4: {  	[tilespmem:s3], [sflag:$0x2] =	stream.linear.gather [hbm4b:s13+s3], $0x200, $0x38;
	[tilespmem:$0x10200] =	vst v63  }
0xa5: {  	_ =	swait.ge [sflag:s4], $0x200  }
0xa6: {  	[sflag:s4] =	ssyncset.done $0x0  }
0xa7: {  	[sflag:s4] =	ssyncadd.s32 $0xFFFFFE00  }
0xa8: {  	[tilespmem:s6], [sflag:$0x1] =	stream.indirect.gather [hbm4b:s2+s6], $0x80, s3, s6, $0xb8;
	[tilespmem:$0x10200] =	vst v63  }
0xa9: {  	_ =	swait.ge [sflag:s7], $0x10000  }
0xaa: {  	[sflag:s7] =	ssyncset.done $0x0  }
0xab: {  	[sflag:s7] =	ssyncadd.s32 $0xFFFF0000  }
0xac: {  	[hbm4b:s14+s3] =	stream.linear.scatter [tilespmem:s6], [sflag:$0x2], $0x10000, $0x38;
	[tilespmem:$0x10200] =	vst v63  }
0xad: {  	_ =	swait.ge [sflag:s4], $0x10000  }
0xae: {  	[sflag:s4] =	ssyncset.done $0x0  }
0xaf: {  	[sflag:s4] =	ssyncadd.s32 $0xFFFF0000  }
0xb0: {  	[tilespmem:s3], [sflag:$0x2] =	stream.linear.gather [hbm4b:s15+s3], $0x200, $0x38;
	[tilespmem:$0x10200] =	vst v63  }
0xb1: {  	_ =	swait.ge [sflag:s4], $0x200  }
0xb2: {  	[sflag:s4] =	ssyncset.done $0x0  }
0xb3: {  	[sflag:s4] =	ssyncadd.s32 $0xFFFFFE00  }
0xb4: {  	[tilespmem:s6], [sflag:$0x1] =	stream.indirect.gather [hbm4b:s2+s6], $0x80, s3, s6, $0xb8;
	[tilespmem:$0x10200] =	vst v63  }
0xb5: {  	_ =	swait.ge [sflag:s7], $0x10000  }
0xb6: {  	[sflag:s7] =	ssyncset.done $0x0  }
0xb7: {  	[sflag:s7] =	ssyncadd.s32 $0xFFFF0000  }
0xb8: {  	[hbm4b:s16+s3] =	stream.linear.scatter [tilespmem:s6], [sflag:$0x2], $0x10000, $0x38;
	[tilespmem:$0x10200] =	vst v63  }
0xb9: {  	_ =	swait.ge [sflag:s4], $0x10000  }
0xba: {  	[sflag:s4] =	ssyncset.done $0x0  }
0xbb: {  	[sflag:s4] =	ssyncadd.s32 $0xFFFF0000  }
0xbc: {  	[tilespmem:s3], [sflag:$0x2] =	stream.linear.gather [hbm4b:s17+s3], $0x200, $0x38;
	[tilespmem:$0x10200] =	vst v63  }
0xbd: {  	_ =	swait.ge [sflag:s4], $0x200  }
0xbe: {  	[sflag:s4] =	ssyncset.done $0x0  }
0xbf: {  	[sflag:s4] =	ssyncadd.s32 $0xFFFFFE00  }
0xc0: {  	[tilespmem:s6], [sflag:$0x1] =	stream.indirect.gather [hbm4b:s2+s6], $0x80, s3, s6, $0xb8;
	[tilespmem:$0x10200] =	vst v63  }
0xc1: {  	_ =	swait.ge [sflag:s7], $0x10000  }
0xc2: {  	[sflag:s7] =	ssyncset.done $0x0  }
0xc3: {  	[sflag:s7] =	ssyncadd.s32 $0xFFFF0000  }
0xc4: {  	[hbm4b:s18+s3] =	stream.linear.scatter [tilespmem:s6], [sflag:$0x2], $0x10000, $0x38;
	[tilespmem:$0x10200] =	vst v63  }
0xc5: {  	_ =	swait.ge [sflag:s4], $0x10000  }
0xc6: {  	[sflag:s4] =	ssyncset.done $0x0  }
0xc7: {  	[sflag:s4] =	ssyncadd.s32 $0xFFFF0000  }
0xc8: {  	[tilespmem:s3], [sflag:$0x2] =	stream.linear.gather [hbm4b:s19+s3], $0x200, $0x38;
	[tilespmem:$0x10200] =	vst v63  }
0xc9: {  	_ =	swait.ge [sflag:s4], $0x200  }
0xca: {  	[sflag:s4] =	ssyncset.done $0x0  }
0xcb: {  	[sflag:s4] =	ssyncadd.s32 $0xFFFFFE00  }
0xcc: {  	[tilespmem:s6], [sflag:$0x1] =	stream.indirect.gather [hbm4b:s2+s6], $0x80, s3, s6, $0xb8;
	[tilespmem:$0x10200] =	vst v63  }
0xcd: {  	_ =	swait.ge [sflag:s7], $0x10000  }
0xce: {  	[sflag:s7] =	ssyncset.done $0x0  }
0xcf: {  	[sflag:s7] =	ssyncadd.s32 $0xFFFF0000  }
0xd0: {  	[hbm4b:s20+s3] =	stream.linear.scatter [tilespmem:s6], [sflag:$0x2], $0x10000, $0x38;
	[tilespmem:$0x10200] =	vst v63  }
0xd1: {  	_ =	swait.ge [sflag:s4], $0x10000  }
0xd2: {  	[sflag:s4] =	ssyncset.done $0x0  }
0xd3: {  	[sflag:s4] =	ssyncadd.s32 $0xFFFF0000  }
0xd4: {  	[tilespmem:s3], [sflag:$0x2] =	stream.linear.gather [hbm4b:s21+s3], $0x200, $0x38;
	[tilespmem:$0x10200] =	vst v63  }
0xd5: {  	_ =	swait.ge [sflag:s4], $0x200  }
0xd6: {  	[sflag:s4] =	ssyncset.done $0x0  }
0xd7: {  	[sflag:s4] =	ssyncadd.s32 $0xFFFFFE00  }
0xd8: {  	[tilespmem:s6], [sflag:$0x1] =	stream.indirect.gather [hbm4b:s2+s6], $0x80, s3, s6, $0xb8;
	[tilespmem:$0x10200] =	vst v63  }
0xd9: {  	_ =	swait.ge [sflag:s7], $0x10000  }
0xda: {  	[sflag:s7] =	ssyncset.done $0x0  }
0xdb: {  	[sflag:s7] =	ssyncadd.s32 $0xFFFF0000  }
0xdc: {  	[hbm4b:s22+s3] =	stream.linear.scatter [tilespmem:s6], [sflag:$0x2], $0x10000, $0x38;
	[tilespmem:$0x10200] =	vst v63  }
0xdd: {  	_ =	swait.ge [sflag:s4], $0x10000  }
0xde: {  	[sflag:s4] =	ssyncset.done $0x0  }
0xdf: {  	[sflag:s4] =	ssyncadd.s32 $0xFFFF0000  }
0xe0: {  	[tilespmem:s3], [sflag:$0x2] =	stream.linear.gather [hbm4b:s23+s3], $0x200, $0x38;
	[tilespmem:$0x10200] =	vst v63  }
0xe1: {  	_ =	swait.ge [sflag:s4], $0x200  }
0xe2: {  	[sflag:s4] =	ssyncset.done $0x0  }
0xe3: {  	[sflag:s4] =	ssyncadd.s32 $0xFFFFFE00  }
0xe4: {  	[tilespmem:s6], [sflag:$0x1] =	stream.indirect.gather [hbm4b:s2+s6], $0x80, s3, s6, $0xb8;
	[tilespmem:$0x10200] =	vst v63  }
0xe5: {  	_ =	swait.ge [sflag:s7], $0x10000  }
0xe6: {  	[sflag:s7] =	ssyncset.done $0x0  }
0xe7: {  	[sflag:s7] =	ssyncadd.s32 $0xFFFF0000  }
0xe8: {  	[hbm4b:s24+s3] =	stream.linear.scatter [tilespmem:s6], [sflag:$0x2], $0x10000, $0x38;
	[tilespmem:$0x10200] =	vst v63  }
0xe9: {  	_ =	swait.ge [sflag:s4], $0x10000  }
0xea: {  	[sflag:s4] =	ssyncset.done $0x0  }
0xeb: {  	[sflag:s4] =	ssyncadd.s32 $0xFFFF0000  }
0xec: {  	[tilespmem:s3], [sflag:$0x2] =	stream.linear.gather [hbm4b:s25+s3], $0x200, $0x38;
	[tilespmem:$0x10200] =	vst v63  }
0xed: {  	_ =	swait.ge [sflag:s4], $0x200  }
0xee: {  	[sflag:s4] =	ssyncset.done $0x0  }
0xef: {  	[sflag:s4] =	ssyncadd.s32 $0xFFFFFE00  }
0xf0: {  	[tilespmem:s6], [sflag:$0x1] =	stream.indirect.gather [hbm4b:s2+s6], $0x80, s3, s6, $0xb8;
	[tilespmem:$0x10200] =	vst v63  }
0xf1: {  	_ =	swait.ge [sflag:s7], $0x10000  }
.Ltmp1:
0xf2: {  	[sflag:s7] =	ssyncset.done $0x0;
	(pc) =	sbr.rel @p0 .LBB2_1-.Ltmp1, $4  }
0xf3: {  	[sflag:s7] =	ssyncadd.s32 $0xFFFF0000  }
0xf4: {  	[hbm4b:s26+s3] =	stream.linear.scatter [tilespmem:s6], [sflag:$0x2], $0x10000, $0x38;
	[tilespmem:$0x10200] =	vst v63  }
0xf5: {  	_ =	swait.ge [sflag:s4], $0x10000  }
0xf6: {  	[sflag:s4] =	ssyncset.done $0x0  }
.LBB2_2:
0xf7: {  	[sflag:s4] =	ssyncadd.s32 $0xFFFF0000  }
0xf8: {  	_ =	sfence.sel $0x180000  }
0xf9: {  	[bflag:$0x0] =	sbarrier.arrive $0xFFFF  }
0xfa: {  	p0 =	sne.s32 s0, $0x0;
	_ =	strace $0x90000053  }
0xfb: {  	s0 =	sadd.s32 @!p0 $0x100000, s1;
	[bflag:$0x2] =	sbarrier.arrive $0xFFFF  }
0xfc: {  	[sflag:s0] =	ssyncadd.tile.s32 @!p0 $0x1;
	_ =	shalt  }
.Lfunc_end2:
_tile_overlayer_lowered:
.L_overlay_start_2:
0xfd: {  	(tag) =	ssettag $0x2  }
0xfe: {  	s0 =	rddreg [dreg:$0x0];
	s2 =	stileid.u32  }
0xff: {  	s1 =	rddreg [dreg:$0x1];
	p0 =	sne.s32 s2, $0x0  }
0x100: {  	s3 =	rddreg [dreg:$0x2];
	[bflag:$0x3] =	sbarrier.arrive $0xFFFF;
	s2 =	simm.s32 @!p0 $0x1C02  }
0x101: {  	[timem:s3], [sflag:s2] =	dma.local @!p0 [hbm:s0], s1  }
0x102: {  	s0 =	simm.s32 @!p0 $0x2  }
0x103: {  	_ =	swait.ge @!p0 [sflag:s0], s1  }
0x104: {  	s1 =	ssub.s32 @!p0 $0x0, s1;
	[sflag:s0] =	ssyncset.done @!p0 $0x0  }
0x105: {  	[sflag:s0] =	ssyncadd.s32 @!p0 s1  }
0x106: {  	[bflag:$0x3] =	sbarrier.arrive $0xFFFF  }
0x107: {  	_ =	shalt  }

</sc_bundles>
